<compile_context>
chip_gen: v7x
topology: tpu7x:2x2x1
jax: 0.10.2.dev20260603
libtpu: 0.0.44.dev20260713+nightly
codegen_flags: <defaults>
</compile_context>

<pallas_src>
import functools

import jax
import jax.numpy as jnp
from jax import lax
from jax.experimental import pallas as pl
from jax.experimental.pallas import tpu as pltpu
from jax.experimental.pallas import tpu_sc as plsc

N = 10000
NPAD = 10240
E = 320000
D = 128
ALPHA = 0.2
NS = 16
SCHUNK = 128
ER = E // SCHUNK
ERP = 2560
RF = ERP // NS
CN = NPAD // NS

_f32 = jnp.float32
_sds = jax.ShapeDtypeStruct
_sc_params = pltpu.CompilerParams(needs_layout_passes=False)
_mesh1 = plsc.VectorSubcoreMesh(
    core_axis_name="c", subcore_axis_name="s", num_cores=1
)


def _fill(ref, n_vecs, value):
    v = jnp.full((16,), value, _f32)

    @plsc.parallel_loop(0, n_vecs, unroll=4)
    def _(i):
        ref[pl.ds(i * 16, 16)] = v


def _stage(pairs, sem):
    descs = [pltpu.async_copy(s, d, sem) for s, d in pairs]
    for dsc in descs:
        dsc.wait()


def _rsqrt16(x):
    i = lax.bitcast_convert_type(x, jnp.int32)
    i = jnp.int32(0x5F3759DF) - (i >> 1)
    y = lax.bitcast_convert_type(i, _f32)
    y = y * (1.5 - 0.5 * x * y * y)
    y = y * (1.5 - 0.5 * x * y * y)
    y = y * (1.5 - 0.5 * x * y * y)
    return y


def _h0_body(x_ref, w_ref, b_ref, o_ref):
    o_ref[...] = (
        jnp.dot(x_ref[...], w_ref[...], preferred_element_type=_f32)[:, 0]
        + b_ref[0]
    )


def _h0_tc(x, W0, b0):
    blk = NPAD // 10
    return pl.pallas_call(
        _h0_body,
        grid=(10,),
        in_specs=[
            pl.BlockSpec((blk, D), lambda i: (i, 0)),
            pl.BlockSpec((D, 1), lambda i: (0, 0)),
            pl.BlockSpec(memory_space=pltpu.SMEM),
        ],
        out_specs=pl.BlockSpec((blk,), lambda i: (i,)),
        out_shape=_sds((NPAD,), _f32),
    )(x, W0, b0)


@functools.partial(
    pl.kernel,
    out_type=(_sds((N,), _f32), _sds((NPAD,), _f32)),
    mesh=_mesh1,
    compiler_params=_sc_params,
    scratch_types=[
        pltpu.VMEM((RF, SCHUNK), jnp.int32),
        pltpu.VMEM((RF, SCHUNK), jnp.int32),
        pltpu.VMEM((RF, SCHUNK), _f32),
        pltpu.VMEM((NPAD,), _f32),
        pltpu.VMEM((SCHUNK,), _f32),
        pltpu.VMEM((CN,), _f32),
        pltpu.VMEM((CN,), _f32),
        pltpu.VMEM((CN,), _f32),
        pltpu.VMEM((CN,), _f32),
        pltpu.VMEM((64,), _f32),
        pltpu.VMEM_SHARED((NPAD,), _f32),
        pltpu.SemaphoreType.DMA,
    ],
)
def _mega_kernel(ei3, h0p, wb, y, u_hbm,
                 src2_v, dst2_v, msg2_v, u_v, ones_v, d_c, h_c, s_c,
                 zero_v, wb_v, agg_sp, sem):
    sid = lax.axis_index("s")
    chunk = pl.ds(sid * CN, CN)
    rowbase = sid * RF

    _stage(
        [
            (ei3.at[0].at[pl.ds(rowbase, RF)], src2_v),
            (ei3.at[1].at[pl.ds(rowbase, RF)], dst2_v),
            (h0p.at[chunk], h_c),
            (wb, wb_v),
        ],
        sem,
    )
    _fill(ones_v, SCHUNK // 16, 1.0)
    _fill(zero_v, CN // 16, 0.0)
    pltpu.sync_copy(zero_v, agg_sp.at[chunk])
    plsc.subcore_barrier()

    def degf(g, _):
        base = g * 20
        for j in range(20):
            pltpu.async_copy(
                ones_v, agg_sp.at[dst2_v.at[base + j]], sem, add=True
            )
        return 0

    lax.fori_loop(0, RF // 20, degf, 0)

    def degd(g, _):
        base = g * 20
        for j in range(20):
            pltpu.make_async_copy(
                ones_v, agg_sp.at[dst2_v.at[base + j]], sem
            ).wait()
        return 0

    lax.fori_loop(0, RF // 20, degd, 0)
    plsc.subcore_barrier()
    pltpu.sync_copy(agg_sp.at[chunk], s_c)

    @plsc.parallel_loop(0, CN // 16, unroll=4)
    def _(i):
        o = pl.ds(i * 16, 16)
        dd = _rsqrt16(s_c[o] + 1.0)
        d_c[o] = dd
        s_c[o] = dd * h_c[o]

    pltpu.sync_copy(s_c, u_hbm.at[chunk])
    pltpu.sync_copy(zero_v, agg_sp.at[chunk])
    plsc.subcore_barrier()

    for r in (1, 2, 3):
        pltpu.sync_copy(u_hbm, u_v)
        G2 = 16

        def gs(g, _):
            base = g * G2

            @plsc.parallel_loop(base, base + G2, unroll=2)
            def _(rr):
                for c in range(8):
                    o = pl.ds(c * 16, 16)
                    msg2_v[rr, o] = plsc.load_gather(u_v, [src2_v[rr, o]])

            for j in range(G2):
                pltpu.async_copy(
                    msg2_v.at[base + j],
                    agg_sp.at[dst2_v.at[base + j]],
                    sem,
                    add=True,
                )
            return 0

        lax.fori_loop(0, RF // G2, gs, 0)

        def drain(g, _):
            base = g * G2
            for j in range(G2):
                pltpu.make_async_copy(
                    msg2_v.at[base + j],
                    agg_sp.at[dst2_v.at[base + j]],
                    sem,
                ).wait()
            return 0

        lax.fori_loop(0, RF // G2, drain, 0)
        plsc.subcore_barrier()
        pltpu.sync_copy(agg_sp.at[chunk], s_c)

        if r < 3:
            wv = wb_v[pl.ds((r - 1) * 32, 16)]
            bv = wb_v[pl.ds((r - 1) * 32 + 16, 16)]

            @plsc.parallel_loop(0, CN // 16, unroll=4)
            def _(i):
                o = pl.ds(i * 16, 16)
                dd = d_c[o]
                hp = h_c[o]
                z = (1.0 - ALPHA) * (dd * s_c[o] + dd * dd * hp) + ALPHA * hp
                hr = z * wv + bv
                h_c[o] = hr
                s_c[o] = dd * hr

            pltpu.sync_copy(s_c, u_hbm.at[chunk])
            pltpu.sync_copy(zero_v, agg_sp.at[chunk])
            plsc.subcore_barrier()
        else:

            @plsc.parallel_loop(0, CN // 16, unroll=4)
            def _(i):
                o = pl.ds(i * 16, 16)
                dd = d_c[o]
                hp = h_c[o]
                z = (1.0 - ALPHA) * (dd * s_c[o] + dd * dd * hp) + ALPHA * hp
                s_c[o] = jnp.maximum(z, 0.0) + 0.001

            @pl.when(sid < 15)
            def _():
                pltpu.sync_copy(s_c, y.at[pl.ds(sid * CN, CN)])

            @pl.when(sid == 15)
            def _():
                pltpu.sync_copy(
                    s_c.at[pl.ds(0, N - 15 * CN)],
                    y.at[pl.ds(15 * CN, N - 15 * CN)],
                )


def _wb_vec(W, b):
    return jnp.concatenate(
        [
            jnp.broadcast_to(W.reshape(-1)[:1], (16,)),
            jnp.broadcast_to(b.reshape(-1)[:1], (16,)),
        ]
    ).astype(_f32)


def kernel(x, edge_index, W0, b0, W1, b1, W2, b2):
    padc = (jnp.arange((ERP - ER) * SCHUNK, dtype=jnp.int32) % (NPAD - N) + N
            ).reshape(1, ERP - ER, SCHUNK)
    ei3 = jnp.concatenate(
        [
            edge_index.astype(jnp.int32).reshape(2, ER, SCHUNK),
            jnp.broadcast_to(padc, (2, ERP - ER, SCHUNK)),
        ],
        axis=1,
    )
    h0p = _h0_tc(x, W0, b0)
    wb = jnp.concatenate([_wb_vec(W1, b1), _wb_vec(W2, b2)])
    y, _unused = _mega_kernel(ei3, h0p, wb)
    return y.reshape(N, 1)

# --- scband reference (transcript-rebuilt; emitter-appended) ---
"""Pipeline reference for scband-x-nn-31353261261158 (READ-ONLY COPY).

The authoritative reference and input builder live on the scoring server;
editing this copy changes nothing except your own understanding.
"""

import jax, jax.numpy as jnp
import numpy as np

N = 10000
E = 320000
D = 128
ALPHA = 0.2
K_PROP = 1


def _glorot(key, shape):
    fan_in, fan_out = shape[0], shape[1]
    lim = np.sqrt(6.0 / (fan_in + fan_out))
    return jax.random.uniform(key, shape, minval=-lim, maxval=lim, dtype=jnp.float32)


def setup_inputs(seed: int = 0) -> dict:
    key = jax.random.key(seed)
    k1, k2, k3, k4, k5 = jax.random.split(key, 5)
    x = jax.random.normal(k1, (N, D), dtype=jnp.float32)
    edge_index = jax.random.randint(k2, (2, E), 0, N).astype(jnp.int64)
    # APPNPConv 0: Dense(D -> 1), APPNPConv 1/2: Dense(1 -> 1)
    W0 = _glorot(k3, (D, 1))
    b0 = jnp.zeros((1,), dtype=jnp.float32)
    W1 = _glorot(k4, (1, 1))
    b1 = jnp.zeros((1,), dtype=jnp.float32)
    W2 = _glorot(k5, (1, 1))
    b2 = jnp.zeros((1,), dtype=jnp.float32)
    return {"x": x, "edge_index": edge_index, "W0": W0, "b0": b0,
            "W1": W1, "b1": b1, "W2": W2, "b2": b2}


def _gcn_inv_sqrt_deg(edge_index):
    dst = edge_index[1]
    deg = jax.ops.segment_sum(jnp.ones((E,), dtype=jnp.float32), dst, num_segments=N) + 1.0  # +1 self-loop
    return 1.0 / jnp.sqrt(deg)


def _propagate(z, edge_index, inv_sqrt_deg):
    # z: [N, C]; symmetric GCN-normalized A_hat = D^-1/2 (A + I) D^-1/2 applied via gather/scatter
    src = edge_index[0]
    dst = edge_index[1]
    coef = (inv_sqrt_deg[src] * inv_sqrt_deg[dst])[:, None]
    msg = jnp.take(z, src, axis=0) * coef
    agg = jax.ops.segment_sum(msg, dst, num_segments=N)
    # self-loop term: norm[i]^2 * z[i]
    agg = agg + z * (inv_sqrt_deg * inv_sqrt_deg)[:, None]
    return agg


def _appnp_conv(z_in, edge_index, inv_sqrt_deg, W, b):
    # mlp_hidden=None -> single Dense with activation=None
    h = z_in @ W + b
    z = h
    for _ in range(K_PROP):
        z = (1.0 - ALPHA) * _propagate(z, edge_index, inv_sqrt_deg) + ALPHA * h
    return z


def reference(x, edge_index, W0, b0, W1, b1, W2, b2):
    inv_sqrt_deg = _gcn_inv_sqrt_deg(edge_index)
    y = _appnp_conv(x, edge_index, inv_sqrt_deg, W0, b0)
    y = _appnp_conv(y, edge_index, inv_sqrt_deg, W1, b1)
    y = _appnp_conv(y, edge_index, inv_sqrt_deg, W2, b2)
    y = jax.nn.relu(y) + 0.001
    return y

if __name__ == "__main__":
    import jax
    _d = setup_inputs()
    print(jax.jit(kernel)(*tuple(_d.values())))

</pallas_src>

<mosaic_0001>
#map = affine_map<(d0, d1) -> (0, 0, 0)>
#map1 = affine_map<(d0, d1) -> (0)>
module attributes {stable_mosaic.version = 14 : i64} {
  func.func @_mega_kernel(%arg0: i32, %arg1: i32, %arg2: memref<2x2560x128xi32, #tpu.memory_space<hbm>>, %arg3: memref<10240xf32, #tpu.memory_space<hbm>>, %arg4: memref<64xf32, #tpu.memory_space<hbm>>, %arg5: memref<10000xf32, #tpu.memory_space<hbm>>, %arg6: memref<10240xf32, #tpu.memory_space<hbm>>, %arg7: memref<160x128xi32, #tpu.memory_space<vmem>>, %arg8: memref<160x128xi32, #tpu.memory_space<vmem>>, %arg9: memref<160x128xf32, #tpu.memory_space<vmem>>, %arg10: memref<10240xf32, #tpu.memory_space<vmem>>, %arg11: memref<128xf32, #tpu.memory_space<vmem>>, %arg12: memref<640xf32, #tpu.memory_space<vmem>>, %arg13: memref<640xf32, #tpu.memory_space<vmem>>, %arg14: memref<640xf32, #tpu.memory_space<vmem>>, %arg15: memref<640xf32, #tpu.memory_space<vmem>>, %arg16: memref<64xf32, #tpu.memory_space<vmem>>, %arg17: memref<10240xf32, #tpu.memory_space<vmem_shared>>, %arg18: memref<!tpu.dma_semaphore, #tpu.memory_space<semaphore_mem>>) attributes {dimension_semantics = [#tpu.dimension_semantics<core_parallel>, #tpu.dimension_semantics<subcore_parallel>], iteration_bounds = array<i64: 1, 16>, scalar_prefetch = 0 : i64, scratch_operands = 12 : i64, tpu.core_type = #tpu.core_type<sc_vector_subcore>, window_params = [{transform_indices = #map}, {transform_indices = #map1}, {transform_indices = #map1}, {transform_indices = #map1}, {transform_indices = #map1}]} {
    %mul3A = arith.constant 640 : i32
    %mul3A_0 = arith.muli %arg1, %mul3A : i32
    %mul3A_1 = arith.constant 160 : i32
    %mul3A_2 = arith.muli %arg1, %mul3A_1 : i32
    %dma_start3A = arith.constant 0 : i32
    %dma_start3A_3 = arith.constant 0 : i32
    %dma_start3A_4 = arith.constant 0 : i32
    %dma_start3A_5 = tpu.memref_slice %arg2[%dma_start3A, %dma_start3A_3, %dma_start3A_4] : memref<2x2560x128xi32, #tpu.memory_space<hbm>> -> memref<1x2560x128xi32, #tpu.memory_space<hbm>>
    %dma_start3A_6 = tpu.memref_squeeze %dma_start3A_5 : memref<1x2560x128xi32, #tpu.memory_space<hbm>> -> memref<2560x128xi32, #tpu.memory_space<hbm>>
    %dma_start3A_7 = arith.constant 0 : i32
    %dma_start3A_8 = tpu.memref_slice %dma_start3A_6[%mul3A_2, %dma_start3A_7] : memref<2560x128xi32, #tpu.memory_space<hbm>> -> memref<160x128xi32, #tpu.memory_space<hbm>>
    %dma_start3A_9 = arith.constant 0 : i32
    %dma_start3A_10 = arith.constant 0 : i32
    %dma_start3A_11 = tpu.memref_slice %arg2[%dma_start3A, %dma_start3A_9, %dma_start3A_10] : memref<2x2560x128xi32, #tpu.memory_space<hbm>> -> memref<1x2560x128xi32, #tpu.memory_space<hbm>>
    %dma_start3A_12 = tpu.memref_squeeze %dma_start3A_11 : memref<1x2560x128xi32, #tpu.memory_space<hbm>> -> memref<2560x128xi32, #tpu.memory_space<hbm>>
    %dma_start3A_13 = arith.constant 0 : i32
    %dma_start3A_14 = tpu.memref_slice %dma_start3A_12[%mul3A_2, %dma_start3A_13] : memref<2560x128xi32, #tpu.memory_space<hbm>> -> memref<160x128xi32, #tpu.memory_space<hbm>>
    tpu.enqueue_dma source(%dma_start3A_14 : memref<160x128xi32, #tpu.memory_space<hbm>>) target(%arg7 : memref<160x128xi32, #tpu.memory_space<vmem>>) target_semaphore(%arg18 : memref<!tpu.dma_semaphore, #tpu.memory_space<semaphore_mem>>)
    %dma_start3A_15 = arith.constant 1 : i32
    %dma_start3A_16 = arith.constant 0 : i32
    %dma_start3A_17 = arith.constant 0 : i32
    %dma_start3A_18 = tpu.memref_slice %arg2[%dma_start3A_15, %dma_start3A_16, %dma_start3A_17] : memref<2x2560x128xi32, #tpu.memory_space<hbm>> -> memref<1x2560x128xi32, #tpu.memory_space<hbm>>
    %dma_start3A_19 = tpu.memref_squeeze %dma_start3A_18 : memref<1x2560x128xi32, #tpu.memory_space<hbm>> -> memref<2560x128xi32, #tpu.memory_space<hbm>>
    %dma_start3A_20 = arith.constant 0 : i32
    %dma_start3A_21 = tpu.memref_slice %dma_start3A_19[%mul3A_2, %dma_start3A_20] : memref<2560x128xi32, #tpu.memory_space<hbm>> -> memref<160x128xi32, #tpu.memory_space<hbm>>
    %dma_start3A_22 = arith.constant 0 : i32
    %dma_start3A_23 = arith.constant 0 : i32
    %dma_start3A_24 = tpu.memref_slice %arg2[%dma_start3A_15, %dma_start3A_22, %dma_start3A_23] : memref<2x2560x128xi32, #tpu.memory_space<hbm>> -> memref<1x2560x128xi32, #tpu.memory_space<hbm>>
    %dma_start3A_25 = tpu.memref_squeeze %dma_start3A_24 : memref<1x2560x128xi32, #tpu.memory_space<hbm>> -> memref<2560x128xi32, #tpu.memory_space<hbm>>
    %dma_start3A_26 = arith.constant 0 : i32
    %dma_start3A_27 = tpu.memref_slice %dma_start3A_25[%mul3A_2, %dma_start3A_26] : memref<2560x128xi32, #tpu.memory_space<hbm>> -> memref<160x128xi32, #tpu.memory_space<hbm>>
    tpu.enqueue_dma source(%dma_start3A_27 : memref<160x128xi32, #tpu.memory_space<hbm>>) target(%arg8 : memref<160x128xi32, #tpu.memory_space<vmem>>) target_semaphore(%arg18 : memref<!tpu.dma_semaphore, #tpu.memory_space<semaphore_mem>>)
    %dma_start3A_28 = tpu.memref_slice %arg3[%mul3A_0] : memref<10240xf32, #tpu.memory_space<hbm>> -> memref<640xf32, #tpu.memory_space<hbm>>
    %dma_start3A_29 = tpu.memref_slice %arg3[%mul3A_0] : memref<10240xf32, #tpu.memory_space<hbm>> -> memref<640xf32, #tpu.memory_space<hbm>>
    tpu.enqueue_dma source(%dma_start3A_29 : memref<640xf32, #tpu.memory_space<hbm>>) target(%arg13 : memref<640xf32, #tpu.memory_space<vmem>>) target_semaphore(%arg18 : memref<!tpu.dma_semaphore, #tpu.memory_space<semaphore_mem>>)
    tpu.enqueue_dma source(%arg4 : memref<64xf32, #tpu.memory_space<hbm>>) target(%arg16 : memref<64xf32, #tpu.memory_space<vmem>>) target_semaphore(%arg18 : memref<!tpu.dma_semaphore, #tpu.memory_space<semaphore_mem>>)
    %dma_wait3A = arith.constant 0 : i32
    %dma_wait3A_30 = arith.constant 0 : i32
    %dma_wait3A_31 = arith.constant 0 : i32
    %dma_wait3A_32 = tpu.memref_slice %arg2[%dma_wait3A, %dma_wait3A_30, %dma_wait3A_31] : memref<2x2560x128xi32, #tpu.memory_space<hbm>> -> memref<1x2560x128xi32, #tpu.memory_space<hbm>>
    %dma_wait3A_33 = tpu.memref_squeeze %dma_wait3A_32 : memref<1x2560x128xi32, #tpu.memory_space<hbm>> -> memref<2560x128xi32, #tpu.memory_space<hbm>>
    %dma_wait3A_34 = arith.constant 0 : i32
    %dma_wait3A_35 = tpu.memref_slice %dma_wait3A_33[%mul3A_2, %dma_wait3A_34] : memref<2560x128xi32, #tpu.memory_space<hbm>> -> memref<160x128xi32, #tpu.memory_space<hbm>>
    %dma_wait3A_36 = arith.constant 0 : i32
    %dma_wait3A_37 = arith.constant 0 : i32
    %dma_wait3A_38 = tpu.memref_slice %arg2[%dma_wait3A, %dma_wait3A_36, %dma_wait3A_37] : memref<2x2560x128xi32, #tpu.memory_space<hbm>> -> memref<1x2560x128xi32, #tpu.memory_space<hbm>>
    %dma_wait3A_39 = tpu.memref_squeeze %dma_wait3A_38 : memref<1x2560x128xi32, #tpu.memory_space<hbm>> -> memref<2560x128xi32, #tpu.memory_space<hbm>>
    %dma_wait3A_40 = arith.constant 0 : i32
    %dma_wait3A_41 = tpu.memref_slice %dma_wait3A_39[%mul3A_2, %dma_wait3A_40] : memref<2560x128xi32, #tpu.memory_space<hbm>> -> memref<160x128xi32, #tpu.memory_space<hbm>>
    tpu.wait_dma2 semaphore(%arg18 : memref<!tpu.dma_semaphore, #tpu.memory_space<semaphore_mem>>) src(%dma_wait3A_41 : memref<160x128xi32, #tpu.memory_space<hbm>>) dst(%arg7 : memref<160x128xi32, #tpu.memory_space<vmem>>)
    %dma_wait3A_42 = arith.constant 1 : i32
    %dma_wait3A_43 = arith.constant 0 : i32
    %dma_wait3A_44 = arith.constant 0 : i32
    %dma_wait3A_45 = tpu.memref_slice %arg2[%dma_wait3A_42, %dma_wait3A_43, %dma_wait3A_44] : memref<2x2560x128xi32, #tpu.memory_space<hbm>> -> memref<1x2560x128xi32, #tpu.memory_space<hbm>>
    %dma_wait3A_46 = tpu.memref_squeeze %dma_wait3A_45 : memref<1x2560x128xi32, #tpu.memory_space<hbm>> -> memref<2560x128xi32, #tpu.memory_space<hbm>>
    %dma_wait3A_47 = arith.constant 0 : i32
    %dma_wait3A_48 = tpu.memref_slice %dma_wait3A_46[%mul3A_2, %dma_wait3A_47] : memref<2560x128xi32, #tpu.memory_space<hbm>> -> memref<160x128xi32, #tpu.memory_space<hbm>>
    %dma_wait3A_49 = arith.constant 0 : i32
    %dma_wait3A_50 = arith.constant 0 : i32
    %dma_wait3A_51 = tpu.memref_slice %arg2[%dma_wait3A_42, %dma_wait3A_49, %dma_wait3A_50] : memref<2x2560x128xi32, #tpu.memory_space<hbm>> -> memref<1x2560x128xi32, #tpu.memory_space<hbm>>
    %dma_wait3A_52 = tpu.memref_squeeze %dma_wait3A_51 : memref<1x2560x128xi32, #tpu.memory_space<hbm>> -> memref<2560x128xi32, #tpu.memory_space<hbm>>
    %dma_wait3A_53 = arith.constant 0 : i32
    %dma_wait3A_54 = tpu.memref_slice %dma_wait3A_52[%mul3A_2, %dma_wait3A_53] : memref<2560x128xi32, #tpu.memory_space<hbm>> -> memref<160x128xi32, #tpu.memory_space<hbm>>
    tpu.wait_dma2 semaphore(%arg18 : memref<!tpu.dma_semaphore, #tpu.memory_space<semaphore_mem>>) src(%dma_wait3A_54 : memref<160x128xi32, #tpu.memory_space<hbm>>) dst(%arg8 : memref<160x128xi32, #tpu.memory_space<vmem>>)
    %dma_wait3A_55 = tpu.memref_slice %arg3[%mul3A_0] : memref<10240xf32, #tpu.memory_space<hbm>> -> memref<640xf32, #tpu.memory_space<hbm>>
    %dma_wait3A_56 = tpu.memref_slice %arg3[%mul3A_0] : memref<10240xf32, #tpu.memory_space<hbm>> -> memref<640xf32, #tpu.memory_space<hbm>>
    tpu.wait_dma2 semaphore(%arg18 : memref<!tpu.dma_semaphore, #tpu.memory_space<semaphore_mem>>) src(%dma_wait3A_56 : memref<640xf32, #tpu.memory_space<hbm>>) dst(%arg13 : memref<640xf32, #tpu.memory_space<vmem>>)
    tpu.wait_dma2 semaphore(%arg18 : memref<!tpu.dma_semaphore, #tpu.memory_space<semaphore_mem>>) src(%arg4 : memref<64xf32, #tpu.memory_space<hbm>>) dst(%arg16 : memref<64xf32, #tpu.memory_space<vmem>>)
    %broadcast_in_dim3A = arith.constant 1.000000e+00 : f32
    %broadcast_in_dim3A_57 = vector.broadcast %broadcast_in_dim3A : f32 to vector<16xf32>
    %parallel_loop3A = arith.constant 0 : i32
    %parallel_loop3A_58 = arith.constant 8 : i32
    %parallel_loop3A_59 = arith.constant 1 : i32
    scf.for %parallel_loop3A_152 = %parallel_loop3A to %parallel_loop3A_58 step %parallel_loop3A_59  : i32 {
      %parallel_loop3A_153 = arith.constant 16 : i32
      %parallel_loop3A_154 = arith.muli %parallel_loop3A_152, %parallel_loop3A_153 : i32
      %parallel_loop3A_155 = arith.index_cast %parallel_loop3A_154 : i32 to index
      %parallel_loop3A_156 = tpu.vector_load %arg11[%parallel_loop3A_155] {strides = array<i32>} : memref<128xf32, #tpu.memory_space<vmem>>, vector<16xf32>,
      tpu.vector_store %arg11[%parallel_loop3A_155], %broadcast_in_dim3A_57 {strides = array<i32>} : memref<128xf32, #tpu.memory_space<vmem>>, vector<16xf32>,
    } {sc.loop_unroll_factor = 4 : i64, sc.parallel_access}
    %broadcast_in_dim3A_60 = arith.constant 0.000000e+00 : f32
    %broadcast_in_dim3A_61 = vector.broadcast %broadcast_in_dim3A_60 : f32 to vector<16xf32>
    %parallel_loop3A_62 = arith.constant 0 : i32
    %parallel_loop3A_63 = arith.constant 40 : i32
    %parallel_loop3A_64 = arith.constant 1 : i32
    scf.for %parallel_loop3A_152 = %parallel_loop3A_62 to %parallel_loop3A_63 step %parallel_loop3A_64  : i32 {
      %parallel_loop3A_153 = arith.constant 16 : i32
      %parallel_loop3A_154 = arith.muli %parallel_loop3A_152, %parallel_loop3A_153 : i32
      %parallel_loop3A_155 = arith.index_cast %parallel_loop3A_154 : i32 to index
      %parallel_loop3A_156 = tpu.vector_load %arg15[%parallel_loop3A_155] {strides = array<i32>} : memref<640xf32, #tpu.memory_space<vmem>>, vector<16xf32>,
      tpu.vector_store %arg15[%parallel_loop3A_155], %broadcast_in_dim3A_61 {strides = array<i32>} : memref<640xf32, #tpu.memory_space<vmem>>, vector<16xf32>,
    } {sc.loop_unroll_factor = 4 : i64, sc.parallel_access}
    "tpu.region"() ({
      %run_scoped3A = tpu.sem_alloc : memref<!tpu.dma_semaphore, #tpu.memory_space<semaphore_mem>>
      %dma_start3A_152 = tpu.memref_slice %arg17[%mul3A_0] : memref<10240xf32, #tpu.memory_space<vmem_shared>> -> memref<640xf32, #tpu.memory_space<vmem_shared>>
      %dma_start3A_153 = tpu.memref_slice %arg17[%mul3A_0] : memref<10240xf32, #tpu.memory_space<vmem_shared>> -> memref<640xf32, #tpu.memory_space<vmem_shared>>
      tpu.enqueue_dma source(%arg15 : memref<640xf32, #tpu.memory_space<vmem>>) target(%dma_start3A_153 : memref<640xf32, #tpu.memory_space<vmem_shared>>) target_semaphore(%run_scoped3A : memref<!tpu.dma_semaphore, #tpu.memory_space<semaphore_mem>>)
      %dma_wait3A_154 = tpu.memref_slice %arg17[%mul3A_0] : memref<10240xf32, #tpu.memory_space<vmem_shared>> -> memref<640xf32, #tpu.memory_space<vmem_shared>>
      %dma_wait3A_155 = tpu.memref_slice %arg17[%mul3A_0] : memref<10240xf32, #tpu.memory_space<vmem_shared>> -> memref<640xf32, #tpu.memory_space<vmem_shared>>
      tpu.wait_dma2 semaphore(%run_scoped3A : memref<!tpu.dma_semaphore, #tpu.memory_space<semaphore_mem>>) src(%arg15 : memref<640xf32, #tpu.memory_space<vmem>>) dst(%dma_wait3A_155 : memref<640xf32, #tpu.memory_space<vmem_shared>>)
      tpu.yield
    }) : () -> ()
    %barrier3A = arith.constant 0 : index
    tpu.barrier barrier_id(%barrier3A)
    %scan3A = arith.constant 0 : i32
    %scan3A_65 = arith.constant 0 : i32
    %scan3A_66 = arith.constant 8 : i32
    %scan3A_67 = arith.addi %scan3A_65, %scan3A_66 : i32
    %scan3A_68 = arith.constant 1 : i32
    %scan3A_69 = scf.for %scan3A_152 = %scan3A_65 to %scan3A_67 step %scan3A_68 iter_args(%scan3A_153 = %scan3A) -> (i32)  : i32 {
      %mul3A_154 = arith.constant 20 : i32
      %mul3A_155 = arith.muli %scan3A_152, %mul3A_154 : i32
      %add3A = arith.constant 0 : i32
      %add3A_156 = arith.addi %mul3A_155, %add3A : i32
      %dma_start3A_157 = arith.constant 0 : i32
      %dma_start3A_158 = tpu.memref_slice %arg8[%add3A_156, %dma_start3A_157] : memref<160x128xi32, #tpu.memory_space<vmem>> -> memref<1x128xi32, #tpu.memory_space<vmem>>
      %dma_start3A_159 = tpu.memref_squeeze %dma_start3A_158 : memref<1x128xi32, #tpu.memory_space<vmem>> -> memref<128xi32, #tpu.memory_space<vmem>>
      %dma_start3A_160 = arith.constant 0 : i32
      %dma_start3A_161 = tpu.memref_slice %arg17[%dma_start3A_160] : memref<10240xf32, #tpu.memory_space<vmem_shared>> -> memref<10240xf32, #tpu.memory_space<vmem_shared>>
      tpu.enqueue_indirect_dma source(%arg11 : memref<128xf32, #tpu.memory_space<vmem>>) target(%dma_start3A_161 : memref<10240xf32, #tpu.memory_space<vmem_shared>>) offsets(%dma_start3A_159 : memref<128xi32, #tpu.memory_space<vmem>>) semaphore(%arg18 : memref<!tpu.dma_semaphore, #tpu.memory_space<semaphore_mem>>) {add = true}
      %add3A_162 = arith.constant 1 : i32
      %add3A_163 = arith.addi %mul3A_155, %add3A_162 : i32
      %dma_start3A_164 = arith.constant 0 : i32
      %dma_start3A_165 = tpu.memref_slice %arg8[%add3A_163, %dma_start3A_164] : memref<160x128xi32, #tpu.memory_space<vmem>> -> memref<1x128xi32, #tpu.memory_space<vmem>>
      %dma_start3A_166 = tpu.memref_squeeze %dma_start3A_165 : memref<1x128xi32, #tpu.memory_space<vmem>> -> memref<128xi32, #tpu.memory_space<vmem>>
      %dma_start3A_167 = arith.constant 0 : i32
      %dma_start3A_168 = tpu.memref_slice %arg17[%dma_start3A_167] : memref<10240xf32, #tpu.memory_space<vmem_shared>> -> memref<10240xf32, #tpu.memory_space<vmem_shared>>
      tpu.enqueue_indirect_dma source(%arg11 : memref<128xf32, #tpu.memory_space<vmem>>) target(%dma_start3A_168 : memref<10240xf32, #tpu.memory_space<vmem_shared>>) offsets(%dma_start3A_166 : memref<128xi32, #tpu.memory_space<vmem>>) semaphore(%arg18 : memref<!tpu.dma_semaphore, #tpu.memory_space<semaphore_mem>>) {add = true}
      %add3A_169 = arith.constant 2 : i32
      %add3A_170 = arith.addi %mul3A_155, %add3A_169 : i32
      %dma_start3A_171 = arith.constant 0 : i32
      %dma_start3A_172 = tpu.memref_slice %arg8[%add3A_170, %dma_start3A_171] : memref<160x128xi32, #tpu.memory_space<vmem>> -> memref<1x128xi32, #tpu.memory_space<vmem>>
      %dma_start3A_173 = tpu.memref_squeeze %dma_start3A_172 : memref<1x128xi32, #tpu.memory_space<vmem>> -> memref<128xi32, #tpu.memory_space<vmem>>
      %dma_start3A_174 = arith.constant 0 : i32
      %dma_start3A_175 = tpu.memref_slice %arg17[%dma_start3A_174] : memref<10240xf32, #tpu.memory_space<vmem_shared>> -> memref<10240xf32, #tpu.memory_space<vmem_shared>>
      tpu.enqueue_indirect_dma source(%arg11 : memref<128xf32, #tpu.memory_space<vmem>>) target(%dma_start3A_175 : memref<10240xf32, #tpu.memory_space<vmem_shared>>) offsets(%dma_start3A_173 : memref<128xi32, #tpu.memory_space<vmem>>) semaphore(%arg18 : memref<!tpu.dma_semaphore, #tpu.memory_space<semaphore_mem>>) {add = true}
      %add3A_176 = arith.constant 3 : i32
      %add3A_177 = arith.addi %mul3A_155, %add3A_176 : i32
      %dma_start3A_178 = arith.constant 0 : i32
      %dma_start3A_179 = tpu.memref_slice %arg8[%add3A_177, %dma_start3A_178] : memref<160x128xi32, #tpu.memory_space<vmem>> -> memref<1x128xi32, #tpu.memory_space<vmem>>
      %dma_start3A_180 = tpu.memref_squeeze %dma_start3A_179 : memref<1x128xi32, #tpu.memory_space<vmem>> -> memref<128xi32, #tpu.memory_space<vmem>>
      %dma_start3A_181 = arith.constant 0 : i32
      %dma_start3A_182 = tpu.memref_slice %arg17[%dma_start3A_181] : memref<10240xf32, #tpu.memory_space<vmem_shared>> -> memref<10240xf32, #tpu.memory_space<vmem_shared>>
      tpu.enqueue_indirect_dma source(%arg11 : memref<128xf32, #tpu.memory_space<vmem>>) target(%dma_start3A_182 : memref<10240xf32, #tpu.memory_space<vmem_shared>>) offsets(%dma_start3A_180 : memref<128xi32, #tpu.memory_space<vmem>>) semaphore(%arg18 : memref<!tpu.dma_semaphore, #tpu.memory_space<semaphore_mem>>) {add = true}
      %add3A_183 = arith.constant 4 : i32
      %add3A_184 = arith.addi %mul3A_155, %add3A_183 : i32
      %dma_start3A_185 = arith.constant 0 : i32
      %dma_start3A_186 = tpu.memref_slice %arg8[%add3A_184, %dma_start3A_185] : memref<160x128xi32, #tpu.memory_space<vmem>> -> memref<1x128xi32, #tpu.memory_space<vmem>>
      %dma_start3A_187 = tpu.memref_squeeze %dma_start3A_186 : memref<1x128xi32, #tpu.memory_space<vmem>> -> memref<128xi32, #tpu.memory_space<vmem>>
      %dma_start3A_188 = arith.constant 0 : i32
      %dma_start3A_189 = tpu.memref_slice %arg17[%dma_start3A_188] : memref<10240xf32, #tpu.memory_space<vmem_shared>> -> memref<10240xf32, #tpu.memory_space<vmem_shared>>
      tpu.enqueue_indirect_dma source(%arg11 : memref<128xf32, #tpu.memory_space<vmem>>) target(%dma_start3A_189 : memref<10240xf32, #tpu.memory_space<vmem_shared>>) offsets(%dma_start3A_187 : memref<128xi32, #tpu.memory_space<vmem>>) semaphore(%arg18 : memref<!tpu.dma_semaphore, #tpu.memory_space<semaphore_mem>>) {add = true}
      %add3A_190 = arith.constant 5 : i32
      %add3A_191 = arith.addi %mul3A_155, %add3A_190 : i32
      %dma_start3A_192 = arith.constant 0 : i32
      %dma_start3A_193 = tpu.memref_slice %arg8[%add3A_191, %dma_start3A_192] : memref<160x128xi32, #tpu.memory_space<vmem>> -> memref<1x128xi32, #tpu.memory_space<vmem>>
      %dma_start3A_194 = tpu.memref_squeeze %dma_start3A_193 : memref<1x128xi32, #tpu.memory_space<vmem>> -> memref<128xi32, #tpu.memory_space<vmem>>
      %dma_start3A_195 = arith.constant 0 : i32
      %dma_start3A_196 = tpu.memref_slice %arg17[%dma_start3A_195] : memref<10240xf32, #tpu.memory_space<vmem_shared>> -> memref<10240xf32, #tpu.memory_space<vmem_shared>>
      tpu.enqueue_indirect_dma source(%arg11 : memref<128xf32, #tpu.memory_space<vmem>>) target(%dma_start3A_196 : memref<10240xf32, #tpu.memory_space<vmem_shared>>) offsets(%dma_start3A_194 : memref<128xi32, #tpu.memory_space<vmem>>) semaphore(%arg18 : memref<!tpu.dma_semaphore, #tpu.memory_space<semaphore_mem>>) {add = true}
      %add3A_197 = arith.constant 6 : i32
      %add3A_198 = arith.addi %mul3A_155, %add3A_197 : i32
      %dma_start3A_199 = arith.constant 0 : i32
      %dma_start3A_200 = tpu.memref_slice %arg8[%add3A_198, %dma_start3A_199] : memref<160x128xi32, #tpu.memory_space<vmem>> -> memref<1x128xi32, #tpu.memory_space<vmem>>
      %dma_start3A_201 = tpu.memref_squeeze %dma_start3A_200 : memref<1x128xi32, #tpu.memory_space<vmem>> -> memref<128xi32, #tpu.memory_space<vmem>>
      %dma_start3A_202 = arith.constant 0 : i32
      %dma_start3A_203 = tpu.memref_slice %arg17[%dma_start3A_202] : memref<10240xf32, #tpu.memory_space<vmem_shared>> -> memref<10240xf32, #tpu.memory_space<vmem_shared>>
      tpu.enqueue_indirect_dma source(%arg11 : memref<128xf32, #tpu.memory_space<vmem>>) target(%dma_start3A_203 : memref<10240xf32, #tpu.memory_space<vmem_shared>>) offsets(%dma_start3A_201 : memref<128xi32, #tpu.memory_space<vmem>>) semaphore(%arg18 : memref<!tpu.dma_semaphore, #tpu.memory_space<semaphore_mem>>) {add = true}
      %add3A_204 = arith.constant 7 : i32
      %add3A_205 = arith.addi %mul3A_155, %add3A_204 : i32
      %dma_start3A_206 = arith.constant 0 : i32
      %dma_start3A_207 = tpu.memref_slice %arg8[%add3A_205, %dma_start3A_206] : memref<160x128xi32, #tpu.memory_space<vmem>> -> memref<1x128xi32, #tpu.memory_space<vmem>>
      %dma_start3A_208 = tpu.memref_squeeze %dma_start3A_207 : memref<1x128xi32, #tpu.memory_space<vmem>> -> memref<128xi32, #tpu.memory_space<vmem>>
      %dma_start3A_209 = arith.constant 0 : i32
      %dma_start3A_210 = tpu.memref_slice %arg17[%dma_start3A_209] : memref<10240xf32, #tpu.memory_space<vmem_shared>> -> memref<10240xf32, #tpu.memory_space<vmem_shared>>
      tpu.enqueue_indirect_dma source(%arg11 : memref<128xf32, #tpu.memory_space<vmem>>) target(%dma_start3A_210 : memref<10240xf32, #tpu.memory_space<vmem_shared>>) offsets(%dma_start3A_208 : memref<128xi32, #tpu.memory_space<vmem>>) semaphore(%arg18 : memref<!tpu.dma_semaphore, #tpu.memory_space<semaphore_mem>>) {add = true}
      %add3A_211 = arith.constant 8 : i32
      %add3A_212 = arith.addi %mul3A_155, %add3A_211 : i32
      %dma_start3A_213 = arith.constant 0 : i32
      %dma_start3A_214 = tpu.memref_slice %arg8[%add3A_212, %dma_start3A_213] : memref<160x128xi32, #tpu.memory_space<vmem>> -> memref<1x128xi32, #tpu.memory_space<vmem>>
      %dma_start3A_215 = tpu.memref_squeeze %dma_start3A_214 : memref<1x128xi32, #tpu.memory_space<vmem>> -> memref<128xi32, #tpu.memory_space<vmem>>
      %dma_start3A_216 = arith.constant 0 : i32
      %dma_start3A_217 = tpu.memref_slice %arg17[%dma_start3A_216] : memref<10240xf32, #tpu.memory_space<vmem_shared>> -> memref<10240xf32, #tpu.memory_space<vmem_shared>>
      tpu.enqueue_indirect_dma source(%arg11 : memref<128xf32, #tpu.memory_space<vmem>>) target(%dma_start3A_217 : memref<10240xf32, #tpu.memory_space<vmem_shared>>) offsets(%dma_start3A_215 : memref<128xi32, #tpu.memory_space<vmem>>) semaphore(%arg18 : memref<!tpu.dma_semaphore, #tpu.memory_space<semaphore_mem>>) {add = true}
      %add3A_218 = arith.constant 9 : i32
      %add3A_219 = arith.addi %mul3A_155, %add3A_218 : i32
      %dma_start3A_220 = arith.constant 0 : i32
      %dma_start3A_221 = tpu.memref_slice %arg8[%add3A_219, %dma_start3A_220] : memref<160x128xi32, #tpu.memory_space<vmem>> -> memref<1x128xi32, #tpu.memory_space<vmem>>
      %dma_start3A_222 = tpu.memref_squeeze %dma_start3A_221 : memref<1x128xi32, #tpu.memory_space<vmem>> -> memref<128xi32, #tpu.memory_space<vmem>>
      %dma_start3A_223 = arith.constant 0 : i32
      %dma_start3A_224 = tpu.memref_slice %arg17[%dma_start3A_223] : memref<10240xf32, #tpu.memory_space<vmem_shared>> -> memref<10240xf32, #tpu.memory_space<vmem_shared>>
      tpu.enqueue_indirect_dma source(%arg11 : memref<128xf32, #tpu.memory_space<vmem>>) target(%dma_start3A_224 : memref<10240xf32, #tpu.memory_space<vmem_shared>>) offsets(%dma_start3A_222 : memref<128xi32, #tpu.memory_space<vmem>>) semaphore(%arg18 : memref<!tpu.dma_semaphore, #tpu.memory_space<semaphore_mem>>) {add = true}
      %add3A_225 = arith.constant 10 : i32
      %add3A_226 = arith.addi %mul3A_155, %add3A_225 : i32
      %dma_start3A_227 = arith.constant 0 : i32
      %dma_start3A_228 = tpu.memref_slice %arg8[%add3A_226, %dma_start3A_227] : memref<160x128xi32, #tpu.memory_space<vmem>> -> memref<1x128xi32, #tpu.memory_space<vmem>>
      %dma_start3A_229 = tpu.memref_squeeze %dma_start3A_228 : memref<1x128xi32, #tpu.memory_space<vmem>> -> memref<128xi32, #tpu.memory_space<vmem>>
      %dma_start3A_230 = arith.constant 0 : i32
      %dma_start3A_231 = tpu.memref_slice %arg17[%dma_start3A_230] : memref<10240xf32, #tpu.memory_space<vmem_shared>> -> memref<10240xf32, #tpu.memory_space<vmem_shared>>
      tpu.enqueue_indirect_dma source(%arg11 : memref<128xf32, #tpu.memory_space<vmem>>) target(%dma_start3A_231 : memref<10240xf32, #tpu.memory_space<vmem_shared>>) offsets(%dma_start3A_229 : memref<128xi32, #tpu.memory_space<vmem>>) semaphore(%arg18 : memref<!tpu.dma_semaphore, #tpu.memory_space<semaphore_mem>>) {add = true}
      %add3A_232 = arith.constant 11 : i32
      %add3A_233 = arith.addi %mul3A_155, %add3A_232 : i32
      %dma_start3A_234 = arith.constant 0 : i32
      %dma_start3A_235 = tpu.memref_slice %arg8[%add3A_233, %dma_start3A_234] : memref<160x128xi32, #tpu.memory_space<vmem>> -> memref<1x128xi32, #tpu.memory_space<vmem>>
      %dma_start3A_236 = tpu.memref_squeeze %dma_start3A_235 : memref<1x128xi32, #tpu.memory_space<vmem>> -> memref<128xi32, #tpu.memory_space<vmem>>
      %dma_start3A_237 = arith.constant 0 : i32
      %dma_start3A_238 = tpu.memref_slice %arg17[%dma_start3A_237] : memref<10240xf32, #tpu.memory_space<vmem_shared>> -> memref<10240xf32, #tpu.memory_space<vmem_shared>>
      tpu.enqueue_indirect_dma source(%arg11 : memref<128xf32, #tpu.memory_space<vmem>>) target(%dma_start3A_238 : memref<10240xf32, #tpu.memory_space<vmem_shared>>) offsets(%dma_start3A_236 : memref<128xi32, #tpu.memory_space<vmem>>) semaphore(%arg18 : memref<!tpu.dma_semaphore, #tpu.memory_space<semaphore_mem>>) {add = true}
      %add3A_239 = arith.constant 12 : i32
      %add3A_240 = arith.addi %mul3A_155, %add3A_239 : i32
      %dma_start3A_241 = arith.constant 0 : i32
      %dma_start3A_242 = tpu.memref_slice %arg8[%add3A_240, %dma_start3A_241] : memref<160x128xi32, #tpu.memory_space<vmem>> -> memref<1x128xi32, #tpu.memory_space<vmem>>
      %dma_start3A_243 = tpu.memref_squeeze %dma_start3A_242 : memref<1x128xi32, #tpu.memory_space<vmem>> -> memref<128xi32, #tpu.memory_space<vmem>>
      %dma_start3A_244 = arith.constant 0 : i32
      %dma_start3A_245 = tpu.memref_slice %arg17[%dma_start3A_244] : memref<10240xf32, #tpu.memory_space<vmem_shared>> -> memref<10240xf32, #tpu.memory_space<vmem_shared>>
      tpu.enqueue_indirect_dma source(%arg11 : memref<128xf32, #tpu.memory_space<vmem>>) target(%dma_start3A_245 : memref<10240xf32, #tpu.memory_space<vmem_shared>>) offsets(%dma_start3A_243 : memref<128xi32, #tpu.memory_space<vmem>>) semaphore(%arg18 : memref<!tpu.dma_semaphore, #tpu.memory_space<semaphore_mem>>) {add = true}
      %add3A_246 = arith.constant 13 : i32
      %add3A_247 = arith.addi %mul3A_155, %add3A_246 : i32
      %dma_start3A_248 = arith.constant 0 : i32
      %dma_start3A_249 = tpu.memref_slice %arg8[%add3A_247, %dma_start3A_248] : memref<160x128xi32, #tpu.memory_space<vmem>> -> memref<1x128xi32, #tpu.memory_space<vmem>>
      %dma_start3A_250 = tpu.memref_squeeze %dma_start3A_249 : memref<1x128xi32, #tpu.memory_space<vmem>> -> memref<128xi32, #tpu.memory_space<vmem>>
      %dma_start3A_251 = arith.constant 0 : i32
      %dma_start3A_252 = tpu.memref_slice %arg17[%dma_start3A_251] : memref<10240xf32, #tpu.memory_space<vmem_shared>> -> memref<10240xf32, #tpu.memory_space<vmem_shared>>
      tpu.enqueue_indirect_dma source(%arg11 : memref<128xf32, #tpu.memory_space<vmem>>) target(%dma_start3A_252 : memref<10240xf32, #tpu.memory_space<vmem_shared>>) offsets(%dma_start3A_250 : memref<128xi32, #tpu.memory_space<vmem>>) semaphore(%arg18 : memref<!tpu.dma_semaphore, #tpu.memory_space<semaphore_mem>>) {add = true}
      %add3A_253 = arith.constant 14 : i32
      %add3A_254 = arith.addi %mul3A_155, %add3A_253 : i32
      %dma_start3A_255 = arith.constant 0 : i32
      %dma_start3A_256 = tpu.memref_slice %arg8[%add3A_254, %dma_start3A_255] : memref<160x128xi32, #tpu.memory_space<vmem>> -> memref<1x128xi32, #tpu.memory_space<vmem>>
      %dma_start3A_257 = tpu.memref_squeeze %dma_start3A_256 : memref<1x128xi32, #tpu.memory_space<vmem>> -> memref<128xi32, #tpu.memory_space<vmem>>
      %dma_start3A_258 = arith.constant 0 : i32
      %dma_start3A_259 = tpu.memref_slice %arg17[%dma_start3A_258] : memref<10240xf32, #tpu.memory_space<vmem_shared>> -> memref<10240xf32, #tpu.memory_space<vmem_shared>>
      tpu.enqueue_indirect_dma source(%arg11 : memref<128xf32, #tpu.memory_space<vmem>>) target(%dma_start3A_259 : memref<10240xf32, #tpu.memory_space<vmem_shared>>) offsets(%dma_start3A_257 : memref<128xi32, #tpu.memory_space<vmem>>) semaphore(%arg18 : memref<!tpu.dma_semaphore, #tpu.memory_space<semaphore_mem>>) {add = true}
      %add3A_260 = arith.constant 15 : i32
      %add3A_261 = arith.addi %mul3A_155, %add3A_260 : i32
      %dma_start3A_262 = arith.constant 0 : i32
      %dma_start3A_263 = tpu.memref_slice %arg8[%add3A_261, %dma_start3A_262] : memref<160x128xi32, #tpu.memory_space<vmem>> -> memref<1x128xi32, #tpu.memory_space<vmem>>
      %dma_start3A_264 = tpu.memref_squeeze %dma_start3A_263 : memref<1x128xi32, #tpu.memory_space<vmem>> -> memref<128xi32, #tpu.memory_space<vmem>>
      %dma_start3A_265 = arith.constant 0 : i32
      %dma_start3A_266 = tpu.memref_slice %arg17[%dma_start3A_265] : memref<10240xf32, #tpu.memory_space<vmem_shared>> -> memref<10240xf32, #tpu.memory_space<vmem_shared>>
      tpu.enqueue_indirect_dma source(%arg11 : memref<128xf32, #tpu.memory_space<vmem>>) target(%dma_start3A_266 : memref<10240xf32, #tpu.memory_space<vmem_shared>>) offsets(%dma_start3A_264 : memref<128xi32, #tpu.memory_space<vmem>>) semaphore(%arg18 : memref<!tpu.dma_semaphore, #tpu.memory_space<semaphore_mem>>) {add = true}
      %add3A_267 = arith.constant 16 : i32
      %add3A_268 = arith.addi %mul3A_155, %add3A_267 : i32
      %dma_start3A_269 = arith.constant 0 : i32
      %dma_start3A_270 = tpu.memref_slice %arg8[%add3A_268, %dma_start3A_269] : memref<160x128xi32, #tpu.memory_space<vmem>> -> memref<1x128xi32, #tpu.memory_space<vmem>>
      %dma_start3A_271 = tpu.memref_squeeze %dma_start3A_270 : memref<1x128xi32, #tpu.memory_space<vmem>> -> memref<128xi32, #tpu.memory_space<vmem>>
      %dma_start3A_272 = arith.constant 0 : i32
      %dma_start3A_273 = tpu.memref_slice %arg17[%dma_start3A_272] : memref<10240xf32, #tpu.memory_space<vmem_shared>> -> memref<10240xf32, #tpu.memory_space<vmem_shared>>
      tpu.enqueue_indirect_dma source(%arg11 : memref<128xf32, #tpu.memory_space<vmem>>) target(%dma_start3A_273 : memref<10240xf32, #tpu.memory_space<vmem_shared>>) offsets(%dma_start3A_271 : memref<128xi32, #tpu.memory_space<vmem>>) semaphore(%arg18 : memref<!tpu.dma_semaphore, #tpu.memory_space<semaphore_mem>>) {add = true}
      %add3A_274 = arith.constant 17 : i32
      %add3A_275 = arith.addi %mul3A_155, %add3A_274 : i32
      %dma_start3A_276 = arith.constant 0 : i32
      %dma_start3A_277 = tpu.memref_slice %arg8[%add3A_275, %dma_start3A_276] : memref<160x128xi32, #tpu.memory_space<vmem>> -> memref<1x128xi32, #tpu.memory_space<vmem>>
      %dma_start3A_278 = tpu.memref_squeeze %dma_start3A_277 : memref<1x128xi32, #tpu.memory_space<vmem>> -> memref<128xi32, #tpu.memory_space<vmem>>
      %dma_start3A_279 = arith.constant 0 : i32
      %dma_start3A_280 = tpu.memref_slice %arg17[%dma_start3A_279] : memref<10240xf32, #tpu.memory_space<vmem_shared>> -> memref<10240xf32, #tpu.memory_space<vmem_shared>>
      tpu.enqueue_indirect_dma source(%arg11 : memref<128xf32, #tpu.memory_space<vmem>>) target(%dma_start3A_280 : memref<10240xf32, #tpu.memory_space<vmem_shared>>) offsets(%dma_start3A_278 : memref<128xi32, #tpu.memory_space<vmem>>) semaphore(%arg18 : memref<!tpu.dma_semaphore, #tpu.memory_space<semaphore_mem>>) {add = true}
      %add3A_281 = arith.constant 18 : i32
      %add3A_282 = arith.addi %mul3A_155, %add3A_281 : i32
      %dma_start3A_283 = arith.constant 0 : i32
      %dma_start3A_284 = tpu.memref_slice %arg8[%add3A_282, %dma_start3A_283] : memref<160x128xi32, #tpu.memory_space<vmem>> -> memref<1x128xi32, #tpu.memory_space<vmem>>
      %dma_start3A_285 = tpu.memref_squeeze %dma_start3A_284 : memref<1x128xi32, #tpu.memory_space<vmem>> -> memref<128xi32, #tpu.memory_space<vmem>>
      %dma_start3A_286 = arith.constant 0 : i32
      %dma_start3A_287 = tpu.memref_slice %arg17[%dma_start3A_286] : memref<10240xf32, #tpu.memory_space<vmem_shared>> -> memref<10240xf32, #tpu.memory_space<vmem_shared>>
      tpu.enqueue_indirect_dma source(%arg11 : memref<128xf32, #tpu.memory_space<vmem>>) target(%dma_start3A_287 : memref<10240xf32, #tpu.memory_space<vmem_shared>>) offsets(%dma_start3A_285 : memref<128xi32, #tpu.memory_space<vmem>>) semaphore(%arg18 : memref<!tpu.dma_semaphore, #tpu.memory_space<semaphore_mem>>) {add = true}
      %add3A_288 = arith.constant 19 : i32
      %add3A_289 = arith.addi %mul3A_155, %add3A_288 : i32
      %dma_start3A_290 = arith.constant 0 : i32
      %dma_start3A_291 = tpu.memref_slice %arg8[%add3A_289, %dma_start3A_290] : memref<160x128xi32, #tpu.memory_space<vmem>> -> memref<1x128xi32, #tpu.memory_space<vmem>>
      %dma_start3A_292 = tpu.memref_squeeze %dma_start3A_291 : memref<1x128xi32, #tpu.memory_space<vmem>> -> memref<128xi32, #tpu.memory_space<vmem>>
      %dma_start3A_293 = arith.constant 0 : i32
      %dma_start3A_294 = tpu.memref_slice %arg17[%dma_start3A_293] : memref<10240xf32, #tpu.memory_space<vmem_shared>> -> memref<10240xf32, #tpu.memory_space<vmem_shared>>
      tpu.enqueue_indirect_dma source(%arg11 : memref<128xf32, #tpu.memory_space<vmem>>) target(%dma_start3A_294 : memref<10240xf32, #tpu.memory_space<vmem_shared>>) offsets(%dma_start3A_292 : memref<128xi32, #tpu.memory_space<vmem>>) semaphore(%arg18 : memref<!tpu.dma_semaphore, #tpu.memory_space<semaphore_mem>>) {add = true}
      %scan3A_295 = arith.constant 0 : i32
      scf.yield %scan3A_295 : i32
    }
    %scan3A_70 = arith.constant 8 : i32
    %scan3A_71 = arith.constant 0 : i32
    %scan3A_72 = arith.constant 0 : i32
    %scan3A_73 = arith.constant 8 : i32
    %scan3A_74 = arith.addi %scan3A_72, %scan3A_73 : i32
    %scan3A_75 = arith.constant 1 : i32
    %scan3A_76 = scf.for %scan3A_152 = %scan3A_72 to %scan3A_74 step %scan3A_75 iter_args(%scan3A_153 = %scan3A_71) -> (i32)  : i32 {
      %mul3A_154 = arith.constant 20 : i32
      %mul3A_155 = arith.muli %scan3A_152, %mul3A_154 : i32
      %add3A = arith.constant 0 : i32
      %add3A_156 = arith.addi %mul3A_155, %add3A : i32
      %dma_wait3A_157 = arith.constant 0 : i32
      %dma_wait3A_158 = tpu.memref_slice %arg8[%add3A_156, %dma_wait3A_157] : memref<160x128xi32, #tpu.memory_space<vmem>> -> memref<1x128xi32, #tpu.memory_space<vmem>>
      %dma_wait3A_159 = tpu.memref_squeeze %dma_wait3A_158 : memref<1x128xi32, #tpu.memory_space<vmem>> -> memref<128xi32, #tpu.memory_space<vmem>>
      %dma_wait3A_160 = arith.constant 0 : i32
      %dma_wait3A_161 = tpu.memref_slice %arg17[%dma_wait3A_160] : memref<10240xf32, #tpu.memory_space<vmem_shared>> -> memref<10240xf32, #tpu.memory_space<vmem_shared>>
      tpu.wait_indirect_dma semaphore(%arg18 : memref<!tpu.dma_semaphore, #tpu.memory_space<semaphore_mem>>) src(%arg11 : memref<128xf32, #tpu.memory_space<vmem>>) dst(%dma_wait3A_161 : memref<10240xf32, #tpu.memory_space<vmem_shared>>)
      %add3A_162 = arith.constant 1 : i32
      %add3A_163 = arith.addi %mul3A_155, %add3A_162 : i32
      %dma_wait3A_164 = arith.constant 0 : i32
      %dma_wait3A_165 = tpu.memref_slice %arg8[%add3A_163, %dma_wait3A_164] : memref<160x128xi32, #tpu.memory_space<vmem>> -> memref<1x128xi32, #tpu.memory_space<vmem>>
      %dma_wait3A_166 = tpu.memref_squeeze %dma_wait3A_165 : memref<1x128xi32, #tpu.memory_space<vmem>> -> memref<128xi32, #tpu.memory_space<vmem>>
      %dma_wait3A_167 = arith.constant 0 : i32
      %dma_wait3A_168 = tpu.memref_slice %arg17[%dma_wait3A_167] : memref<10240xf32, #tpu.memory_space<vmem_shared>> -> memref<10240xf32, #tpu.memory_space<vmem_shared>>
      tpu.wait_indirect_dma semaphore(%arg18 : memref<!tpu.dma_semaphore, #tpu.memory_space<semaphore_mem>>) src(%arg11 : memref<128xf32, #tpu.memory_space<vmem>>) dst(%dma_wait3A_168 : memref<10240xf32, #tpu.memory_space<vmem_shared>>)
      %add3A_169 = arith.constant 2 : i32
      %add3A_170 = arith.addi %mul3A_155, %add3A_169 : i32
      %dma_wait3A_171 = arith.constant 0 : i32
      %dma_wait3A_172 = tpu.memref_slice %arg8[%add3A_170, %dma_wait3A_171] : memref<160x128xi32, #tpu.memory_space<vmem>> -> memref<1x128xi32, #tpu.memory_space<vmem>>
      %dma_wait3A_173 = tpu.memref_squeeze %dma_wait3A_172 : memref<1x128xi32, #tpu.memory_space<vmem>> -> memref<128xi32, #tpu.memory_space<vmem>>
      %dma_wait3A_174 = arith.constant 0 : i32
      %dma_wait3A_175 = tpu.memref_slice %arg17[%dma_wait3A_174] : memref<10240xf32, #tpu.memory_space<vmem_shared>> -> memref<10240xf32, #tpu.memory_space<vmem_shared>>
      tpu.wait_indirect_dma semaphore(%arg18 : memref<!tpu.dma_semaphore, #tpu.memory_space<semaphore_mem>>) src(%arg11 : memref<128xf32, #tpu.memory_space<vmem>>) dst(%dma_wait3A_175 : memref<10240xf32, #tpu.memory_space<vmem_shared>>)
      %add3A_176 = arith.constant 3 : i32
      %add3A_177 = arith.addi %mul3A_155, %add3A_176 : i32
      %dma_wait3A_178 = arith.constant 0 : i32
      %dma_wait3A_179 = tpu.memref_slice %arg8[%add3A_177, %dma_wait3A_178] : memref<160x128xi32, #tpu.memory_space<vmem>> -> memref<1x128xi32, #tpu.memory_space<vmem>>
      %dma_wait3A_180 = tpu.memref_squeeze %dma_wait3A_179 : memref<1x128xi32, #tpu.memory_space<vmem>> -> memref<128xi32, #tpu.memory_space<vmem>>
      %dma_wait3A_181 = arith.constant 0 : i32
      %dma_wait3A_182 = tpu.memref_slice %arg17[%dma_wait3A_181] : memref<10240xf32, #tpu.memory_space<vmem_shared>> -> memref<10240xf32, #tpu.memory_space<vmem_shared>>
      tpu.wait_indirect_dma semaphore(%arg18 : memref<!tpu.dma_semaphore, #tpu.memory_space<semaphore_mem>>) src(%arg11 : memref<128xf32, #tpu.memory_space<vmem>>) dst(%dma_wait3A_182 : memref<10240xf32, #tpu.memory_space<vmem_shared>>)
      %add3A_183 = arith.constant 4 : i32
      %add3A_184 = arith.addi %mul3A_155, %add3A_183 : i32
      %dma_wait3A_185 = arith.constant 0 : i32
      %dma_wait3A_186 = tpu.memref_slice %arg8[%add3A_184, %dma_wait3A_185] : memref<160x128xi32, #tpu.memory_space<vmem>> -> memref<1x128xi32, #tpu.memory_space<vmem>>
      %dma_wait3A_187 = tpu.memref_squeeze %dma_wait3A_186 : memref<1x128xi32, #tpu.memory_space<vmem>> -> memref<128xi32, #tpu.memory_space<vmem>>
      %dma_wait3A_188 = arith.constant 0 : i32
      %dma_wait3A_189 = tpu.memref_slice %arg17[%dma_wait3A_188] : memref<10240xf32, #tpu.memory_space<vmem_shared>> -> memref<10240xf32, #tpu.memory_space<vmem_shared>>
      tpu.wait_indirect_dma semaphore(%arg18 : memref<!tpu.dma_semaphore, #tpu.memory_space<semaphore_mem>>) src(%arg11 : memref<128xf32, #tpu.memory_space<vmem>>) dst(%dma_wait3A_189 : memref<10240xf32, #tpu.memory_space<vmem_shared>>)
      %add3A_190 = arith.constant 5 : i32
      %add3A_191 = arith.addi %mul3A_155, %add3A_190 : i32
      %dma_wait3A_192 = arith.constant 0 : i32
      %dma_wait3A_193 = tpu.memref_slice %arg8[%add3A_191, %dma_wait3A_192] : memref<160x128xi32, #tpu.memory_space<vmem>> -> memref<1x128xi32, #tpu.memory_space<vmem>>
      %dma_wait3A_194 = tpu.memref_squeeze %dma_wait3A_193 : memref<1x128xi32, #tpu.memory_space<vmem>> -> memref<128xi32, #tpu.memory_space<vmem>>
      %dma_wait3A_195 = arith.constant 0 : i32
      %dma_wait3A_196 = tpu.memref_slice %arg17[%dma_wait3A_195] : memref<10240xf32, #tpu.memory_space<vmem_shared>> -> memref<10240xf32, #tpu.memory_space<vmem_shared>>
      tpu.wait_indirect_dma semaphore(%arg18 : memref<!tpu.dma_semaphore, #tpu.memory_space<semaphore_mem>>) src(%arg11 : memref<128xf32, #tpu.memory_space<vmem>>) dst(%dma_wait3A_196 : memref<10240xf32, #tpu.memory_space<vmem_shared>>)
      %add3A_197 = arith.constant 6 : i32
      %add3A_198 = arith.addi %mul3A_155, %add3A_197 : i32
      %dma_wait3A_199 = arith.constant 0 : i32
      %dma_wait3A_200 = tpu.memref_slice %arg8[%add3A_198, %dma_wait3A_199] : memref<160x128xi32, #tpu.memory_space<vmem>> -> memref<1x128xi32, #tpu.memory_space<vmem>>
      %dma_wait3A_201 = tpu.memref_squeeze %dma_wait3A_200 : memref<1x128xi32, #tpu.memory_space<vmem>> -> memref<128xi32, #tpu.memory_space<vmem>>
      %dma_wait3A_202 = arith.constant 0 : i32
      %dma_wait3A_203 = tpu.memref_slice %arg17[%dma_wait3A_202] : memref<10240xf32, #tpu.memory_space<vmem_shared>> -> memref<10240xf32, #tpu.memory_space<vmem_shared>>
      tpu.wait_indirect_dma semaphore(%arg18 : memref<!tpu.dma_semaphore, #tpu.memory_space<semaphore_mem>>) src(%arg11 : memref<128xf32, #tpu.memory_space<vmem>>) dst(%dma_wait3A_203 : memref<10240xf32, #tpu.memory_space<vmem_shared>>)
      %add3A_204 = arith.constant 7 : i32
      %add3A_205 = arith.addi %mul3A_155, %add3A_204 : i32
      %dma_wait3A_206 = arith.constant 0 : i32
      %dma_wait3A_207 = tpu.memref_slice %arg8[%add3A_205, %dma_wait3A_206] : memref<160x128xi32, #tpu.memory_space<vmem>> -> memref<1x128xi32, #tpu.memory_space<vmem>>
      %dma_wait3A_208 = tpu.memref_squeeze %dma_wait3A_207 : memref<1x128xi32, #tpu.memory_space<vmem>> -> memref<128xi32, #tpu.memory_space<vmem>>
      %dma_wait3A_209 = arith.constant 0 : i32
      %dma_wait3A_210 = tpu.memref_slice %arg17[%dma_wait3A_209] : memref<10240xf32, #tpu.memory_space<vmem_shared>> -> memref<10240xf32, #tpu.memory_space<vmem_shared>>
      tpu.wait_indirect_dma semaphore(%arg18 : memref<!tpu.dma_semaphore, #tpu.memory_space<semaphore_mem>>) src(%arg11 : memref<128xf32, #tpu.memory_space<vmem>>) dst(%dma_wait3A_210 : memref<10240xf32, #tpu.memory_space<vmem_shared>>)
      %add3A_211 = arith.constant 8 : i32
      %add3A_212 = arith.addi %mul3A_155, %add3A_211 : i32
      %dma_wait3A_213 = arith.constant 0 : i32
      %dma_wait3A_214 = tpu.memref_slice %arg8[%add3A_212, %dma_wait3A_213] : memref<160x128xi32, #tpu.memory_space<vmem>> -> memref<1x128xi32, #tpu.memory_space<vmem>>
      %dma_wait3A_215 = tpu.memref_squeeze %dma_wait3A_214 : memref<1x128xi32, #tpu.memory_space<vmem>> -> memref<128xi32, #tpu.memory_space<vmem>>
      %dma_wait3A_216 = arith.constant 0 : i32
      %dma_wait3A_217 = tpu.memref_slice %arg17[%dma_wait3A_216] : memref<10240xf32, #tpu.memory_space<vmem_shared>> -> memref<10240xf32, #tpu.memory_space<vmem_shared>>
      tpu.wait_indirect_dma semaphore(%arg18 : memref<!tpu.dma_semaphore, #tpu.memory_space<semaphore_mem>>) src(%arg11 : memref<128xf32, #tpu.memory_space<vmem>>) dst(%dma_wait3A_217 : memref<10240xf32, #tpu.memory_space<vmem_shared>>)
      %add3A_218 = arith.constant 9 : i32
      %add3A_219 = arith.addi %mul3A_155, %add3A_218 : i32
      %dma_wait3A_220 = arith.constant 0 : i32
      %dma_wait3A_221 = tpu.memref_slice %arg8[%add3A_219, %dma_wait3A_220] : memref<160x128xi32, #tpu.memory_space<vmem>> -> memref<1x128xi32, #tpu.memory_space<vmem>>
      %dma_wait3A_222 = tpu.memref_squeeze %dma_wait3A_221 : memref<1x128xi32, #tpu.memory_space<vmem>> -> memref<128xi32, #tpu.memory_space<vmem>>
      %dma_wait3A_223 = arith.constant 0 : i32
      %dma_wait3A_224 = tpu.memref_slice %arg17[%dma_wait3A_223] : memref<10240xf32, #tpu.memory_space<vmem_shared>> -> memref<10240xf32, #tpu.memory_space<vmem_shared>>
      tpu.wait_indirect_dma semaphore(%arg18 : memref<!tpu.dma_semaphore, #tpu.memory_space<semaphore_mem>>) src(%arg11 : memref<128xf32, #tpu.memory_space<vmem>>) dst(%dma_wait3A_224 : memref<10240xf32, #tpu.memory_space<vmem_shared>>)
      %add3A_225 = arith.constant 10 : i32
      %add3A_226 = arith.addi %mul3A_155, %add3A_225 : i32
      %dma_wait3A_227 = arith.constant 0 : i32
      %dma_wait3A_228 = tpu.memref_slice %arg8[%add3A_226, %dma_wait3A_227] : memref<160x128xi32, #tpu.memory_space<vmem>> -> memref<1x128xi32, #tpu.memory_space<vmem>>
      %dma_wait3A_229 = tpu.memref_squeeze %dma_wait3A_228 : memref<1x128xi32, #tpu.memory_space<vmem>> -> memref<128xi32, #tpu.memory_space<vmem>>
      %dma_wait3A_230 = arith.constant 0 : i32
      %dma_wait3A_231 = tpu.memref_slice %arg17[%dma_wait3A_230] : memref<10240xf32, #tpu.memory_space<vmem_shared>> -> memref<10240xf32, #tpu.memory_space<vmem_shared>>
      tpu.wait_indirect_dma semaphore(%arg18 : memref<!tpu.dma_semaphore, #tpu.memory_space<semaphore_mem>>) src(%arg11 : memref<128xf32, #tpu.memory_space<vmem>>) dst(%dma_wait3A_231 : memref<10240xf32, #tpu.memory_space<vmem_shared>>)
      %add3A_232 = arith.constant 11 : i32
      %add3A_233 = arith.addi %mul3A_155, %add3A_232 : i32
      %dma_wait3A_234 = arith.constant 0 : i32
      %dma_wait3A_235 = tpu.memref_slice %arg8[%add3A_233, %dma_wait3A_234] : memref<160x128xi32, #tpu.memory_space<vmem>> -> memref<1x128xi32, #tpu.memory_space<vmem>>
      %dma_wait3A_236 = tpu.memref_squeeze %dma_wait3A_235 : memref<1x128xi32, #tpu.memory_space<vmem>> -> memref<128xi32, #tpu.memory_space<vmem>>
      %dma_wait3A_237 = arith.constant 0 : i32
      %dma_wait3A_238 = tpu.memref_slice %arg17[%dma_wait3A_237] : memref<10240xf32, #tpu.memory_space<vmem_shared>> -> memref<10240xf32, #tpu.memory_space<vmem_shared>>
      tpu.wait_indirect_dma semaphore(%arg18 : memref<!tpu.dma_semaphore, #tpu.memory_space<semaphore_mem>>) src(%arg11 : memref<128xf32, #tpu.memory_space<vmem>>) dst(%dma_wait3A_238 : memref<10240xf32, #tpu.memory_space<vmem_shared>>)
      %add3A_239 = arith.constant 12 : i32
      %add3A_240 = arith.addi %mul3A_155, %add3A_239 : i32
      %dma_wait3A_241 = arith.constant 0 : i32
      %dma_wait3A_242 = tpu.memref_slice %arg8[%add3A_240, %dma_wait3A_241] : memref<160x128xi32, #tpu.memory_space<vmem>> -> memref<1x128xi32, #tpu.memory_space<vmem>>
      %dma_wait3A_243 = tpu.memref_squeeze %dma_wait3A_242 : memref<1x128xi32, #tpu.memory_space<vmem>> -> memref<128xi32, #tpu.memory_space<vmem>>
      %dma_wait3A_244 = arith.constant 0 : i32
      %dma_wait3A_245 = tpu.memref_slice %arg17[%dma_wait3A_244] : memref<10240xf32, #tpu.memory_space<vmem_shared>> -> memref<10240xf32, #tpu.memory_space<vmem_shared>>
      tpu.wait_indirect_dma semaphore(%arg18 : memref<!tpu.dma_semaphore, #tpu.memory_space<semaphore_mem>>) src(%arg11 : memref<128xf32, #tpu.memory_space<vmem>>) dst(%dma_wait3A_245 : memref<10240xf32, #tpu.memory_space<vmem_shared>>)
      %add3A_246 = arith.constant 13 : i32
      %add3A_247 = arith.addi %mul3A_155, %add3A_246 : i32
      %dma_wait3A_248 = arith.constant 0 : i32
      %dma_wait3A_249 = tpu.memref_slice %arg8[%add3A_247, %dma_wait3A_248] : memref<160x128xi32, #tpu.memory_space<vmem>> -> memref<1x128xi32, #tpu.memory_space<vmem>>
      %dma_wait3A_250 = tpu.memref_squeeze %dma_wait3A_249 : memref<1x128xi32, #tpu.memory_space<vmem>> -> memref<128xi32, #tpu.memory_space<vmem>>
      %dma_wait3A_251 = arith.constant 0 : i32
      %dma_wait3A_252 = tpu.memref_slice %arg17[%dma_wait3A_251] : memref<10240xf32, #tpu.memory_space<vmem_shared>> -> memref<10240xf32, #tpu.memory_space<vmem_shared>>
      tpu.wait_indirect_dma semaphore(%arg18 : memref<!tpu.dma_semaphore, #tpu.memory_space<semaphore_mem>>) src(%arg11 : memref<128xf32, #tpu.memory_space<vmem>>) dst(%dma_wait3A_252 : memref<10240xf32, #tpu.memory_space<vmem_shared>>)
      %add3A_253 = arith.constant 14 : i32
      %add3A_254 = arith.addi %mul3A_155, %add3A_253 : i32
      %dma_wait3A_255 = arith.constant 0 : i32
      %dma_wait3A_256 = tpu.memref_slice %arg8[%add3A_254, %dma_wait3A_255] : memref<160x128xi32, #tpu.memory_space<vmem>> -> memref<1x128xi32, #tpu.memory_space<vmem>>
      %dma_wait3A_257 = tpu.memref_squeeze %dma_wait3A_256 : memref<1x128xi32, #tpu.memory_space<vmem>> -> memref<128xi32, #tpu.memory_space<vmem>>
      %dma_wait3A_258 = arith.constant 0 : i32
      %dma_wait3A_259 = tpu.memref_slice %arg17[%dma_wait3A_258] : memref<10240xf32, #tpu.memory_space<vmem_shared>> -> memref<10240xf32, #tpu.memory_space<vmem_shared>>
      tpu.wait_indirect_dma semaphore(%arg18 : memref<!tpu.dma_semaphore, #tpu.memory_space<semaphore_mem>>) src(%arg11 : memref<128xf32, #tpu.memory_space<vmem>>) dst(%dma_wait3A_259 : memref<10240xf32, #tpu.memory_space<vmem_shared>>)
      %add3A_260 = arith.constant 15 : i32
      %add3A_261 = arith.addi %mul3A_155, %add3A_260 : i32
      %dma_wait3A_262 = arith.constant 0 : i32
      %dma_wait3A_263 = tpu.memref_slice %arg8[%add3A_261, %dma_wait3A_262] : memref<160x128xi32, #tpu.memory_space<vmem>> -> memref<1x128xi32, #tpu.memory_space<vmem>>
      %dma_wait3A_264 = tpu.memref_squeeze %dma_wait3A_263 : memref<1x128xi32, #tpu.memory_space<vmem>> -> memref<128xi32, #tpu.memory_space<vmem>>
      %dma_wait3A_265 = arith.constant 0 : i32
      %dma_wait3A_266 = tpu.memref_slice %arg17[%dma_wait3A_265] : memref<10240xf32, #tpu.memory_space<vmem_shared>> -> memref<10240xf32, #tpu.memory_space<vmem_shared>>
      tpu.wait_indirect_dma semaphore(%arg18 : memref<!tpu.dma_semaphore, #tpu.memory_space<semaphore_mem>>) src(%arg11 : memref<128xf32, #tpu.memory_space<vmem>>) dst(%dma_wait3A_266 : memref<10240xf32, #tpu.memory_space<vmem_shared>>)
      %add3A_267 = arith.constant 16 : i32
      %add3A_268 = arith.addi %mul3A_155, %add3A_267 : i32
      %dma_wait3A_269 = arith.constant 0 : i32
      %dma_wait3A_270 = tpu.memref_slice %arg8[%add3A_268, %dma_wait3A_269] : memref<160x128xi32, #tpu.memory_space<vmem>> -> memref<1x128xi32, #tpu.memory_space<vmem>>
      %dma_wait3A_271 = tpu.memref_squeeze %dma_wait3A_270 : memref<1x128xi32, #tpu.memory_space<vmem>> -> memref<128xi32, #tpu.memory_space<vmem>>
      %dma_wait3A_272 = arith.constant 0 : i32
      %dma_wait3A_273 = tpu.memref_slice %arg17[%dma_wait3A_272] : memref<10240xf32, #tpu.memory_space<vmem_shared>> -> memref<10240xf32, #tpu.memory_space<vmem_shared>>
      tpu.wait_indirect_dma semaphore(%arg18 : memref<!tpu.dma_semaphore, #tpu.memory_space<semaphore_mem>>) src(%arg11 : memref<128xf32, #tpu.memory_space<vmem>>) dst(%dma_wait3A_273 : memref<10240xf32, #tpu.memory_space<vmem_shared>>)
      %add3A_274 = arith.constant 17 : i32
      %add3A_275 = arith.addi %mul3A_155, %add3A_274 : i32
      %dma_wait3A_276 = arith.constant 0 : i32
      %dma_wait3A_277 = tpu.memref_slice %arg8[%add3A_275, %dma_wait3A_276] : memref<160x128xi32, #tpu.memory_space<vmem>> -> memref<1x128xi32, #tpu.memory_space<vmem>>
      %dma_wait3A_278 = tpu.memref_squeeze %dma_wait3A_277 : memref<1x128xi32, #tpu.memory_space<vmem>> -> memref<128xi32, #tpu.memory_space<vmem>>
      %dma_wait3A_279 = arith.constant 0 : i32
      %dma_wait3A_280 = tpu.memref_slice %arg17[%dma_wait3A_279] : memref<10240xf32, #tpu.memory_space<vmem_shared>> -> memref<10240xf32, #tpu.memory_space<vmem_shared>>
      tpu.wait_indirect_dma semaphore(%arg18 : memref<!tpu.dma_semaphore, #tpu.memory_space<semaphore_mem>>) src(%arg11 : memref<128xf32, #tpu.memory_space<vmem>>) dst(%dma_wait3A_280 : memref<10240xf32, #tpu.memory_space<vmem_shared>>)
      %add3A_281 = arith.constant 18 : i32
      %add3A_282 = arith.addi %mul3A_155, %add3A_281 : i32
      %dma_wait3A_283 = arith.constant 0 : i32
      %dma_wait3A_284 = tpu.memref_slice %arg8[%add3A_282, %dma_wait3A_283] : memref<160x128xi32, #tpu.memory_space<vmem>> -> memref<1x128xi32, #tpu.memory_space<vmem>>
      %dma_wait3A_285 = tpu.memref_squeeze %dma_wait3A_284 : memref<1x128xi32, #tpu.memory_space<vmem>> -> memref<128xi32, #tpu.memory_space<vmem>>
      %dma_wait3A_286 = arith.constant 0 : i32
      %dma_wait3A_287 = tpu.memref_slice %arg17[%dma_wait3A_286] : memref<10240xf32, #tpu.memory_space<vmem_shared>> -> memref<10240xf32, #tpu.memory_space<vmem_shared>>
      tpu.wait_indirect_dma semaphore(%arg18 : memref<!tpu.dma_semaphore, #tpu.memory_space<semaphore_mem>>) src(%arg11 : memref<128xf32, #tpu.memory_space<vmem>>) dst(%dma_wait3A_287 : memref<10240xf32, #tpu.memory_space<vmem_shared>>)
      %add3A_288 = arith.constant 19 : i32
      %add3A_289 = arith.addi %mul3A_155, %add3A_288 : i32
      %dma_wait3A_290 = arith.constant 0 : i32
      %dma_wait3A_291 = tpu.memref_slice %arg8[%add3A_289, %dma_wait3A_290] : memref<160x128xi32, #tpu.memory_space<vmem>> -> memref<1x128xi32, #tpu.memory_space<vmem>>
      %dma_wait3A_292 = tpu.memref_squeeze %dma_wait3A_291 : memref<1x128xi32, #tpu.memory_space<vmem>> -> memref<128xi32, #tpu.memory_space<vmem>>
      %dma_wait3A_293 = arith.constant 0 : i32
      %dma_wait3A_294 = tpu.memref_slice %arg17[%dma_wait3A_293] : memref<10240xf32, #tpu.memory_space<vmem_shared>> -> memref<10240xf32, #tpu.memory_space<vmem_shared>>
      tpu.wait_indirect_dma semaphore(%arg18 : memref<!tpu.dma_semaphore, #tpu.memory_space<semaphore_mem>>) src(%arg11 : memref<128xf32, #tpu.memory_space<vmem>>) dst(%dma_wait3A_294 : memref<10240xf32, #tpu.memory_space<vmem_shared>>)
      %scan3A_295 = arith.constant 0 : i32
      scf.yield %scan3A_295 : i32
    }
    %scan3A_77 = arith.constant 8 : i32
    %barrier3A_78 = arith.constant 0 : index
    tpu.barrier barrier_id(%barrier3A_78)
    "tpu.region"() ({
      %run_scoped3A = tpu.sem_alloc : memref<!tpu.dma_semaphore, #tpu.memory_space<semaphore_mem>>
      %dma_start3A_152 = tpu.memref_slice %arg17[%mul3A_0] : memref<10240xf32, #tpu.memory_space<vmem_shared>> -> memref<640xf32, #tpu.memory_space<vmem_shared>>
      %dma_start3A_153 = tpu.memref_slice %arg17[%mul3A_0] : memref<10240xf32, #tpu.memory_space<vmem_shared>> -> memref<640xf32, #tpu.memory_space<vmem_shared>>
      tpu.enqueue_dma source(%dma_start3A_153 : memref<640xf32, #tpu.memory_space<vmem_shared>>) target(%arg14 : memref<640xf32, #tpu.memory_space<vmem>>) target_semaphore(%run_scoped3A : memref<!tpu.dma_semaphore, #tpu.memory_space<semaphore_mem>>)
      %dma_wait3A_154 = tpu.memref_slice %arg17[%mul3A_0] : memref<10240xf32, #tpu.memory_space<vmem_shared>> -> memref<640xf32, #tpu.memory_space<vmem_shared>>
      %dma_wait3A_155 = tpu.memref_slice %arg17[%mul3A_0] : memref<10240xf32, #tpu.memory_space<vmem_shared>> -> memref<640xf32, #tpu.memory_space<vmem_shared>>
      tpu.wait_dma2 semaphore(%run_scoped3A : memref<!tpu.dma_semaphore, #tpu.memory_space<semaphore_mem>>) src(%dma_wait3A_155 : memref<640xf32, #tpu.memory_space<vmem_shared>>) dst(%arg14 : memref<640xf32, #tpu.memory_space<vmem>>)
      tpu.yield
    }) : () -> ()
    %parallel_loop3A_79 = arith.constant 0 : i32
    %parallel_loop3A_80 = arith.constant 40 : i32
    %parallel_loop3A_81 = arith.constant 1 : i32
    scf.for %parallel_loop3A_152 = %parallel_loop3A_79 to %parallel_loop3A_80 step %parallel_loop3A_81  : i32 {
      %parallel_loop3A_153 = arith.constant 16 : i32
      %parallel_loop3A_154 = arith.muli %parallel_loop3A_152, %parallel_loop3A_153 : i32
      %parallel_loop3A_155 = arith.index_cast %parallel_loop3A_154 : i32 to index
      %parallel_loop3A_156 = tpu.vector_load %arg14[%parallel_loop3A_155] {strides = array<i32>} : memref<640xf32, #tpu.memory_space<vmem>>, vector<16xf32>,
      %parallel_loop3A_157 = arith.constant 1.000000e+00 : f32
      %parallel_loop3A_158 = vector.broadcast %parallel_loop3A_157 : f32 to vector<16xf32>
      %parallel_loop3A_159 = arith.addf %parallel_loop3A_156, %parallel_loop3A_158 : vector<16xf32>
      %parallel_loop3A_160 = tpu.bitcast %parallel_loop3A_159 : vector<16xf32> -> vector<16xi32>
      %parallel_loop3A_161 = arith.constant 1 : i32
      %parallel_loop3A_162 = vector.broadcast %parallel_loop3A_161 : i32 to vector<16xi32>
      %parallel_loop3A_163 = arith.shrsi %parallel_loop3A_160, %parallel_loop3A_162 : vector<16xi32>
      %parallel_loop3A_164 = arith.constant 1597463007 : i32
      %parallel_loop3A_165 = vector.broadcast %parallel_loop3A_164 : i32 to vector<16xi32>
      %parallel_loop3A_166 = arith.subi %parallel_loop3A_165, %parallel_loop3A_163 : vector<16xi32>
      %parallel_loop3A_167 = tpu.bitcast %parallel_loop3A_166 : vector<16xi32> -> vector<16xf32>
      %parallel_loop3A_168 = arith.constant 5.000000e-01 : f32
      %parallel_loop3A_169 = vector.broadcast %parallel_loop3A_168 : f32 to vector<16xf32>
      %parallel_loop3A_170 = arith.mulf %parallel_loop3A_169, %parallel_loop3A_159 : vector<16xf32>
      %parallel_loop3A_171 = arith.mulf %parallel_loop3A_170, %parallel_loop3A_167 : vector<16xf32>
      %parallel_loop3A_172 = arith.mulf %parallel_loop3A_171, %parallel_loop3A_167 : vector<16xf32>
      %parallel_loop3A_173 = arith.constant 1.500000e+00 : f32
      %parallel_loop3A_174 = vector.broadcast %parallel_loop3A_173 : f32 to vector<16xf32>
      %parallel_loop3A_175 = arith.subf %parallel_loop3A_174, %parallel_loop3A_172 : vector<16xf32>
      %parallel_loop3A_176 = arith.mulf %parallel_loop3A_167, %parallel_loop3A_175 : vector<16xf32>
      %parallel_loop3A_177 = arith.constant 5.000000e-01 : f32
      %parallel_loop3A_178 = vector.broadcast %parallel_loop3A_177 : f32 to vector<16xf32>
      %parallel_loop3A_179 = arith.mulf %parallel_loop3A_178, %parallel_loop3A_159 : vector<16xf32>
      %parallel_loop3A_180 = arith.mulf %parallel_loop3A_179, %parallel_loop3A_176 : vector<16xf32>
      %parallel_loop3A_181 = arith.mulf %parallel_loop3A_180, %parallel_loop3A_176 : vector<16xf32>
      %parallel_loop3A_182 = arith.constant 1.500000e+00 : f32
      %parallel_loop3A_183 = vector.broadcast %parallel_loop3A_182 : f32 to vector<16xf32>
      %parallel_loop3A_184 = arith.subf %parallel_loop3A_183, %parallel_loop3A_181 : vector<16xf32>
      %parallel_loop3A_185 = arith.mulf %parallel_loop3A_176, %parallel_loop3A_184 : vector<16xf32>
      %parallel_loop3A_186 = arith.constant 5.000000e-01 : f32
      %parallel_loop3A_187 = vector.broadcast %parallel_loop3A_186 : f32 to vector<16xf32>
      %parallel_loop3A_188 = arith.mulf %parallel_loop3A_187, %parallel_loop3A_159 : vector<16xf32>
      %parallel_loop3A_189 = arith.mulf %parallel_loop3A_188, %parallel_loop3A_185 : vector<16xf32>
      %parallel_loop3A_190 = arith.mulf %parallel_loop3A_189, %parallel_loop3A_185 : vector<16xf32>
      %parallel_loop3A_191 = arith.constant 1.500000e+00 : f32
      %parallel_loop3A_192 = vector.broadcast %parallel_loop3A_191 : f32 to vector<16xf32>
      %parallel_loop3A_193 = arith.subf %parallel_loop3A_192, %parallel_loop3A_190 : vector<16xf32>
      %parallel_loop3A_194 = arith.mulf %parallel_loop3A_185, %parallel_loop3A_193 : vector<16xf32>
      %parallel_loop3A_195 = arith.index_cast %parallel_loop3A_154 : i32 to index
      %parallel_loop3A_196 = tpu.vector_load %arg12[%parallel_loop3A_195] {strides = array<i32>} : memref<640xf32, #tpu.memory_space<vmem>>, vector<16xf32>,
      tpu.vector_store %arg12[%parallel_loop3A_195], %parallel_loop3A_194 {strides = array<i32>} : memref<640xf32, #tpu.memory_space<vmem>>, vector<16xf32>,
      %parallel_loop3A_197 = arith.index_cast %parallel_loop3A_154 : i32 to index
      %parallel_loop3A_198 = tpu.vector_load %arg13[%parallel_loop3A_197] {strides = array<i32>} : memref<640xf32, #tpu.memory_space<vmem>>, vector<16xf32>,
      %parallel_loop3A_199 = arith.mulf %parallel_loop3A_194, %parallel_loop3A_198 : vector<16xf32>
      %parallel_loop3A_200 = arith.index_cast %parallel_loop3A_154 : i32 to index
      %parallel_loop3A_201 = tpu.vector_load %arg14[%parallel_loop3A_200] {strides = array<i32>} : memref<640xf32, #tpu.memory_space<vmem>>, vector<16xf32>,
      tpu.vector_store %arg14[%parallel_loop3A_200], %parallel_loop3A_199 {strides = array<i32>} : memref<640xf32, #tpu.memory_space<vmem>>, vector<16xf32>,
    } {sc.loop_unroll_factor = 4 : i64, sc.parallel_access}
    "tpu.region"() ({
      %run_scoped3A = tpu.sem_alloc : memref<!tpu.dma_semaphore, #tpu.memory_space<semaphore_mem>>
      %dma_start3A_152 = tpu.memref_slice %arg6[%mul3A_0] : memref<10240xf32, #tpu.memory_space<hbm>> -> memref<640xf32, #tpu.memory_space<hbm>>
      %dma_start3A_153 = tpu.memref_slice %arg6[%mul3A_0] : memref<10240xf32, #tpu.memory_space<hbm>> -> memref<640xf32, #tpu.memory_space<hbm>>
      tpu.enqueue_dma source(%arg14 : memref<640xf32, #tpu.memory_space<vmem>>) target(%dma_start3A_153 : memref<640xf32, #tpu.memory_space<hbm>>) target_semaphore(%run_scoped3A : memref<!tpu.dma_semaphore, #tpu.memory_space<semaphore_mem>>)
      %dma_wait3A_154 = tpu.memref_slice %arg6[%mul3A_0] : memref<10240xf32, #tpu.memory_space<hbm>> -> memref<640xf32, #tpu.memory_space<hbm>>
      %dma_wait3A_155 = tpu.memref_slice %arg6[%mul3A_0] : memref<10240xf32, #tpu.memory_space<hbm>> -> memref<640xf32, #tpu.memory_space<hbm>>
      tpu.wait_dma2 semaphore(%run_scoped3A : memref<!tpu.dma_semaphore, #tpu.memory_space<semaphore_mem>>) src(%arg14 : memref<640xf32, #tpu.memory_space<vmem>>) dst(%dma_wait3A_155 : memref<640xf32, #tpu.memory_space<hbm>>)
      tpu.yield
    }) : () -> ()
    "tpu.region"() ({
      %run_scoped3A = tpu.sem_alloc : memref<!tpu.dma_semaphore, #tpu.memory_space<semaphore_mem>>
      %dma_start3A_152 = tpu.memref_slice %arg17[%mul3A_0] : memref<10240xf32, #tpu.memory_space<vmem_shared>> -> memref<640xf32, #tpu.memory_space<vmem_shared>>
      %dma_start3A_153 = tpu.memref_slice %arg17[%mul3A_0] : memref<10240xf32, #tpu.memory_space<vmem_shared>> -> memref<640xf32, #tpu.memory_space<vmem_shared>>
      tpu.enqueue_dma source(%arg15 : memref<640xf32, #tpu.memory_space<vmem>>) target(%dma_start3A_153 : memref<640xf32, #tpu.memory_space<vmem_shared>>) target_semaphore(%run_scoped3A : memref<!tpu.dma_semaphore, #tpu.memory_space<semaphore_mem>>)
      %dma_wait3A_154 = tpu.memref_slice %arg17[%mul3A_0] : memref<10240xf32, #tpu.memory_space<vmem_shared>> -> memref<640xf32, #tpu.memory_space<vmem_shared>>
      %dma_wait3A_155 = tpu.memref_slice %arg17[%mul3A_0] : memref<10240xf32, #tpu.memory_space<vmem_shared>> -> memref<640xf32, #tpu.memory_space<vmem_shared>>
      tpu.wait_dma2 semaphore(%run_scoped3A : memref<!tpu.dma_semaphore, #tpu.memory_space<semaphore_mem>>) src(%arg15 : memref<640xf32, #tpu.memory_space<vmem>>) dst(%dma_wait3A_155 : memref<640xf32, #tpu.memory_space<vmem_shared>>)
      tpu.yield
    }) : () -> ()
    %barrier3A_82 = arith.constant 0 : index
    tpu.barrier barrier_id(%barrier3A_82)
    "tpu.region"() ({
      %run_scoped3A = tpu.sem_alloc : memref<!tpu.dma_semaphore, #tpu.memory_space<semaphore_mem>>
      tpu.enqueue_dma source(%arg6 : memref<10240xf32, #tpu.memory_space<hbm>>) target(%arg10 : memref<10240xf32, #tpu.memory_space<vmem>>) target_semaphore(%run_scoped3A : memref<!tpu.dma_semaphore, #tpu.memory_space<semaphore_mem>>)
      tpu.wait_dma2 semaphore(%run_scoped3A : memref<!tpu.dma_semaphore, #tpu.memory_space<semaphore_mem>>) src(%arg6 : memref<10240xf32, #tpu.memory_space<hbm>>) dst(%arg10 : memref<10240xf32, #tpu.memory_space<vmem>>)
      tpu.yield
    }) : () -> ()
    %scan3A_83 = arith.constant 0 : i32
    %scan3A_84 = arith.constant 0 : i32
    %scan3A_85 = arith.constant 10 : i32
    %scan3A_86 = arith.addi %scan3A_84, %scan3A_85 : i32
    %scan3A_87 = arith.constant 1 : i32
    %scan3A_88 = scf.for %scan3A_152 = %scan3A_84 to %scan3A_86 step %scan3A_87 iter_args(%scan3A_153 = %scan3A_83) -> (i32)  : i32 {
      %mul3A_154 = arith.constant 16 : i32
      %mul3A_155 = arith.muli %scan3A_152, %mul3A_154 : i32
      %add3A = arith.constant 16 : i32
      %add3A_156 = arith.addi %mul3A_155, %add3A : i32
      %parallel_loop3A_157 = arith.constant 1 : i32
      scf.for %parallel_loop3A_351 = %mul3A_155 to %add3A_156 step %parallel_loop3A_157  : i32 {
        %parallel_loop3A_352 = arith.index_cast %parallel_loop3A_351 : i32 to index
        %parallel_loop3A_353 = arith.constant 0 : index
        %parallel_loop3A_354 = tpu.vector_load %arg7[%parallel_loop3A_352, %parallel_loop3A_353] {strides = array<i32>} : memref<160x128xi32, #tpu.memory_space<vmem>>, vector<16xi32>,
        %parallel_loop3A_355 = tpu.vector_load_idx %arg10[%parallel_loop3A_354] : memref<10240xf32, #tpu.memory_space<vmem>>[vector<16xi32>], vector<16xf32>,
        %parallel_loop3A_356 = arith.index_cast %parallel_loop3A_351 : i32 to index
        %parallel_loop3A_357 = arith.constant 0 : index
        %parallel_loop3A_358 = tpu.vector_load %arg9[%parallel_loop3A_356, %parallel_loop3A_357] {strides = array<i32>} : memref<160x128xf32, #tpu.memory_space<vmem>>, vector<16xf32>,
        tpu.vector_store %arg9[%parallel_loop3A_356, %parallel_loop3A_357], %parallel_loop3A_355 {strides = array<i32>} : memref<160x128xf32, #tpu.memory_space<vmem>>, vector<16xf32>,
        %parallel_loop3A_359 = arith.index_cast %parallel_loop3A_351 : i32 to index
        %parallel_loop3A_360 = arith.constant 16 : index
        %parallel_loop3A_361 = tpu.vector_load %arg7[%parallel_loop3A_359, %parallel_loop3A_360] {strides = array<i32>} : memref<160x128xi32, #tpu.memory_space<vmem>>, vector<16xi32>,
        %parallel_loop3A_362 = tpu.vector_load_idx %arg10[%parallel_loop3A_361] : memref<10240xf32, #tpu.memory_space<vmem>>[vector<16xi32>], vector<16xf32>,
        %parallel_loop3A_363 = arith.index_cast %parallel_loop3A_351 : i32 to index
        %parallel_loop3A_364 = arith.constant 16 : index
        %parallel_loop3A_365 = tpu.vector_load %arg9[%parallel_loop3A_363, %parallel_loop3A_364] {strides = array<i32>} : memref<160x128xf32, #tpu.memory_space<vmem>>, vector<16xf32>,
        tpu.vector_store %arg9[%parallel_loop3A_363, %parallel_loop3A_364], %parallel_loop3A_362 {strides = array<i32>} : memref<160x128xf32, #tpu.memory_space<vmem>>, vector<16xf32>,
        %parallel_loop3A_366 = arith.index_cast %parallel_loop3A_351 : i32 to index
        %parallel_loop3A_367 = arith.constant 32 : index
        %parallel_loop3A_368 = tpu.vector_load %arg7[%parallel_loop3A_366, %parallel_loop3A_367] {strides = array<i32>} : memref<160x128xi32, #tpu.memory_space<vmem>>, vector<16xi32>,
        %parallel_loop3A_369 = tpu.vector_load_idx %arg10[%parallel_loop3A_368] : memref<10240xf32, #tpu.memory_space<vmem>>[vector<16xi32>], vector<16xf32>,
        %parallel_loop3A_370 = arith.index_cast %parallel_loop3A_351 : i32 to index
        %parallel_loop3A_371 = arith.constant 32 : index
        %parallel_loop3A_372 = tpu.vector_load %arg9[%parallel_loop3A_370, %parallel_loop3A_371] {strides = array<i32>} : memref<160x128xf32, #tpu.memory_space<vmem>>, vector<16xf32>,
        tpu.vector_store %arg9[%parallel_loop3A_370, %parallel_loop3A_371], %parallel_loop3A_369 {strides = array<i32>} : memref<160x128xf32, #tpu.memory_space<vmem>>, vector<16xf32>,
        %parallel_loop3A_373 = arith.index_cast %parallel_loop3A_351 : i32 to index
        %parallel_loop3A_374 = arith.constant 48 : index
        %parallel_loop3A_375 = tpu.vector_load %arg7[%parallel_loop3A_373, %parallel_loop3A_374] {strides = array<i32>} : memref<160x128xi32, #tpu.memory_space<vmem>>, vector<16xi32>,
        %parallel_loop3A_376 = tpu.vector_load_idx %arg10[%parallel_loop3A_375] : memref<10240xf32, #tpu.memory_space<vmem>>[vector<16xi32>], vector<16xf32>,
        %parallel_loop3A_377 = arith.index_cast %parallel_loop3A_351 : i32 to index
        %parallel_loop3A_378 = arith.constant 48 : index
        %parallel_loop3A_379 = tpu.vector_load %arg9[%parallel_loop3A_377, %parallel_loop3A_378] {strides = array<i32>} : memref<160x128xf32, #tpu.memory_space<vmem>>, vector<16xf32>,
        tpu.vector_store %arg9[%parallel_loop3A_377, %parallel_loop3A_378], %parallel_loop3A_376 {strides = array<i32>} : memref<160x128xf32, #tpu.memory_space<vmem>>, vector<16xf32>,
        %parallel_loop3A_380 = arith.index_cast %parallel_loop3A_351 : i32 to index
        %parallel_loop3A_381 = arith.constant 64 : index
        %parallel_loop3A_382 = tpu.vector_load %arg7[%parallel_loop3A_380, %parallel_loop3A_381] {strides = array<i32>} : memref<160x128xi32, #tpu.memory_space<vmem>>, vector<16xi32>,
        %parallel_loop3A_383 = tpu.vector_load_idx %arg10[%parallel_loop3A_382] : memref<10240xf32, #tpu.memory_space<vmem>>[vector<16xi32>], vector<16xf32>,
        %parallel_loop3A_384 = arith.index_cast %parallel_loop3A_351 : i32 to index
        %parallel_loop3A_385 = arith.constant 64 : index
        %parallel_loop3A_386 = tpu.vector_load %arg9[%parallel_loop3A_384, %parallel_loop3A_385] {strides = array<i32>} : memref<160x128xf32, #tpu.memory_space<vmem>>, vector<16xf32>,
        tpu.vector_store %arg9[%parallel_loop3A_384, %parallel_loop3A_385], %parallel_loop3A_383 {strides = array<i32>} : memref<160x128xf32, #tpu.memory_space<vmem>>, vector<16xf32>,
        %parallel_loop3A_387 = arith.index_cast %parallel_loop3A_351 : i32 to index
        %parallel_loop3A_388 = arith.constant 80 : index
        %parallel_loop3A_389 = tpu.vector_load %arg7[%parallel_loop3A_387, %parallel_loop3A_388] {strides = array<i32>} : memref<160x128xi32, #tpu.memory_space<vmem>>, vector<16xi32>,
        %parallel_loop3A_390 = tpu.vector_load_idx %arg10[%parallel_loop3A_389] : memref<10240xf32, #tpu.memory_space<vmem>>[vector<16xi32>], vector<16xf32>,
        %parallel_loop3A_391 = arith.index_cast %parallel_loop3A_351 : i32 to index
        %parallel_loop3A_392 = arith.constant 80 : index
        %parallel_loop3A_393 = tpu.vector_load %arg9[%parallel_loop3A_391, %parallel_loop3A_392] {strides = array<i32>} : memref<160x128xf32, #tpu.memory_space<vmem>>, vector<16xf32>,
        tpu.vector_store %arg9[%parallel_loop3A_391, %parallel_loop3A_392], %parallel_loop3A_390 {strides = array<i32>} : memref<160x128xf32, #tpu.memory_space<vmem>>, vector<16xf32>,
        %parallel_loop3A_394 = arith.index_cast %parallel_loop3A_351 : i32 to index
        %parallel_loop3A_395 = arith.constant 96 : index
        %parallel_loop3A_396 = tpu.vector_load %arg7[%parallel_loop3A_394, %parallel_loop3A_395] {strides = array<i32>} : memref<160x128xi32, #tpu.memory_space<vmem>>, vector<16xi32>,
        %parallel_loop3A_397 = tpu.vector_load_idx %arg10[%parallel_loop3A_396] : memref<10240xf32, #tpu.memory_space<vmem>>[vector<16xi32>], vector<16xf32>,
        %parallel_loop3A_398 = arith.index_cast %parallel_loop3A_351 : i32 to index
        %parallel_loop3A_399 = arith.constant 96 : index
        %parallel_loop3A_400 = tpu.vector_load %arg9[%parallel_loop3A_398, %parallel_loop3A_399] {strides = array<i32>} : memref<160x128xf32, #tpu.memory_space<vmem>>, vector<16xf32>,
        tpu.vector_store %arg9[%parallel_loop3A_398, %parallel_loop3A_399], %parallel_loop3A_397 {strides = array<i32>} : memref<160x128xf32, #tpu.memory_space<vmem>>, vector<16xf32>,
        %parallel_loop3A_401 = arith.index_cast %parallel_loop3A_351 : i32 to index
        %parallel_loop3A_402 = arith.constant 112 : index
        %parallel_loop3A_403 = tpu.vector_load %arg7[%parallel_loop3A_401, %parallel_loop3A_402] {strides = array<i32>} : memref<160x128xi32, #tpu.memory_space<vmem>>, vector<16xi32>,
        %parallel_loop3A_404 = tpu.vector_load_idx %arg10[%parallel_loop3A_403] : memref<10240xf32, #tpu.memory_space<vmem>>[vector<16xi32>], vector<16xf32>,
        %parallel_loop3A_405 = arith.index_cast %parallel_loop3A_351 : i32 to index
        %parallel_loop3A_406 = arith.constant 112 : index
        %parallel_loop3A_407 = tpu.vector_load %arg9[%parallel_loop3A_405, %parallel_loop3A_406] {strides = array<i32>} : memref<160x128xf32, #tpu.memory_space<vmem>>, vector<16xf32>,
        tpu.vector_store %arg9[%parallel_loop3A_405, %parallel_loop3A_406], %parallel_loop3A_404 {strides = array<i32>} : memref<160x128xf32, #tpu.memory_space<vmem>>, vector<16xf32>,
      } {sc.loop_unroll_factor = 2 : i64, sc.parallel_access}
      %add3A_158 = arith.constant 0 : i32
      %add3A_159 = arith.addi %mul3A_155, %add3A_158 : i32
      %add3A_160 = arith.constant 0 : i32
      %add3A_161 = arith.addi %mul3A_155, %add3A_160 : i32
      %dma_start3A_162 = arith.constant 0 : i32
      %dma_start3A_163 = tpu.memref_slice %arg9[%add3A_159, %dma_start3A_162] : memref<160x128xf32, #tpu.memory_space<vmem>> -> memref<1x128xf32, #tpu.memory_space<vmem>>
      %dma_start3A_164 = tpu.memref_squeeze %dma_start3A_163 : memref<1x128xf32, #tpu.memory_space<vmem>> -> memref<128xf32, #tpu.memory_space<vmem>>
      %dma_start3A_165 = arith.constant 0 : i32
      %dma_start3A_166 = tpu.memref_slice %arg8[%add3A_161, %dma_start3A_165] : memref<160x128xi32, #tpu.memory_space<vmem>> -> memref<1x128xi32, #tpu.memory_space<vmem>>
      %dma_start3A_167 = tpu.memref_squeeze %dma_start3A_166 : memref<1x128xi32, #tpu.memory_space<vmem>> -> memref<128xi32, #tpu.memory_space<vmem>>
      %dma_start3A_168 = arith.constant 0 : i32
      %dma_start3A_169 = tpu.memref_slice %arg17[%dma_start3A_168] : memref<10240xf32, #tpu.memory_space<vmem_shared>> -> memref<10240xf32, #tpu.memory_space<vmem_shared>>
      tpu.enqueue_indirect_dma source(%dma_start3A_164 : memref<128xf32, #tpu.memory_space<vmem>>) target(%dma_start3A_169 : memref<10240xf32, #tpu.memory_space<vmem_shared>>) offsets(%dma_start3A_167 : memref<128xi32, #tpu.memory_space<vmem>>) semaphore(%arg18 : memref<!tpu.dma_semaphore, #tpu.memory_space<semaphore_mem>>) {add = true}
      %add3A_170 = arith.constant 1 : i32
      %add3A_171 = arith.addi %mul3A_155, %add3A_170 : i32
      %add3A_172 = arith.constant 1 : i32
      %add3A_173 = arith.addi %mul3A_155, %add3A_172 : i32
      %dma_start3A_174 = arith.constant 0 : i32
      %dma_start3A_175 = tpu.memref_slice %arg9[%add3A_171, %dma_start3A_174] : memref<160x128xf32, #tpu.memory_space<vmem>> -> memref<1x128xf32, #tpu.memory_space<vmem>>
      %dma_start3A_176 = tpu.memref_squeeze %dma_start3A_175 : memref<1x128xf32, #tpu.memory_space<vmem>> -> memref<128xf32, #tpu.memory_space<vmem>>
      %dma_start3A_177 = arith.constant 0 : i32
      %dma_start3A_178 = tpu.memref_slice %arg8[%add3A_173, %dma_start3A_177] : memref<160x128xi32, #tpu.memory_space<vmem>> -> memref<1x128xi32, #tpu.memory_space<vmem>>
      %dma_start3A_179 = tpu.memref_squeeze %dma_start3A_178 : memref<1x128xi32, #tpu.memory_space<vmem>> -> memref<128xi32, #tpu.memory_space<vmem>>
      %dma_start3A_180 = arith.constant 0 : i32
      %dma_start3A_181 = tpu.memref_slice %arg17[%dma_start3A_180] : memref<10240xf32, #tpu.memory_space<vmem_shared>> -> memref<10240xf32, #tpu.memory_space<vmem_shared>>
      tpu.enqueue_indirect_dma source(%dma_start3A_176 : memref<128xf32, #tpu.memory_space<vmem>>) target(%dma_start3A_181 : memref<10240xf32, #tpu.memory_space<vmem_shared>>) offsets(%dma_start3A_179 : memref<128xi32, #tpu.memory_space<vmem>>) semaphore(%arg18 : memref<!tpu.dma_semaphore, #tpu.memory_space<semaphore_mem>>) {add = true}
      %add3A_182 = arith.constant 2 : i32
      %add3A_183 = arith.addi %mul3A_155, %add3A_182 : i32
      %add3A_184 = arith.constant 2 : i32
      %add3A_185 = arith.addi %mul3A_155, %add3A_184 : i32
      %dma_start3A_186 = arith.constant 0 : i32
      %dma_start3A_187 = tpu.memref_slice %arg9[%add3A_183, %dma_start3A_186] : memref<160x128xf32, #tpu.memory_space<vmem>> -> memref<1x128xf32, #tpu.memory_space<vmem>>
      %dma_start3A_188 = tpu.memref_squeeze %dma_start3A_187 : memref<1x128xf32, #tpu.memory_space<vmem>> -> memref<128xf32, #tpu.memory_space<vmem>>
      %dma_start3A_189 = arith.constant 0 : i32
      %dma_start3A_190 = tpu.memref_slice %arg8[%add3A_185, %dma_start3A_189] : memref<160x128xi32, #tpu.memory_space<vmem>> -> memref<1x128xi32, #tpu.memory_space<vmem>>
      %dma_start3A_191 = tpu.memref_squeeze %dma_start3A_190 : memref<1x128xi32, #tpu.memory_space<vmem>> -> memref<128xi32, #tpu.memory_space<vmem>>
      %dma_start3A_192 = arith.constant 0 : i32
      %dma_start3A_193 = tpu.memref_slice %arg17[%dma_start3A_192] : memref<10240xf32, #tpu.memory_space<vmem_shared>> -> memref<10240xf32, #tpu.memory_space<vmem_shared>>
      tpu.enqueue_indirect_dma source(%dma_start3A_188 : memref<128xf32, #tpu.memory_space<vmem>>) target(%dma_start3A_193 : memref<10240xf32, #tpu.memory_space<vmem_shared>>) offsets(%dma_start3A_191 : memref<128xi32, #tpu.memory_space<vmem>>) semaphore(%arg18 : memref<!tpu.dma_semaphore, #tpu.memory_space<semaphore_mem>>) {add = true}
      %add3A_194 = arith.constant 3 : i32
      %add3A_195 = arith.addi %mul3A_155, %add3A_194 : i32
      %add3A_196 = arith.constant 3 : i32
      %add3A_197 = arith.addi %mul3A_155, %add3A_196 : i32
      %dma_start3A_198 = arith.constant 0 : i32
      %dma_start3A_199 = tpu.memref_slice %arg9[%add3A_195, %dma_start3A_198] : memref<160x128xf32, #tpu.memory_space<vmem>> -> memref<1x128xf32, #tpu.memory_space<vmem>>
      %dma_start3A_200 = tpu.memref_squeeze %dma_start3A_199 : memref<1x128xf32, #tpu.memory_space<vmem>> -> memref<128xf32, #tpu.memory_space<vmem>>
      %dma_start3A_201 = arith.constant 0 : i32
      %dma_start3A_202 = tpu.memref_slice %arg8[%add3A_197, %dma_start3A_201] : memref<160x128xi32, #tpu.memory_space<vmem>> -> memref<1x128xi32, #tpu.memory_space<vmem>>
      %dma_start3A_203 = tpu.memref_squeeze %dma_start3A_202 : memref<1x128xi32, #tpu.memory_space<vmem>> -> memref<128xi32, #tpu.memory_space<vmem>>
      %dma_start3A_204 = arith.constant 0 : i32
      %dma_start3A_205 = tpu.memref_slice %arg17[%dma_start3A_204] : memref<10240xf32, #tpu.memory_space<vmem_shared>> -> memref<10240xf32, #tpu.memory_space<vmem_shared>>
      tpu.enqueue_indirect_dma source(%dma_start3A_200 : memref<128xf32, #tpu.memory_space<vmem>>) target(%dma_start3A_205 : memref<10240xf32, #tpu.memory_space<vmem_shared>>) offsets(%dma_start3A_203 : memref<128xi32, #tpu.memory_space<vmem>>) semaphore(%arg18 : memref<!tpu.dma_semaphore, #tpu.memory_space<semaphore_mem>>) {add = true}
      %add3A_206 = arith.constant 4 : i32
      %add3A_207 = arith.addi %mul3A_155, %add3A_206 : i32
      %add3A_208 = arith.constant 4 : i32
      %add3A_209 = arith.addi %mul3A_155, %add3A_208 : i32
      %dma_start3A_210 = arith.constant 0 : i32
      %dma_start3A_211 = tpu.memref_slice %arg9[%add3A_207, %dma_start3A_210] : memref<160x128xf32, #tpu.memory_space<vmem>> -> memref<1x128xf32, #tpu.memory_space<vmem>>
      %dma_start3A_212 = tpu.memref_squeeze %dma_start3A_211 : memref<1x128xf32, #tpu.memory_space<vmem>> -> memref<128xf32, #tpu.memory_space<vmem>>
      %dma_start3A_213 = arith.constant 0 : i32
      %dma_start3A_214 = tpu.memref_slice %arg8[%add3A_209, %dma_start3A_213] : memref<160x128xi32, #tpu.memory_space<vmem>> -> memref<1x128xi32, #tpu.memory_space<vmem>>
      %dma_start3A_215 = tpu.memref_squeeze %dma_start3A_214 : memref<1x128xi32, #tpu.memory_space<vmem>> -> memref<128xi32, #tpu.memory_space<vmem>>
      %dma_start3A_216 = arith.constant 0 : i32
      %dma_start3A_217 = tpu.memref_slice %arg17[%dma_start3A_216] : memref<10240xf32, #tpu.memory_space<vmem_shared>> -> memref<10240xf32, #tpu.memory_space<vmem_shared>>
      tpu.enqueue_indirect_dma source(%dma_start3A_212 : memref<128xf32, #tpu.memory_space<vmem>>) target(%dma_start3A_217 : memref<10240xf32, #tpu.memory_space<vmem_shared>>) offsets(%dma_start3A_215 : memref<128xi32, #tpu.memory_space<vmem>>) semaphore(%arg18 : memref<!tpu.dma_semaphore, #tpu.memory_space<semaphore_mem>>) {add = true}
      %add3A_218 = arith.constant 5 : i32
      %add3A_219 = arith.addi %mul3A_155, %add3A_218 : i32
      %add3A_220 = arith.constant 5 : i32
      %add3A_221 = arith.addi %mul3A_155, %add3A_220 : i32
      %dma_start3A_222 = arith.constant 0 : i32
      %dma_start3A_223 = tpu.memref_slice %arg9[%add3A_219, %dma_start3A_222] : memref<160x128xf32, #tpu.memory_space<vmem>> -> memref<1x128xf32, #tpu.memory_space<vmem>>
      %dma_start3A_224 = tpu.memref_squeeze %dma_start3A_223 : memref<1x128xf32, #tpu.memory_space<vmem>> -> memref<128xf32, #tpu.memory_space<vmem>>
      %dma_start3A_225 = arith.constant 0 : i32
      %dma_start3A_226 = tpu.memref_slice %arg8[%add3A_221, %dma_start3A_225] : memref<160x128xi32, #tpu.memory_space<vmem>> -> memref<1x128xi32, #tpu.memory_space<vmem>>
      %dma_start3A_227 = tpu.memref_squeeze %dma_start3A_226 : memref<1x128xi32, #tpu.memory_space<vmem>> -> memref<128xi32, #tpu.memory_space<vmem>>
      %dma_start3A_228 = arith.constant 0 : i32
      %dma_start3A_229 = tpu.memref_slice %arg17[%dma_start3A_228] : memref<10240xf32, #tpu.memory_space<vmem_shared>> -> memref<10240xf32, #tpu.memory_space<vmem_shared>>
      tpu.enqueue_indirect_dma source(%dma_start3A_224 : memref<128xf32, #tpu.memory_space<vmem>>) target(%dma_start3A_229 : memref<10240xf32, #tpu.memory_space<vmem_shared>>) offsets(%dma_start3A_227 : memref<128xi32, #tpu.memory_space<vmem>>) semaphore(%arg18 : memref<!tpu.dma_semaphore, #tpu.memory_space<semaphore_mem>>) {add = true}
      %add3A_230 = arith.constant 6 : i32
      %add3A_231 = arith.addi %mul3A_155, %add3A_230 : i32
      %add3A_232 = arith.constant 6 : i32
      %add3A_233 = arith.addi %mul3A_155, %add3A_232 : i32
      %dma_start3A_234 = arith.constant 0 : i32
      %dma_start3A_235 = tpu.memref_slice %arg9[%add3A_231, %dma_start3A_234] : memref<160x128xf32, #tpu.memory_space<vmem>> -> memref<1x128xf32, #tpu.memory_space<vmem>>
      %dma_start3A_236 = tpu.memref_squeeze %dma_start3A_235 : memref<1x128xf32, #tpu.memory_space<vmem>> -> memref<128xf32, #tpu.memory_space<vmem>>
      %dma_start3A_237 = arith.constant 0 : i32
      %dma_start3A_238 = tpu.memref_slice %arg8[%add3A_233, %dma_start3A_237] : memref<160x128xi32, #tpu.memory_space<vmem>> -> memref<1x128xi32, #tpu.memory_space<vmem>>
      %dma_start3A_239 = tpu.memref_squeeze %dma_start3A_238 : memref<1x128xi32, #tpu.memory_space<vmem>> -> memref<128xi32, #tpu.memory_space<vmem>>
      %dma_start3A_240 = arith.constant 0 : i32
      %dma_start3A_241 = tpu.memref_slice %arg17[%dma_start3A_240] : memref<10240xf32, #tpu.memory_space<vmem_shared>> -> memref<10240xf32, #tpu.memory_space<vmem_shared>>
      tpu.enqueue_indirect_dma source(%dma_start3A_236 : memref<128xf32, #tpu.memory_space<vmem>>) target(%dma_start3A_241 : memref<10240xf32, #tpu.memory_space<vmem_shared>>) offsets(%dma_start3A_239 : memref<128xi32, #tpu.memory_space<vmem>>) semaphore(%arg18 : memref<!tpu.dma_semaphore, #tpu.memory_space<semaphore_mem>>) {add = true}
      %add3A_242 = arith.constant 7 : i32
      %add3A_243 = arith.addi %mul3A_155, %add3A_242 : i32
      %add3A_244 = arith.constant 7 : i32
      %add3A_245 = arith.addi %mul3A_155, %add3A_244 : i32
      %dma_start3A_246 = arith.constant 0 : i32
      %dma_start3A_247 = tpu.memref_slice %arg9[%add3A_243, %dma_start3A_246] : memref<160x128xf32, #tpu.memory_space<vmem>> -> memref<1x128xf32, #tpu.memory_space<vmem>>
      %dma_start3A_248 = tpu.memref_squeeze %dma_start3A_247 : memref<1x128xf32, #tpu.memory_space<vmem>> -> memref<128xf32, #tpu.memory_space<vmem>>
      %dma_start3A_249 = arith.constant 0 : i32
      %dma_start3A_250 = tpu.memref_slice %arg8[%add3A_245, %dma_start3A_249] : memref<160x128xi32, #tpu.memory_space<vmem>> -> memref<1x128xi32, #tpu.memory_space<vmem>>
      %dma_start3A_251 = tpu.memref_squeeze %dma_start3A_250 : memref<1x128xi32, #tpu.memory_space<vmem>> -> memref<128xi32, #tpu.memory_space<vmem>>
      %dma_start3A_252 = arith.constant 0 : i32
      %dma_start3A_253 = tpu.memref_slice %arg17[%dma_start3A_252] : memref<10240xf32, #tpu.memory_space<vmem_shared>> -> memref<10240xf32, #tpu.memory_space<vmem_shared>>
      tpu.enqueue_indirect_dma source(%dma_start3A_248 : memref<128xf32, #tpu.memory_space<vmem>>) target(%dma_start3A_253 : memref<10240xf32, #tpu.memory_space<vmem_shared>>) offsets(%dma_start3A_251 : memref<128xi32, #tpu.memory_space<vmem>>) semaphore(%arg18 : memref<!tpu.dma_semaphore, #tpu.memory_space<semaphore_mem>>) {add = true}
      %add3A_254 = arith.constant 8 : i32
      %add3A_255 = arith.addi %mul3A_155, %add3A_254 : i32
      %add3A_256 = arith.constant 8 : i32
      %add3A_257 = arith.addi %mul3A_155, %add3A_256 : i32
      %dma_start3A_258 = arith.constant 0 : i32
      %dma_start3A_259 = tpu.memref_slice %arg9[%add3A_255, %dma_start3A_258] : memref<160x128xf32, #tpu.memory_space<vmem>> -> memref<1x128xf32, #tpu.memory_space<vmem>>
      %dma_start3A_260 = tpu.memref_squeeze %dma_start3A_259 : memref<1x128xf32, #tpu.memory_space<vmem>> -> memref<128xf32, #tpu.memory_space<vmem>>
      %dma_start3A_261 = arith.constant 0 : i32
      %dma_start3A_262 = tpu.memref_slice %arg8[%add3A_257, %dma_start3A_261] : memref<160x128xi32, #tpu.memory_space<vmem>> -> memref<1x128xi32, #tpu.memory_space<vmem>>
      %dma_start3A_263 = tpu.memref_squeeze %dma_start3A_262 : memref<1x128xi32, #tpu.memory_space<vmem>> -> memref<128xi32, #tpu.memory_space<vmem>>
      %dma_start3A_264 = arith.constant 0 : i32
      %dma_start3A_265 = tpu.memref_slice %arg17[%dma_start3A_264] : memref<10240xf32, #tpu.memory_space<vmem_shared>> -> memref<10240xf32, #tpu.memory_space<vmem_shared>>
      tpu.enqueue_indirect_dma source(%dma_start3A_260 : memref<128xf32, #tpu.memory_space<vmem>>) target(%dma_start3A_265 : memref<10240xf32, #tpu.memory_space<vmem_shared>>) offsets(%dma_start3A_263 : memref<128xi32, #tpu.memory_space<vmem>>) semaphore(%arg18 : memref<!tpu.dma_semaphore, #tpu.memory_space<semaphore_mem>>) {add = true}
      %add3A_266 = arith.constant 9 : i32
      %add3A_267 = arith.addi %mul3A_155, %add3A_266 : i32
      %add3A_268 = arith.constant 9 : i32
      %add3A_269 = arith.addi %mul3A_155, %add3A_268 : i32
      %dma_start3A_270 = arith.constant 0 : i32
      %dma_start3A_271 = tpu.memref_slice %arg9[%add3A_267, %dma_start3A_270] : memref<160x128xf32, #tpu.memory_space<vmem>> -> memref<1x128xf32, #tpu.memory_space<vmem>>
      %dma_start3A_272 = tpu.memref_squeeze %dma_start3A_271 : memref<1x128xf32, #tpu.memory_space<vmem>> -> memref<128xf32, #tpu.memory_space<vmem>>
      %dma_start3A_273 = arith.constant 0 : i32
      %dma_start3A_274 = tpu.memref_slice %arg8[%add3A_269, %dma_start3A_273] : memref<160x128xi32, #tpu.memory_space<vmem>> -> memref<1x128xi32, #tpu.memory_space<vmem>>
      %dma_start3A_275 = tpu.memref_squeeze %dma_start3A_274 : memref<1x128xi32, #tpu.memory_space<vmem>> -> memref<128xi32, #tpu.memory_space<vmem>>
      %dma_start3A_276 = arith.constant 0 : i32
      %dma_start3A_277 = tpu.memref_slice %arg17[%dma_start3A_276] : memref<10240xf32, #tpu.memory_space<vmem_shared>> -> memref<10240xf32, #tpu.memory_space<vmem_shared>>
      tpu.enqueue_indirect_dma source(%dma_start3A_272 : memref<128xf32, #tpu.memory_space<vmem>>) target(%dma_start3A_277 : memref<10240xf32, #tpu.memory_space<vmem_shared>>) offsets(%dma_start3A_275 : memref<128xi32, #tpu.memory_space<vmem>>) semaphore(%arg18 : memref<!tpu.dma_semaphore, #tpu.memory_space<semaphore_mem>>) {add = true}
      %add3A_278 = arith.constant 10 : i32
      %add3A_279 = arith.addi %mul3A_155, %add3A_278 : i32
      %add3A_280 = arith.constant 10 : i32
      %add3A_281 = arith.addi %mul3A_155, %add3A_280 : i32
      %dma_start3A_282 = arith.constant 0 : i32
      %dma_start3A_283 = tpu.memref_slice %arg9[%add3A_279, %dma_start3A_282] : memref<160x128xf32, #tpu.memory_space<vmem>> -> memref<1x128xf32, #tpu.memory_space<vmem>>
      %dma_start3A_284 = tpu.memref_squeeze %dma_start3A_283 : memref<1x128xf32, #tpu.memory_space<vmem>> -> memref<128xf32, #tpu.memory_space<vmem>>
      %dma_start3A_285 = arith.constant 0 : i32
      %dma_start3A_286 = tpu.memref_slice %arg8[%add3A_281, %dma_start3A_285] : memref<160x128xi32, #tpu.memory_space<vmem>> -> memref<1x128xi32, #tpu.memory_space<vmem>>
      %dma_start3A_287 = tpu.memref_squeeze %dma_start3A_286 : memref<1x128xi32, #tpu.memory_space<vmem>> -> memref<128xi32, #tpu.memory_space<vmem>>
      %dma_start3A_288 = arith.constant 0 : i32
      %dma_start3A_289 = tpu.memref_slice %arg17[%dma_start3A_288] : memref<10240xf32, #tpu.memory_space<vmem_shared>> -> memref<10240xf32, #tpu.memory_space<vmem_shared>>
      tpu.enqueue_indirect_dma source(%dma_start3A_284 : memref<128xf32, #tpu.memory_space<vmem>>) target(%dma_start3A_289 : memref<10240xf32, #tpu.memory_space<vmem_shared>>) offsets(%dma_start3A_287 : memref<128xi32, #tpu.memory_space<vmem>>) semaphore(%arg18 : memref<!tpu.dma_semaphore, #tpu.memory_space<semaphore_mem>>) {add = true}
      %add3A_290 = arith.constant 11 : i32
      %add3A_291 = arith.addi %mul3A_155, %add3A_290 : i32
      %add3A_292 = arith.constant 11 : i32
      %add3A_293 = arith.addi %mul3A_155, %add3A_292 : i32
      %dma_start3A_294 = arith.constant 0 : i32
      %dma_start3A_295 = tpu.memref_slice %arg9[%add3A_291, %dma_start3A_294] : memref<160x128xf32, #tpu.memory_space<vmem>> -> memref<1x128xf32, #tpu.memory_space<vmem>>
      %dma_start3A_296 = tpu.memref_squeeze %dma_start3A_295 : memref<1x128xf32, #tpu.memory_space<vmem>> -> memref<128xf32, #tpu.memory_space<vmem>>
      %dma_start3A_297 = arith.constant 0 : i32
      %dma_start3A_298 = tpu.memref_slice %arg8[%add3A_293, %dma_start3A_297] : memref<160x128xi32, #tpu.memory_space<vmem>> -> memref<1x128xi32, #tpu.memory_space<vmem>>
      %dma_start3A_299 = tpu.memref_squeeze %dma_start3A_298 : memref<1x128xi32, #tpu.memory_space<vmem>> -> memref<128xi32, #tpu.memory_space<vmem>>
      %dma_start3A_300 = arith.constant 0 : i32
      %dma_start3A_301 = tpu.memref_slice %arg17[%dma_start3A_300] : memref<10240xf32, #tpu.memory_space<vmem_shared>> -> memref<10240xf32, #tpu.memory_space<vmem_shared>>
      tpu.enqueue_indirect_dma source(%dma_start3A_296 : memref<128xf32, #tpu.memory_space<vmem>>) target(%dma_start3A_301 : memref<10240xf32, #tpu.memory_space<vmem_shared>>) offsets(%dma_start3A_299 : memref<128xi32, #tpu.memory_space<vmem>>) semaphore(%arg18 : memref<!tpu.dma_semaphore, #tpu.memory_space<semaphore_mem>>) {add = true}
      %add3A_302 = arith.constant 12 : i32
      %add3A_303 = arith.addi %mul3A_155, %add3A_302 : i32
      %add3A_304 = arith.constant 12 : i32
      %add3A_305 = arith.addi %mul3A_155, %add3A_304 : i32
      %dma_start3A_306 = arith.constant 0 : i32
      %dma_start3A_307 = tpu.memref_slice %arg9[%add3A_303, %dma_start3A_306] : memref<160x128xf32, #tpu.memory_space<vmem>> -> memref<1x128xf32, #tpu.memory_space<vmem>>
      %dma_start3A_308 = tpu.memref_squeeze %dma_start3A_307 : memref<1x128xf32, #tpu.memory_space<vmem>> -> memref<128xf32, #tpu.memory_space<vmem>>
      %dma_start3A_309 = arith.constant 0 : i32
      %dma_start3A_310 = tpu.memref_slice %arg8[%add3A_305, %dma_start3A_309] : memref<160x128xi32, #tpu.memory_space<vmem>> -> memref<1x128xi32, #tpu.memory_space<vmem>>
      %dma_start3A_311 = tpu.memref_squeeze %dma_start3A_310 : memref<1x128xi32, #tpu.memory_space<vmem>> -> memref<128xi32, #tpu.memory_space<vmem>>
      %dma_start3A_312 = arith.constant 0 : i32
      %dma_start3A_313 = tpu.memref_slice %arg17[%dma_start3A_312] : memref<10240xf32, #tpu.memory_space<vmem_shared>> -> memref<10240xf32, #tpu.memory_space<vmem_shared>>
      tpu.enqueue_indirect_dma source(%dma_start3A_308 : memref<128xf32, #tpu.memory_space<vmem>>) target(%dma_start3A_313 : memref<10240xf32, #tpu.memory_space<vmem_shared>>) offsets(%dma_start3A_311 : memref<128xi32, #tpu.memory_space<vmem>>) semaphore(%arg18 : memref<!tpu.dma_semaphore, #tpu.memory_space<semaphore_mem>>) {add = true}
      %add3A_314 = arith.constant 13 : i32
      %add3A_315 = arith.addi %mul3A_155, %add3A_314 : i32
      %add3A_316 = arith.constant 13 : i32
      %add3A_317 = arith.addi %mul3A_155, %add3A_316 : i32
      %dma_start3A_318 = arith.constant 0 : i32
      %dma_start3A_319 = tpu.memref_slice %arg9[%add3A_315, %dma_start3A_318] : memref<160x128xf32, #tpu.memory_space<vmem>> -> memref<1x128xf32, #tpu.memory_space<vmem>>
      %dma_start3A_320 = tpu.memref_squeeze %dma_start3A_319 : memref<1x128xf32, #tpu.memory_space<vmem>> -> memref<128xf32, #tpu.memory_space<vmem>>
      %dma_start3A_321 = arith.constant 0 : i32
      %dma_start3A_322 = tpu.memref_slice %arg8[%add3A_317, %dma_start3A_321] : memref<160x128xi32, #tpu.memory_space<vmem>> -> memref<1x128xi32, #tpu.memory_space<vmem>>
      %dma_start3A_323 = tpu.memref_squeeze %dma_start3A_322 : memref<1x128xi32, #tpu.memory_space<vmem>> -> memref<128xi32, #tpu.memory_space<vmem>>
      %dma_start3A_324 = arith.constant 0 : i32
      %dma_start3A_325 = tpu.memref_slice %arg17[%dma_start3A_324] : memref<10240xf32, #tpu.memory_space<vmem_shared>> -> memref<10240xf32, #tpu.memory_space<vmem_shared>>
      tpu.enqueue_indirect_dma source(%dma_start3A_320 : memref<128xf32, #tpu.memory_space<vmem>>) target(%dma_start3A_325 : memref<10240xf32, #tpu.memory_space<vmem_shared>>) offsets(%dma_start3A_323 : memref<128xi32, #tpu.memory_space<vmem>>) semaphore(%arg18 : memref<!tpu.dma_semaphore, #tpu.memory_space<semaphore_mem>>) {add = true}
      %add3A_326 = arith.constant 14 : i32
      %add3A_327 = arith.addi %mul3A_155, %add3A_326 : i32
      %add3A_328 = arith.constant 14 : i32
      %add3A_329 = arith.addi %mul3A_155, %add3A_328 : i32
      %dma_start3A_330 = arith.constant 0 : i32
      %dma_start3A_331 = tpu.memref_slice %arg9[%add3A_327, %dma_start3A_330] : memref<160x128xf32, #tpu.memory_space<vmem>> -> memref<1x128xf32, #tpu.memory_space<vmem>>
      %dma_start3A_332 = tpu.memref_squeeze %dma_start3A_331 : memref<1x128xf32, #tpu.memory_space<vmem>> -> memref<128xf32, #tpu.memory_space<vmem>>
      %dma_start3A_333 = arith.constant 0 : i32
      %dma_start3A_334 = tpu.memref_slice %arg8[%add3A_329, %dma_start3A_333] : memref<160x128xi32, #tpu.memory_space<vmem>> -> memref<1x128xi32, #tpu.memory_space<vmem>>
      %dma_start3A_335 = tpu.memref_squeeze %dma_start3A_334 : memref<1x128xi32, #tpu.memory_space<vmem>> -> memref<128xi32, #tpu.memory_space<vmem>>
      %dma_start3A_336 = arith.constant 0 : i32
      %dma_start3A_337 = tpu.memref_slice %arg17[%dma_start3A_336] : memref<10240xf32, #tpu.memory_space<vmem_shared>> -> memref<10240xf32, #tpu.memory_space<vmem_shared>>
      tpu.enqueue_indirect_dma source(%dma_start3A_332 : memref<128xf32, #tpu.memory_space<vmem>>) target(%dma_start3A_337 : memref<10240xf32, #tpu.memory_space<vmem_shared>>) offsets(%dma_start3A_335 : memref<128xi32, #tpu.memory_space<vmem>>) semaphore(%arg18 : memref<!tpu.dma_semaphore, #tpu.memory_space<semaphore_mem>>) {add = true}
      %add3A_338 = arith.constant 15 : i32
      %add3A_339 = arith.addi %mul3A_155, %add3A_338 : i32
      %add3A_340 = arith.constant 15 : i32
      %add3A_341 = arith.addi %mul3A_155, %add3A_340 : i32
      %dma_start3A_342 = arith.constant 0 : i32
      %dma_start3A_343 = tpu.memref_slice %arg9[%add3A_339, %dma_start3A_342] : memref<160x128xf32, #tpu.memory_space<vmem>> -> memref<1x128xf32, #tpu.memory_space<vmem>>
      %dma_start3A_344 = tpu.memref_squeeze %dma_start3A_343 : memref<1x128xf32, #tpu.memory_space<vmem>> -> memref<128xf32, #tpu.memory_space<vmem>>
      %dma_start3A_345 = arith.constant 0 : i32
      %dma_start3A_346 = tpu.memref_slice %arg8[%add3A_341, %dma_start3A_345] : memref<160x128xi32, #tpu.memory_space<vmem>> -> memref<1x128xi32, #tpu.memory_space<vmem>>
      %dma_start3A_347 = tpu.memref_squeeze %dma_start3A_346 : memref<1x128xi32, #tpu.memory_space<vmem>> -> memref<128xi32, #tpu.memory_space<vmem>>
      %dma_start3A_348 = arith.constant 0 : i32
      %dma_start3A_349 = tpu.memref_slice %arg17[%dma_start3A_348] : memref<10240xf32, #tpu.memory_space<vmem_shared>> -> memref<10240xf32, #tpu.memory_space<vmem_shared>>
      tpu.enqueue_indirect_dma source(%dma_start3A_344 : memref<128xf32, #tpu.memory_space<vmem>>) target(%dma_start3A_349 : memref<10240xf32, #tpu.memory_space<vmem_shared>>) offsets(%dma_start3A_347 : memref<128xi32, #tpu.memory_space<vmem>>) semaphore(%arg18 : memref<!tpu.dma_semaphore, #tpu.memory_space<semaphore_mem>>) {add = true}
      %scan3A_350 = arith.constant 0 : i32
      scf.yield %scan3A_350 : i32
    }
    %scan3A_89 = arith.constant 10 : i32
    %scan3A_90 = arith.constant 0 : i32
    %scan3A_91 = arith.constant 0 : i32
    %scan3A_92 = arith.constant 10 : i32
    %scan3A_93 = arith.addi %scan3A_91, %scan3A_92 : i32
    %scan3A_94 = arith.constant 1 : i32
    %scan3A_95 = scf.for %scan3A_152 = %scan3A_91 to %scan3A_93 step %scan3A_94 iter_args(%scan3A_153 = %scan3A_90) -> (i32)  : i32 {
      %mul3A_154 = arith.constant 16 : i32
      %mul3A_155 = arith.muli %scan3A_152, %mul3A_154 : i32
      %add3A = arith.constant 0 : i32
      %add3A_156 = arith.addi %mul3A_155, %add3A : i32
      %add3A_157 = arith.constant 0 : i32
      %add3A_158 = arith.addi %mul3A_155, %add3A_157 : i32
      %dma_wait3A_159 = arith.constant 0 : i32
      %dma_wait3A_160 = tpu.memref_slice %arg9[%add3A_156, %dma_wait3A_159] : memref<160x128xf32, #tpu.memory_space<vmem>> -> memref<1x128xf32, #tpu.memory_space<vmem>>
      %dma_wait3A_161 = tpu.memref_squeeze %dma_wait3A_160 : memref<1x128xf32, #tpu.memory_space<vmem>> -> memref<128xf32, #tpu.memory_space<vmem>>
      %dma_wait3A_162 = arith.constant 0 : i32
      %dma_wait3A_163 = tpu.memref_slice %arg8[%add3A_158, %dma_wait3A_162] : memref<160x128xi32, #tpu.memory_space<vmem>> -> memref<1x128xi32, #tpu.memory_space<vmem>>
      %dma_wait3A_164 = tpu.memref_squeeze %dma_wait3A_163 : memref<1x128xi32, #tpu.memory_space<vmem>> -> memref<128xi32, #tpu.memory_space<vmem>>
      %dma_wait3A_165 = arith.constant 0 : i32
      %dma_wait3A_166 = tpu.memref_slice %arg17[%dma_wait3A_165] : memref<10240xf32, #tpu.memory_space<vmem_shared>> -> memref<10240xf32, #tpu.memory_space<vmem_shared>>
      tpu.wait_indirect_dma semaphore(%arg18 : memref<!tpu.dma_semaphore, #tpu.memory_space<semaphore_mem>>) src(%dma_wait3A_161 : memref<128xf32, #tpu.memory_space<vmem>>) dst(%dma_wait3A_166 : memref<10240xf32, #tpu.memory_space<vmem_shared>>)
      %add3A_167 = arith.constant 1 : i32
      %add3A_168 = arith.addi %mul3A_155, %add3A_167 : i32
      %add3A_169 = arith.constant 1 : i32
      %add3A_170 = arith.addi %mul3A_155, %add3A_169 : i32
      %dma_wait3A_171 = arith.constant 0 : i32
      %dma_wait3A_172 = tpu.memref_slice %arg9[%add3A_168, %dma_wait3A_171] : memref<160x128xf32, #tpu.memory_space<vmem>> -> memref<1x128xf32, #tpu.memory_space<vmem>>
      %dma_wait3A_173 = tpu.memref_squeeze %dma_wait3A_172 : memref<1x128xf32, #tpu.memory_space<vmem>> -> memref<128xf32, #tpu.memory_space<vmem>>
      %dma_wait3A_174 = arith.constant 0 : i32
      %dma_wait3A_175 = tpu.memref_slice %arg8[%add3A_170, %dma_wait3A_174] : memref<160x128xi32, #tpu.memory_space<vmem>> -> memref<1x128xi32, #tpu.memory_space<vmem>>
      %dma_wait3A_176 = tpu.memref_squeeze %dma_wait3A_175 : memref<1x128xi32, #tpu.memory_space<vmem>> -> memref<128xi32, #tpu.memory_space<vmem>>
      %dma_wait3A_177 = arith.constant 0 : i32
      %dma_wait3A_178 = tpu.memref_slice %arg17[%dma_wait3A_177] : memref<10240xf32, #tpu.memory_space<vmem_shared>> -> memref<10240xf32, #tpu.memory_space<vmem_shared>>
      tpu.wait_indirect_dma semaphore(%arg18 : memref<!tpu.dma_semaphore, #tpu.memory_space<semaphore_mem>>) src(%dma_wait3A_173 : memref<128xf32, #tpu.memory_space<vmem>>) dst(%dma_wait3A_178 : memref<10240xf32, #tpu.memory_space<vmem_shared>>)
      %add3A_179 = arith.constant 2 : i32
      %add3A_180 = arith.addi %mul3A_155, %add3A_179 : i32
      %add3A_181 = arith.constant 2 : i32
      %add3A_182 = arith.addi %mul3A_155, %add3A_181 : i32
      %dma_wait3A_183 = arith.constant 0 : i32
      %dma_wait3A_184 = tpu.memref_slice %arg9[%add3A_180, %dma_wait3A_183] : memref<160x128xf32, #tpu.memory_space<vmem>> -> memref<1x128xf32, #tpu.memory_space<vmem>>
      %dma_wait3A_185 = tpu.memref_squeeze %dma_wait3A_184 : memref<1x128xf32, #tpu.memory_space<vmem>> -> memref<128xf32, #tpu.memory_space<vmem>>
      %dma_wait3A_186 = arith.constant 0 : i32
      %dma_wait3A_187 = tpu.memref_slice %arg8[%add3A_182, %dma_wait3A_186] : memref<160x128xi32, #tpu.memory_space<vmem>> -> memref<1x128xi32, #tpu.memory_space<vmem>>
      %dma_wait3A_188 = tpu.memref_squeeze %dma_wait3A_187 : memref<1x128xi32, #tpu.memory_space<vmem>> -> memref<128xi32, #tpu.memory_space<vmem>>
      %dma_wait3A_189 = arith.constant 0 : i32
      %dma_wait3A_190 = tpu.memref_slice %arg17[%dma_wait3A_189] : memref<10240xf32, #tpu.memory_space<vmem_shared>> -> memref<10240xf32, #tpu.memory_space<vmem_shared>>
      tpu.wait_indirect_dma semaphore(%arg18 : memref<!tpu.dma_semaphore, #tpu.memory_space<semaphore_mem>>) src(%dma_wait3A_185 : memref<128xf32, #tpu.memory_space<vmem>>) dst(%dma_wait3A_190 : memref<10240xf32, #tpu.memory_space<vmem_shared>>)
      %add3A_191 = arith.constant 3 : i32
      %add3A_192 = arith.addi %mul3A_155, %add3A_191 : i32
      %add3A_193 = arith.constant 3 : i32
      %add3A_194 = arith.addi %mul3A_155, %add3A_193 : i32
      %dma_wait3A_195 = arith.constant 0 : i32
      %dma_wait3A_196 = tpu.memref_slice %arg9[%add3A_192, %dma_wait3A_195] : memref<160x128xf32, #tpu.memory_space<vmem>> -> memref<1x128xf32, #tpu.memory_space<vmem>>
      %dma_wait3A_197 = tpu.memref_squeeze %dma_wait3A_196 : memref<1x128xf32, #tpu.memory_space<vmem>> -> memref<128xf32, #tpu.memory_space<vmem>>
      %dma_wait3A_198 = arith.constant 0 : i32
      %dma_wait3A_199 = tpu.memref_slice %arg8[%add3A_194, %dma_wait3A_198] : memref<160x128xi32, #tpu.memory_space<vmem>> -> memref<1x128xi32, #tpu.memory_space<vmem>>
      %dma_wait3A_200 = tpu.memref_squeeze %dma_wait3A_199 : memref<1x128xi32, #tpu.memory_space<vmem>> -> memref<128xi32, #tpu.memory_space<vmem>>
      %dma_wait3A_201 = arith.constant 0 : i32
      %dma_wait3A_202 = tpu.memref_slice %arg17[%dma_wait3A_201] : memref<10240xf32, #tpu.memory_space<vmem_shared>> -> memref<10240xf32, #tpu.memory_space<vmem_shared>>
      tpu.wait_indirect_dma semaphore(%arg18 : memref<!tpu.dma_semaphore, #tpu.memory_space<semaphore_mem>>) src(%dma_wait3A_197 : memref<128xf32, #tpu.memory_space<vmem>>) dst(%dma_wait3A_202 : memref<10240xf32, #tpu.memory_space<vmem_shared>>)
      %add3A_203 = arith.constant 4 : i32
      %add3A_204 = arith.addi %mul3A_155, %add3A_203 : i32
      %add3A_205 = arith.constant 4 : i32
      %add3A_206 = arith.addi %mul3A_155, %add3A_205 : i32
      %dma_wait3A_207 = arith.constant 0 : i32
      %dma_wait3A_208 = tpu.memref_slice %arg9[%add3A_204, %dma_wait3A_207] : memref<160x128xf32, #tpu.memory_space<vmem>> -> memref<1x128xf32, #tpu.memory_space<vmem>>
      %dma_wait3A_209 = tpu.memref_squeeze %dma_wait3A_208 : memref<1x128xf32, #tpu.memory_space<vmem>> -> memref<128xf32, #tpu.memory_space<vmem>>
      %dma_wait3A_210 = arith.constant 0 : i32
      %dma_wait3A_211 = tpu.memref_slice %arg8[%add3A_206, %dma_wait3A_210] : memref<160x128xi32, #tpu.memory_space<vmem>> -> memref<1x128xi32, #tpu.memory_space<vmem>>
      %dma_wait3A_212 = tpu.memref_squeeze %dma_wait3A_211 : memref<1x128xi32, #tpu.memory_space<vmem>> -> memref<128xi32, #tpu.memory_space<vmem>>
      %dma_wait3A_213 = arith.constant 0 : i32
      %dma_wait3A_214 = tpu.memref_slice %arg17[%dma_wait3A_213] : memref<10240xf32, #tpu.memory_space<vmem_shared>> -> memref<10240xf32, #tpu.memory_space<vmem_shared>>
      tpu.wait_indirect_dma semaphore(%arg18 : memref<!tpu.dma_semaphore, #tpu.memory_space<semaphore_mem>>) src(%dma_wait3A_209 : memref<128xf32, #tpu.memory_space<vmem>>) dst(%dma_wait3A_214 : memref<10240xf32, #tpu.memory_space<vmem_shared>>)
      %add3A_215 = arith.constant 5 : i32
      %add3A_216 = arith.addi %mul3A_155, %add3A_215 : i32
      %add3A_217 = arith.constant 5 : i32
      %add3A_218 = arith.addi %mul3A_155, %add3A_217 : i32
      %dma_wait3A_219 = arith.constant 0 : i32
      %dma_wait3A_220 = tpu.memref_slice %arg9[%add3A_216, %dma_wait3A_219] : memref<160x128xf32, #tpu.memory_space<vmem>> -> memref<1x128xf32, #tpu.memory_space<vmem>>
      %dma_wait3A_221 = tpu.memref_squeeze %dma_wait3A_220 : memref<1x128xf32, #tpu.memory_space<vmem>> -> memref<128xf32, #tpu.memory_space<vmem>>
      %dma_wait3A_222 = arith.constant 0 : i32
      %dma_wait3A_223 = tpu.memref_slice %arg8[%add3A_218, %dma_wait3A_222] : memref<160x128xi32, #tpu.memory_space<vmem>> -> memref<1x128xi32, #tpu.memory_space<vmem>>
      %dma_wait3A_224 = tpu.memref_squeeze %dma_wait3A_223 : memref<1x128xi32, #tpu.memory_space<vmem>> -> memref<128xi32, #tpu.memory_space<vmem>>
      %dma_wait3A_225 = arith.constant 0 : i32
      %dma_wait3A_226 = tpu.memref_slice %arg17[%dma_wait3A_225] : memref<10240xf32, #tpu.memory_space<vmem_shared>> -> memref<10240xf32, #tpu.memory_space<vmem_shared>>
      tpu.wait_indirect_dma semaphore(%arg18 : memref<!tpu.dma_semaphore, #tpu.memory_space<semaphore_mem>>) src(%dma_wait3A_221 : memref<128xf32, #tpu.memory_space<vmem>>) dst(%dma_wait3A_226 : memref<10240xf32, #tpu.memory_space<vmem_shared>>)
      %add3A_227 = arith.constant 6 : i32
      %add3A_228 = arith.addi %mul3A_155, %add3A_227 : i32
      %add3A_229 = arith.constant 6 : i32
      %add3A_230 = arith.addi %mul3A_155, %add3A_229 : i32
      %dma_wait3A_231 = arith.constant 0 : i32
      %dma_wait3A_232 = tpu.memref_slice %arg9[%add3A_228, %dma_wait3A_231] : memref<160x128xf32, #tpu.memory_space<vmem>> -> memref<1x128xf32, #tpu.memory_space<vmem>>
      %dma_wait3A_233 = tpu.memref_squeeze %dma_wait3A_232 : memref<1x128xf32, #tpu.memory_space<vmem>> -> memref<128xf32, #tpu.memory_space<vmem>>
      %dma_wait3A_234 = arith.constant 0 : i32
      %dma_wait3A_235 = tpu.memref_slice %arg8[%add3A_230, %dma_wait3A_234] : memref<160x128xi32, #tpu.memory_space<vmem>> -> memref<1x128xi32, #tpu.memory_space<vmem>>
      %dma_wait3A_236 = tpu.memref_squeeze %dma_wait3A_235 : memref<1x128xi32, #tpu.memory_space<vmem>> -> memref<128xi32, #tpu.memory_space<vmem>>
      %dma_wait3A_237 = arith.constant 0 : i32
      %dma_wait3A_238 = tpu.memref_slice %arg17[%dma_wait3A_237] : memref<10240xf32, #tpu.memory_space<vmem_shared>> -> memref<10240xf32, #tpu.memory_space<vmem_shared>>
      tpu.wait_indirect_dma semaphore(%arg18 : memref<!tpu.dma_semaphore, #tpu.memory_space<semaphore_mem>>) src(%dma_wait3A_233 : memref<128xf32, #tpu.memory_space<vmem>>) dst(%dma_wait3A_238 : memref<10240xf32, #tpu.memory_space<vmem_shared>>)
      %add3A_239 = arith.constant 7 : i32
      %add3A_240 = arith.addi %mul3A_155, %add3A_239 : i32
      %add3A_241 = arith.constant 7 : i32
      %add3A_242 = arith.addi %mul3A_155, %add3A_241 : i32
      %dma_wait3A_243 = arith.constant 0 : i32
      %dma_wait3A_244 = tpu.memref_slice %arg9[%add3A_240, %dma_wait3A_243] : memref<160x128xf32, #tpu.memory_space<vmem>> -> memref<1x128xf32, #tpu.memory_space<vmem>>
      %dma_wait3A_245 = tpu.memref_squeeze %dma_wait3A_244 : memref<1x128xf32, #tpu.memory_space<vmem>> -> memref<128xf32, #tpu.memory_space<vmem>>
      %dma_wait3A_246 = arith.constant 0 : i32
      %dma_wait3A_247 = tpu.memref_slice %arg8[%add3A_242, %dma_wait3A_246] : memref<160x128xi32, #tpu.memory_space<vmem>> -> memref<1x128xi32, #tpu.memory_space<vmem>>
      %dma_wait3A_248 = tpu.memref_squeeze %dma_wait3A_247 : memref<1x128xi32, #tpu.memory_space<vmem>> -> memref<128xi32, #tpu.memory_space<vmem>>
      %dma_wait3A_249 = arith.constant 0 : i32
      %dma_wait3A_250 = tpu.memref_slice %arg17[%dma_wait3A_249] : memref<10240xf32, #tpu.memory_space<vmem_shared>> -> memref<10240xf32, #tpu.memory_space<vmem_shared>>
      tpu.wait_indirect_dma semaphore(%arg18 : memref<!tpu.dma_semaphore, #tpu.memory_space<semaphore_mem>>) src(%dma_wait3A_245 : memref<128xf32, #tpu.memory_space<vmem>>) dst(%dma_wait3A_250 : memref<10240xf32, #tpu.memory_space<vmem_shared>>)
      %add3A_251 = arith.constant 8 : i32
      %add3A_252 = arith.addi %mul3A_155, %add3A_251 : i32
      %add3A_253 = arith.constant 8 : i32
      %add3A_254 = arith.addi %mul3A_155, %add3A_253 : i32
      %dma_wait3A_255 = arith.constant 0 : i32
      %dma_wait3A_256 = tpu.memref_slice %arg9[%add3A_252, %dma_wait3A_255] : memref<160x128xf32, #tpu.memory_space<vmem>> -> memref<1x128xf32, #tpu.memory_space<vmem>>
      %dma_wait3A_257 = tpu.memref_squeeze %dma_wait3A_256 : memref<1x128xf32, #tpu.memory_space<vmem>> -> memref<128xf32, #tpu.memory_space<vmem>>
      %dma_wait3A_258 = arith.constant 0 : i32
      %dma_wait3A_259 = tpu.memref_slice %arg8[%add3A_254, %dma_wait3A_258] : memref<160x128xi32, #tpu.memory_space<vmem>> -> memref<1x128xi32, #tpu.memory_space<vmem>>
      %dma_wait3A_260 = tpu.memref_squeeze %dma_wait3A_259 : memref<1x128xi32, #tpu.memory_space<vmem>> -> memref<128xi32, #tpu.memory_space<vmem>>
      %dma_wait3A_261 = arith.constant 0 : i32
      %dma_wait3A_262 = tpu.memref_slice %arg17[%dma_wait3A_261] : memref<10240xf32, #tpu.memory_space<vmem_shared>> -> memref<10240xf32, #tpu.memory_space<vmem_shared>>
      tpu.wait_indirect_dma semaphore(%arg18 : memref<!tpu.dma_semaphore, #tpu.memory_space<semaphore_mem>>) src(%dma_wait3A_257 : memref<128xf32, #tpu.memory_space<vmem>>) dst(%dma_wait3A_262 : memref<10240xf32, #tpu.memory_space<vmem_shared>>)
      %add3A_263 = arith.constant 9 : i32
      %add3A_264 = arith.addi %mul3A_155, %add3A_263 : i32
      %add3A_265 = arith.constant 9 : i32
      %add3A_266 = arith.addi %mul3A_155, %add3A_265 : i32
      %dma_wait3A_267 = arith.constant 0 : i32
      %dma_wait3A_268 = tpu.memref_slice %arg9[%add3A_264, %dma_wait3A_267] : memref<160x128xf32, #tpu.memory_space<vmem>> -> memref<1x128xf32, #tpu.memory_space<vmem>>
      %dma_wait3A_269 = tpu.memref_squeeze %dma_wait3A_268 : memref<1x128xf32, #tpu.memory_space<vmem>> -> memref<128xf32, #tpu.memory_space<vmem>>
      %dma_wait3A_270 = arith.constant 0 : i32
      %dma_wait3A_271 = tpu.memref_slice %arg8[%add3A_266, %dma_wait3A_270] : memref<160x128xi32, #tpu.memory_space<vmem>> -> memref<1x128xi32, #tpu.memory_space<vmem>>
      %dma_wait3A_272 = tpu.memref_squeeze %dma_wait3A_271 : memref<1x128xi32, #tpu.memory_space<vmem>> -> memref<128xi32, #tpu.memory_space<vmem>>
      %dma_wait3A_273 = arith.constant 0 : i32
      %dma_wait3A_274 = tpu.memref_slice %arg17[%dma_wait3A_273] : memref<10240xf32, #tpu.memory_space<vmem_shared>> -> memref<10240xf32, #tpu.memory_space<vmem_shared>>
      tpu.wait_indirect_dma semaphore(%arg18 : memref<!tpu.dma_semaphore, #tpu.memory_space<semaphore_mem>>) src(%dma_wait3A_269 : memref<128xf32, #tpu.memory_space<vmem>>) dst(%dma_wait3A_274 : memref<10240xf32, #tpu.memory_space<vmem_shared>>)
      %add3A_275 = arith.constant 10 : i32
      %add3A_276 = arith.addi %mul3A_155, %add3A_275 : i32
      %add3A_277 = arith.constant 10 : i32
      %add3A_278 = arith.addi %mul3A_155, %add3A_277 : i32
      %dma_wait3A_279 = arith.constant 0 : i32
      %dma_wait3A_280 = tpu.memref_slice %arg9[%add3A_276, %dma_wait3A_279] : memref<160x128xf32, #tpu.memory_space<vmem>> -> memref<1x128xf32, #tpu.memory_space<vmem>>
      %dma_wait3A_281 = tpu.memref_squeeze %dma_wait3A_280 : memref<1x128xf32, #tpu.memory_space<vmem>> -> memref<128xf32, #tpu.memory_space<vmem>>
      %dma_wait3A_282 = arith.constant 0 : i32
      %dma_wait3A_283 = tpu.memref_slice %arg8[%add3A_278, %dma_wait3A_282] : memref<160x128xi32, #tpu.memory_space<vmem>> -> memref<1x128xi32, #tpu.memory_space<vmem>>
      %dma_wait3A_284 = tpu.memref_squeeze %dma_wait3A_283 : memref<1x128xi32, #tpu.memory_space<vmem>> -> memref<128xi32, #tpu.memory_space<vmem>>
      %dma_wait3A_285 = arith.constant 0 : i32
      %dma_wait3A_286 = tpu.memref_slice %arg17[%dma_wait3A_285] : memref<10240xf32, #tpu.memory_space<vmem_shared>> -> memref<10240xf32, #tpu.memory_space<vmem_shared>>
      tpu.wait_indirect_dma semaphore(%arg18 : memref<!tpu.dma_semaphore, #tpu.memory_space<semaphore_mem>>) src(%dma_wait3A_281 : memref<128xf32, #tpu.memory_space<vmem>>) dst(%dma_wait3A_286 : memref<10240xf32, #tpu.memory_space<vmem_shared>>)
      %add3A_287 = arith.constant 11 : i32
      %add3A_288 = arith.addi %mul3A_155, %add3A_287 : i32
      %add3A_289 = arith.constant 11 : i32
      %add3A_290 = arith.addi %mul3A_155, %add3A_289 : i32
      %dma_wait3A_291 = arith.constant 0 : i32
      %dma_wait3A_292 = tpu.memref_slice %arg9[%add3A_288, %dma_wait3A_291] : memref<160x128xf32, #tpu.memory_space<vmem>> -> memref<1x128xf32, #tpu.memory_space<vmem>>
      %dma_wait3A_293 = tpu.memref_squeeze %dma_wait3A_292 : memref<1x128xf32, #tpu.memory_space<vmem>> -> memref<128xf32, #tpu.memory_space<vmem>>
      %dma_wait3A_294 = arith.constant 0 : i32
      %dma_wait3A_295 = tpu.memref_slice %arg8[%add3A_290, %dma_wait3A_294] : memref<160x128xi32, #tpu.memory_space<vmem>> -> memref<1x128xi32, #tpu.memory_space<vmem>>
      %dma_wait3A_296 = tpu.memref_squeeze %dma_wait3A_295 : memref<1x128xi32, #tpu.memory_space<vmem>> -> memref<128xi32, #tpu.memory_space<vmem>>
      %dma_wait3A_297 = arith.constant 0 : i32
      %dma_wait3A_298 = tpu.memref_slice %arg17[%dma_wait3A_297] : memref<10240xf32, #tpu.memory_space<vmem_shared>> -> memref<10240xf32, #tpu.memory_space<vmem_shared>>
      tpu.wait_indirect_dma semaphore(%arg18 : memref<!tpu.dma_semaphore, #tpu.memory_space<semaphore_mem>>) src(%dma_wait3A_293 : memref<128xf32, #tpu.memory_space<vmem>>) dst(%dma_wait3A_298 : memref<10240xf32, #tpu.memory_space<vmem_shared>>)
      %add3A_299 = arith.constant 12 : i32
      %add3A_300 = arith.addi %mul3A_155, %add3A_299 : i32
      %add3A_301 = arith.constant 12 : i32
      %add3A_302 = arith.addi %mul3A_155, %add3A_301 : i32
      %dma_wait3A_303 = arith.constant 0 : i32
      %dma_wait3A_304 = tpu.memref_slice %arg9[%add3A_300, %dma_wait3A_303] : memref<160x128xf32, #tpu.memory_space<vmem>> -> memref<1x128xf32, #tpu.memory_space<vmem>>
      %dma_wait3A_305 = tpu.memref_squeeze %dma_wait3A_304 : memref<1x128xf32, #tpu.memory_space<vmem>> -> memref<128xf32, #tpu.memory_space<vmem>>
      %dma_wait3A_306 = arith.constant 0 : i32
      %dma_wait3A_307 = tpu.memref_slice %arg8[%add3A_302, %dma_wait3A_306] : memref<160x128xi32, #tpu.memory_space<vmem>> -> memref<1x128xi32, #tpu.memory_space<vmem>>
      %dma_wait3A_308 = tpu.memref_squeeze %dma_wait3A_307 : memref<1x128xi32, #tpu.memory_space<vmem>> -> memref<128xi32, #tpu.memory_space<vmem>>
      %dma_wait3A_309 = arith.constant 0 : i32
      %dma_wait3A_310 = tpu.memref_slice %arg17[%dma_wait3A_309] : memref<10240xf32, #tpu.memory_space<vmem_shared>> -> memref<10240xf32, #tpu.memory_space<vmem_shared>>
      tpu.wait_indirect_dma semaphore(%arg18 : memref<!tpu.dma_semaphore, #tpu.memory_space<semaphore_mem>>) src(%dma_wait3A_305 : memref<128xf32, #tpu.memory_space<vmem>>) dst(%dma_wait3A_310 : memref<10240xf32, #tpu.memory_space<vmem_shared>>)
      %add3A_311 = arith.constant 13 : i32
      %add3A_312 = arith.addi %mul3A_155, %add3A_311 : i32
      %add3A_313 = arith.constant 13 : i32
      %add3A_314 = arith.addi %mul3A_155, %add3A_313 : i32
      %dma_wait3A_315 = arith.constant 0 : i32
      %dma_wait3A_316 = tpu.memref_slice %arg9[%add3A_312, %dma_wait3A_315] : memref<160x128xf32, #tpu.memory_space<vmem>> -> memref<1x128xf32, #tpu.memory_space<vmem>>
      %dma_wait3A_317 = tpu.memref_squeeze %dma_wait3A_316 : memref<1x128xf32, #tpu.memory_space<vmem>> -> memref<128xf32, #tpu.memory_space<vmem>>
      %dma_wait3A_318 = arith.constant 0 : i32
      %dma_wait3A_319 = tpu.memref_slice %arg8[%add3A_314, %dma_wait3A_318] : memref<160x128xi32, #tpu.memory_space<vmem>> -> memref<1x128xi32, #tpu.memory_space<vmem>>
      %dma_wait3A_320 = tpu.memref_squeeze %dma_wait3A_319 : memref<1x128xi32, #tpu.memory_space<vmem>> -> memref<128xi32, #tpu.memory_space<vmem>>
      %dma_wait3A_321 = arith.constant 0 : i32
      %dma_wait3A_322 = tpu.memref_slice %arg17[%dma_wait3A_321] : memref<10240xf32, #tpu.memory_space<vmem_shared>> -> memref<10240xf32, #tpu.memory_space<vmem_shared>>
      tpu.wait_indirect_dma semaphore(%arg18 : memref<!tpu.dma_semaphore, #tpu.memory_space<semaphore_mem>>) src(%dma_wait3A_317 : memref<128xf32, #tpu.memory_space<vmem>>) dst(%dma_wait3A_322 : memref<10240xf32, #tpu.memory_space<vmem_shared>>)
      %add3A_323 = arith.constant 14 : i32
      %add3A_324 = arith.addi %mul3A_155, %add3A_323 : i32
      %add3A_325 = arith.constant 14 : i32
      %add3A_326 = arith.addi %mul3A_155, %add3A_325 : i32
      %dma_wait3A_327 = arith.constant 0 : i32
      %dma_wait3A_328 = tpu.memref_slice %arg9[%add3A_324, %dma_wait3A_327] : memref<160x128xf32, #tpu.memory_space<vmem>> -> memref<1x128xf32, #tpu.memory_space<vmem>>
      %dma_wait3A_329 = tpu.memref_squeeze %dma_wait3A_328 : memref<1x128xf32, #tpu.memory_space<vmem>> -> memref<128xf32, #tpu.memory_space<vmem>>
      %dma_wait3A_330 = arith.constant 0 : i32
      %dma_wait3A_331 = tpu.memref_slice %arg8[%add3A_326, %dma_wait3A_330] : memref<160x128xi32, #tpu.memory_space<vmem>> -> memref<1x128xi32, #tpu.memory_space<vmem>>
      %dma_wait3A_332 = tpu.memref_squeeze %dma_wait3A_331 : memref<1x128xi32, #tpu.memory_space<vmem>> -> memref<128xi32, #tpu.memory_space<vmem>>
      %dma_wait3A_333 = arith.constant 0 : i32
      %dma_wait3A_334 = tpu.memref_slice %arg17[%dma_wait3A_333] : memref<10240xf32, #tpu.memory_space<vmem_shared>> -> memref<10240xf32, #tpu.memory_space<vmem_shared>>
      tpu.wait_indirect_dma semaphore(%arg18 : memref<!tpu.dma_semaphore, #tpu.memory_space<semaphore_mem>>) src(%dma_wait3A_329 : memref<128xf32, #tpu.memory_space<vmem>>) dst(%dma_wait3A_334 : memref<10240xf32, #tpu.memory_space<vmem_shared>>)
      %add3A_335 = arith.constant 15 : i32
      %add3A_336 = arith.addi %mul3A_155, %add3A_335 : i32
      %add3A_337 = arith.constant 15 : i32
      %add3A_338 = arith.addi %mul3A_155, %add3A_337 : i32
      %dma_wait3A_339 = arith.constant 0 : i32
      %dma_wait3A_340 = tpu.memref_slice %arg9[%add3A_336, %dma_wait3A_339] : memref<160x128xf32, #tpu.memory_space<vmem>> -> memref<1x128xf32, #tpu.memory_space<vmem>>
      %dma_wait3A_341 = tpu.memref_squeeze %dma_wait3A_340 : memref<1x128xf32, #tpu.memory_space<vmem>> -> memref<128xf32, #tpu.memory_space<vmem>>
      %dma_wait3A_342 = arith.constant 0 : i32
      %dma_wait3A_343 = tpu.memref_slice %arg8[%add3A_338, %dma_wait3A_342] : memref<160x128xi32, #tpu.memory_space<vmem>> -> memref<1x128xi32, #tpu.memory_space<vmem>>
      %dma_wait3A_344 = tpu.memref_squeeze %dma_wait3A_343 : memref<1x128xi32, #tpu.memory_space<vmem>> -> memref<128xi32, #tpu.memory_space<vmem>>
      %dma_wait3A_345 = arith.constant 0 : i32
      %dma_wait3A_346 = tpu.memref_slice %arg17[%dma_wait3A_345] : memref<10240xf32, #tpu.memory_space<vmem_shared>> -> memref<10240xf32, #tpu.memory_space<vmem_shared>>
      tpu.wait_indirect_dma semaphore(%arg18 : memref<!tpu.dma_semaphore, #tpu.memory_space<semaphore_mem>>) src(%dma_wait3A_341 : memref<128xf32, #tpu.memory_space<vmem>>) dst(%dma_wait3A_346 : memref<10240xf32, #tpu.memory_space<vmem_shared>>)
      %scan3A_347 = arith.constant 0 : i32
      scf.yield %scan3A_347 : i32
    }
    %scan3A_96 = arith.constant 10 : i32
    %barrier3A_97 = arith.constant 0 : index
    tpu.barrier barrier_id(%barrier3A_97)
    "tpu.region"() ({
      %run_scoped3A = tpu.sem_alloc : memref<!tpu.dma_semaphore, #tpu.memory_space<semaphore_mem>>
      %dma_start3A_152 = tpu.memref_slice %arg17[%mul3A_0] : memref<10240xf32, #tpu.memory_space<vmem_shared>> -> memref<640xf32, #tpu.memory_space<vmem_shared>>
      %dma_start3A_153 = tpu.memref_slice %arg17[%mul3A_0] : memref<10240xf32, #tpu.memory_space<vmem_shared>> -> memref<640xf32, #tpu.memory_space<vmem_shared>>
      tpu.enqueue_dma source(%dma_start3A_153 : memref<640xf32, #tpu.memory_space<vmem_shared>>) target(%arg14 : memref<640xf32, #tpu.memory_space<vmem>>) target_semaphore(%run_scoped3A : memref<!tpu.dma_semaphore, #tpu.memory_space<semaphore_mem>>)
      %dma_wait3A_154 = tpu.memref_slice %arg17[%mul3A_0] : memref<10240xf32, #tpu.memory_space<vmem_shared>> -> memref<640xf32, #tpu.memory_space<vmem_shared>>
      %dma_wait3A_155 = tpu.memref_slice %arg17[%mul3A_0] : memref<10240xf32, #tpu.memory_space<vmem_shared>> -> memref<640xf32, #tpu.memory_space<vmem_shared>>
      tpu.wait_dma2 semaphore(%run_scoped3A : memref<!tpu.dma_semaphore, #tpu.memory_space<semaphore_mem>>) src(%dma_wait3A_155 : memref<640xf32, #tpu.memory_space<vmem_shared>>) dst(%arg14 : memref<640xf32, #tpu.memory_space<vmem>>)
      tpu.yield
    }) : () -> ()
    %get3A = arith.constant 0 : index
    %get3A_98 = tpu.vector_load %arg16[%get3A] {strides = array<i32>} : memref<64xf32, #tpu.memory_space<vmem>>, vector<16xf32>,
    %get3A_99 = arith.constant 16 : index
    %get3A_100 = tpu.vector_load %arg16[%get3A_99] {strides = array<i32>} : memref<64xf32, #tpu.memory_space<vmem>>, vector<16xf32>,
    %parallel_loop3A_101 = arith.constant 0 : i32
    %parallel_loop3A_102 = arith.constant 40 : i32
    %parallel_loop3A_103 = arith.constant 1 : i32
    scf.for %parallel_loop3A_152 = %parallel_loop3A_101 to %parallel_loop3A_102 step %parallel_loop3A_103  : i32 {
      %parallel_loop3A_153 = arith.constant 16 : i32
      %parallel_loop3A_154 = arith.muli %parallel_loop3A_152, %parallel_loop3A_153 : i32
      %parallel_loop3A_155 = arith.index_cast %parallel_loop3A_154 : i32 to index
      %parallel_loop3A_156 = tpu.vector_load %arg12[%parallel_loop3A_155] {strides = array<i32>} : memref<640xf32, #tpu.memory_space<vmem>>, vector<16xf32>,
      %parallel_loop3A_157 = arith.index_cast %parallel_loop3A_154 : i32 to index
      %parallel_loop3A_158 = tpu.vector_load %arg13[%parallel_loop3A_157] {strides = array<i32>} : memref<640xf32, #tpu.memory_space<vmem>>, vector<16xf32>,
      %parallel_loop3A_159 = arith.index_cast %parallel_loop3A_154 : i32 to index
      %parallel_loop3A_160 = tpu.vector_load %arg14[%parallel_loop3A_159] {strides = array<i32>} : memref<640xf32, #tpu.memory_space<vmem>>, vector<16xf32>,
      %parallel_loop3A_161 = arith.mulf %parallel_loop3A_156, %parallel_loop3A_160 : vector<16xf32>
      %parallel_loop3A_162 = arith.mulf %parallel_loop3A_156, %parallel_loop3A_156 : vector<16xf32>
      %parallel_loop3A_163 = arith.mulf %parallel_loop3A_162, %parallel_loop3A_158 : vector<16xf32>
      %parallel_loop3A_164 = arith.addf %parallel_loop3A_161, %parallel_loop3A_163 : vector<16xf32>
      %parallel_loop3A_165 = arith.constant 8.000000e-01 : f32
      %parallel_loop3A_166 = vector.broadcast %parallel_loop3A_165 : f32 to vector<16xf32>
      %parallel_loop3A_167 = arith.mulf %parallel_loop3A_166, %parallel_loop3A_164 : vector<16xf32>
      %parallel_loop3A_168 = arith.constant 2.000000e-01 : f32
      %parallel_loop3A_169 = vector.broadcast %parallel_loop3A_168 : f32 to vector<16xf32>
      %parallel_loop3A_170 = arith.mulf %parallel_loop3A_169, %parallel_loop3A_158 : vector<16xf32>
      %parallel_loop3A_171 = arith.addf %parallel_loop3A_167, %parallel_loop3A_170 : vector<16xf32>
      %parallel_loop3A_172 = arith.mulf %parallel_loop3A_171, %get3A_98 : vector<16xf32>
      %parallel_loop3A_173 = arith.addf %parallel_loop3A_172, %get3A_100 : vector<16xf32>
      %parallel_loop3A_174 = arith.index_cast %parallel_loop3A_154 : i32 to index
      %parallel_loop3A_175 = tpu.vector_load %arg13[%parallel_loop3A_174] {strides = array<i32>} : memref<640xf32, #tpu.memory_space<vmem>>, vector<16xf32>,
      tpu.vector_store %arg13[%parallel_loop3A_174], %parallel_loop3A_173 {strides = array<i32>} : memref<640xf32, #tpu.memory_space<vmem>>, vector<16xf32>,
      %parallel_loop3A_176 = arith.mulf %parallel_loop3A_156, %parallel_loop3A_173 : vector<16xf32>
      %parallel_loop3A_177 = arith.index_cast %parallel_loop3A_154 : i32 to index
      %parallel_loop3A_178 = tpu.vector_load %arg14[%parallel_loop3A_177] {strides = array<i32>} : memref<640xf32, #tpu.memory_space<vmem>>, vector<16xf32>,
      tpu.vector_store %arg14[%parallel_loop3A_177], %parallel_loop3A_176 {strides = array<i32>} : memref<640xf32, #tpu.memory_space<vmem>>, vector<16xf32>,
    } {sc.loop_unroll_factor = 4 : i64, sc.parallel_access}
    "tpu.region"() ({
      %run_scoped3A = tpu.sem_alloc : memref<!tpu.dma_semaphore, #tpu.memory_space<semaphore_mem>>
      %dma_start3A_152 = tpu.memref_slice %arg6[%mul3A_0] : memref<10240xf32, #tpu.memory_space<hbm>> -> memref<640xf32, #tpu.memory_space<hbm>>
      %dma_start3A_153 = tpu.memref_slice %arg6[%mul3A_0] : memref<10240xf32, #tpu.memory_space<hbm>> -> memref<640xf32, #tpu.memory_space<hbm>>
      tpu.enqueue_dma source(%arg14 : memref<640xf32, #tpu.memory_space<vmem>>) target(%dma_start3A_153 : memref<640xf32, #tpu.memory_space<hbm>>) target_semaphore(%run_scoped3A : memref<!tpu.dma_semaphore, #tpu.memory_space<semaphore_mem>>)
      %dma_wait3A_154 = tpu.memref_slice %arg6[%mul3A_0] : memref<10240xf32, #tpu.memory_space<hbm>> -> memref<640xf32, #tpu.memory_space<hbm>>
      %dma_wait3A_155 = tpu.memref_slice %arg6[%mul3A_0] : memref<10240xf32, #tpu.memory_space<hbm>> -> memref<640xf32, #tpu.memory_space<hbm>>
      tpu.wait_dma2 semaphore(%run_scoped3A : memref<!tpu.dma_semaphore, #tpu.memory_space<semaphore_mem>>) src(%arg14 : memref<640xf32, #tpu.memory_space<vmem>>) dst(%dma_wait3A_155 : memref<640xf32, #tpu.memory_space<hbm>>)
      tpu.yield
    }) : () -> ()
    "tpu.region"() ({
      %run_scoped3A = tpu.sem_alloc : memref<!tpu.dma_semaphore, #tpu.memory_space<semaphore_mem>>
      %dma_start3A_152 = tpu.memref_slice %arg17[%mul3A_0] : memref<10240xf32, #tpu.memory_space<vmem_shared>> -> memref<640xf32, #tpu.memory_space<vmem_shared>>
      %dma_start3A_153 = tpu.memref_slice %arg17[%mul3A_0] : memref<10240xf32, #tpu.memory_space<vmem_shared>> -> memref<640xf32, #tpu.memory_space<vmem_shared>>
      tpu.enqueue_dma source(%arg15 : memref<640xf32, #tpu.memory_space<vmem>>) target(%dma_start3A_153 : memref<640xf32, #tpu.memory_space<vmem_shared>>) target_semaphore(%run_scoped3A : memref<!tpu.dma_semaphore, #tpu.memory_space<semaphore_mem>>)
      %dma_wait3A_154 = tpu.memref_slice %arg17[%mul3A_0] : memref<10240xf32, #tpu.memory_space<vmem_shared>> -> memref<640xf32, #tpu.memory_space<vmem_shared>>
      %dma_wait3A_155 = tpu.memref_slice %arg17[%mul3A_0] : memref<10240xf32, #tpu.memory_space<vmem_shared>> -> memref<640xf32, #tpu.memory_space<vmem_shared>>
      tpu.wait_dma2 semaphore(%run_scoped3A : memref<!tpu.dma_semaphore, #tpu.memory_space<semaphore_mem>>) src(%arg15 : memref<640xf32, #tpu.memory_space<vmem>>) dst(%dma_wait3A_155 : memref<640xf32, #tpu.memory_space<vmem_shared>>)
      tpu.yield
    }) : () -> ()
    %barrier3A_104 = arith.constant 0 : index
    tpu.barrier barrier_id(%barrier3A_104)
    "tpu.region"() ({
      %run_scoped3A = tpu.sem_alloc : memref<!tpu.dma_semaphore, #tpu.memory_space<semaphore_mem>>
      tpu.enqueue_dma source(%arg6 : memref<10240xf32, #tpu.memory_space<hbm>>) target(%arg10 : memref<10240xf32, #tpu.memory_space<vmem>>) target_semaphore(%run_scoped3A : memref<!tpu.dma_semaphore, #tpu.memory_space<semaphore_mem>>)
      tpu.wait_dma2 semaphore(%run_scoped3A : memref<!tpu.dma_semaphore, #tpu.memory_space<semaphore_mem>>) src(%arg6 : memref<10240xf32, #tpu.memory_space<hbm>>) dst(%arg10 : memref<10240xf32, #tpu.memory_space<vmem>>)
      tpu.yield
    }) : () -> ()
    %scan3A_105 = arith.constant 0 : i32
    %scan3A_106 = arith.constant 0 : i32
    %scan3A_107 = arith.constant 10 : i32
    %scan3A_108 = arith.addi %scan3A_106, %scan3A_107 : i32
    %scan3A_109 = arith.constant 1 : i32
    %scan3A_110 = scf.for %scan3A_152 = %scan3A_106 to %scan3A_108 step %scan3A_109 iter_args(%scan3A_153 = %scan3A_105) -> (i32)  : i32 {
      %mul3A_154 = arith.constant 16 : i32
      %mul3A_155 = arith.muli %scan3A_152, %mul3A_154 : i32
      %add3A = arith.constant 16 : i32
      %add3A_156 = arith.addi %mul3A_155, %add3A : i32
      %parallel_loop3A_157 = arith.constant 1 : i32
      scf.for %parallel_loop3A_351 = %mul3A_155 to %add3A_156 step %parallel_loop3A_157  : i32 {
        %parallel_loop3A_352 = arith.index_cast %parallel_loop3A_351 : i32 to index
        %parallel_loop3A_353 = arith.constant 0 : index
        %parallel_loop3A_354 = tpu.vector_load %arg7[%parallel_loop3A_352, %parallel_loop3A_353] {strides = array<i32>} : memref<160x128xi32, #tpu.memory_space<vmem>>, vector<16xi32>,
        %parallel_loop3A_355 = tpu.vector_load_idx %arg10[%parallel_loop3A_354] : memref<10240xf32, #tpu.memory_space<vmem>>[vector<16xi32>], vector<16xf32>,
        %parallel_loop3A_356 = arith.index_cast %parallel_loop3A_351 : i32 to index
        %parallel_loop3A_357 = arith.constant 0 : index
        %parallel_loop3A_358 = tpu.vector_load %arg9[%parallel_loop3A_356, %parallel_loop3A_357] {strides = array<i32>} : memref<160x128xf32, #tpu.memory_space<vmem>>, vector<16xf32>,
        tpu.vector_store %arg9[%parallel_loop3A_356, %parallel_loop3A_357], %parallel_loop3A_355 {strides = array<i32>} : memref<160x128xf32, #tpu.memory_space<vmem>>, vector<16xf32>,
        %parallel_loop3A_359 = arith.index_cast %parallel_loop3A_351 : i32 to index
        %parallel_loop3A_360 = arith.constant 16 : index
        %parallel_loop3A_361 = tpu.vector_load %arg7[%parallel_loop3A_359, %parallel_loop3A_360] {strides = array<i32>} : memref<160x128xi32, #tpu.memory_space<vmem>>, vector<16xi32>,
        %parallel_loop3A_362 = tpu.vector_load_idx %arg10[%parallel_loop3A_361] : memref<10240xf32, #tpu.memory_space<vmem>>[vector<16xi32>], vector<16xf32>,
        %parallel_loop3A_363 = arith.index_cast %parallel_loop3A_351 : i32 to index
        %parallel_loop3A_364 = arith.constant 16 : index
        %parallel_loop3A_365 = tpu.vector_load %arg9[%parallel_loop3A_363, %parallel_loop3A_364] {strides = array<i32>} : memref<160x128xf32, #tpu.memory_space<vmem>>, vector<16xf32>,
        tpu.vector_store %arg9[%parallel_loop3A_363, %parallel_loop3A_364], %parallel_loop3A_362 {strides = array<i32>} : memref<160x128xf32, #tpu.memory_space<vmem>>, vector<16xf32>,
        %parallel_loop3A_366 = arith.index_cast %parallel_loop3A_351 : i32 to index
        %parallel_loop3A_367 = arith.constant 32 : index
        %parallel_loop3A_368 = tpu.vector_load %arg7[%parallel_loop3A_366, %parallel_loop3A_367] {strides = array<i32>} : memref<160x128xi32, #tpu.memory_space<vmem>>, vector<16xi32>,
        %parallel_loop3A_369 = tpu.vector_load_idx %arg10[%parallel_loop3A_368] : memref<10240xf32, #tpu.memory_space<vmem>>[vector<16xi32>], vector<16xf32>,
        %parallel_loop3A_370 = arith.index_cast %parallel_loop3A_351 : i32 to index
        %parallel_loop3A_371 = arith.constant 32 : index
        %parallel_loop3A_372 = tpu.vector_load %arg9[%parallel_loop3A_370, %parallel_loop3A_371] {strides = array<i32>} : memref<160x128xf32, #tpu.memory_space<vmem>>, vector<16xf32>,
        tpu.vector_store %arg9[%parallel_loop3A_370, %parallel_loop3A_371], %parallel_loop3A_369 {strides = array<i32>} : memref<160x128xf32, #tpu.memory_space<vmem>>, vector<16xf32>,
        %parallel_loop3A_373 = arith.index_cast %parallel_loop3A_351 : i32 to index
        %parallel_loop3A_374 = arith.constant 48 : index
        %parallel_loop3A_375 = tpu.vector_load %arg7[%parallel_loop3A_373, %parallel_loop3A_374] {strides = array<i32>} : memref<160x128xi32, #tpu.memory_space<vmem>>, vector<16xi32>,
        %parallel_loop3A_376 = tpu.vector_load_idx %arg10[%parallel_loop3A_375] : memref<10240xf32, #tpu.memory_space<vmem>>[vector<16xi32>], vector<16xf32>,
        %parallel_loop3A_377 = arith.index_cast %parallel_loop3A_351 : i32 to index
        %parallel_loop3A_378 = arith.constant 48 : index
        %parallel_loop3A_379 = tpu.vector_load %arg9[%parallel_loop3A_377, %parallel_loop3A_378] {strides = array<i32>} : memref<160x128xf32, #tpu.memory_space<vmem>>, vector<16xf32>,
        tpu.vector_store %arg9[%parallel_loop3A_377, %parallel_loop3A_378], %parallel_loop3A_376 {strides = array<i32>} : memref<160x128xf32, #tpu.memory_space<vmem>>, vector<16xf32>,
        %parallel_loop3A_380 = arith.index_cast %parallel_loop3A_351 : i32 to index
        %parallel_loop3A_381 = arith.constant 64 : index
        %parallel_loop3A_382 = tpu.vector_load %arg7[%parallel_loop3A_380, %parallel_loop3A_381] {strides = array<i32>} : memref<160x128xi32, #tpu.memory_space<vmem>>, vector<16xi32>,
        %parallel_loop3A_383 = tpu.vector_load_idx %arg10[%parallel_loop3A_382] : memref<10240xf32, #tpu.memory_space<vmem>>[vector<16xi32>], vector<16xf32>,
        %parallel_loop3A_384 = arith.index_cast %parallel_loop3A_351 : i32 to index
        %parallel_loop3A_385 = arith.constant 64 : index
        %parallel_loop3A_386 = tpu.vector_load %arg9[%parallel_loop3A_384, %parallel_loop3A_385] {strides = array<i32>} : memref<160x128xf32, #tpu.memory_space<vmem>>, vector<16xf32>,
        tpu.vector_store %arg9[%parallel_loop3A_384, %parallel_loop3A_385], %parallel_loop3A_383 {strides = array<i32>} : memref<160x128xf32, #tpu.memory_space<vmem>>, vector<16xf32>,
        %parallel_loop3A_387 = arith.index_cast %parallel_loop3A_351 : i32 to index
        %parallel_loop3A_388 = arith.constant 80 : index
        %parallel_loop3A_389 = tpu.vector_load %arg7[%parallel_loop3A_387, %parallel_loop3A_388] {strides = array<i32>} : memref<160x128xi32, #tpu.memory_space<vmem>>, vector<16xi32>,
        %parallel_loop3A_390 = tpu.vector_load_idx %arg10[%parallel_loop3A_389] : memref<10240xf32, #tpu.memory_space<vmem>>[vector<16xi32>], vector<16xf32>,
        %parallel_loop3A_391 = arith.index_cast %parallel_loop3A_351 : i32 to index
        %parallel_loop3A_392 = arith.constant 80 : index
        %parallel_loop3A_393 = tpu.vector_load %arg9[%parallel_loop3A_391, %parallel_loop3A_392] {strides = array<i32>} : memref<160x128xf32, #tpu.memory_space<vmem>>, vector<16xf32>,
        tpu.vector_store %arg9[%parallel_loop3A_391, %parallel_loop3A_392], %parallel_loop3A_390 {strides = array<i32>} : memref<160x128xf32, #tpu.memory_space<vmem>>, vector<16xf32>,
        %parallel_loop3A_394 = arith.index_cast %parallel_loop3A_351 : i32 to index
        %parallel_loop3A_395 = arith.constant 96 : index
        %parallel_loop3A_396 = tpu.vector_load %arg7[%parallel_loop3A_394, %parallel_loop3A_395] {strides = array<i32>} : memref<160x128xi32, #tpu.memory_space<vmem>>, vector<16xi32>,
        %parallel_loop3A_397 = tpu.vector_load_idx %arg10[%parallel_loop3A_396] : memref<10240xf32, #tpu.memory_space<vmem>>[vector<16xi32>], vector<16xf32>,
        %parallel_loop3A_398 = arith.index_cast %parallel_loop3A_351 : i32 to index
        %parallel_loop3A_399 = arith.constant 96 : index
        %parallel_loop3A_400 = tpu.vector_load %arg9[%parallel_loop3A_398, %parallel_loop3A_399] {strides = array<i32>} : memref<160x128xf32, #tpu.memory_space<vmem>>, vector<16xf32>,
        tpu.vector_store %arg9[%parallel_loop3A_398, %parallel_loop3A_399], %parallel_loop3A_397 {strides = array<i32>} : memref<160x128xf32, #tpu.memory_space<vmem>>, vector<16xf32>,
        %parallel_loop3A_401 = arith.index_cast %parallel_loop3A_351 : i32 to index
        %parallel_loop3A_402 = arith.constant 112 : index
        %parallel_loop3A_403 = tpu.vector_load %arg7[%parallel_loop3A_401, %parallel_loop3A_402] {strides = array<i32>} : memref<160x128xi32, #tpu.memory_space<vmem>>, vector<16xi32>,
        %parallel_loop3A_404 = tpu.vector_load_idx %arg10[%parallel_loop3A_403] : memref<10240xf32, #tpu.memory_space<vmem>>[vector<16xi32>], vector<16xf32>,
        %parallel_loop3A_405 = arith.index_cast %parallel_loop3A_351 : i32 to index
        %parallel_loop3A_406 = arith.constant 112 : index
        %parallel_loop3A_407 = tpu.vector_load %arg9[%parallel_loop3A_405, %parallel_loop3A_406] {strides = array<i32>} : memref<160x128xf32, #tpu.memory_space<vmem>>, vector<16xf32>,
        tpu.vector_store %arg9[%parallel_loop3A_405, %parallel_loop3A_406], %parallel_loop3A_404 {strides = array<i32>} : memref<160x128xf32, #tpu.memory_space<vmem>>, vector<16xf32>,
      } {sc.loop_unroll_factor = 2 : i64, sc.parallel_access}
      %add3A_158 = arith.constant 0 : i32
      %add3A_159 = arith.addi %mul3A_155, %add3A_158 : i32
      %add3A_160 = arith.constant 0 : i32
      %add3A_161 = arith.addi %mul3A_155, %add3A_160 : i32
      %dma_start3A_162 = arith.constant 0 : i32
      %dma_start3A_163 = tpu.memref_slice %arg9[%add3A_159, %dma_start3A_162] : memref<160x128xf32, #tpu.memory_space<vmem>> -> memref<1x128xf32, #tpu.memory_space<vmem>>
      %dma_start3A_164 = tpu.memref_squeeze %dma_start3A_163 : memref<1x128xf32, #tpu.memory_space<vmem>> -> memref<128xf32, #tpu.memory_space<vmem>>
      %dma_start3A_165 = arith.constant 0 : i32
      %dma_start3A_166 = tpu.memref_slice %arg8[%add3A_161, %dma_start3A_165] : memref<160x128xi32, #tpu.memory_space<vmem>> -> memref<1x128xi32, #tpu.memory_space<vmem>>
      %dma_start3A_167 = tpu.memref_squeeze %dma_start3A_166 : memref<1x128xi32, #tpu.memory_space<vmem>> -> memref<128xi32, #tpu.memory_space<vmem>>
      %dma_start3A_168 = arith.constant 0 : i32
      %dma_start3A_169 = tpu.memref_slice %arg17[%dma_start3A_168] : memref<10240xf32, #tpu.memory_space<vmem_shared>> -> memref<10240xf32, #tpu.memory_space<vmem_shared>>
      tpu.enqueue_indirect_dma source(%dma_start3A_164 : memref<128xf32, #tpu.memory_space<vmem>>) target(%dma_start3A_169 : memref<10240xf32, #tpu.memory_space<vmem_shared>>) offsets(%dma_start3A_167 : memref<128xi32, #tpu.memory_space<vmem>>) semaphore(%arg18 : memref<!tpu.dma_semaphore, #tpu.memory_space<semaphore_mem>>) {add = true}
      %add3A_170 = arith.constant 1 : i32
      %add3A_171 = arith.addi %mul3A_155, %add3A_170 : i32
      %add3A_172 = arith.constant 1 : i32
      %add3A_173 = arith.addi %mul3A_155, %add3A_172 : i32
      %dma_start3A_174 = arith.constant 0 : i32
      %dma_start3A_175 = tpu.memref_slice %arg9[%add3A_171, %dma_start3A_174] : memref<160x128xf32, #tpu.memory_space<vmem>> -> memref<1x128xf32, #tpu.memory_space<vmem>>
      %dma_start3A_176 = tpu.memref_squeeze %dma_start3A_175 : memref<1x128xf32, #tpu.memory_space<vmem>> -> memref<128xf32, #tpu.memory_space<vmem>>
      %dma_start3A_177 = arith.constant 0 : i32
      %dma_start3A_178 = tpu.memref_slice %arg8[%add3A_173, %dma_start3A_177] : memref<160x128xi32, #tpu.memory_space<vmem>> -> memref<1x128xi32, #tpu.memory_space<vmem>>
      %dma_start3A_179 = tpu.memref_squeeze %dma_start3A_178 : memref<1x128xi32, #tpu.memory_space<vmem>> -> memref<128xi32, #tpu.memory_space<vmem>>
      %dma_start3A_180 = arith.constant 0 : i32
      %dma_start3A_181 = tpu.memref_slice %arg17[%dma_start3A_180] : memref<10240xf32, #tpu.memory_space<vmem_shared>> -> memref<10240xf32, #tpu.memory_space<vmem_shared>>
      tpu.enqueue_indirect_dma source(%dma_start3A_176 : memref<128xf32, #tpu.memory_space<vmem>>) target(%dma_start3A_181 : memref<10240xf32, #tpu.memory_space<vmem_shared>>) offsets(%dma_start3A_179 : memref<128xi32, #tpu.memory_space<vmem>>) semaphore(%arg18 : memref<!tpu.dma_semaphore, #tpu.memory_space<semaphore_mem>>) {add = true}
      %add3A_182 = arith.constant 2 : i32
      %add3A_183 = arith.addi %mul3A_155, %add3A_182 : i32
      %add3A_184 = arith.constant 2 : i32
      %add3A_185 = arith.addi %mul3A_155, %add3A_184 : i32
      %dma_start3A_186 = arith.constant 0 : i32
      %dma_start3A_187 = tpu.memref_slice %arg9[%add3A_183, %dma_start3A_186] : memref<160x128xf32, #tpu.memory_space<vmem>> -> memref<1x128xf32, #tpu.memory_space<vmem>>
      %dma_start3A_188 = tpu.memref_squeeze %dma_start3A_187 : memref<1x128xf32, #tpu.memory_space<vmem>> -> memref<128xf32, #tpu.memory_space<vmem>>
      %dma_start3A_189 = arith.constant 0 : i32
      %dma_start3A_190 = tpu.memref_slice %arg8[%add3A_185, %dma_start3A_189] : memref<160x128xi32, #tpu.memory_space<vmem>> -> memref<1x128xi32, #tpu.memory_space<vmem>>
      %dma_start3A_191 = tpu.memref_squeeze %dma_start3A_190 : memref<1x128xi32, #tpu.memory_space<vmem>> -> memref<128xi32, #tpu.memory_space<vmem>>
      %dma_start3A_192 = arith.constant 0 : i32
      %dma_start3A_193 = tpu.memref_slice %arg17[%dma_start3A_192] : memref<10240xf32, #tpu.memory_space<vmem_shared>> -> memref<10240xf32, #tpu.memory_space<vmem_shared>>
      tpu.enqueue_indirect_dma source(%dma_start3A_188 : memref<128xf32, #tpu.memory_space<vmem>>) target(%dma_start3A_193 : memref<10240xf32, #tpu.memory_space<vmem_shared>>) offsets(%dma_start3A_191 : memref<128xi32, #tpu.memory_space<vmem>>) semaphore(%arg18 : memref<!tpu.dma_semaphore, #tpu.memory_space<semaphore_mem>>) {add = true}
      %add3A_194 = arith.constant 3 : i32
      %add3A_195 = arith.addi %mul3A_155, %add3A_194 : i32
      %add3A_196 = arith.constant 3 : i32
      %add3A_197 = arith.addi %mul3A_155, %add3A_196 : i32
      %dma_start3A_198 = arith.constant 0 : i32
      %dma_start3A_199 = tpu.memref_slice %arg9[%add3A_195, %dma_start3A_198] : memref<160x128xf32, #tpu.memory_space<vmem>> -> memref<1x128xf32, #tpu.memory_space<vmem>>
      %dma_start3A_200 = tpu.memref_squeeze %dma_start3A_199 : memref<1x128xf32, #tpu.memory_space<vmem>> -> memref<128xf32, #tpu.memory_space<vmem>>
      %dma_start3A_201 = arith.constant 0 : i32
      %dma_start3A_202 = tpu.memref_slice %arg8[%add3A_197, %dma_start3A_201] : memref<160x128xi32, #tpu.memory_space<vmem>> -> memref<1x128xi32, #tpu.memory_space<vmem>>
      %dma_start3A_203 = tpu.memref_squeeze %dma_start3A_202 : memref<1x128xi32, #tpu.memory_space<vmem>> -> memref<128xi32, #tpu.memory_space<vmem>>
      %dma_start3A_204 = arith.constant 0 : i32
      %dma_start3A_205 = tpu.memref_slice %arg17[%dma_start3A_204] : memref<10240xf32, #tpu.memory_space<vmem_shared>> -> memref<10240xf32, #tpu.memory_space<vmem_shared>>
      tpu.enqueue_indirect_dma source(%dma_start3A_200 : memref<128xf32, #tpu.memory_space<vmem>>) target(%dma_start3A_205 : memref<10240xf32, #tpu.memory_space<vmem_shared>>) offsets(%dma_start3A_203 : memref<128xi32, #tpu.memory_space<vmem>>) semaphore(%arg18 : memref<!tpu.dma_semaphore, #tpu.memory_space<semaphore_mem>>) {add = true}
      %add3A_206 = arith.constant 4 : i32
      %add3A_207 = arith.addi %mul3A_155, %add3A_206 : i32
      %add3A_208 = arith.constant 4 : i32
      %add3A_209 = arith.addi %mul3A_155, %add3A_208 : i32
      %dma_start3A_210 = arith.constant 0 : i32
      %dma_start3A_211 = tpu.memref_slice %arg9[%add3A_207, %dma_start3A_210] : memref<160x128xf32, #tpu.memory_space<vmem>> -> memref<1x128xf32, #tpu.memory_space<vmem>>
      %dma_start3A_212 = tpu.memref_squeeze %dma_start3A_211 : memref<1x128xf32, #tpu.memory_space<vmem>> -> memref<128xf32, #tpu.memory_space<vmem>>
      %dma_start3A_213 = arith.constant 0 : i32
      %dma_start3A_214 = tpu.memref_slice %arg8[%add3A_209, %dma_start3A_213] : memref<160x128xi32, #tpu.memory_space<vmem>> -> memref<1x128xi32, #tpu.memory_space<vmem>>
      %dma_start3A_215 = tpu.memref_squeeze %dma_start3A_214 : memref<1x128xi32, #tpu.memory_space<vmem>> -> memref<128xi32, #tpu.memory_space<vmem>>
      %dma_start3A_216 = arith.constant 0 : i32
      %dma_start3A_217 = tpu.memref_slice %arg17[%dma_start3A_216] : memref<10240xf32, #tpu.memory_space<vmem_shared>> -> memref<10240xf32, #tpu.memory_space<vmem_shared>>
      tpu.enqueue_indirect_dma source(%dma_start3A_212 : memref<128xf32, #tpu.memory_space<vmem>>) target(%dma_start3A_217 : memref<10240xf32, #tpu.memory_space<vmem_shared>>) offsets(%dma_start3A_215 : memref<128xi32, #tpu.memory_space<vmem>>) semaphore(%arg18 : memref<!tpu.dma_semaphore, #tpu.memory_space<semaphore_mem>>) {add = true}
      %add3A_218 = arith.constant 5 : i32
      %add3A_219 = arith.addi %mul3A_155, %add3A_218 : i32
      %add3A_220 = arith.constant 5 : i32
      %add3A_221 = arith.addi %mul3A_155, %add3A_220 : i32
      %dma_start3A_222 = arith.constant 0 : i32
      %dma_start3A_223 = tpu.memref_slice %arg9[%add3A_219, %dma_start3A_222] : memref<160x128xf32, #tpu.memory_space<vmem>> -> memref<1x128xf32, #tpu.memory_space<vmem>>
      %dma_start3A_224 = tpu.memref_squeeze %dma_start3A_223 : memref<1x128xf32, #tpu.memory_space<vmem>> -> memref<128xf32, #tpu.memory_space<vmem>>
      %dma_start3A_225 = arith.constant 0 : i32
      %dma_start3A_226 = tpu.memref_slice %arg8[%add3A_221, %dma_start3A_225] : memref<160x128xi32, #tpu.memory_space<vmem>> -> memref<1x128xi32, #tpu.memory_space<vmem>>
      %dma_start3A_227 = tpu.memref_squeeze %dma_start3A_226 : memref<1x128xi32, #tpu.memory_space<vmem>> -> memref<128xi32, #tpu.memory_space<vmem>>
      %dma_start3A_228 = arith.constant 0 : i32
      %dma_start3A_229 = tpu.memref_slice %arg17[%dma_start3A_228] : memref<10240xf32, #tpu.memory_space<vmem_shared>> -> memref<10240xf32, #tpu.memory_space<vmem_shared>>
      tpu.enqueue_indirect_dma source(%dma_start3A_224 : memref<128xf32, #tpu.memory_space<vmem>>) target(%dma_start3A_229 : memref<10240xf32, #tpu.memory_space<vmem_shared>>) offsets(%dma_start3A_227 : memref<128xi32, #tpu.memory_space<vmem>>) semaphore(%arg18 : memref<!tpu.dma_semaphore, #tpu.memory_space<semaphore_mem>>) {add = true}
      %add3A_230 = arith.constant 6 : i32
      %add3A_231 = arith.addi %mul3A_155, %add3A_230 : i32
      %add3A_232 = arith.constant 6 : i32
      %add3A_233 = arith.addi %mul3A_155, %add3A_232 : i32
      %dma_start3A_234 = arith.constant 0 : i32
      %dma_start3A_235 = tpu.memref_slice %arg9[%add3A_231, %dma_start3A_234] : memref<160x128xf32, #tpu.memory_space<vmem>> -> memref<1x128xf32, #tpu.memory_space<vmem>>
      %dma_start3A_236 = tpu.memref_squeeze %dma_start3A_235 : memref<1x128xf32, #tpu.memory_space<vmem>> -> memref<128xf32, #tpu.memory_space<vmem>>
      %dma_start3A_237 = arith.constant 0 : i32
      %dma_start3A_238 = tpu.memref_slice %arg8[%add3A_233, %dma_start3A_237] : memref<160x128xi32, #tpu.memory_space<vmem>> -> memref<1x128xi32, #tpu.memory_space<vmem>>
      %dma_start3A_239 = tpu.memref_squeeze %dma_start3A_238 : memref<1x128xi32, #tpu.memory_space<vmem>> -> memref<128xi32, #tpu.memory_space<vmem>>
      %dma_start3A_240 = arith.constant 0 : i32
      %dma_start3A_241 = tpu.memref_slice %arg17[%dma_start3A_240] : memref<10240xf32, #tpu.memory_space<vmem_shared>> -> memref<10240xf32, #tpu.memory_space<vmem_shared>>
      tpu.enqueue_indirect_dma source(%dma_start3A_236 : memref<128xf32, #tpu.memory_space<vmem>>) target(%dma_start3A_241 : memref<10240xf32, #tpu.memory_space<vmem_shared>>) offsets(%dma_start3A_239 : memref<128xi32, #tpu.memory_space<vmem>>) semaphore(%arg18 : memref<!tpu.dma_semaphore, #tpu.memory_space<semaphore_mem>>) {add = true}
      %add3A_242 = arith.constant 7 : i32
      %add3A_243 = arith.addi %mul3A_155, %add3A_242 : i32
      %add3A_244 = arith.constant 7 : i32
      %add3A_245 = arith.addi %mul3A_155, %add3A_244 : i32
      %dma_start3A_246 = arith.constant 0 : i32
      %dma_start3A_247 = tpu.memref_slice %arg9[%add3A_243, %dma_start3A_246] : memref<160x128xf32, #tpu.memory_space<vmem>> -> memref<1x128xf32, #tpu.memory_space<vmem>>
      %dma_start3A_248 = tpu.memref_squeeze %dma_start3A_247 : memref<1x128xf32, #tpu.memory_space<vmem>> -> memref<128xf32, #tpu.memory_space<vmem>>
      %dma_start3A_249 = arith.constant 0 : i32
      %dma_start3A_250 = tpu.memref_slice %arg8[%add3A_245, %dma_start3A_249] : memref<160x128xi32, #tpu.memory_space<vmem>> -> memref<1x128xi32, #tpu.memory_space<vmem>>
      %dma_start3A_251 = tpu.memref_squeeze %dma_start3A_250 : memref<1x128xi32, #tpu.memory_space<vmem>> -> memref<128xi32, #tpu.memory_space<vmem>>
      %dma_start3A_252 = arith.constant 0 : i32
      %dma_start3A_253 = tpu.memref_slice %arg17[%dma_start3A_252] : memref<10240xf32, #tpu.memory_space<vmem_shared>> -> memref<10240xf32, #tpu.memory_space<vmem_shared>>
      tpu.enqueue_indirect_dma source(%dma_start3A_248 : memref<128xf32, #tpu.memory_space<vmem>>) target(%dma_start3A_253 : memref<10240xf32, #tpu.memory_space<vmem_shared>>) offsets(%dma_start3A_251 : memref<128xi32, #tpu.memory_space<vmem>>) semaphore(%arg18 : memref<!tpu.dma_semaphore, #tpu.memory_space<semaphore_mem>>) {add = true}
      %add3A_254 = arith.constant 8 : i32
      %add3A_255 = arith.addi %mul3A_155, %add3A_254 : i32
      %add3A_256 = arith.constant 8 : i32
      %add3A_257 = arith.addi %mul3A_155, %add3A_256 : i32
      %dma_start3A_258 = arith.constant 0 : i32
      %dma_start3A_259 = tpu.memref_slice %arg9[%add3A_255, %dma_start3A_258] : memref<160x128xf32, #tpu.memory_space<vmem>> -> memref<1x128xf32, #tpu.memory_space<vmem>>
      %dma_start3A_260 = tpu.memref_squeeze %dma_start3A_259 : memref<1x128xf32, #tpu.memory_space<vmem>> -> memref<128xf32, #tpu.memory_space<vmem>>
      %dma_start3A_261 = arith.constant 0 : i32
      %dma_start3A_262 = tpu.memref_slice %arg8[%add3A_257, %dma_start3A_261] : memref<160x128xi32, #tpu.memory_space<vmem>> -> memref<1x128xi32, #tpu.memory_space<vmem>>
      %dma_start3A_263 = tpu.memref_squeeze %dma_start3A_262 : memref<1x128xi32, #tpu.memory_space<vmem>> -> memref<128xi32, #tpu.memory_space<vmem>>
      %dma_start3A_264 = arith.constant 0 : i32
      %dma_start3A_265 = tpu.memref_slice %arg17[%dma_start3A_264] : memref<10240xf32, #tpu.memory_space<vmem_shared>> -> memref<10240xf32, #tpu.memory_space<vmem_shared>>
      tpu.enqueue_indirect_dma source(%dma_start3A_260 : memref<128xf32, #tpu.memory_space<vmem>>) target(%dma_start3A_265 : memref<10240xf32, #tpu.memory_space<vmem_shared>>) offsets(%dma_start3A_263 : memref<128xi32, #tpu.memory_space<vmem>>) semaphore(%arg18 : memref<!tpu.dma_semaphore, #tpu.memory_space<semaphore_mem>>) {add = true}
      %add3A_266 = arith.constant 9 : i32
      %add3A_267 = arith.addi %mul3A_155, %add3A_266 : i32
      %add3A_268 = arith.constant 9 : i32
      %add3A_269 = arith.addi %mul3A_155, %add3A_268 : i32
      %dma_start3A_270 = arith.constant 0 : i32
      %dma_start3A_271 = tpu.memref_slice %arg9[%add3A_267, %dma_start3A_270] : memref<160x128xf32, #tpu.memory_space<vmem>> -> memref<1x128xf32, #tpu.memory_space<vmem>>
      %dma_start3A_272 = tpu.memref_squeeze %dma_start3A_271 : memref<1x128xf32, #tpu.memory_space<vmem>> -> memref<128xf32, #tpu.memory_space<vmem>>
      %dma_start3A_273 = arith.constant 0 : i32
      %dma_start3A_274 = tpu.memref_slice %arg8[%add3A_269, %dma_start3A_273] : memref<160x128xi32, #tpu.memory_space<vmem>> -> memref<1x128xi32, #tpu.memory_space<vmem>>
      %dma_start3A_275 = tpu.memref_squeeze %dma_start3A_274 : memref<1x128xi32, #tpu.memory_space<vmem>> -> memref<128xi32, #tpu.memory_space<vmem>>
      %dma_start3A_276 = arith.constant 0 : i32
      %dma_start3A_277 = tpu.memref_slice %arg17[%dma_start3A_276] : memref<10240xf32, #tpu.memory_space<vmem_shared>> -> memref<10240xf32, #tpu.memory_space<vmem_shared>>
      tpu.enqueue_indirect_dma source(%dma_start3A_272 : memref<128xf32, #tpu.memory_space<vmem>>) target(%dma_start3A_277 : memref<10240xf32, #tpu.memory_space<vmem_shared>>) offsets(%dma_start3A_275 : memref<128xi32, #tpu.memory_space<vmem>>) semaphore(%arg18 : memref<!tpu.dma_semaphore, #tpu.memory_space<semaphore_mem>>) {add = true}
      %add3A_278 = arith.constant 10 : i32
      %add3A_279 = arith.addi %mul3A_155, %add3A_278 : i32
      %add3A_280 = arith.constant 10 : i32
      %add3A_281 = arith.addi %mul3A_155, %add3A_280 : i32
      %dma_start3A_282 = arith.constant 0 : i32
      %dma_start3A_283 = tpu.memref_slice %arg9[%add3A_279, %dma_start3A_282] : memref<160x128xf32, #tpu.memory_space<vmem>> -> memref<1x128xf32, #tpu.memory_space<vmem>>
      %dma_start3A_284 = tpu.memref_squeeze %dma_start3A_283 : memref<1x128xf32, #tpu.memory_space<vmem>> -> memref<128xf32, #tpu.memory_space<vmem>>
      %dma_start3A_285 = arith.constant 0 : i32
      %dma_start3A_286 = tpu.memref_slice %arg8[%add3A_281, %dma_start3A_285] : memref<160x128xi32, #tpu.memory_space<vmem>> -> memref<1x128xi32, #tpu.memory_space<vmem>>
      %dma_start3A_287 = tpu.memref_squeeze %dma_start3A_286 : memref<1x128xi32, #tpu.memory_space<vmem>> -> memref<128xi32, #tpu.memory_space<vmem>>
      %dma_start3A_288 = arith.constant 0 : i32
      %dma_start3A_289 = tpu.memref_slice %arg17[%dma_start3A_288] : memref<10240xf32, #tpu.memory_space<vmem_shared>> -> memref<10240xf32, #tpu.memory_space<vmem_shared>>
      tpu.enqueue_indirect_dma source(%dma_start3A_284 : memref<128xf32, #tpu.memory_space<vmem>>) target(%dma_start3A_289 : memref<10240xf32, #tpu.memory_space<vmem_shared>>) offsets(%dma_start3A_287 : memref<128xi32, #tpu.memory_space<vmem>>) semaphore(%arg18 : memref<!tpu.dma_semaphore, #tpu.memory_space<semaphore_mem>>) {add = true}
      %add3A_290 = arith.constant 11 : i32
      %add3A_291 = arith.addi %mul3A_155, %add3A_290 : i32
      %add3A_292 = arith.constant 11 : i32
      %add3A_293 = arith.addi %mul3A_155, %add3A_292 : i32
      %dma_start3A_294 = arith.constant 0 : i32
      %dma_start3A_295 = tpu.memref_slice %arg9[%add3A_291, %dma_start3A_294] : memref<160x128xf32, #tpu.memory_space<vmem>> -> memref<1x128xf32, #tpu.memory_space<vmem>>
      %dma_start3A_296 = tpu.memref_squeeze %dma_start3A_295 : memref<1x128xf32, #tpu.memory_space<vmem>> -> memref<128xf32, #tpu.memory_space<vmem>>
      %dma_start3A_297 = arith.constant 0 : i32
      %dma_start3A_298 = tpu.memref_slice %arg8[%add3A_293, %dma_start3A_297] : memref<160x128xi32, #tpu.memory_space<vmem>> -> memref<1x128xi32, #tpu.memory_space<vmem>>
      %dma_start3A_299 = tpu.memref_squeeze %dma_start3A_298 : memref<1x128xi32, #tpu.memory_space<vmem>> -> memref<128xi32, #tpu.memory_space<vmem>>
      %dma_start3A_300 = arith.constant 0 : i32
      %dma_start3A_301 = tpu.memref_slice %arg17[%dma_start3A_300] : memref<10240xf32, #tpu.memory_space<vmem_shared>> -> memref<10240xf32, #tpu.memory_space<vmem_shared>>
      tpu.enqueue_indirect_dma source(%dma_start3A_296 : memref<128xf32, #tpu.memory_space<vmem>>) target(%dma_start3A_301 : memref<10240xf32, #tpu.memory_space<vmem_shared>>) offsets(%dma_start3A_299 : memref<128xi32, #tpu.memory_space<vmem>>) semaphore(%arg18 : memref<!tpu.dma_semaphore, #tpu.memory_space<semaphore_mem>>) {add = true}
      %add3A_302 = arith.constant 12 : i32
      %add3A_303 = arith.addi %mul3A_155, %add3A_302 : i32
      %add3A_304 = arith.constant 12 : i32
      %add3A_305 = arith.addi %mul3A_155, %add3A_304 : i32
      %dma_start3A_306 = arith.constant 0 : i32
      %dma_start3A_307 = tpu.memref_slice %arg9[%add3A_303, %dma_start3A_306] : memref<160x128xf32, #tpu.memory_space<vmem>> -> memref<1x128xf32, #tpu.memory_space<vmem>>
      %dma_start3A_308 = tpu.memref_squeeze %dma_start3A_307 : memref<1x128xf32, #tpu.memory_space<vmem>> -> memref<128xf32, #tpu.memory_space<vmem>>
      %dma_start3A_309 = arith.constant 0 : i32
      %dma_start3A_310 = tpu.memref_slice %arg8[%add3A_305, %dma_start3A_309] : memref<160x128xi32, #tpu.memory_space<vmem>> -> memref<1x128xi32, #tpu.memory_space<vmem>>
      %dma_start3A_311 = tpu.memref_squeeze %dma_start3A_310 : memref<1x128xi32, #tpu.memory_space<vmem>> -> memref<128xi32, #tpu.memory_space<vmem>>
      %dma_start3A_312 = arith.constant 0 : i32
      %dma_start3A_313 = tpu.memref_slice %arg17[%dma_start3A_312] : memref<10240xf32, #tpu.memory_space<vmem_shared>> -> memref<10240xf32, #tpu.memory_space<vmem_shared>>
      tpu.enqueue_indirect_dma source(%dma_start3A_308 : memref<128xf32, #tpu.memory_space<vmem>>) target(%dma_start3A_313 : memref<10240xf32, #tpu.memory_space<vmem_shared>>) offsets(%dma_start3A_311 : memref<128xi32, #tpu.memory_space<vmem>>) semaphore(%arg18 : memref<!tpu.dma_semaphore, #tpu.memory_space<semaphore_mem>>) {add = true}
      %add3A_314 = arith.constant 13 : i32
      %add3A_315 = arith.addi %mul3A_155, %add3A_314 : i32
      %add3A_316 = arith.constant 13 : i32
      %add3A_317 = arith.addi %mul3A_155, %add3A_316 : i32
      %dma_start3A_318 = arith.constant 0 : i32
      %dma_start3A_319 = tpu.memref_slice %arg9[%add3A_315, %dma_start3A_318] : memref<160x128xf32, #tpu.memory_space<vmem>> -> memref<1x128xf32, #tpu.memory_space<vmem>>
      %dma_start3A_320 = tpu.memref_squeeze %dma_start3A_319 : memref<1x128xf32, #tpu.memory_space<vmem>> -> memref<128xf32, #tpu.memory_space<vmem>>
      %dma_start3A_321 = arith.constant 0 : i32
      %dma_start3A_322 = tpu.memref_slice %arg8[%add3A_317, %dma_start3A_321] : memref<160x128xi32, #tpu.memory_space<vmem>> -> memref<1x128xi32, #tpu.memory_space<vmem>>
      %dma_start3A_323 = tpu.memref_squeeze %dma_start3A_322 : memref<1x128xi32, #tpu.memory_space<vmem>> -> memref<128xi32, #tpu.memory_space<vmem>>
      %dma_start3A_324 = arith.constant 0 : i32
      %dma_start3A_325 = tpu.memref_slice %arg17[%dma_start3A_324] : memref<10240xf32, #tpu.memory_space<vmem_shared>> -> memref<10240xf32, #tpu.memory_space<vmem_shared>>
      tpu.enqueue_indirect_dma source(%dma_start3A_320 : memref<128xf32, #tpu.memory_space<vmem>>) target(%dma_start3A_325 : memref<10240xf32, #tpu.memory_space<vmem_shared>>) offsets(%dma_start3A_323 : memref<128xi32, #tpu.memory_space<vmem>>) semaphore(%arg18 : memref<!tpu.dma_semaphore, #tpu.memory_space<semaphore_mem>>) {add = true}
      %add3A_326 = arith.constant 14 : i32
      %add3A_327 = arith.addi %mul3A_155, %add3A_326 : i32
      %add3A_328 = arith.constant 14 : i32
      %add3A_329 = arith.addi %mul3A_155, %add3A_328 : i32
      %dma_start3A_330 = arith.constant 0 : i32
      %dma_start3A_331 = tpu.memref_slice %arg9[%add3A_327, %dma_start3A_330] : memref<160x128xf32, #tpu.memory_space<vmem>> -> memref<1x128xf32, #tpu.memory_space<vmem>>
      %dma_start3A_332 = tpu.memref_squeeze %dma_start3A_331 : memref<1x128xf32, #tpu.memory_space<vmem>> -> memref<128xf32, #tpu.memory_space<vmem>>
      %dma_start3A_333 = arith.constant 0 : i32
      %dma_start3A_334 = tpu.memref_slice %arg8[%add3A_329, %dma_start3A_333] : memref<160x128xi32, #tpu.memory_space<vmem>> -> memref<1x128xi32, #tpu.memory_space<vmem>>
      %dma_start3A_335 = tpu.memref_squeeze %dma_start3A_334 : memref<1x128xi32, #tpu.memory_space<vmem>> -> memref<128xi32, #tpu.memory_space<vmem>>
      %dma_start3A_336 = arith.constant 0 : i32
      %dma_start3A_337 = tpu.memref_slice %arg17[%dma_start3A_336] : memref<10240xf32, #tpu.memory_space<vmem_shared>> -> memref<10240xf32, #tpu.memory_space<vmem_shared>>
      tpu.enqueue_indirect_dma source(%dma_start3A_332 : memref<128xf32, #tpu.memory_space<vmem>>) target(%dma_start3A_337 : memref<10240xf32, #tpu.memory_space<vmem_shared>>) offsets(%dma_start3A_335 : memref<128xi32, #tpu.memory_space<vmem>>) semaphore(%arg18 : memref<!tpu.dma_semaphore, #tpu.memory_space<semaphore_mem>>) {add = true}
      %add3A_338 = arith.constant 15 : i32
      %add3A_339 = arith.addi %mul3A_155, %add3A_338 : i32
      %add3A_340 = arith.constant 15 : i32
      %add3A_341 = arith.addi %mul3A_155, %add3A_340 : i32
      %dma_start3A_342 = arith.constant 0 : i32
      %dma_start3A_343 = tpu.memref_slice %arg9[%add3A_339, %dma_start3A_342] : memref<160x128xf32, #tpu.memory_space<vmem>> -> memref<1x128xf32, #tpu.memory_space<vmem>>
      %dma_start3A_344 = tpu.memref_squeeze %dma_start3A_343 : memref<1x128xf32, #tpu.memory_space<vmem>> -> memref<128xf32, #tpu.memory_space<vmem>>
      %dma_start3A_345 = arith.constant 0 : i32
      %dma_start3A_346 = tpu.memref_slice %arg8[%add3A_341, %dma_start3A_345] : memref<160x128xi32, #tpu.memory_space<vmem>> -> memref<1x128xi32, #tpu.memory_space<vmem>>
      %dma_start3A_347 = tpu.memref_squeeze %dma_start3A_346 : memref<1x128xi32, #tpu.memory_space<vmem>> -> memref<128xi32, #tpu.memory_space<vmem>>
      %dma_start3A_348 = arith.constant 0 : i32
      %dma_start3A_349 = tpu.memref_slice %arg17[%dma_start3A_348] : memref<10240xf32, #tpu.memory_space<vmem_shared>> -> memref<10240xf32, #tpu.memory_space<vmem_shared>>
      tpu.enqueue_indirect_dma source(%dma_start3A_344 : memref<128xf32, #tpu.memory_space<vmem>>) target(%dma_start3A_349 : memref<10240xf32, #tpu.memory_space<vmem_shared>>) offsets(%dma_start3A_347 : memref<128xi32, #tpu.memory_space<vmem>>) semaphore(%arg18 : memref<!tpu.dma_semaphore, #tpu.memory_space<semaphore_mem>>) {add = true}
      %scan3A_350 = arith.constant 0 : i32
      scf.yield %scan3A_350 : i32
    }
    %scan3A_111 = arith.constant 10 : i32
    %scan3A_112 = arith.constant 0 : i32
    %scan3A_113 = arith.constant 0 : i32
    %scan3A_114 = arith.constant 10 : i32
    %scan3A_115 = arith.addi %scan3A_113, %scan3A_114 : i32
    %scan3A_116 = arith.constant 1 : i32
    %scan3A_117 = scf.for %scan3A_152 = %scan3A_113 to %scan3A_115 step %scan3A_116 iter_args(%scan3A_153 = %scan3A_112) -> (i32)  : i32 {
      %mul3A_154 = arith.constant 16 : i32
      %mul3A_155 = arith.muli %scan3A_152, %mul3A_154 : i32
      %add3A = arith.constant 0 : i32
      %add3A_156 = arith.addi %mul3A_155, %add3A : i32
      %add3A_157 = arith.constant 0 : i32
      %add3A_158 = arith.addi %mul3A_155, %add3A_157 : i32
      %dma_wait3A_159 = arith.constant 0 : i32
      %dma_wait3A_160 = tpu.memref_slice %arg9[%add3A_156, %dma_wait3A_159] : memref<160x128xf32, #tpu.memory_space<vmem>> -> memref<1x128xf32, #tpu.memory_space<vmem>>
      %dma_wait3A_161 = tpu.memref_squeeze %dma_wait3A_160 : memref<1x128xf32, #tpu.memory_space<vmem>> -> memref<128xf32, #tpu.memory_space<vmem>>
      %dma_wait3A_162 = arith.constant 0 : i32
      %dma_wait3A_163 = tpu.memref_slice %arg8[%add3A_158, %dma_wait3A_162] : memref<160x128xi32, #tpu.memory_space<vmem>> -> memref<1x128xi32, #tpu.memory_space<vmem>>
      %dma_wait3A_164 = tpu.memref_squeeze %dma_wait3A_163 : memref<1x128xi32, #tpu.memory_space<vmem>> -> memref<128xi32, #tpu.memory_space<vmem>>
      %dma_wait3A_165 = arith.constant 0 : i32
      %dma_wait3A_166 = tpu.memref_slice %arg17[%dma_wait3A_165] : memref<10240xf32, #tpu.memory_space<vmem_shared>> -> memref<10240xf32, #tpu.memory_space<vmem_shared>>
      tpu.wait_indirect_dma semaphore(%arg18 : memref<!tpu.dma_semaphore, #tpu.memory_space<semaphore_mem>>) src(%dma_wait3A_161 : memref<128xf32, #tpu.memory_space<vmem>>) dst(%dma_wait3A_166 : memref<10240xf32, #tpu.memory_space<vmem_shared>>)
      %add3A_167 = arith.constant 1 : i32
      %add3A_168 = arith.addi %mul3A_155, %add3A_167 : i32
      %add3A_169 = arith.constant 1 : i32
      %add3A_170 = arith.addi %mul3A_155, %add3A_169 : i32
      %dma_wait3A_171 = arith.constant 0 : i32
      %dma_wait3A_172 = tpu.memref_slice %arg9[%add3A_168, %dma_wait3A_171] : memref<160x128xf32, #tpu.memory_space<vmem>> -> memref<1x128xf32, #tpu.memory_space<vmem>>
      %dma_wait3A_173 = tpu.memref_squeeze %dma_wait3A_172 : memref<1x128xf32, #tpu.memory_space<vmem>> -> memref<128xf32, #tpu.memory_space<vmem>>
      %dma_wait3A_174 = arith.constant 0 : i32
      %dma_wait3A_175 = tpu.memref_slice %arg8[%add3A_170, %dma_wait3A_174] : memref<160x128xi32, #tpu.memory_space<vmem>> -> memref<1x128xi32, #tpu.memory_space<vmem>>
      %dma_wait3A_176 = tpu.memref_squeeze %dma_wait3A_175 : memref<1x128xi32, #tpu.memory_space<vmem>> -> memref<128xi32, #tpu.memory_space<vmem>>
      %dma_wait3A_177 = arith.constant 0 : i32
      %dma_wait3A_178 = tpu.memref_slice %arg17[%dma_wait3A_177] : memref<10240xf32, #tpu.memory_space<vmem_shared>> -> memref<10240xf32, #tpu.memory_space<vmem_shared>>
      tpu.wait_indirect_dma semaphore(%arg18 : memref<!tpu.dma_semaphore, #tpu.memory_space<semaphore_mem>>) src(%dma_wait3A_173 : memref<128xf32, #tpu.memory_space<vmem>>) dst(%dma_wait3A_178 : memref<10240xf32, #tpu.memory_space<vmem_shared>>)
      %add3A_179 = arith.constant 2 : i32
      %add3A_180 = arith.addi %mul3A_155, %add3A_179 : i32
      %add3A_181 = arith.constant 2 : i32
      %add3A_182 = arith.addi %mul3A_155, %add3A_181 : i32
      %dma_wait3A_183 = arith.constant 0 : i32
      %dma_wait3A_184 = tpu.memref_slice %arg9[%add3A_180, %dma_wait3A_183] : memref<160x128xf32, #tpu.memory_space<vmem>> -> memref<1x128xf32, #tpu.memory_space<vmem>>
      %dma_wait3A_185 = tpu.memref_squeeze %dma_wait3A_184 : memref<1x128xf32, #tpu.memory_space<vmem>> -> memref<128xf32, #tpu.memory_space<vmem>>
      %dma_wait3A_186 = arith.constant 0 : i32
      %dma_wait3A_187 = tpu.memref_slice %arg8[%add3A_182, %dma_wait3A_186] : memref<160x128xi32, #tpu.memory_space<vmem>> -> memref<1x128xi32, #tpu.memory_space<vmem>>
      %dma_wait3A_188 = tpu.memref_squeeze %dma_wait3A_187 : memref<1x128xi32, #tpu.memory_space<vmem>> -> memref<128xi32, #tpu.memory_space<vmem>>
      %dma_wait3A_189 = arith.constant 0 : i32
      %dma_wait3A_190 = tpu.memref_slice %arg17[%dma_wait3A_189] : memref<10240xf32, #tpu.memory_space<vmem_shared>> -> memref<10240xf32, #tpu.memory_space<vmem_shared>>
      tpu.wait_indirect_dma semaphore(%arg18 : memref<!tpu.dma_semaphore, #tpu.memory_space<semaphore_mem>>) src(%dma_wait3A_185 : memref<128xf32, #tpu.memory_space<vmem>>) dst(%dma_wait3A_190 : memref<10240xf32, #tpu.memory_space<vmem_shared>>)
      %add3A_191 = arith.constant 3 : i32
      %add3A_192 = arith.addi %mul3A_155, %add3A_191 : i32
      %add3A_193 = arith.constant 3 : i32
      %add3A_194 = arith.addi %mul3A_155, %add3A_193 : i32
      %dma_wait3A_195 = arith.constant 0 : i32
      %dma_wait3A_196 = tpu.memref_slice %arg9[%add3A_192, %dma_wait3A_195] : memref<160x128xf32, #tpu.memory_space<vmem>> -> memref<1x128xf32, #tpu.memory_space<vmem>>
      %dma_wait3A_197 = tpu.memref_squeeze %dma_wait3A_196 : memref<1x128xf32, #tpu.memory_space<vmem>> -> memref<128xf32, #tpu.memory_space<vmem>>
      %dma_wait3A_198 = arith.constant 0 : i32
      %dma_wait3A_199 = tpu.memref_slice %arg8[%add3A_194, %dma_wait3A_198] : memref<160x128xi32, #tpu.memory_space<vmem>> -> memref<1x128xi32, #tpu.memory_space<vmem>>
      %dma_wait3A_200 = tpu.memref_squeeze %dma_wait3A_199 : memref<1x128xi32, #tpu.memory_space<vmem>> -> memref<128xi32, #tpu.memory_space<vmem>>
      %dma_wait3A_201 = arith.constant 0 : i32
      %dma_wait3A_202 = tpu.memref_slice %arg17[%dma_wait3A_201] : memref<10240xf32, #tpu.memory_space<vmem_shared>> -> memref<10240xf32, #tpu.memory_space<vmem_shared>>
      tpu.wait_indirect_dma semaphore(%arg18 : memref<!tpu.dma_semaphore, #tpu.memory_space<semaphore_mem>>) src(%dma_wait3A_197 : memref<128xf32, #tpu.memory_space<vmem>>) dst(%dma_wait3A_202 : memref<10240xf32, #tpu.memory_space<vmem_shared>>)
      %add3A_203 = arith.constant 4 : i32
      %add3A_204 = arith.addi %mul3A_155, %add3A_203 : i32
      %add3A_205 = arith.constant 4 : i32
      %add3A_206 = arith.addi %mul3A_155, %add3A_205 : i32
      %dma_wait3A_207 = arith.constant 0 : i32
      %dma_wait3A_208 = tpu.memref_slice %arg9[%add3A_204, %dma_wait3A_207] : memref<160x128xf32, #tpu.memory_space<vmem>> -> memref<1x128xf32, #tpu.memory_space<vmem>>
      %dma_wait3A_209 = tpu.memref_squeeze %dma_wait3A_208 : memref<1x128xf32, #tpu.memory_space<vmem>> -> memref<128xf32, #tpu.memory_space<vmem>>
      %dma_wait3A_210 = arith.constant 0 : i32
      %dma_wait3A_211 = tpu.memref_slice %arg8[%add3A_206, %dma_wait3A_210] : memref<160x128xi32, #tpu.memory_space<vmem>> -> memref<1x128xi32, #tpu.memory_space<vmem>>
      %dma_wait3A_212 = tpu.memref_squeeze %dma_wait3A_211 : memref<1x128xi32, #tpu.memory_space<vmem>> -> memref<128xi32, #tpu.memory_space<vmem>>
      %dma_wait3A_213 = arith.constant 0 : i32
      %dma_wait3A_214 = tpu.memref_slice %arg17[%dma_wait3A_213] : memref<10240xf32, #tpu.memory_space<vmem_shared>> -> memref<10240xf32, #tpu.memory_space<vmem_shared>>
      tpu.wait_indirect_dma semaphore(%arg18 : memref<!tpu.dma_semaphore, #tpu.memory_space<semaphore_mem>>) src(%dma_wait3A_209 : memref<128xf32, #tpu.memory_space<vmem>>) dst(%dma_wait3A_214 : memref<10240xf32, #tpu.memory_space<vmem_shared>>)
      %add3A_215 = arith.constant 5 : i32
      %add3A_216 = arith.addi %mul3A_155, %add3A_215 : i32
      %add3A_217 = arith.constant 5 : i32
      %add3A_218 = arith.addi %mul3A_155, %add3A_217 : i32
      %dma_wait3A_219 = arith.constant 0 : i32
      %dma_wait3A_220 = tpu.memref_slice %arg9[%add3A_216, %dma_wait3A_219] : memref<160x128xf32, #tpu.memory_space<vmem>> -> memref<1x128xf32, #tpu.memory_space<vmem>>
      %dma_wait3A_221 = tpu.memref_squeeze %dma_wait3A_220 : memref<1x128xf32, #tpu.memory_space<vmem>> -> memref<128xf32, #tpu.memory_space<vmem>>
      %dma_wait3A_222 = arith.constant 0 : i32
      %dma_wait3A_223 = tpu.memref_slice %arg8[%add3A_218, %dma_wait3A_222] : memref<160x128xi32, #tpu.memory_space<vmem>> -> memref<1x128xi32, #tpu.memory_space<vmem>>
      %dma_wait3A_224 = tpu.memref_squeeze %dma_wait3A_223 : memref<1x128xi32, #tpu.memory_space<vmem>> -> memref<128xi32, #tpu.memory_space<vmem>>
      %dma_wait3A_225 = arith.constant 0 : i32
      %dma_wait3A_226 = tpu.memref_slice %arg17[%dma_wait3A_225] : memref<10240xf32, #tpu.memory_space<vmem_shared>> -> memref<10240xf32, #tpu.memory_space<vmem_shared>>
      tpu.wait_indirect_dma semaphore(%arg18 : memref<!tpu.dma_semaphore, #tpu.memory_space<semaphore_mem>>) src(%dma_wait3A_221 : memref<128xf32, #tpu.memory_space<vmem>>) dst(%dma_wait3A_226 : memref<10240xf32, #tpu.memory_space<vmem_shared>>)
      %add3A_227 = arith.constant 6 : i32
      %add3A_228 = arith.addi %mul3A_155, %add3A_227 : i32
      %add3A_229 = arith.constant 6 : i32
      %add3A_230 = arith.addi %mul3A_155, %add3A_229 : i32
      %dma_wait3A_231 = arith.constant 0 : i32
      %dma_wait3A_232 = tpu.memref_slice %arg9[%add3A_228, %dma_wait3A_231] : memref<160x128xf32, #tpu.memory_space<vmem>> -> memref<1x128xf32, #tpu.memory_space<vmem>>
      %dma_wait3A_233 = tpu.memref_squeeze %dma_wait3A_232 : memref<1x128xf32, #tpu.memory_space<vmem>> -> memref<128xf32, #tpu.memory_space<vmem>>
      %dma_wait3A_234 = arith.constant 0 : i32
      %dma_wait3A_235 = tpu.memref_slice %arg8[%add3A_230, %dma_wait3A_234] : memref<160x128xi32, #tpu.memory_space<vmem>> -> memref<1x128xi32, #tpu.memory_space<vmem>>
      %dma_wait3A_236 = tpu.memref_squeeze %dma_wait3A_235 : memref<1x128xi32, #tpu.memory_space<vmem>> -> memref<128xi32, #tpu.memory_space<vmem>>
      %dma_wait3A_237 = arith.constant 0 : i32
      %dma_wait3A_238 = tpu.memref_slice %arg17[%dma_wait3A_237] : memref<10240xf32, #tpu.memory_space<vmem_shared>> -> memref<10240xf32, #tpu.memory_space<vmem_shared>>
      tpu.wait_indirect_dma semaphore(%arg18 : memref<!tpu.dma_semaphore, #tpu.memory_space<semaphore_mem>>) src(%dma_wait3A_233 : memref<128xf32, #tpu.memory_space<vmem>>) dst(%dma_wait3A_238 : memref<10240xf32, #tpu.memory_space<vmem_shared>>)
      %add3A_239 = arith.constant 7 : i32
      %add3A_240 = arith.addi %mul3A_155, %add3A_239 : i32
      %add3A_241 = arith.constant 7 : i32
      %add3A_242 = arith.addi %mul3A_155, %add3A_241 : i32
      %dma_wait3A_243 = arith.constant 0 : i32
      %dma_wait3A_244 = tpu.memref_slice %arg9[%add3A_240, %dma_wait3A_243] : memref<160x128xf32, #tpu.memory_space<vmem>> -> memref<1x128xf32, #tpu.memory_space<vmem>>
      %dma_wait3A_245 = tpu.memref_squeeze %dma_wait3A_244 : memref<1x128xf32, #tpu.memory_space<vmem>> -> memref<128xf32, #tpu.memory_space<vmem>>
      %dma_wait3A_246 = arith.constant 0 : i32
      %dma_wait3A_247 = tpu.memref_slice %arg8[%add3A_242, %dma_wait3A_246] : memref<160x128xi32, #tpu.memory_space<vmem>> -> memref<1x128xi32, #tpu.memory_space<vmem>>
      %dma_wait3A_248 = tpu.memref_squeeze %dma_wait3A_247 : memref<1x128xi32, #tpu.memory_space<vmem>> -> memref<128xi32, #tpu.memory_space<vmem>>
      %dma_wait3A_249 = arith.constant 0 : i32
      %dma_wait3A_250 = tpu.memref_slice %arg17[%dma_wait3A_249] : memref<10240xf32, #tpu.memory_space<vmem_shared>> -> memref<10240xf32, #tpu.memory_space<vmem_shared>>
      tpu.wait_indirect_dma semaphore(%arg18 : memref<!tpu.dma_semaphore, #tpu.memory_space<semaphore_mem>>) src(%dma_wait3A_245 : memref<128xf32, #tpu.memory_space<vmem>>) dst(%dma_wait3A_250 : memref<10240xf32, #tpu.memory_space<vmem_shared>>)
      %add3A_251 = arith.constant 8 : i32
      %add3A_252 = arith.addi %mul3A_155, %add3A_251 : i32
      %add3A_253 = arith.constant 8 : i32
      %add3A_254 = arith.addi %mul3A_155, %add3A_253 : i32
      %dma_wait3A_255 = arith.constant 0 : i32
      %dma_wait3A_256 = tpu.memref_slice %arg9[%add3A_252, %dma_wait3A_255] : memref<160x128xf32, #tpu.memory_space<vmem>> -> memref<1x128xf32, #tpu.memory_space<vmem>>
      %dma_wait3A_257 = tpu.memref_squeeze %dma_wait3A_256 : memref<1x128xf32, #tpu.memory_space<vmem>> -> memref<128xf32, #tpu.memory_space<vmem>>
      %dma_wait3A_258 = arith.constant 0 : i32
      %dma_wait3A_259 = tpu.memref_slice %arg8[%add3A_254, %dma_wait3A_258] : memref<160x128xi32, #tpu.memory_space<vmem>> -> memref<1x128xi32, #tpu.memory_space<vmem>>
      %dma_wait3A_260 = tpu.memref_squeeze %dma_wait3A_259 : memref<1x128xi32, #tpu.memory_space<vmem>> -> memref<128xi32, #tpu.memory_space<vmem>>
      %dma_wait3A_261 = arith.constant 0 : i32
      %dma_wait3A_262 = tpu.memref_slice %arg17[%dma_wait3A_261] : memref<10240xf32, #tpu.memory_space<vmem_shared>> -> memref<10240xf32, #tpu.memory_space<vmem_shared>>
      tpu.wait_indirect_dma semaphore(%arg18 : memref<!tpu.dma_semaphore, #tpu.memory_space<semaphore_mem>>) src(%dma_wait3A_257 : memref<128xf32, #tpu.memory_space<vmem>>) dst(%dma_wait3A_262 : memref<10240xf32, #tpu.memory_space<vmem_shared>>)
      %add3A_263 = arith.constant 9 : i32
      %add3A_264 = arith.addi %mul3A_155, %add3A_263 : i32
      %add3A_265 = arith.constant 9 : i32
      %add3A_266 = arith.addi %mul3A_155, %add3A_265 : i32
      %dma_wait3A_267 = arith.constant 0 : i32
      %dma_wait3A_268 = tpu.memref_slice %arg9[%add3A_264, %dma_wait3A_267] : memref<160x128xf32, #tpu.memory_space<vmem>> -> memref<1x128xf32, #tpu.memory_space<vmem>>
      %dma_wait3A_269 = tpu.memref_squeeze %dma_wait3A_268 : memref<1x128xf32, #tpu.memory_space<vmem>> -> memref<128xf32, #tpu.memory_space<vmem>>
      %dma_wait3A_270 = arith.constant 0 : i32
      %dma_wait3A_271 = tpu.memref_slice %arg8[%add3A_266, %dma_wait3A_270] : memref<160x128xi32, #tpu.memory_space<vmem>> -> memref<1x128xi32, #tpu.memory_space<vmem>>
      %dma_wait3A_272 = tpu.memref_squeeze %dma_wait3A_271 : memref<1x128xi32, #tpu.memory_space<vmem>> -> memref<128xi32, #tpu.memory_space<vmem>>
      %dma_wait3A_273 = arith.constant 0 : i32
      %dma_wait3A_274 = tpu.memref_slice %arg17[%dma_wait3A_273] : memref<10240xf32, #tpu.memory_space<vmem_shared>> -> memref<10240xf32, #tpu.memory_space<vmem_shared>>
      tpu.wait_indirect_dma semaphore(%arg18 : memref<!tpu.dma_semaphore, #tpu.memory_space<semaphore_mem>>) src(%dma_wait3A_269 : memref<128xf32, #tpu.memory_space<vmem>>) dst(%dma_wait3A_274 : memref<10240xf32, #tpu.memory_space<vmem_shared>>)
      %add3A_275 = arith.constant 10 : i32
      %add3A_276 = arith.addi %mul3A_155, %add3A_275 : i32
      %add3A_277 = arith.constant 10 : i32
      %add3A_278 = arith.addi %mul3A_155, %add3A_277 : i32
      %dma_wait3A_279 = arith.constant 0 : i32
      %dma_wait3A_280 = tpu.memref_slice %arg9[%add3A_276, %dma_wait3A_279] : memref<160x128xf32, #tpu.memory_space<vmem>> -> memref<1x128xf32, #tpu.memory_space<vmem>>
      %dma_wait3A_281 = tpu.memref_squeeze %dma_wait3A_280 : memref<1x128xf32, #tpu.memory_space<vmem>> -> memref<128xf32, #tpu.memory_space<vmem>>
      %dma_wait3A_282 = arith.constant 0 : i32
      %dma_wait3A_283 = tpu.memref_slice %arg8[%add3A_278, %dma_wait3A_282] : memref<160x128xi32, #tpu.memory_space<vmem>> -> memref<1x128xi32, #tpu.memory_space<vmem>>
      %dma_wait3A_284 = tpu.memref_squeeze %dma_wait3A_283 : memref<1x128xi32, #tpu.memory_space<vmem>> -> memref<128xi32, #tpu.memory_space<vmem>>
      %dma_wait3A_285 = arith.constant 0 : i32
      %dma_wait3A_286 = tpu.memref_slice %arg17[%dma_wait3A_285] : memref<10240xf32, #tpu.memory_space<vmem_shared>> -> memref<10240xf32, #tpu.memory_space<vmem_shared>>
      tpu.wait_indirect_dma semaphore(%arg18 : memref<!tpu.dma_semaphore, #tpu.memory_space<semaphore_mem>>) src(%dma_wait3A_281 : memref<128xf32, #tpu.memory_space<vmem>>) dst(%dma_wait3A_286 : memref<10240xf32, #tpu.memory_space<vmem_shared>>)
      %add3A_287 = arith.constant 11 : i32
      %add3A_288 = arith.addi %mul3A_155, %add3A_287 : i32
      %add3A_289 = arith.constant 11 : i32
      %add3A_290 = arith.addi %mul3A_155, %add3A_289 : i32
      %dma_wait3A_291 = arith.constant 0 : i32
      %dma_wait3A_292 = tpu.memref_slice %arg9[%add3A_288, %dma_wait3A_291] : memref<160x128xf32, #tpu.memory_space<vmem>> -> memref<1x128xf32, #tpu.memory_space<vmem>>
      %dma_wait3A_293 = tpu.memref_squeeze %dma_wait3A_292 : memref<1x128xf32, #tpu.memory_space<vmem>> -> memref<128xf32, #tpu.memory_space<vmem>>
      %dma_wait3A_294 = arith.constant 0 : i32
      %dma_wait3A_295 = tpu.memref_slice %arg8[%add3A_290, %dma_wait3A_294] : memref<160x128xi32, #tpu.memory_space<vmem>> -> memref<1x128xi32, #tpu.memory_space<vmem>>
      %dma_wait3A_296 = tpu.memref_squeeze %dma_wait3A_295 : memref<1x128xi32, #tpu.memory_space<vmem>> -> memref<128xi32, #tpu.memory_space<vmem>>
      %dma_wait3A_297 = arith.constant 0 : i32
      %dma_wait3A_298 = tpu.memref_slice %arg17[%dma_wait3A_297] : memref<10240xf32, #tpu.memory_space<vmem_shared>> -> memref<10240xf32, #tpu.memory_space<vmem_shared>>
      tpu.wait_indirect_dma semaphore(%arg18 : memref<!tpu.dma_semaphore, #tpu.memory_space<semaphore_mem>>) src(%dma_wait3A_293 : memref<128xf32, #tpu.memory_space<vmem>>) dst(%dma_wait3A_298 : memref<10240xf32, #tpu.memory_space<vmem_shared>>)
      %add3A_299 = arith.constant 12 : i32
      %add3A_300 = arith.addi %mul3A_155, %add3A_299 : i32
      %add3A_301 = arith.constant 12 : i32
      %add3A_302 = arith.addi %mul3A_155, %add3A_301 : i32
      %dma_wait3A_303 = arith.constant 0 : i32
      %dma_wait3A_304 = tpu.memref_slice %arg9[%add3A_300, %dma_wait3A_303] : memref<160x128xf32, #tpu.memory_space<vmem>> -> memref<1x128xf32, #tpu.memory_space<vmem>>
      %dma_wait3A_305 = tpu.memref_squeeze %dma_wait3A_304 : memref<1x128xf32, #tpu.memory_space<vmem>> -> memref<128xf32, #tpu.memory_space<vmem>>
      %dma_wait3A_306 = arith.constant 0 : i32
      %dma_wait3A_307 = tpu.memref_slice %arg8[%add3A_302, %dma_wait3A_306] : memref<160x128xi32, #tpu.memory_space<vmem>> -> memref<1x128xi32, #tpu.memory_space<vmem>>
      %dma_wait3A_308 = tpu.memref_squeeze %dma_wait3A_307 : memref<1x128xi32, #tpu.memory_space<vmem>> -> memref<128xi32, #tpu.memory_space<vmem>>
      %dma_wait3A_309 = arith.constant 0 : i32
      %dma_wait3A_310 = tpu.memref_slice %arg17[%dma_wait3A_309] : memref<10240xf32, #tpu.memory_space<vmem_shared>> -> memref<10240xf32, #tpu.memory_space<vmem_shared>>
      tpu.wait_indirect_dma semaphore(%arg18 : memref<!tpu.dma_semaphore, #tpu.memory_space<semaphore_mem>>) src(%dma_wait3A_305 : memref<128xf32, #tpu.memory_space<vmem>>) dst(%dma_wait3A_310 : memref<10240xf32, #tpu.memory_space<vmem_shared>>)
      %add3A_311 = arith.constant 13 : i32
      %add3A_312 = arith.addi %mul3A_155, %add3A_311 : i32
      %add3A_313 = arith.constant 13 : i32
      %add3A_314 = arith.addi %mul3A_155, %add3A_313 : i32
      %dma_wait3A_315 = arith.constant 0 : i32
      %dma_wait3A_316 = tpu.memref_slice %arg9[%add3A_312, %dma_wait3A_315] : memref<160x128xf32, #tpu.memory_space<vmem>> -> memref<1x128xf32, #tpu.memory_space<vmem>>
      %dma_wait3A_317 = tpu.memref_squeeze %dma_wait3A_316 : memref<1x128xf32, #tpu.memory_space<vmem>> -> memref<128xf32, #tpu.memory_space<vmem>>
      %dma_wait3A_318 = arith.constant 0 : i32
      %dma_wait3A_319 = tpu.memref_slice %arg8[%add3A_314, %dma_wait3A_318] : memref<160x128xi32, #tpu.memory_space<vmem>> -> memref<1x128xi32, #tpu.memory_space<vmem>>
      %dma_wait3A_320 = tpu.memref_squeeze %dma_wait3A_319 : memref<1x128xi32, #tpu.memory_space<vmem>> -> memref<128xi32, #tpu.memory_space<vmem>>
      %dma_wait3A_321 = arith.constant 0 : i32
      %dma_wait3A_322 = tpu.memref_slice %arg17[%dma_wait3A_321] : memref<10240xf32, #tpu.memory_space<vmem_shared>> -> memref<10240xf32, #tpu.memory_space<vmem_shared>>
      tpu.wait_indirect_dma semaphore(%arg18 : memref<!tpu.dma_semaphore, #tpu.memory_space<semaphore_mem>>) src(%dma_wait3A_317 : memref<128xf32, #tpu.memory_space<vmem>>) dst(%dma_wait3A_322 : memref<10240xf32, #tpu.memory_space<vmem_shared>>)
      %add3A_323 = arith.constant 14 : i32
      %add3A_324 = arith.addi %mul3A_155, %add3A_323 : i32
      %add3A_325 = arith.constant 14 : i32
      %add3A_326 = arith.addi %mul3A_155, %add3A_325 : i32
      %dma_wait3A_327 = arith.constant 0 : i32
      %dma_wait3A_328 = tpu.memref_slice %arg9[%add3A_324, %dma_wait3A_327] : memref<160x128xf32, #tpu.memory_space<vmem>> -> memref<1x128xf32, #tpu.memory_space<vmem>>
      %dma_wait3A_329 = tpu.memref_squeeze %dma_wait3A_328 : memref<1x128xf32, #tpu.memory_space<vmem>> -> memref<128xf32, #tpu.memory_space<vmem>>
      %dma_wait3A_330 = arith.constant 0 : i32
      %dma_wait3A_331 = tpu.memref_slice %arg8[%add3A_326, %dma_wait3A_330] : memref<160x128xi32, #tpu.memory_space<vmem>> -> memref<1x128xi32, #tpu.memory_space<vmem>>
      %dma_wait3A_332 = tpu.memref_squeeze %dma_wait3A_331 : memref<1x128xi32, #tpu.memory_space<vmem>> -> memref<128xi32, #tpu.memory_space<vmem>>
      %dma_wait3A_333 = arith.constant 0 : i32
      %dma_wait3A_334 = tpu.memref_slice %arg17[%dma_wait3A_333] : memref<10240xf32, #tpu.memory_space<vmem_shared>> -> memref<10240xf32, #tpu.memory_space<vmem_shared>>
      tpu.wait_indirect_dma semaphore(%arg18 : memref<!tpu.dma_semaphore, #tpu.memory_space<semaphore_mem>>) src(%dma_wait3A_329 : memref<128xf32, #tpu.memory_space<vmem>>) dst(%dma_wait3A_334 : memref<10240xf32, #tpu.memory_space<vmem_shared>>)
      %add3A_335 = arith.constant 15 : i32
      %add3A_336 = arith.addi %mul3A_155, %add3A_335 : i32
      %add3A_337 = arith.constant 15 : i32
      %add3A_338 = arith.addi %mul3A_155, %add3A_337 : i32
      %dma_wait3A_339 = arith.constant 0 : i32
      %dma_wait3A_340 = tpu.memref_slice %arg9[%add3A_336, %dma_wait3A_339] : memref<160x128xf32, #tpu.memory_space<vmem>> -> memref<1x128xf32, #tpu.memory_space<vmem>>
      %dma_wait3A_341 = tpu.memref_squeeze %dma_wait3A_340 : memref<1x128xf32, #tpu.memory_space<vmem>> -> memref<128xf32, #tpu.memory_space<vmem>>
      %dma_wait3A_342 = arith.constant 0 : i32
      %dma_wait3A_343 = tpu.memref_slice %arg8[%add3A_338, %dma_wait3A_342] : memref<160x128xi32, #tpu.memory_space<vmem>> -> memref<1x128xi32, #tpu.memory_space<vmem>>
      %dma_wait3A_344 = tpu.memref_squeeze %dma_wait3A_343 : memref<1x128xi32, #tpu.memory_space<vmem>> -> memref<128xi32, #tpu.memory_space<vmem>>
      %dma_wait3A_345 = arith.constant 0 : i32
      %dma_wait3A_346 = tpu.memref_slice %arg17[%dma_wait3A_345] : memref<10240xf32, #tpu.memory_space<vmem_shared>> -> memref<10240xf32, #tpu.memory_space<vmem_shared>>
      tpu.wait_indirect_dma semaphore(%arg18 : memref<!tpu.dma_semaphore, #tpu.memory_space<semaphore_mem>>) src(%dma_wait3A_341 : memref<128xf32, #tpu.memory_space<vmem>>) dst(%dma_wait3A_346 : memref<10240xf32, #tpu.memory_space<vmem_shared>>)
      %scan3A_347 = arith.constant 0 : i32
      scf.yield %scan3A_347 : i32
    }
    %scan3A_118 = arith.constant 10 : i32
    %barrier3A_119 = arith.constant 0 : index
    tpu.barrier barrier_id(%barrier3A_119)
    "tpu.region"() ({
      %run_scoped3A = tpu.sem_alloc : memref<!tpu.dma_semaphore, #tpu.memory_space<semaphore_mem>>
      %dma_start3A_152 = tpu.memref_slice %arg17[%mul3A_0] : memref<10240xf32, #tpu.memory_space<vmem_shared>> -> memref<640xf32, #tpu.memory_space<vmem_shared>>
      %dma_start3A_153 = tpu.memref_slice %arg17[%mul3A_0] : memref<10240xf32, #tpu.memory_space<vmem_shared>> -> memref<640xf32, #tpu.memory_space<vmem_shared>>
      tpu.enqueue_dma source(%dma_start3A_153 : memref<640xf32, #tpu.memory_space<vmem_shared>>) target(%arg14 : memref<640xf32, #tpu.memory_space<vmem>>) target_semaphore(%run_scoped3A : memref<!tpu.dma_semaphore, #tpu.memory_space<semaphore_mem>>)
      %dma_wait3A_154 = tpu.memref_slice %arg17[%mul3A_0] : memref<10240xf32, #tpu.memory_space<vmem_shared>> -> memref<640xf32, #tpu.memory_space<vmem_shared>>
      %dma_wait3A_155 = tpu.memref_slice %arg17[%mul3A_0] : memref<10240xf32, #tpu.memory_space<vmem_shared>> -> memref<640xf32, #tpu.memory_space<vmem_shared>>
      tpu.wait_dma2 semaphore(%run_scoped3A : memref<!tpu.dma_semaphore, #tpu.memory_space<semaphore_mem>>) src(%dma_wait3A_155 : memref<640xf32, #tpu.memory_space<vmem_shared>>) dst(%arg14 : memref<640xf32, #tpu.memory_space<vmem>>)
      tpu.yield
    }) : () -> ()
    %get3A_120 = arith.constant 32 : index
    %get3A_121 = tpu.vector_load %arg16[%get3A_120] {strides = array<i32>} : memref<64xf32, #tpu.memory_space<vmem>>, vector<16xf32>,
    %get3A_122 = arith.constant 48 : index
    %get3A_123 = tpu.vector_load %arg16[%get3A_122] {strides = array<i32>} : memref<64xf32, #tpu.memory_space<vmem>>, vector<16xf32>,
    %parallel_loop3A_124 = arith.constant 0 : i32
    %parallel_loop3A_125 = arith.constant 40 : i32
    %parallel_loop3A_126 = arith.constant 1 : i32
    scf.for %parallel_loop3A_152 = %parallel_loop3A_124 to %parallel_loop3A_125 step %parallel_loop3A_126  : i32 {
      %parallel_loop3A_153 = arith.constant 16 : i32
      %parallel_loop3A_154 = arith.muli %parallel_loop3A_152, %parallel_loop3A_153 : i32
      %parallel_loop3A_155 = arith.index_cast %parallel_loop3A_154 : i32 to index
      %parallel_loop3A_156 = tpu.vector_load %arg12[%parallel_loop3A_155] {strides = array<i32>} : memref<640xf32, #tpu.memory_space<vmem>>, vector<16xf32>,
      %parallel_loop3A_157 = arith.index_cast %parallel_loop3A_154 : i32 to index
      %parallel_loop3A_158 = tpu.vector_load %arg13[%parallel_loop3A_157] {strides = array<i32>} : memref<640xf32, #tpu.memory_space<vmem>>, vector<16xf32>,
      %parallel_loop3A_159 = arith.index_cast %parallel_loop3A_154 : i32 to index
      %parallel_loop3A_160 = tpu.vector_load %arg14[%parallel_loop3A_159] {strides = array<i32>} : memref<640xf32, #tpu.memory_space<vmem>>, vector<16xf32>,
      %parallel_loop3A_161 = arith.mulf %parallel_loop3A_156, %parallel_loop3A_160 : vector<16xf32>
      %parallel_loop3A_162 = arith.mulf %parallel_loop3A_156, %parallel_loop3A_156 : vector<16xf32>
      %parallel_loop3A_163 = arith.mulf %parallel_loop3A_162, %parallel_loop3A_158 : vector<16xf32>
      %parallel_loop3A_164 = arith.addf %parallel_loop3A_161, %parallel_loop3A_163 : vector<16xf32>
      %parallel_loop3A_165 = arith.constant 8.000000e-01 : f32
      %parallel_loop3A_166 = vector.broadcast %parallel_loop3A_165 : f32 to vector<16xf32>
      %parallel_loop3A_167 = arith.mulf %parallel_loop3A_166, %parallel_loop3A_164 : vector<16xf32>
      %parallel_loop3A_168 = arith.constant 2.000000e-01 : f32
      %parallel_loop3A_169 = vector.broadcast %parallel_loop3A_168 : f32 to vector<16xf32>
      %parallel_loop3A_170 = arith.mulf %parallel_loop3A_169, %parallel_loop3A_158 : vector<16xf32>
      %parallel_loop3A_171 = arith.addf %parallel_loop3A_167, %parallel_loop3A_170 : vector<16xf32>
      %parallel_loop3A_172 = arith.mulf %parallel_loop3A_171, %get3A_121 : vector<16xf32>
      %parallel_loop3A_173 = arith.addf %parallel_loop3A_172, %get3A_123 : vector<16xf32>
      %parallel_loop3A_174 = arith.index_cast %parallel_loop3A_154 : i32 to index
      %parallel_loop3A_175 = tpu.vector_load %arg13[%parallel_loop3A_174] {strides = array<i32>} : memref<640xf32, #tpu.memory_space<vmem>>, vector<16xf32>,
      tpu.vector_store %arg13[%parallel_loop3A_174], %parallel_loop3A_173 {strides = array<i32>} : memref<640xf32, #tpu.memory_space<vmem>>, vector<16xf32>,
      %parallel_loop3A_176 = arith.mulf %parallel_loop3A_156, %parallel_loop3A_173 : vector<16xf32>
      %parallel_loop3A_177 = arith.index_cast %parallel_loop3A_154 : i32 to index
      %parallel_loop3A_178 = tpu.vector_load %arg14[%parallel_loop3A_177] {strides = array<i32>} : memref<640xf32, #tpu.memory_space<vmem>>, vector<16xf32>,
      tpu.vector_store %arg14[%parallel_loop3A_177], %parallel_loop3A_176 {strides = array<i32>} : memref<640xf32, #tpu.memory_space<vmem>>, vector<16xf32>,
    } {sc.loop_unroll_factor = 4 : i64, sc.parallel_access}
    "tpu.region"() ({
      %run_scoped3A = tpu.sem_alloc : memref<!tpu.dma_semaphore, #tpu.memory_space<semaphore_mem>>
      %dma_start3A_152 = tpu.memref_slice %arg6[%mul3A_0] : memref<10240xf32, #tpu.memory_space<hbm>> -> memref<640xf32, #tpu.memory_space<hbm>>
      %dma_start3A_153 = tpu.memref_slice %arg6[%mul3A_0] : memref<10240xf32, #tpu.memory_space<hbm>> -> memref<640xf32, #tpu.memory_space<hbm>>
      tpu.enqueue_dma source(%arg14 : memref<640xf32, #tpu.memory_space<vmem>>) target(%dma_start3A_153 : memref<640xf32, #tpu.memory_space<hbm>>) target_semaphore(%run_scoped3A : memref<!tpu.dma_semaphore, #tpu.memory_space<semaphore_mem>>)
      %dma_wait3A_154 = tpu.memref_slice %arg6[%mul3A_0] : memref<10240xf32, #tpu.memory_space<hbm>> -> memref<640xf32, #tpu.memory_space<hbm>>
      %dma_wait3A_155 = tpu.memref_slice %arg6[%mul3A_0] : memref<10240xf32, #tpu.memory_space<hbm>> -> memref<640xf32, #tpu.memory_space<hbm>>
      tpu.wait_dma2 semaphore(%run_scoped3A : memref<!tpu.dma_semaphore, #tpu.memory_space<semaphore_mem>>) src(%arg14 : memref<640xf32, #tpu.memory_space<vmem>>) dst(%dma_wait3A_155 : memref<640xf32, #tpu.memory_space<hbm>>)
      tpu.yield
    }) : () -> ()
    "tpu.region"() ({
      %run_scoped3A = tpu.sem_alloc : memref<!tpu.dma_semaphore, #tpu.memory_space<semaphore_mem>>
      %dma_start3A_152 = tpu.memref_slice %arg17[%mul3A_0] : memref<10240xf32, #tpu.memory_space<vmem_shared>> -> memref<640xf32, #tpu.memory_space<vmem_shared>>
      %dma_start3A_153 = tpu.memref_slice %arg17[%mul3A_0] : memref<10240xf32, #tpu.memory_space<vmem_shared>> -> memref<640xf32, #tpu.memory_space<vmem_shared>>
      tpu.enqueue_dma source(%arg15 : memref<640xf32, #tpu.memory_space<vmem>>) target(%dma_start3A_153 : memref<640xf32, #tpu.memory_space<vmem_shared>>) target_semaphore(%run_scoped3A : memref<!tpu.dma_semaphore, #tpu.memory_space<semaphore_mem>>)
      %dma_wait3A_154 = tpu.memref_slice %arg17[%mul3A_0] : memref<10240xf32, #tpu.memory_space<vmem_shared>> -> memref<640xf32, #tpu.memory_space<vmem_shared>>
      %dma_wait3A_155 = tpu.memref_slice %arg17[%mul3A_0] : memref<10240xf32, #tpu.memory_space<vmem_shared>> -> memref<640xf32, #tpu.memory_space<vmem_shared>>
      tpu.wait_dma2 semaphore(%run_scoped3A : memref<!tpu.dma_semaphore, #tpu.memory_space<semaphore_mem>>) src(%arg15 : memref<640xf32, #tpu.memory_space<vmem>>) dst(%dma_wait3A_155 : memref<640xf32, #tpu.memory_space<vmem_shared>>)
      tpu.yield
    }) : () -> ()
    %barrier3A_127 = arith.constant 0 : index
    tpu.barrier barrier_id(%barrier3A_127)
    "tpu.region"() ({
      %run_scoped3A = tpu.sem_alloc : memref<!tpu.dma_semaphore, #tpu.memory_space<semaphore_mem>>
      tpu.enqueue_dma source(%arg6 : memref<10240xf32, #tpu.memory_space<hbm>>) target(%arg10 : memref<10240xf32, #tpu.memory_space<vmem>>) target_semaphore(%run_scoped3A : memref<!tpu.dma_semaphore, #tpu.memory_space<semaphore_mem>>)
      tpu.wait_dma2 semaphore(%run_scoped3A : memref<!tpu.dma_semaphore, #tpu.memory_space<semaphore_mem>>) src(%arg6 : memref<10240xf32, #tpu.memory_space<hbm>>) dst(%arg10 : memref<10240xf32, #tpu.memory_space<vmem>>)
      tpu.yield
    }) : () -> ()
    %scan3A_128 = arith.constant 0 : i32
    %scan3A_129 = arith.constant 0 : i32
    %scan3A_130 = arith.constant 10 : i32
    %scan3A_131 = arith.addi %scan3A_129, %scan3A_130 : i32
    %scan3A_132 = arith.constant 1 : i32
    %scan3A_133 = scf.for %scan3A_152 = %scan3A_129 to %scan3A_131 step %scan3A_132 iter_args(%scan3A_153 = %scan3A_128) -> (i32)  : i32 {
      %mul3A_154 = arith.constant 16 : i32
      %mul3A_155 = arith.muli %scan3A_152, %mul3A_154 : i32
      %add3A = arith.constant 16 : i32
      %add3A_156 = arith.addi %mul3A_155, %add3A : i32
      %parallel_loop3A_157 = arith.constant 1 : i32
      scf.for %parallel_loop3A_351 = %mul3A_155 to %add3A_156 step %parallel_loop3A_157  : i32 {
        %parallel_loop3A_352 = arith.index_cast %parallel_loop3A_351 : i32 to index
        %parallel_loop3A_353 = arith.constant 0 : index
        %parallel_loop3A_354 = tpu.vector_load %arg7[%parallel_loop3A_352, %parallel_loop3A_353] {strides = array<i32>} : memref<160x128xi32, #tpu.memory_space<vmem>>, vector<16xi32>,
        %parallel_loop3A_355 = tpu.vector_load_idx %arg10[%parallel_loop3A_354] : memref<10240xf32, #tpu.memory_space<vmem>>[vector<16xi32>], vector<16xf32>,
        %parallel_loop3A_356 = arith.index_cast %parallel_loop3A_351 : i32 to index
        %parallel_loop3A_357 = arith.constant 0 : index
        %parallel_loop3A_358 = tpu.vector_load %arg9[%parallel_loop3A_356, %parallel_loop3A_357] {strides = array<i32>} : memref<160x128xf32, #tpu.memory_space<vmem>>, vector<16xf32>,
        tpu.vector_store %arg9[%parallel_loop3A_356, %parallel_loop3A_357], %parallel_loop3A_355 {strides = array<i32>} : memref<160x128xf32, #tpu.memory_space<vmem>>, vector<16xf32>,
        %parallel_loop3A_359 = arith.index_cast %parallel_loop3A_351 : i32 to index
        %parallel_loop3A_360 = arith.constant 16 : index
        %parallel_loop3A_361 = tpu.vector_load %arg7[%parallel_loop3A_359, %parallel_loop3A_360] {strides = array<i32>} : memref<160x128xi32, #tpu.memory_space<vmem>>, vector<16xi32>,
        %parallel_loop3A_362 = tpu.vector_load_idx %arg10[%parallel_loop3A_361] : memref<10240xf32, #tpu.memory_space<vmem>>[vector<16xi32>], vector<16xf32>,
        %parallel_loop3A_363 = arith.index_cast %parallel_loop3A_351 : i32 to index
        %parallel_loop3A_364 = arith.constant 16 : index
        %parallel_loop3A_365 = tpu.vector_load %arg9[%parallel_loop3A_363, %parallel_loop3A_364] {strides = array<i32>} : memref<160x128xf32, #tpu.memory_space<vmem>>, vector<16xf32>,
        tpu.vector_store %arg9[%parallel_loop3A_363, %parallel_loop3A_364], %parallel_loop3A_362 {strides = array<i32>} : memref<160x128xf32, #tpu.memory_space<vmem>>, vector<16xf32>,
        %parallel_loop3A_366 = arith.index_cast %parallel_loop3A_351 : i32 to index
        %parallel_loop3A_367 = arith.constant 32 : index
        %parallel_loop3A_368 = tpu.vector_load %arg7[%parallel_loop3A_366, %parallel_loop3A_367] {strides = array<i32>} : memref<160x128xi32, #tpu.memory_space<vmem>>, vector<16xi32>,
        %parallel_loop3A_369 = tpu.vector_load_idx %arg10[%parallel_loop3A_368] : memref<10240xf32, #tpu.memory_space<vmem>>[vector<16xi32>], vector<16xf32>,
        %parallel_loop3A_370 = arith.index_cast %parallel_loop3A_351 : i32 to index
        %parallel_loop3A_371 = arith.constant 32 : index
        %parallel_loop3A_372 = tpu.vector_load %arg9[%parallel_loop3A_370, %parallel_loop3A_371] {strides = array<i32>} : memref<160x128xf32, #tpu.memory_space<vmem>>, vector<16xf32>,
        tpu.vector_store %arg9[%parallel_loop3A_370, %parallel_loop3A_371], %parallel_loop3A_369 {strides = array<i32>} : memref<160x128xf32, #tpu.memory_space<vmem>>, vector<16xf32>,
        %parallel_loop3A_373 = arith.index_cast %parallel_loop3A_351 : i32 to index
        %parallel_loop3A_374 = arith.constant 48 : index
        %parallel_loop3A_375 = tpu.vector_load %arg7[%parallel_loop3A_373, %parallel_loop3A_374] {strides = array<i32>} : memref<160x128xi32, #tpu.memory_space<vmem>>, vector<16xi32>,
        %parallel_loop3A_376 = tpu.vector_load_idx %arg10[%parallel_loop3A_375] : memref<10240xf32, #tpu.memory_space<vmem>>[vector<16xi32>], vector<16xf32>,
        %parallel_loop3A_377 = arith.index_cast %parallel_loop3A_351 : i32 to index
        %parallel_loop3A_378 = arith.constant 48 : index
        %parallel_loop3A_379 = tpu.vector_load %arg9[%parallel_loop3A_377, %parallel_loop3A_378] {strides = array<i32>} : memref<160x128xf32, #tpu.memory_space<vmem>>, vector<16xf32>,
        tpu.vector_store %arg9[%parallel_loop3A_377, %parallel_loop3A_378], %parallel_loop3A_376 {strides = array<i32>} : memref<160x128xf32, #tpu.memory_space<vmem>>, vector<16xf32>,
        %parallel_loop3A_380 = arith.index_cast %parallel_loop3A_351 : i32 to index
        %parallel_loop3A_381 = arith.constant 64 : index
        %parallel_loop3A_382 = tpu.vector_load %arg7[%parallel_loop3A_380, %parallel_loop3A_381] {strides = array<i32>} : memref<160x128xi32, #tpu.memory_space<vmem>>, vector<16xi32>,
        %parallel_loop3A_383 = tpu.vector_load_idx %arg10[%parallel_loop3A_382] : memref<10240xf32, #tpu.memory_space<vmem>>[vector<16xi32>], vector<16xf32>,
        %parallel_loop3A_384 = arith.index_cast %parallel_loop3A_351 : i32 to index
        %parallel_loop3A_385 = arith.constant 64 : index
        %parallel_loop3A_386 = tpu.vector_load %arg9[%parallel_loop3A_384, %parallel_loop3A_385] {strides = array<i32>} : memref<160x128xf32, #tpu.memory_space<vmem>>, vector<16xf32>,
        tpu.vector_store %arg9[%parallel_loop3A_384, %parallel_loop3A_385], %parallel_loop3A_383 {strides = array<i32>} : memref<160x128xf32, #tpu.memory_space<vmem>>, vector<16xf32>,
        %parallel_loop3A_387 = arith.index_cast %parallel_loop3A_351 : i32 to index
        %parallel_loop3A_388 = arith.constant 80 : index
        %parallel_loop3A_389 = tpu.vector_load %arg7[%parallel_loop3A_387, %parallel_loop3A_388] {strides = array<i32>} : memref<160x128xi32, #tpu.memory_space<vmem>>, vector<16xi32>,
        %parallel_loop3A_390 = tpu.vector_load_idx %arg10[%parallel_loop3A_389] : memref<10240xf32, #tpu.memory_space<vmem>>[vector<16xi32>], vector<16xf32>,
        %parallel_loop3A_391 = arith.index_cast %parallel_loop3A_351 : i32 to index
        %parallel_loop3A_392 = arith.constant 80 : index
        %parallel_loop3A_393 = tpu.vector_load %arg9[%parallel_loop3A_391, %parallel_loop3A_392] {strides = array<i32>} : memref<160x128xf32, #tpu.memory_space<vmem>>, vector<16xf32>,
        tpu.vector_store %arg9[%parallel_loop3A_391, %parallel_loop3A_392], %parallel_loop3A_390 {strides = array<i32>} : memref<160x128xf32, #tpu.memory_space<vmem>>, vector<16xf32>,
        %parallel_loop3A_394 = arith.index_cast %parallel_loop3A_351 : i32 to index
        %parallel_loop3A_395 = arith.constant 96 : index
        %parallel_loop3A_396 = tpu.vector_load %arg7[%parallel_loop3A_394, %parallel_loop3A_395] {strides = array<i32>} : memref<160x128xi32, #tpu.memory_space<vmem>>, vector<16xi32>,
        %parallel_loop3A_397 = tpu.vector_load_idx %arg10[%parallel_loop3A_396] : memref<10240xf32, #tpu.memory_space<vmem>>[vector<16xi32>], vector<16xf32>,
        %parallel_loop3A_398 = arith.index_cast %parallel_loop3A_351 : i32 to index
        %parallel_loop3A_399 = arith.constant 96 : index
        %parallel_loop3A_400 = tpu.vector_load %arg9[%parallel_loop3A_398, %parallel_loop3A_399] {strides = array<i32>} : memref<160x128xf32, #tpu.memory_space<vmem>>, vector<16xf32>,
        tpu.vector_store %arg9[%parallel_loop3A_398, %parallel_loop3A_399], %parallel_loop3A_397 {strides = array<i32>} : memref<160x128xf32, #tpu.memory_space<vmem>>, vector<16xf32>,
        %parallel_loop3A_401 = arith.index_cast %parallel_loop3A_351 : i32 to index
        %parallel_loop3A_402 = arith.constant 112 : index
        %parallel_loop3A_403 = tpu.vector_load %arg7[%parallel_loop3A_401, %parallel_loop3A_402] {strides = array<i32>} : memref<160x128xi32, #tpu.memory_space<vmem>>, vector<16xi32>,
        %parallel_loop3A_404 = tpu.vector_load_idx %arg10[%parallel_loop3A_403] : memref<10240xf32, #tpu.memory_space<vmem>>[vector<16xi32>], vector<16xf32>,
        %parallel_loop3A_405 = arith.index_cast %parallel_loop3A_351 : i32 to index
        %parallel_loop3A_406 = arith.constant 112 : index
        %parallel_loop3A_407 = tpu.vector_load %arg9[%parallel_loop3A_405, %parallel_loop3A_406] {strides = array<i32>} : memref<160x128xf32, #tpu.memory_space<vmem>>, vector<16xf32>,
        tpu.vector_store %arg9[%parallel_loop3A_405, %parallel_loop3A_406], %parallel_loop3A_404 {strides = array<i32>} : memref<160x128xf32, #tpu.memory_space<vmem>>, vector<16xf32>,
      } {sc.loop_unroll_factor = 2 : i64, sc.parallel_access}
      %add3A_158 = arith.constant 0 : i32
      %add3A_159 = arith.addi %mul3A_155, %add3A_158 : i32
      %add3A_160 = arith.constant 0 : i32
      %add3A_161 = arith.addi %mul3A_155, %add3A_160 : i32
      %dma_start3A_162 = arith.constant 0 : i32
      %dma_start3A_163 = tpu.memref_slice %arg9[%add3A_159, %dma_start3A_162] : memref<160x128xf32, #tpu.memory_space<vmem>> -> memref<1x128xf32, #tpu.memory_space<vmem>>
      %dma_start3A_164 = tpu.memref_squeeze %dma_start3A_163 : memref<1x128xf32, #tpu.memory_space<vmem>> -> memref<128xf32, #tpu.memory_space<vmem>>
      %dma_start3A_165 = arith.constant 0 : i32
      %dma_start3A_166 = tpu.memref_slice %arg8[%add3A_161, %dma_start3A_165] : memref<160x128xi32, #tpu.memory_space<vmem>> -> memref<1x128xi32, #tpu.memory_space<vmem>>
      %dma_start3A_167 = tpu.memref_squeeze %dma_start3A_166 : memref<1x128xi32, #tpu.memory_space<vmem>> -> memref<128xi32, #tpu.memory_space<vmem>>
      %dma_start3A_168 = arith.constant 0 : i32
      %dma_start3A_169 = tpu.memref_slice %arg17[%dma_start3A_168] : memref<10240xf32, #tpu.memory_space<vmem_shared>> -> memref<10240xf32, #tpu.memory_space<vmem_shared>>
      tpu.enqueue_indirect_dma source(%dma_start3A_164 : memref<128xf32, #tpu.memory_space<vmem>>) target(%dma_start3A_169 : memref<10240xf32, #tpu.memory_space<vmem_shared>>) offsets(%dma_start3A_167 : memref<128xi32, #tpu.memory_space<vmem>>) semaphore(%arg18 : memref<!tpu.dma_semaphore, #tpu.memory_space<semaphore_mem>>) {add = true}
      %add3A_170 = arith.constant 1 : i32
      %add3A_171 = arith.addi %mul3A_155, %add3A_170 : i32
      %add3A_172 = arith.constant 1 : i32
      %add3A_173 = arith.addi %mul3A_155, %add3A_172 : i32
      %dma_start3A_174 = arith.constant 0 : i32
      %dma_start3A_175 = tpu.memref_slice %arg9[%add3A_171, %dma_start3A_174] : memref<160x128xf32, #tpu.memory_space<vmem>> -> memref<1x128xf32, #tpu.memory_space<vmem>>
      %dma_start3A_176 = tpu.memref_squeeze %dma_start3A_175 : memref<1x128xf32, #tpu.memory_space<vmem>> -> memref<128xf32, #tpu.memory_space<vmem>>
      %dma_start3A_177 = arith.constant 0 : i32
      %dma_start3A_178 = tpu.memref_slice %arg8[%add3A_173, %dma_start3A_177] : memref<160x128xi32, #tpu.memory_space<vmem>> -> memref<1x128xi32, #tpu.memory_space<vmem>>
      %dma_start3A_179 = tpu.memref_squeeze %dma_start3A_178 : memref<1x128xi32, #tpu.memory_space<vmem>> -> memref<128xi32, #tpu.memory_space<vmem>>
      %dma_start3A_180 = arith.constant 0 : i32
      %dma_start3A_181 = tpu.memref_slice %arg17[%dma_start3A_180] : memref<10240xf32, #tpu.memory_space<vmem_shared>> -> memref<10240xf32, #tpu.memory_space<vmem_shared>>
      tpu.enqueue_indirect_dma source(%dma_start3A_176 : memref<128xf32, #tpu.memory_space<vmem>>) target(%dma_start3A_181 : memref<10240xf32, #tpu.memory_space<vmem_shared>>) offsets(%dma_start3A_179 : memref<128xi32, #tpu.memory_space<vmem>>) semaphore(%arg18 : memref<!tpu.dma_semaphore, #tpu.memory_space<semaphore_mem>>) {add = true}
      %add3A_182 = arith.constant 2 : i32
      %add3A_183 = arith.addi %mul3A_155, %add3A_182 : i32
      %add3A_184 = arith.constant 2 : i32
      %add3A_185 = arith.addi %mul3A_155, %add3A_184 : i32
      %dma_start3A_186 = arith.constant 0 : i32
      %dma_start3A_187 = tpu.memref_slice %arg9[%add3A_183, %dma_start3A_186] : memref<160x128xf32, #tpu.memory_space<vmem>> -> memref<1x128xf32, #tpu.memory_space<vmem>>
      %dma_start3A_188 = tpu.memref_squeeze %dma_start3A_187 : memref<1x128xf32, #tpu.memory_space<vmem>> -> memref<128xf32, #tpu.memory_space<vmem>>
      %dma_start3A_189 = arith.constant 0 : i32
      %dma_start3A_190 = tpu.memref_slice %arg8[%add3A_185, %dma_start3A_189] : memref<160x128xi32, #tpu.memory_space<vmem>> -> memref<1x128xi32, #tpu.memory_space<vmem>>
      %dma_start3A_191 = tpu.memref_squeeze %dma_start3A_190 : memref<1x128xi32, #tpu.memory_space<vmem>> -> memref<128xi32, #tpu.memory_space<vmem>>
      %dma_start3A_192 = arith.constant 0 : i32
      %dma_start3A_193 = tpu.memref_slice %arg17[%dma_start3A_192] : memref<10240xf32, #tpu.memory_space<vmem_shared>> -> memref<10240xf32, #tpu.memory_space<vmem_shared>>
      tpu.enqueue_indirect_dma source(%dma_start3A_188 : memref<128xf32, #tpu.memory_space<vmem>>) target(%dma_start3A_193 : memref<10240xf32, #tpu.memory_space<vmem_shared>>) offsets(%dma_start3A_191 : memref<128xi32, #tpu.memory_space<vmem>>) semaphore(%arg18 : memref<!tpu.dma_semaphore, #tpu.memory_space<semaphore_mem>>) {add = true}
      %add3A_194 = arith.constant 3 : i32
      %add3A_195 = arith.addi %mul3A_155, %add3A_194 : i32
      %add3A_196 = arith.constant 3 : i32
      %add3A_197 = arith.addi %mul3A_155, %add3A_196 : i32
      %dma_start3A_198 = arith.constant 0 : i32
      %dma_start3A_199 = tpu.memref_slice %arg9[%add3A_195, %dma_start3A_198] : memref<160x128xf32, #tpu.memory_space<vmem>> -> memref<1x128xf32, #tpu.memory_space<vmem>>
      %dma_start3A_200 = tpu.memref_squeeze %dma_start3A_199 : memref<1x128xf32, #tpu.memory_space<vmem>> -> memref<128xf32, #tpu.memory_space<vmem>>
      %dma_start3A_201 = arith.constant 0 : i32
      %dma_start3A_202 = tpu.memref_slice %arg8[%add3A_197, %dma_start3A_201] : memref<160x128xi32, #tpu.memory_space<vmem>> -> memref<1x128xi32, #tpu.memory_space<vmem>>
      %dma_start3A_203 = tpu.memref_squeeze %dma_start3A_202 : memref<1x128xi32, #tpu.memory_space<vmem>> -> memref<128xi32, #tpu.memory_space<vmem>>
      %dma_start3A_204 = arith.constant 0 : i32
      %dma_start3A_205 = tpu.memref_slice %arg17[%dma_start3A_204] : memref<10240xf32, #tpu.memory_space<vmem_shared>> -> memref<10240xf32, #tpu.memory_space<vmem_shared>>
      tpu.enqueue_indirect_dma source(%dma_start3A_200 : memref<128xf32, #tpu.memory_space<vmem>>) target(%dma_start3A_205 : memref<10240xf32, #tpu.memory_space<vmem_shared>>) offsets(%dma_start3A_203 : memref<128xi32, #tpu.memory_space<vmem>>) semaphore(%arg18 : memref<!tpu.dma_semaphore, #tpu.memory_space<semaphore_mem>>) {add = true}
      %add3A_206 = arith.constant 4 : i32
      %add3A_207 = arith.addi %mul3A_155, %add3A_206 : i32
      %add3A_208 = arith.constant 4 : i32
      %add3A_209 = arith.addi %mul3A_155, %add3A_208 : i32
      %dma_start3A_210 = arith.constant 0 : i32
      %dma_start3A_211 = tpu.memref_slice %arg9[%add3A_207, %dma_start3A_210] : memref<160x128xf32, #tpu.memory_space<vmem>> -> memref<1x128xf32, #tpu.memory_space<vmem>>
      %dma_start3A_212 = tpu.memref_squeeze %dma_start3A_211 : memref<1x128xf32, #tpu.memory_space<vmem>> -> memref<128xf32, #tpu.memory_space<vmem>>
      %dma_start3A_213 = arith.constant 0 : i32
      %dma_start3A_214 = tpu.memref_slice %arg8[%add3A_209, %dma_start3A_213] : memref<160x128xi32, #tpu.memory_space<vmem>> -> memref<1x128xi32, #tpu.memory_space<vmem>>
      %dma_start3A_215 = tpu.memref_squeeze %dma_start3A_214 : memref<1x128xi32, #tpu.memory_space<vmem>> -> memref<128xi32, #tpu.memory_space<vmem>>
      %dma_start3A_216 = arith.constant 0 : i32
      %dma_start3A_217 = tpu.memref_slice %arg17[%dma_start3A_216] : memref<10240xf32, #tpu.memory_space<vmem_shared>> -> memref<10240xf32, #tpu.memory_space<vmem_shared>>
      tpu.enqueue_indirect_dma source(%dma_start3A_212 : memref<128xf32, #tpu.memory_space<vmem>>) target(%dma_start3A_217 : memref<10240xf32, #tpu.memory_space<vmem_shared>>) offsets(%dma_start3A_215 : memref<128xi32, #tpu.memory_space<vmem>>) semaphore(%arg18 : memref<!tpu.dma_semaphore, #tpu.memory_space<semaphore_mem>>) {add = true}
      %add3A_218 = arith.constant 5 : i32
      %add3A_219 = arith.addi %mul3A_155, %add3A_218 : i32
      %add3A_220 = arith.constant 5 : i32
      %add3A_221 = arith.addi %mul3A_155, %add3A_220 : i32
      %dma_start3A_222 = arith.constant 0 : i32
      %dma_start3A_223 = tpu.memref_slice %arg9[%add3A_219, %dma_start3A_222] : memref<160x128xf32, #tpu.memory_space<vmem>> -> memref<1x128xf32, #tpu.memory_space<vmem>>
      %dma_start3A_224 = tpu.memref_squeeze %dma_start3A_223 : memref<1x128xf32, #tpu.memory_space<vmem>> -> memref<128xf32, #tpu.memory_space<vmem>>
      %dma_start3A_225 = arith.constant 0 : i32
      %dma_start3A_226 = tpu.memref_slice %arg8[%add3A_221, %dma_start3A_225] : memref<160x128xi32, #tpu.memory_space<vmem>> -> memref<1x128xi32, #tpu.memory_space<vmem>>
      %dma_start3A_227 = tpu.memref_squeeze %dma_start3A_226 : memref<1x128xi32, #tpu.memory_space<vmem>> -> memref<128xi32, #tpu.memory_space<vmem>>
      %dma_start3A_228 = arith.constant 0 : i32
      %dma_start3A_229 = tpu.memref_slice %arg17[%dma_start3A_228] : memref<10240xf32, #tpu.memory_space<vmem_shared>> -> memref<10240xf32, #tpu.memory_space<vmem_shared>>
      tpu.enqueue_indirect_dma source(%dma_start3A_224 : memref<128xf32, #tpu.memory_space<vmem>>) target(%dma_start3A_229 : memref<10240xf32, #tpu.memory_space<vmem_shared>>) offsets(%dma_start3A_227 : memref<128xi32, #tpu.memory_space<vmem>>) semaphore(%arg18 : memref<!tpu.dma_semaphore, #tpu.memory_space<semaphore_mem>>) {add = true}
      %add3A_230 = arith.constant 6 : i32
      %add3A_231 = arith.addi %mul3A_155, %add3A_230 : i32
      %add3A_232 = arith.constant 6 : i32
      %add3A_233 = arith.addi %mul3A_155, %add3A_232 : i32
      %dma_start3A_234 = arith.constant 0 : i32
      %dma_start3A_235 = tpu.memref_slice %arg9[%add3A_231, %dma_start3A_234] : memref<160x128xf32, #tpu.memory_space<vmem>> -> memref<1x128xf32, #tpu.memory_space<vmem>>
      %dma_start3A_236 = tpu.memref_squeeze %dma_start3A_235 : memref<1x128xf32, #tpu.memory_space<vmem>> -> memref<128xf32, #tpu.memory_space<vmem>>
      %dma_start3A_237 = arith.constant 0 : i32
      %dma_start3A_238 = tpu.memref_slice %arg8[%add3A_233, %dma_start3A_237] : memref<160x128xi32, #tpu.memory_space<vmem>> -> memref<1x128xi32, #tpu.memory_space<vmem>>
      %dma_start3A_239 = tpu.memref_squeeze %dma_start3A_238 : memref<1x128xi32, #tpu.memory_space<vmem>> -> memref<128xi32, #tpu.memory_space<vmem>>
      %dma_start3A_240 = arith.constant 0 : i32
      %dma_start3A_241 = tpu.memref_slice %arg17[%dma_start3A_240] : memref<10240xf32, #tpu.memory_space<vmem_shared>> -> memref<10240xf32, #tpu.memory_space<vmem_shared>>
      tpu.enqueue_indirect_dma source(%dma_start3A_236 : memref<128xf32, #tpu.memory_space<vmem>>) target(%dma_start3A_241 : memref<10240xf32, #tpu.memory_space<vmem_shared>>) offsets(%dma_start3A_239 : memref<128xi32, #tpu.memory_space<vmem>>) semaphore(%arg18 : memref<!tpu.dma_semaphore, #tpu.memory_space<semaphore_mem>>) {add = true}
      %add3A_242 = arith.constant 7 : i32
      %add3A_243 = arith.addi %mul3A_155, %add3A_242 : i32
      %add3A_244 = arith.constant 7 : i32
      %add3A_245 = arith.addi %mul3A_155, %add3A_244 : i32
      %dma_start3A_246 = arith.constant 0 : i32
      %dma_start3A_247 = tpu.memref_slice %arg9[%add3A_243, %dma_start3A_246] : memref<160x128xf32, #tpu.memory_space<vmem>> -> memref<1x128xf32, #tpu.memory_space<vmem>>
      %dma_start3A_248 = tpu.memref_squeeze %dma_start3A_247 : memref<1x128xf32, #tpu.memory_space<vmem>> -> memref<128xf32, #tpu.memory_space<vmem>>
      %dma_start3A_249 = arith.constant 0 : i32
      %dma_start3A_250 = tpu.memref_slice %arg8[%add3A_245, %dma_start3A_249] : memref<160x128xi32, #tpu.memory_space<vmem>> -> memref<1x128xi32, #tpu.memory_space<vmem>>
      %dma_start3A_251 = tpu.memref_squeeze %dma_start3A_250 : memref<1x128xi32, #tpu.memory_space<vmem>> -> memref<128xi32, #tpu.memory_space<vmem>>
      %dma_start3A_252 = arith.constant 0 : i32
      %dma_start3A_253 = tpu.memref_slice %arg17[%dma_start3A_252] : memref<10240xf32, #tpu.memory_space<vmem_shared>> -> memref<10240xf32, #tpu.memory_space<vmem_shared>>
      tpu.enqueue_indirect_dma source(%dma_start3A_248 : memref<128xf32, #tpu.memory_space<vmem>>) target(%dma_start3A_253 : memref<10240xf32, #tpu.memory_space<vmem_shared>>) offsets(%dma_start3A_251 : memref<128xi32, #tpu.memory_space<vmem>>) semaphore(%arg18 : memref<!tpu.dma_semaphore, #tpu.memory_space<semaphore_mem>>) {add = true}
      %add3A_254 = arith.constant 8 : i32
      %add3A_255 = arith.addi %mul3A_155, %add3A_254 : i32
      %add3A_256 = arith.constant 8 : i32
      %add3A_257 = arith.addi %mul3A_155, %add3A_256 : i32
      %dma_start3A_258 = arith.constant 0 : i32
      %dma_start3A_259 = tpu.memref_slice %arg9[%add3A_255, %dma_start3A_258] : memref<160x128xf32, #tpu.memory_space<vmem>> -> memref<1x128xf32, #tpu.memory_space<vmem>>
      %dma_start3A_260 = tpu.memref_squeeze %dma_start3A_259 : memref<1x128xf32, #tpu.memory_space<vmem>> -> memref<128xf32, #tpu.memory_space<vmem>>
      %dma_start3A_261 = arith.constant 0 : i32
      %dma_start3A_262 = tpu.memref_slice %arg8[%add3A_257, %dma_start3A_261] : memref<160x128xi32, #tpu.memory_space<vmem>> -> memref<1x128xi32, #tpu.memory_space<vmem>>
      %dma_start3A_263 = tpu.memref_squeeze %dma_start3A_262 : memref<1x128xi32, #tpu.memory_space<vmem>> -> memref<128xi32, #tpu.memory_space<vmem>>
      %dma_start3A_264 = arith.constant 0 : i32
      %dma_start3A_265 = tpu.memref_slice %arg17[%dma_start3A_264] : memref<10240xf32, #tpu.memory_space<vmem_shared>> -> memref<10240xf32, #tpu.memory_space<vmem_shared>>
      tpu.enqueue_indirect_dma source(%dma_start3A_260 : memref<128xf32, #tpu.memory_space<vmem>>) target(%dma_start3A_265 : memref<10240xf32, #tpu.memory_space<vmem_shared>>) offsets(%dma_start3A_263 : memref<128xi32, #tpu.memory_space<vmem>>) semaphore(%arg18 : memref<!tpu.dma_semaphore, #tpu.memory_space<semaphore_mem>>) {add = true}
      %add3A_266 = arith.constant 9 : i32
      %add3A_267 = arith.addi %mul3A_155, %add3A_266 : i32
      %add3A_268 = arith.constant 9 : i32
      %add3A_269 = arith.addi %mul3A_155, %add3A_268 : i32
      %dma_start3A_270 = arith.constant 0 : i32
      %dma_start3A_271 = tpu.memref_slice %arg9[%add3A_267, %dma_start3A_270] : memref<160x128xf32, #tpu.memory_space<vmem>> -> memref<1x128xf32, #tpu.memory_space<vmem>>
      %dma_start3A_272 = tpu.memref_squeeze %dma_start3A_271 : memref<1x128xf32, #tpu.memory_space<vmem>> -> memref<128xf32, #tpu.memory_space<vmem>>
      %dma_start3A_273 = arith.constant 0 : i32
      %dma_start3A_274 = tpu.memref_slice %arg8[%add3A_269, %dma_start3A_273] : memref<160x128xi32, #tpu.memory_space<vmem>> -> memref<1x128xi32, #tpu.memory_space<vmem>>
      %dma_start3A_275 = tpu.memref_squeeze %dma_start3A_274 : memref<1x128xi32, #tpu.memory_space<vmem>> -> memref<128xi32, #tpu.memory_space<vmem>>
      %dma_start3A_276 = arith.constant 0 : i32
      %dma_start3A_277 = tpu.memref_slice %arg17[%dma_start3A_276] : memref<10240xf32, #tpu.memory_space<vmem_shared>> -> memref<10240xf32, #tpu.memory_space<vmem_shared>>
      tpu.enqueue_indirect_dma source(%dma_start3A_272 : memref<128xf32, #tpu.memory_space<vmem>>) target(%dma_start3A_277 : memref<10240xf32, #tpu.memory_space<vmem_shared>>) offsets(%dma_start3A_275 : memref<128xi32, #tpu.memory_space<vmem>>) semaphore(%arg18 : memref<!tpu.dma_semaphore, #tpu.memory_space<semaphore_mem>>) {add = true}
      %add3A_278 = arith.constant 10 : i32
      %add3A_279 = arith.addi %mul3A_155, %add3A_278 : i32
      %add3A_280 = arith.constant 10 : i32
      %add3A_281 = arith.addi %mul3A_155, %add3A_280 : i32
      %dma_start3A_282 = arith.constant 0 : i32
      %dma_start3A_283 = tpu.memref_slice %arg9[%add3A_279, %dma_start3A_282] : memref<160x128xf32, #tpu.memory_space<vmem>> -> memref<1x128xf32, #tpu.memory_space<vmem>>
      %dma_start3A_284 = tpu.memref_squeeze %dma_start3A_283 : memref<1x128xf32, #tpu.memory_space<vmem>> -> memref<128xf32, #tpu.memory_space<vmem>>
      %dma_start3A_285 = arith.constant 0 : i32
      %dma_start3A_286 = tpu.memref_slice %arg8[%add3A_281, %dma_start3A_285] : memref<160x128xi32, #tpu.memory_space<vmem>> -> memref<1x128xi32, #tpu.memory_space<vmem>>
      %dma_start3A_287 = tpu.memref_squeeze %dma_start3A_286 : memref<1x128xi32, #tpu.memory_space<vmem>> -> memref<128xi32, #tpu.memory_space<vmem>>
      %dma_start3A_288 = arith.constant 0 : i32
      %dma_start3A_289 = tpu.memref_slice %arg17[%dma_start3A_288] : memref<10240xf32, #tpu.memory_space<vmem_shared>> -> memref<10240xf32, #tpu.memory_space<vmem_shared>>
      tpu.enqueue_indirect_dma source(%dma_start3A_284 : memref<128xf32, #tpu.memory_space<vmem>>) target(%dma_start3A_289 : memref<10240xf32, #tpu.memory_space<vmem_shared>>) offsets(%dma_start3A_287 : memref<128xi32, #tpu.memory_space<vmem>>) semaphore(%arg18 : memref<!tpu.dma_semaphore, #tpu.memory_space<semaphore_mem>>) {add = true}
      %add3A_290 = arith.constant 11 : i32
      %add3A_291 = arith.addi %mul3A_155, %add3A_290 : i32
      %add3A_292 = arith.constant 11 : i32
      %add3A_293 = arith.addi %mul3A_155, %add3A_292 : i32
      %dma_start3A_294 = arith.constant 0 : i32
      %dma_start3A_295 = tpu.memref_slice %arg9[%add3A_291, %dma_start3A_294] : memref<160x128xf32, #tpu.memory_space<vmem>> -> memref<1x128xf32, #tpu.memory_space<vmem>>
      %dma_start3A_296 = tpu.memref_squeeze %dma_start3A_295 : memref<1x128xf32, #tpu.memory_space<vmem>> -> memref<128xf32, #tpu.memory_space<vmem>>
      %dma_start3A_297 = arith.constant 0 : i32
      %dma_start3A_298 = tpu.memref_slice %arg8[%add3A_293, %dma_start3A_297] : memref<160x128xi32, #tpu.memory_space<vmem>> -> memref<1x128xi32, #tpu.memory_space<vmem>>
      %dma_start3A_299 = tpu.memref_squeeze %dma_start3A_298 : memref<1x128xi32, #tpu.memory_space<vmem>> -> memref<128xi32, #tpu.memory_space<vmem>>
      %dma_start3A_300 = arith.constant 0 : i32
      %dma_start3A_301 = tpu.memref_slice %arg17[%dma_start3A_300] : memref<10240xf32, #tpu.memory_space<vmem_shared>> -> memref<10240xf32, #tpu.memory_space<vmem_shared>>
      tpu.enqueue_indirect_dma source(%dma_start3A_296 : memref<128xf32, #tpu.memory_space<vmem>>) target(%dma_start3A_301 : memref<10240xf32, #tpu.memory_space<vmem_shared>>) offsets(%dma_start3A_299 : memref<128xi32, #tpu.memory_space<vmem>>) semaphore(%arg18 : memref<!tpu.dma_semaphore, #tpu.memory_space<semaphore_mem>>) {add = true}
      %add3A_302 = arith.constant 12 : i32
      %add3A_303 = arith.addi %mul3A_155, %add3A_302 : i32
      %add3A_304 = arith.constant 12 : i32
      %add3A_305 = arith.addi %mul3A_155, %add3A_304 : i32
      %dma_start3A_306 = arith.constant 0 : i32
      %dma_start3A_307 = tpu.memref_slice %arg9[%add3A_303, %dma_start3A_306] : memref<160x128xf32, #tpu.memory_space<vmem>> -> memref<1x128xf32, #tpu.memory_space<vmem>>
      %dma_start3A_308 = tpu.memref_squeeze %dma_start3A_307 : memref<1x128xf32, #tpu.memory_space<vmem>> -> memref<128xf32, #tpu.memory_space<vmem>>
      %dma_start3A_309 = arith.constant 0 : i32
      %dma_start3A_310 = tpu.memref_slice %arg8[%add3A_305, %dma_start3A_309] : memref<160x128xi32, #tpu.memory_space<vmem>> -> memref<1x128xi32, #tpu.memory_space<vmem>>
      %dma_start3A_311 = tpu.memref_squeeze %dma_start3A_310 : memref<1x128xi32, #tpu.memory_space<vmem>> -> memref<128xi32, #tpu.memory_space<vmem>>
      %dma_start3A_312 = arith.constant 0 : i32
      %dma_start3A_313 = tpu.memref_slice %arg17[%dma_start3A_312] : memref<10240xf32, #tpu.memory_space<vmem_shared>> -> memref<10240xf32, #tpu.memory_space<vmem_shared>>
      tpu.enqueue_indirect_dma source(%dma_start3A_308 : memref<128xf32, #tpu.memory_space<vmem>>) target(%dma_start3A_313 : memref<10240xf32, #tpu.memory_space<vmem_shared>>) offsets(%dma_start3A_311 : memref<128xi32, #tpu.memory_space<vmem>>) semaphore(%arg18 : memref<!tpu.dma_semaphore, #tpu.memory_space<semaphore_mem>>) {add = true}
      %add3A_314 = arith.constant 13 : i32
      %add3A_315 = arith.addi %mul3A_155, %add3A_314 : i32
      %add3A_316 = arith.constant 13 : i32
      %add3A_317 = arith.addi %mul3A_155, %add3A_316 : i32
      %dma_start3A_318 = arith.constant 0 : i32
      %dma_start3A_319 = tpu.memref_slice %arg9[%add3A_315, %dma_start3A_318] : memref<160x128xf32, #tpu.memory_space<vmem>> -> memref<1x128xf32, #tpu.memory_space<vmem>>
      %dma_start3A_320 = tpu.memref_squeeze %dma_start3A_319 : memref<1x128xf32, #tpu.memory_space<vmem>> -> memref<128xf32, #tpu.memory_space<vmem>>
      %dma_start3A_321 = arith.constant 0 : i32
      %dma_start3A_322 = tpu.memref_slice %arg8[%add3A_317, %dma_start3A_321] : memref<160x128xi32, #tpu.memory_space<vmem>> -> memref<1x128xi32, #tpu.memory_space<vmem>>
      %dma_start3A_323 = tpu.memref_squeeze %dma_start3A_322 : memref<1x128xi32, #tpu.memory_space<vmem>> -> memref<128xi32, #tpu.memory_space<vmem>>
      %dma_start3A_324 = arith.constant 0 : i32
      %dma_start3A_325 = tpu.memref_slice %arg17[%dma_start3A_324] : memref<10240xf32, #tpu.memory_space<vmem_shared>> -> memref<10240xf32, #tpu.memory_space<vmem_shared>>
      tpu.enqueue_indirect_dma source(%dma_start3A_320 : memref<128xf32, #tpu.memory_space<vmem>>) target(%dma_start3A_325 : memref<10240xf32, #tpu.memory_space<vmem_shared>>) offsets(%dma_start3A_323 : memref<128xi32, #tpu.memory_space<vmem>>) semaphore(%arg18 : memref<!tpu.dma_semaphore, #tpu.memory_space<semaphore_mem>>) {add = true}
      %add3A_326 = arith.constant 14 : i32
      %add3A_327 = arith.addi %mul3A_155, %add3A_326 : i32
      %add3A_328 = arith.constant 14 : i32
      %add3A_329 = arith.addi %mul3A_155, %add3A_328 : i32
      %dma_start3A_330 = arith.constant 0 : i32
      %dma_start3A_331 = tpu.memref_slice %arg9[%add3A_327, %dma_start3A_330] : memref<160x128xf32, #tpu.memory_space<vmem>> -> memref<1x128xf32, #tpu.memory_space<vmem>>
      %dma_start3A_332 = tpu.memref_squeeze %dma_start3A_331 : memref<1x128xf32, #tpu.memory_space<vmem>> -> memref<128xf32, #tpu.memory_space<vmem>>
      %dma_start3A_333 = arith.constant 0 : i32
      %dma_start3A_334 = tpu.memref_slice %arg8[%add3A_329, %dma_start3A_333] : memref<160x128xi32, #tpu.memory_space<vmem>> -> memref<1x128xi32, #tpu.memory_space<vmem>>
      %dma_start3A_335 = tpu.memref_squeeze %dma_start3A_334 : memref<1x128xi32, #tpu.memory_space<vmem>> -> memref<128xi32, #tpu.memory_space<vmem>>
      %dma_start3A_336 = arith.constant 0 : i32
      %dma_start3A_337 = tpu.memref_slice %arg17[%dma_start3A_336] : memref<10240xf32, #tpu.memory_space<vmem_shared>> -> memref<10240xf32, #tpu.memory_space<vmem_shared>>
      tpu.enqueue_indirect_dma source(%dma_start3A_332 : memref<128xf32, #tpu.memory_space<vmem>>) target(%dma_start3A_337 : memref<10240xf32, #tpu.memory_space<vmem_shared>>) offsets(%dma_start3A_335 : memref<128xi32, #tpu.memory_space<vmem>>) semaphore(%arg18 : memref<!tpu.dma_semaphore, #tpu.memory_space<semaphore_mem>>) {add = true}
      %add3A_338 = arith.constant 15 : i32
      %add3A_339 = arith.addi %mul3A_155, %add3A_338 : i32
      %add3A_340 = arith.constant 15 : i32
      %add3A_341 = arith.addi %mul3A_155, %add3A_340 : i32
      %dma_start3A_342 = arith.constant 0 : i32
      %dma_start3A_343 = tpu.memref_slice %arg9[%add3A_339, %dma_start3A_342] : memref<160x128xf32, #tpu.memory_space<vmem>> -> memref<1x128xf32, #tpu.memory_space<vmem>>
      %dma_start3A_344 = tpu.memref_squeeze %dma_start3A_343 : memref<1x128xf32, #tpu.memory_space<vmem>> -> memref<128xf32, #tpu.memory_space<vmem>>
      %dma_start3A_345 = arith.constant 0 : i32
      %dma_start3A_346 = tpu.memref_slice %arg8[%add3A_341, %dma_start3A_345] : memref<160x128xi32, #tpu.memory_space<vmem>> -> memref<1x128xi32, #tpu.memory_space<vmem>>
      %dma_start3A_347 = tpu.memref_squeeze %dma_start3A_346 : memref<1x128xi32, #tpu.memory_space<vmem>> -> memref<128xi32, #tpu.memory_space<vmem>>
      %dma_start3A_348 = arith.constant 0 : i32
      %dma_start3A_349 = tpu.memref_slice %arg17[%dma_start3A_348] : memref<10240xf32, #tpu.memory_space<vmem_shared>> -> memref<10240xf32, #tpu.memory_space<vmem_shared>>
      tpu.enqueue_indirect_dma source(%dma_start3A_344 : memref<128xf32, #tpu.memory_space<vmem>>) target(%dma_start3A_349 : memref<10240xf32, #tpu.memory_space<vmem_shared>>) offsets(%dma_start3A_347 : memref<128xi32, #tpu.memory_space<vmem>>) semaphore(%arg18 : memref<!tpu.dma_semaphore, #tpu.memory_space<semaphore_mem>>) {add = true}
      %scan3A_350 = arith.constant 0 : i32
      scf.yield %scan3A_350 : i32
    }
    %scan3A_134 = arith.constant 10 : i32
    %scan3A_135 = arith.constant 0 : i32
    %scan3A_136 = arith.constant 0 : i32
    %scan3A_137 = arith.constant 10 : i32
    %scan3A_138 = arith.addi %scan3A_136, %scan3A_137 : i32
    %scan3A_139 = arith.constant 1 : i32
    %scan3A_140 = scf.for %scan3A_152 = %scan3A_136 to %scan3A_138 step %scan3A_139 iter_args(%scan3A_153 = %scan3A_135) -> (i32)  : i32 {
      %mul3A_154 = arith.constant 16 : i32
      %mul3A_155 = arith.muli %scan3A_152, %mul3A_154 : i32
      %add3A = arith.constant 0 : i32
      %add3A_156 = arith.addi %mul3A_155, %add3A : i32
      %add3A_157 = arith.constant 0 : i32
      %add3A_158 = arith.addi %mul3A_155, %add3A_157 : i32
      %dma_wait3A_159 = arith.constant 0 : i32
      %dma_wait3A_160 = tpu.memref_slice %arg9[%add3A_156, %dma_wait3A_159] : memref<160x128xf32, #tpu.memory_space<vmem>> -> memref<1x128xf32, #tpu.memory_space<vmem>>
      %dma_wait3A_161 = tpu.memref_squeeze %dma_wait3A_160 : memref<1x128xf32, #tpu.memory_space<vmem>> -> memref<128xf32, #tpu.memory_space<vmem>>
      %dma_wait3A_162 = arith.constant 0 : i32
      %dma_wait3A_163 = tpu.memref_slice %arg8[%add3A_158, %dma_wait3A_162] : memref<160x128xi32, #tpu.memory_space<vmem>> -> memref<1x128xi32, #tpu.memory_space<vmem>>
      %dma_wait3A_164 = tpu.memref_squeeze %dma_wait3A_163 : memref<1x128xi32, #tpu.memory_space<vmem>> -> memref<128xi32, #tpu.memory_space<vmem>>
      %dma_wait3A_165 = arith.constant 0 : i32
      %dma_wait3A_166 = tpu.memref_slice %arg17[%dma_wait3A_165] : memref<10240xf32, #tpu.memory_space<vmem_shared>> -> memref<10240xf32, #tpu.memory_space<vmem_shared>>
      tpu.wait_indirect_dma semaphore(%arg18 : memref<!tpu.dma_semaphore, #tpu.memory_space<semaphore_mem>>) src(%dma_wait3A_161 : memref<128xf32, #tpu.memory_space<vmem>>) dst(%dma_wait3A_166 : memref<10240xf32, #tpu.memory_space<vmem_shared>>)
      %add3A_167 = arith.constant 1 : i32
      %add3A_168 = arith.addi %mul3A_155, %add3A_167 : i32
      %add3A_169 = arith.constant 1 : i32
      %add3A_170 = arith.addi %mul3A_155, %add3A_169 : i32
      %dma_wait3A_171 = arith.constant 0 : i32
      %dma_wait3A_172 = tpu.memref_slice %arg9[%add3A_168, %dma_wait3A_171] : memref<160x128xf32, #tpu.memory_space<vmem>> -> memref<1x128xf32, #tpu.memory_space<vmem>>
      %dma_wait3A_173 = tpu.memref_squeeze %dma_wait3A_172 : memref<1x128xf32, #tpu.memory_space<vmem>> -> memref<128xf32, #tpu.memory_space<vmem>>
      %dma_wait3A_174 = arith.constant 0 : i32
      %dma_wait3A_175 = tpu.memref_slice %arg8[%add3A_170, %dma_wait3A_174] : memref<160x128xi32, #tpu.memory_space<vmem>> -> memref<1x128xi32, #tpu.memory_space<vmem>>
      %dma_wait3A_176 = tpu.memref_squeeze %dma_wait3A_175 : memref<1x128xi32, #tpu.memory_space<vmem>> -> memref<128xi32, #tpu.memory_space<vmem>>
      %dma_wait3A_177 = arith.constant 0 : i32
      %dma_wait3A_178 = tpu.memref_slice %arg17[%dma_wait3A_177] : memref<10240xf32, #tpu.memory_space<vmem_shared>> -> memref<10240xf32, #tpu.memory_space<vmem_shared>>
      tpu.wait_indirect_dma semaphore(%arg18 : memref<!tpu.dma_semaphore, #tpu.memory_space<semaphore_mem>>) src(%dma_wait3A_173 : memref<128xf32, #tpu.memory_space<vmem>>) dst(%dma_wait3A_178 : memref<10240xf32, #tpu.memory_space<vmem_shared>>)
      %add3A_179 = arith.constant 2 : i32
      %add3A_180 = arith.addi %mul3A_155, %add3A_179 : i32
      %add3A_181 = arith.constant 2 : i32
      %add3A_182 = arith.addi %mul3A_155, %add3A_181 : i32
      %dma_wait3A_183 = arith.constant 0 : i32
      %dma_wait3A_184 = tpu.memref_slice %arg9[%add3A_180, %dma_wait3A_183] : memref<160x128xf32, #tpu.memory_space<vmem>> -> memref<1x128xf32, #tpu.memory_space<vmem>>
      %dma_wait3A_185 = tpu.memref_squeeze %dma_wait3A_184 : memref<1x128xf32, #tpu.memory_space<vmem>> -> memref<128xf32, #tpu.memory_space<vmem>>
      %dma_wait3A_186 = arith.constant 0 : i32
      %dma_wait3A_187 = tpu.memref_slice %arg8[%add3A_182, %dma_wait3A_186] : memref<160x128xi32, #tpu.memory_space<vmem>> -> memref<1x128xi32, #tpu.memory_space<vmem>>
      %dma_wait3A_188 = tpu.memref_squeeze %dma_wait3A_187 : memref<1x128xi32, #tpu.memory_space<vmem>> -> memref<128xi32, #tpu.memory_space<vmem>>
      %dma_wait3A_189 = arith.constant 0 : i32
      %dma_wait3A_190 = tpu.memref_slice %arg17[%dma_wait3A_189] : memref<10240xf32, #tpu.memory_space<vmem_shared>> -> memref<10240xf32, #tpu.memory_space<vmem_shared>>
      tpu.wait_indirect_dma semaphore(%arg18 : memref<!tpu.dma_semaphore, #tpu.memory_space<semaphore_mem>>) src(%dma_wait3A_185 : memref<128xf32, #tpu.memory_space<vmem>>) dst(%dma_wait3A_190 : memref<10240xf32, #tpu.memory_space<vmem_shared>>)
      %add3A_191 = arith.constant 3 : i32
      %add3A_192 = arith.addi %mul3A_155, %add3A_191 : i32
      %add3A_193 = arith.constant 3 : i32
      %add3A_194 = arith.addi %mul3A_155, %add3A_193 : i32
      %dma_wait3A_195 = arith.constant 0 : i32
      %dma_wait3A_196 = tpu.memref_slice %arg9[%add3A_192, %dma_wait3A_195] : memref<160x128xf32, #tpu.memory_space<vmem>> -> memref<1x128xf32, #tpu.memory_space<vmem>>
      %dma_wait3A_197 = tpu.memref_squeeze %dma_wait3A_196 : memref<1x128xf32, #tpu.memory_space<vmem>> -> memref<128xf32, #tpu.memory_space<vmem>>
      %dma_wait3A_198 = arith.constant 0 : i32
      %dma_wait3A_199 = tpu.memref_slice %arg8[%add3A_194, %dma_wait3A_198] : memref<160x128xi32, #tpu.memory_space<vmem>> -> memref<1x128xi32, #tpu.memory_space<vmem>>
      %dma_wait3A_200 = tpu.memref_squeeze %dma_wait3A_199 : memref<1x128xi32, #tpu.memory_space<vmem>> -> memref<128xi32, #tpu.memory_space<vmem>>
      %dma_wait3A_201 = arith.constant 0 : i32
      %dma_wait3A_202 = tpu.memref_slice %arg17[%dma_wait3A_201] : memref<10240xf32, #tpu.memory_space<vmem_shared>> -> memref<10240xf32, #tpu.memory_space<vmem_shared>>
      tpu.wait_indirect_dma semaphore(%arg18 : memref<!tpu.dma_semaphore, #tpu.memory_space<semaphore_mem>>) src(%dma_wait3A_197 : memref<128xf32, #tpu.memory_space<vmem>>) dst(%dma_wait3A_202 : memref<10240xf32, #tpu.memory_space<vmem_shared>>)
      %add3A_203 = arith.constant 4 : i32
      %add3A_204 = arith.addi %mul3A_155, %add3A_203 : i32
      %add3A_205 = arith.constant 4 : i32
      %add3A_206 = arith.addi %mul3A_155, %add3A_205 : i32
      %dma_wait3A_207 = arith.constant 0 : i32
      %dma_wait3A_208 = tpu.memref_slice %arg9[%add3A_204, %dma_wait3A_207] : memref<160x128xf32, #tpu.memory_space<vmem>> -> memref<1x128xf32, #tpu.memory_space<vmem>>
      %dma_wait3A_209 = tpu.memref_squeeze %dma_wait3A_208 : memref<1x128xf32, #tpu.memory_space<vmem>> -> memref<128xf32, #tpu.memory_space<vmem>>
      %dma_wait3A_210 = arith.constant 0 : i32
      %dma_wait3A_211 = tpu.memref_slice %arg8[%add3A_206, %dma_wait3A_210] : memref<160x128xi32, #tpu.memory_space<vmem>> -> memref<1x128xi32, #tpu.memory_space<vmem>>
      %dma_wait3A_212 = tpu.memref_squeeze %dma_wait3A_211 : memref<1x128xi32, #tpu.memory_space<vmem>> -> memref<128xi32, #tpu.memory_space<vmem>>
      %dma_wait3A_213 = arith.constant 0 : i32
      %dma_wait3A_214 = tpu.memref_slice %arg17[%dma_wait3A_213] : memref<10240xf32, #tpu.memory_space<vmem_shared>> -> memref<10240xf32, #tpu.memory_space<vmem_shared>>
      tpu.wait_indirect_dma semaphore(%arg18 : memref<!tpu.dma_semaphore, #tpu.memory_space<semaphore_mem>>) src(%dma_wait3A_209 : memref<128xf32, #tpu.memory_space<vmem>>) dst(%dma_wait3A_214 : memref<10240xf32, #tpu.memory_space<vmem_shared>>)
      %add3A_215 = arith.constant 5 : i32
      %add3A_216 = arith.addi %mul3A_155, %add3A_215 : i32
      %add3A_217 = arith.constant 5 : i32
      %add3A_218 = arith.addi %mul3A_155, %add3A_217 : i32
      %dma_wait3A_219 = arith.constant 0 : i32
      %dma_wait3A_220 = tpu.memref_slice %arg9[%add3A_216, %dma_wait3A_219] : memref<160x128xf32, #tpu.memory_space<vmem>> -> memref<1x128xf32, #tpu.memory_space<vmem>>
      %dma_wait3A_221 = tpu.memref_squeeze %dma_wait3A_220 : memref<1x128xf32, #tpu.memory_space<vmem>> -> memref<128xf32, #tpu.memory_space<vmem>>
      %dma_wait3A_222 = arith.constant 0 : i32
      %dma_wait3A_223 = tpu.memref_slice %arg8[%add3A_218, %dma_wait3A_222] : memref<160x128xi32, #tpu.memory_space<vmem>> -> memref<1x128xi32, #tpu.memory_space<vmem>>
      %dma_wait3A_224 = tpu.memref_squeeze %dma_wait3A_223 : memref<1x128xi32, #tpu.memory_space<vmem>> -> memref<128xi32, #tpu.memory_space<vmem>>
      %dma_wait3A_225 = arith.constant 0 : i32
      %dma_wait3A_226 = tpu.memref_slice %arg17[%dma_wait3A_225] : memref<10240xf32, #tpu.memory_space<vmem_shared>> -> memref<10240xf32, #tpu.memory_space<vmem_shared>>
      tpu.wait_indirect_dma semaphore(%arg18 : memref<!tpu.dma_semaphore, #tpu.memory_space<semaphore_mem>>) src(%dma_wait3A_221 : memref<128xf32, #tpu.memory_space<vmem>>) dst(%dma_wait3A_226 : memref<10240xf32, #tpu.memory_space<vmem_shared>>)
      %add3A_227 = arith.constant 6 : i32
      %add3A_228 = arith.addi %mul3A_155, %add3A_227 : i32
      %add3A_229 = arith.constant 6 : i32
      %add3A_230 = arith.addi %mul3A_155, %add3A_229 : i32
      %dma_wait3A_231 = arith.constant 0 : i32
      %dma_wait3A_232 = tpu.memref_slice %arg9[%add3A_228, %dma_wait3A_231] : memref<160x128xf32, #tpu.memory_space<vmem>> -> memref<1x128xf32, #tpu.memory_space<vmem>>
      %dma_wait3A_233 = tpu.memref_squeeze %dma_wait3A_232 : memref<1x128xf32, #tpu.memory_space<vmem>> -> memref<128xf32, #tpu.memory_space<vmem>>
      %dma_wait3A_234 = arith.constant 0 : i32
      %dma_wait3A_235 = tpu.memref_slice %arg8[%add3A_230, %dma_wait3A_234] : memref<160x128xi32, #tpu.memory_space<vmem>> -> memref<1x128xi32, #tpu.memory_space<vmem>>
      %dma_wait3A_236 = tpu.memref_squeeze %dma_wait3A_235 : memref<1x128xi32, #tpu.memory_space<vmem>> -> memref<128xi32, #tpu.memory_space<vmem>>
      %dma_wait3A_237 = arith.constant 0 : i32
      %dma_wait3A_238 = tpu.memref_slice %arg17[%dma_wait3A_237] : memref<10240xf32, #tpu.memory_space<vmem_shared>> -> memref<10240xf32, #tpu.memory_space<vmem_shared>>
      tpu.wait_indirect_dma semaphore(%arg18 : memref<!tpu.dma_semaphore, #tpu.memory_space<semaphore_mem>>) src(%dma_wait3A_233 : memref<128xf32, #tpu.memory_space<vmem>>) dst(%dma_wait3A_238 : memref<10240xf32, #tpu.memory_space<vmem_shared>>)
      %add3A_239 = arith.constant 7 : i32
      %add3A_240 = arith.addi %mul3A_155, %add3A_239 : i32
      %add3A_241 = arith.constant 7 : i32
      %add3A_242 = arith.addi %mul3A_155, %add3A_241 : i32
      %dma_wait3A_243 = arith.constant 0 : i32
      %dma_wait3A_244 = tpu.memref_slice %arg9[%add3A_240, %dma_wait3A_243] : memref<160x128xf32, #tpu.memory_space<vmem>> -> memref<1x128xf32, #tpu.memory_space<vmem>>
      %dma_wait3A_245 = tpu.memref_squeeze %dma_wait3A_244 : memref<1x128xf32, #tpu.memory_space<vmem>> -> memref<128xf32, #tpu.memory_space<vmem>>
      %dma_wait3A_246 = arith.constant 0 : i32
      %dma_wait3A_247 = tpu.memref_slice %arg8[%add3A_242, %dma_wait3A_246] : memref<160x128xi32, #tpu.memory_space<vmem>> -> memref<1x128xi32, #tpu.memory_space<vmem>>
      %dma_wait3A_248 = tpu.memref_squeeze %dma_wait3A_247 : memref<1x128xi32, #tpu.memory_space<vmem>> -> memref<128xi32, #tpu.memory_space<vmem>>
      %dma_wait3A_249 = arith.constant 0 : i32
      %dma_wait3A_250 = tpu.memref_slice %arg17[%dma_wait3A_249] : memref<10240xf32, #tpu.memory_space<vmem_shared>> -> memref<10240xf32, #tpu.memory_space<vmem_shared>>
      tpu.wait_indirect_dma semaphore(%arg18 : memref<!tpu.dma_semaphore, #tpu.memory_space<semaphore_mem>>) src(%dma_wait3A_245 : memref<128xf32, #tpu.memory_space<vmem>>) dst(%dma_wait3A_250 : memref<10240xf32, #tpu.memory_space<vmem_shared>>)
      %add3A_251 = arith.constant 8 : i32
      %add3A_252 = arith.addi %mul3A_155, %add3A_251 : i32
      %add3A_253 = arith.constant 8 : i32
      %add3A_254 = arith.addi %mul3A_155, %add3A_253 : i32
      %dma_wait3A_255 = arith.constant 0 : i32
      %dma_wait3A_256 = tpu.memref_slice %arg9[%add3A_252, %dma_wait3A_255] : memref<160x128xf32, #tpu.memory_space<vmem>> -> memref<1x128xf32, #tpu.memory_space<vmem>>
      %dma_wait3A_257 = tpu.memref_squeeze %dma_wait3A_256 : memref<1x128xf32, #tpu.memory_space<vmem>> -> memref<128xf32, #tpu.memory_space<vmem>>
      %dma_wait3A_258 = arith.constant 0 : i32
      %dma_wait3A_259 = tpu.memref_slice %arg8[%add3A_254, %dma_wait3A_258] : memref<160x128xi32, #tpu.memory_space<vmem>> -> memref<1x128xi32, #tpu.memory_space<vmem>>
      %dma_wait3A_260 = tpu.memref_squeeze %dma_wait3A_259 : memref<1x128xi32, #tpu.memory_space<vmem>> -> memref<128xi32, #tpu.memory_space<vmem>>
      %dma_wait3A_261 = arith.constant 0 : i32
      %dma_wait3A_262 = tpu.memref_slice %arg17[%dma_wait3A_261] : memref<10240xf32, #tpu.memory_space<vmem_shared>> -> memref<10240xf32, #tpu.memory_space<vmem_shared>>
      tpu.wait_indirect_dma semaphore(%arg18 : memref<!tpu.dma_semaphore, #tpu.memory_space<semaphore_mem>>) src(%dma_wait3A_257 : memref<128xf32, #tpu.memory_space<vmem>>) dst(%dma_wait3A_262 : memref<10240xf32, #tpu.memory_space<vmem_shared>>)
      %add3A_263 = arith.constant 9 : i32
      %add3A_264 = arith.addi %mul3A_155, %add3A_263 : i32
      %add3A_265 = arith.constant 9 : i32
      %add3A_266 = arith.addi %mul3A_155, %add3A_265 : i32
      %dma_wait3A_267 = arith.constant 0 : i32
      %dma_wait3A_268 = tpu.memref_slice %arg9[%add3A_264, %dma_wait3A_267] : memref<160x128xf32, #tpu.memory_space<vmem>> -> memref<1x128xf32, #tpu.memory_space<vmem>>
      %dma_wait3A_269 = tpu.memref_squeeze %dma_wait3A_268 : memref<1x128xf32, #tpu.memory_space<vmem>> -> memref<128xf32, #tpu.memory_space<vmem>>
      %dma_wait3A_270 = arith.constant 0 : i32
      %dma_wait3A_271 = tpu.memref_slice %arg8[%add3A_266, %dma_wait3A_270] : memref<160x128xi32, #tpu.memory_space<vmem>> -> memref<1x128xi32, #tpu.memory_space<vmem>>
      %dma_wait3A_272 = tpu.memref_squeeze %dma_wait3A_271 : memref<1x128xi32, #tpu.memory_space<vmem>> -> memref<128xi32, #tpu.memory_space<vmem>>
      %dma_wait3A_273 = arith.constant 0 : i32
      %dma_wait3A_274 = tpu.memref_slice %arg17[%dma_wait3A_273] : memref<10240xf32, #tpu.memory_space<vmem_shared>> -> memref<10240xf32, #tpu.memory_space<vmem_shared>>
      tpu.wait_indirect_dma semaphore(%arg18 : memref<!tpu.dma_semaphore, #tpu.memory_space<semaphore_mem>>) src(%dma_wait3A_269 : memref<128xf32, #tpu.memory_space<vmem>>) dst(%dma_wait3A_274 : memref<10240xf32, #tpu.memory_space<vmem_shared>>)
      %add3A_275 = arith.constant 10 : i32
      %add3A_276 = arith.addi %mul3A_155, %add3A_275 : i32
      %add3A_277 = arith.constant 10 : i32
      %add3A_278 = arith.addi %mul3A_155, %add3A_277 : i32
      %dma_wait3A_279 = arith.constant 0 : i32
      %dma_wait3A_280 = tpu.memref_slice %arg9[%add3A_276, %dma_wait3A_279] : memref<160x128xf32, #tpu.memory_space<vmem>> -> memref<1x128xf32, #tpu.memory_space<vmem>>
      %dma_wait3A_281 = tpu.memref_squeeze %dma_wait3A_280 : memref<1x128xf32, #tpu.memory_space<vmem>> -> memref<128xf32, #tpu.memory_space<vmem>>
      %dma_wait3A_282 = arith.constant 0 : i32
      %dma_wait3A_283 = tpu.memref_slice %arg8[%add3A_278, %dma_wait3A_282] : memref<160x128xi32, #tpu.memory_space<vmem>> -> memref<1x128xi32, #tpu.memory_space<vmem>>
      %dma_wait3A_284 = tpu.memref_squeeze %dma_wait3A_283 : memref<1x128xi32, #tpu.memory_space<vmem>> -> memref<128xi32, #tpu.memory_space<vmem>>
      %dma_wait3A_285 = arith.constant 0 : i32
      %dma_wait3A_286 = tpu.memref_slice %arg17[%dma_wait3A_285] : memref<10240xf32, #tpu.memory_space<vmem_shared>> -> memref<10240xf32, #tpu.memory_space<vmem_shared>>
      tpu.wait_indirect_dma semaphore(%arg18 : memref<!tpu.dma_semaphore, #tpu.memory_space<semaphore_mem>>) src(%dma_wait3A_281 : memref<128xf32, #tpu.memory_space<vmem>>) dst(%dma_wait3A_286 : memref<10240xf32, #tpu.memory_space<vmem_shared>>)
      %add3A_287 = arith.constant 11 : i32
      %add3A_288 = arith.addi %mul3A_155, %add3A_287 : i32
      %add3A_289 = arith.constant 11 : i32
      %add3A_290 = arith.addi %mul3A_155, %add3A_289 : i32
      %dma_wait3A_291 = arith.constant 0 : i32
      %dma_wait3A_292 = tpu.memref_slice %arg9[%add3A_288, %dma_wait3A_291] : memref<160x128xf32, #tpu.memory_space<vmem>> -> memref<1x128xf32, #tpu.memory_space<vmem>>
      %dma_wait3A_293 = tpu.memref_squeeze %dma_wait3A_292 : memref<1x128xf32, #tpu.memory_space<vmem>> -> memref<128xf32, #tpu.memory_space<vmem>>
      %dma_wait3A_294 = arith.constant 0 : i32
      %dma_wait3A_295 = tpu.memref_slice %arg8[%add3A_290, %dma_wait3A_294] : memref<160x128xi32, #tpu.memory_space<vmem>> -> memref<1x128xi32, #tpu.memory_space<vmem>>
      %dma_wait3A_296 = tpu.memref_squeeze %dma_wait3A_295 : memref<1x128xi32, #tpu.memory_space<vmem>> -> memref<128xi32, #tpu.memory_space<vmem>>
      %dma_wait3A_297 = arith.constant 0 : i32
      %dma_wait3A_298 = tpu.memref_slice %arg17[%dma_wait3A_297] : memref<10240xf32, #tpu.memory_space<vmem_shared>> -> memref<10240xf32, #tpu.memory_space<vmem_shared>>
      tpu.wait_indirect_dma semaphore(%arg18 : memref<!tpu.dma_semaphore, #tpu.memory_space<semaphore_mem>>) src(%dma_wait3A_293 : memref<128xf32, #tpu.memory_space<vmem>>) dst(%dma_wait3A_298 : memref<10240xf32, #tpu.memory_space<vmem_shared>>)
      %add3A_299 = arith.constant 12 : i32
      %add3A_300 = arith.addi %mul3A_155, %add3A_299 : i32
      %add3A_301 = arith.constant 12 : i32
      %add3A_302 = arith.addi %mul3A_155, %add3A_301 : i32
      %dma_wait3A_303 = arith.constant 0 : i32
      %dma_wait3A_304 = tpu.memref_slice %arg9[%add3A_300, %dma_wait3A_303] : memref<160x128xf32, #tpu.memory_space<vmem>> -> memref<1x128xf32, #tpu.memory_space<vmem>>
      %dma_wait3A_305 = tpu.memref_squeeze %dma_wait3A_304 : memref<1x128xf32, #tpu.memory_space<vmem>> -> memref<128xf32, #tpu.memory_space<vmem>>
      %dma_wait3A_306 = arith.constant 0 : i32
      %dma_wait3A_307 = tpu.memref_slice %arg8[%add3A_302, %dma_wait3A_306] : memref<160x128xi32, #tpu.memory_space<vmem>> -> memref<1x128xi32, #tpu.memory_space<vmem>>
      %dma_wait3A_308 = tpu.memref_squeeze %dma_wait3A_307 : memref<1x128xi32, #tpu.memory_space<vmem>> -> memref<128xi32, #tpu.memory_space<vmem>>
      %dma_wait3A_309 = arith.constant 0 : i32
      %dma_wait3A_310 = tpu.memref_slice %arg17[%dma_wait3A_309] : memref<10240xf32, #tpu.memory_space<vmem_shared>> -> memref<10240xf32, #tpu.memory_space<vmem_shared>>
      tpu.wait_indirect_dma semaphore(%arg18 : memref<!tpu.dma_semaphore, #tpu.memory_space<semaphore_mem>>) src(%dma_wait3A_305 : memref<128xf32, #tpu.memory_space<vmem>>) dst(%dma_wait3A_310 : memref<10240xf32, #tpu.memory_space<vmem_shared>>)
      %add3A_311 = arith.constant 13 : i32
      %add3A_312 = arith.addi %mul3A_155, %add3A_311 : i32
      %add3A_313 = arith.constant 13 : i32
      %add3A_314 = arith.addi %mul3A_155, %add3A_313 : i32
      %dma_wait3A_315 = arith.constant 0 : i32
      %dma_wait3A_316 = tpu.memref_slice %arg9[%add3A_312, %dma_wait3A_315] : memref<160x128xf32, #tpu.memory_space<vmem>> -> memref<1x128xf32, #tpu.memory_space<vmem>>
      %dma_wait3A_317 = tpu.memref_squeeze %dma_wait3A_316 : memref<1x128xf32, #tpu.memory_space<vmem>> -> memref<128xf32, #tpu.memory_space<vmem>>
      %dma_wait3A_318 = arith.constant 0 : i32
      %dma_wait3A_319 = tpu.memref_slice %arg8[%add3A_314, %dma_wait3A_318] : memref<160x128xi32, #tpu.memory_space<vmem>> -> memref<1x128xi32, #tpu.memory_space<vmem>>
      %dma_wait3A_320 = tpu.memref_squeeze %dma_wait3A_319 : memref<1x128xi32, #tpu.memory_space<vmem>> -> memref<128xi32, #tpu.memory_space<vmem>>
      %dma_wait3A_321 = arith.constant 0 : i32
      %dma_wait3A_322 = tpu.memref_slice %arg17[%dma_wait3A_321] : memref<10240xf32, #tpu.memory_space<vmem_shared>> -> memref<10240xf32, #tpu.memory_space<vmem_shared>>
      tpu.wait_indirect_dma semaphore(%arg18 : memref<!tpu.dma_semaphore, #tpu.memory_space<semaphore_mem>>) src(%dma_wait3A_317 : memref<128xf32, #tpu.memory_space<vmem>>) dst(%dma_wait3A_322 : memref<10240xf32, #tpu.memory_space<vmem_shared>>)
      %add3A_323 = arith.constant 14 : i32
      %add3A_324 = arith.addi %mul3A_155, %add3A_323 : i32
      %add3A_325 = arith.constant 14 : i32
      %add3A_326 = arith.addi %mul3A_155, %add3A_325 : i32
      %dma_wait3A_327 = arith.constant 0 : i32
      %dma_wait3A_328 = tpu.memref_slice %arg9[%add3A_324, %dma_wait3A_327] : memref<160x128xf32, #tpu.memory_space<vmem>> -> memref<1x128xf32, #tpu.memory_space<vmem>>
      %dma_wait3A_329 = tpu.memref_squeeze %dma_wait3A_328 : memref<1x128xf32, #tpu.memory_space<vmem>> -> memref<128xf32, #tpu.memory_space<vmem>>
      %dma_wait3A_330 = arith.constant 0 : i32
      %dma_wait3A_331 = tpu.memref_slice %arg8[%add3A_326, %dma_wait3A_330] : memref<160x128xi32, #tpu.memory_space<vmem>> -> memref<1x128xi32, #tpu.memory_space<vmem>>
      %dma_wait3A_332 = tpu.memref_squeeze %dma_wait3A_331 : memref<1x128xi32, #tpu.memory_space<vmem>> -> memref<128xi32, #tpu.memory_space<vmem>>
      %dma_wait3A_333 = arith.constant 0 : i32
      %dma_wait3A_334 = tpu.memref_slice %arg17[%dma_wait3A_333] : memref<10240xf32, #tpu.memory_space<vmem_shared>> -> memref<10240xf32, #tpu.memory_space<vmem_shared>>
      tpu.wait_indirect_dma semaphore(%arg18 : memref<!tpu.dma_semaphore, #tpu.memory_space<semaphore_mem>>) src(%dma_wait3A_329 : memref<128xf32, #tpu.memory_space<vmem>>) dst(%dma_wait3A_334 : memref<10240xf32, #tpu.memory_space<vmem_shared>>)
      %add3A_335 = arith.constant 15 : i32
      %add3A_336 = arith.addi %mul3A_155, %add3A_335 : i32
      %add3A_337 = arith.constant 15 : i32
      %add3A_338 = arith.addi %mul3A_155, %add3A_337 : i32
      %dma_wait3A_339 = arith.constant 0 : i32
      %dma_wait3A_340 = tpu.memref_slice %arg9[%add3A_336, %dma_wait3A_339] : memref<160x128xf32, #tpu.memory_space<vmem>> -> memref<1x128xf32, #tpu.memory_space<vmem>>
      %dma_wait3A_341 = tpu.memref_squeeze %dma_wait3A_340 : memref<1x128xf32, #tpu.memory_space<vmem>> -> memref<128xf32, #tpu.memory_space<vmem>>
      %dma_wait3A_342 = arith.constant 0 : i32
      %dma_wait3A_343 = tpu.memref_slice %arg8[%add3A_338, %dma_wait3A_342] : memref<160x128xi32, #tpu.memory_space<vmem>> -> memref<1x128xi32, #tpu.memory_space<vmem>>
      %dma_wait3A_344 = tpu.memref_squeeze %dma_wait3A_343 : memref<1x128xi32, #tpu.memory_space<vmem>> -> memref<128xi32, #tpu.memory_space<vmem>>
      %dma_wait3A_345 = arith.constant 0 : i32
      %dma_wait3A_346 = tpu.memref_slice %arg17[%dma_wait3A_345] : memref<10240xf32, #tpu.memory_space<vmem_shared>> -> memref<10240xf32, #tpu.memory_space<vmem_shared>>
      tpu.wait_indirect_dma semaphore(%arg18 : memref<!tpu.dma_semaphore, #tpu.memory_space<semaphore_mem>>) src(%dma_wait3A_341 : memref<128xf32, #tpu.memory_space<vmem>>) dst(%dma_wait3A_346 : memref<10240xf32, #tpu.memory_space<vmem_shared>>)
      %scan3A_347 = arith.constant 0 : i32
      scf.yield %scan3A_347 : i32
    }
    %scan3A_141 = arith.constant 10 : i32
    %barrier3A_142 = arith.constant 0 : index
    tpu.barrier barrier_id(%barrier3A_142)
    "tpu.region"() ({
      %run_scoped3A = tpu.sem_alloc : memref<!tpu.dma_semaphore, #tpu.memory_space<semaphore_mem>>
      %dma_start3A_152 = tpu.memref_slice %arg17[%mul3A_0] : memref<10240xf32, #tpu.memory_space<vmem_shared>> -> memref<640xf32, #tpu.memory_space<vmem_shared>>
      %dma_start3A_153 = tpu.memref_slice %arg17[%mul3A_0] : memref<10240xf32, #tpu.memory_space<vmem_shared>> -> memref<640xf32, #tpu.memory_space<vmem_shared>>
      tpu.enqueue_dma source(%dma_start3A_153 : memref<640xf32, #tpu.memory_space<vmem_shared>>) target(%arg14 : memref<640xf32, #tpu.memory_space<vmem>>) target_semaphore(%run_scoped3A : memref<!tpu.dma_semaphore, #tpu.memory_space<semaphore_mem>>)
      %dma_wait3A_154 = tpu.memref_slice %arg17[%mul3A_0] : memref<10240xf32, #tpu.memory_space<vmem_shared>> -> memref<640xf32, #tpu.memory_space<vmem_shared>>
      %dma_wait3A_155 = tpu.memref_slice %arg17[%mul3A_0] : memref<10240xf32, #tpu.memory_space<vmem_shared>> -> memref<640xf32, #tpu.memory_space<vmem_shared>>
      tpu.wait_dma2 semaphore(%run_scoped3A : memref<!tpu.dma_semaphore, #tpu.memory_space<semaphore_mem>>) src(%dma_wait3A_155 : memref<640xf32, #tpu.memory_space<vmem_shared>>) dst(%arg14 : memref<640xf32, #tpu.memory_space<vmem>>)
      tpu.yield
    }) : () -> ()
    %parallel_loop3A_143 = arith.constant 0 : i32
    %parallel_loop3A_144 = arith.constant 40 : i32
    %parallel_loop3A_145 = arith.constant 1 : i32
    scf.for %parallel_loop3A_152 = %parallel_loop3A_143 to %parallel_loop3A_144 step %parallel_loop3A_145  : i32 {
      %parallel_loop3A_153 = arith.constant 16 : i32
      %parallel_loop3A_154 = arith.muli %parallel_loop3A_152, %parallel_loop3A_153 : i32
      %parallel_loop3A_155 = arith.index_cast %parallel_loop3A_154 : i32 to index
      %parallel_loop3A_156 = tpu.vector_load %arg12[%parallel_loop3A_155] {strides = array<i32>} : memref<640xf32, #tpu.memory_space<vmem>>, vector<16xf32>,
      %parallel_loop3A_157 = arith.index_cast %parallel_loop3A_154 : i32 to index
      %parallel_loop3A_158 = tpu.vector_load %arg13[%parallel_loop3A_157] {strides = array<i32>} : memref<640xf32, #tpu.memory_space<vmem>>, vector<16xf32>,
      %parallel_loop3A_159 = arith.index_cast %parallel_loop3A_154 : i32 to index
      %parallel_loop3A_160 = tpu.vector_load %arg14[%parallel_loop3A_159] {strides = array<i32>} : memref<640xf32, #tpu.memory_space<vmem>>, vector<16xf32>,
      %parallel_loop3A_161 = arith.mulf %parallel_loop3A_156, %parallel_loop3A_160 : vector<16xf32>
      %parallel_loop3A_162 = arith.mulf %parallel_loop3A_156, %parallel_loop3A_156 : vector<16xf32>
      %parallel_loop3A_163 = arith.mulf %parallel_loop3A_162, %parallel_loop3A_158 : vector<16xf32>
      %parallel_loop3A_164 = arith.addf %parallel_loop3A_161, %parallel_loop3A_163 : vector<16xf32>
      %parallel_loop3A_165 = arith.constant 8.000000e-01 : f32
      %parallel_loop3A_166 = vector.broadcast %parallel_loop3A_165 : f32 to vector<16xf32>
      %parallel_loop3A_167 = arith.mulf %parallel_loop3A_166, %parallel_loop3A_164 : vector<16xf32>
      %parallel_loop3A_168 = arith.constant 2.000000e-01 : f32
      %parallel_loop3A_169 = vector.broadcast %parallel_loop3A_168 : f32 to vector<16xf32>
      %parallel_loop3A_170 = arith.mulf %parallel_loop3A_169, %parallel_loop3A_158 : vector<16xf32>
      %parallel_loop3A_171 = arith.addf %parallel_loop3A_167, %parallel_loop3A_170 : vector<16xf32>
      %parallel_loop3A_172 = arith.constant 0.000000e+00 : f32
      %parallel_loop3A_173 = vector.broadcast %parallel_loop3A_172 : f32 to vector<16xf32>
      %parallel_loop3A_174 = arith.maximumf %parallel_loop3A_171, %parallel_loop3A_173 : vector<16xf32>
      %parallel_loop3A_175 = arith.constant 1.000000e-03 : f32
      %parallel_loop3A_176 = vector.broadcast %parallel_loop3A_175 : f32 to vector<16xf32>
      %parallel_loop3A_177 = arith.addf %parallel_loop3A_174, %parallel_loop3A_176 : vector<16xf32>
      %parallel_loop3A_178 = arith.index_cast %parallel_loop3A_154 : i32 to index
      %parallel_loop3A_179 = tpu.vector_load %arg14[%parallel_loop3A_178] {strides = array<i32>} : memref<640xf32, #tpu.memory_space<vmem>>, vector<16xf32>,
      tpu.vector_store %arg14[%parallel_loop3A_178], %parallel_loop3A_177 {strides = array<i32>} : memref<640xf32, #tpu.memory_space<vmem>>, vector<16xf32>,
    } {sc.loop_unroll_factor = 4 : i64, sc.parallel_access}
    %lt3A = arith.constant 15 : i32
    %lt3A_146 = arith.cmpi slt, %arg1, %lt3A : i32
    %convert_element_type3A = arith.extui %lt3A_146 : i1 to i32
    %cond3A = arith.constant 0 : i32
    %cond3A_147 = arith.cmpi ne, %convert_element_type3A, %cond3A : i32
    scf.if %cond3A_147 {
      %mul3A_152 = arith.constant 640 : i32
      %mul3A_153 = arith.muli %arg1, %mul3A_152 : i32
      "tpu.region"() ({
        %run_scoped3A = tpu.sem_alloc : memref<!tpu.dma_semaphore, #tpu.memory_space<semaphore_mem>>
        %dma_start3A_154 = tpu.memref_slice %arg5[%mul3A_153] : memref<10000xf32, #tpu.memory_space<hbm>> -> memref<640xf32, #tpu.memory_space<hbm>>
        %dma_start3A_155 = tpu.memref_slice %arg5[%mul3A_153] : memref<10000xf32, #tpu.memory_space<hbm>> -> memref<640xf32, #tpu.memory_space<hbm>>
        tpu.enqueue_dma source(%arg14 : memref<640xf32, #tpu.memory_space<vmem>>) target(%dma_start3A_155 : memref<640xf32, #tpu.memory_space<hbm>>) target_semaphore(%run_scoped3A : memref<!tpu.dma_semaphore, #tpu.memory_space<semaphore_mem>>)
        %dma_wait3A_156 = tpu.memref_slice %arg5[%mul3A_153] : memref<10000xf32, #tpu.memory_space<hbm>> -> memref<640xf32, #tpu.memory_space<hbm>>
        %dma_wait3A_157 = tpu.memref_slice %arg5[%mul3A_153] : memref<10000xf32, #tpu.memory_space<hbm>> -> memref<640xf32, #tpu.memory_space<hbm>>
        tpu.wait_dma2 semaphore(%run_scoped3A : memref<!tpu.dma_semaphore, #tpu.memory_space<semaphore_mem>>) src(%arg14 : memref<640xf32, #tpu.memory_space<vmem>>) dst(%dma_wait3A_157 : memref<640xf32, #tpu.memory_space<hbm>>)
        tpu.yield
      }) : () -> ()
    } else {
    }
    %eq3A = arith.constant 15 : i32
    %eq3A_148 = arith.cmpi eq, %arg1, %eq3A : i32
    %convert_element_type3A_149 = arith.extui %eq3A_148 : i1 to i32
    %cond3A_150 = arith.constant 0 : i32
    %cond3A_151 = arith.cmpi ne, %convert_element_type3A_149, %cond3A_150 : i32
    scf.if %cond3A_151 {
      "tpu.region"() ({
        %run_scoped3A = tpu.sem_alloc : memref<!tpu.dma_semaphore, #tpu.memory_space<semaphore_mem>>
        %dma_start3A_152 = arith.constant 0 : i32
        %dma_start3A_153 = tpu.memref_slice %arg14[%dma_start3A_152] : memref<640xf32, #tpu.memory_space<vmem>> -> memref<400xf32, #tpu.memory_space<vmem>>
        %dma_start3A_154 = arith.constant 9600 : i32
        %dma_start3A_155 = tpu.memref_slice %arg5[%dma_start3A_154] : memref<10000xf32, #tpu.memory_space<hbm>> -> memref<400xf32, #tpu.memory_space<hbm>>
        %dma_start3A_156 = arith.constant 9600 : i32
        %dma_start3A_157 = tpu.memref_slice %arg5[%dma_start3A_156] : memref<10000xf32, #tpu.memory_space<hbm>> -> memref<400xf32, #tpu.memory_space<hbm>>
        %dma_start3A_158 = arith.constant 0 : i32
        %dma_start3A_159 = tpu.memref_slice %arg14[%dma_start3A_158] : memref<640xf32, #tpu.memory_space<vmem>> -> memref<400xf32, #tpu.memory_space<vmem>>
        tpu.enqueue_dma source(%dma_start3A_159 : memref<400xf32, #tpu.memory_space<vmem>>) target(%dma_start3A_157 : memref<400xf32, #tpu.memory_space<hbm>>) target_semaphore(%run_scoped3A : memref<!tpu.dma_semaphore, #tpu.memory_space<semaphore_mem>>)
        %dma_wait3A_160 = arith.constant 0 : i32
        %dma_wait3A_161 = tpu.memref_slice %arg14[%dma_wait3A_160] : memref<640xf32, #tpu.memory_space<vmem>> -> memref<400xf32, #tpu.memory_space<vmem>>
        %dma_wait3A_162 = arith.constant 9600 : i32
        %dma_wait3A_163 = tpu.memref_slice %arg5[%dma_wait3A_162] : memref<10000xf32, #tpu.memory_space<hbm>> -> memref<400xf32, #tpu.memory_space<hbm>>
        %dma_wait3A_164 = arith.constant 9600 : i32
        %dma_wait3A_165 = tpu.memref_slice %arg5[%dma_wait3A_164] : memref<10000xf32, #tpu.memory_space<hbm>> -> memref<400xf32, #tpu.memory_space<hbm>>
        %dma_wait3A_166 = arith.constant 0 : i32
        %dma_wait3A_167 = tpu.memref_slice %arg14[%dma_wait3A_166] : memref<640xf32, #tpu.memory_space<vmem>> -> memref<400xf32, #tpu.memory_space<vmem>>
        tpu.wait_dma2 semaphore(%run_scoped3A : memref<!tpu.dma_semaphore, #tpu.memory_space<semaphore_mem>>) src(%dma_wait3A_167 : memref<400xf32, #tpu.memory_space<vmem>>) dst(%dma_wait3A_165 : memref<400xf32, #tpu.memory_space<hbm>>)
        tpu.yield
      }) : () -> ()
    } else {
    }
    return
  }
}

module attributes {stable_mosaic.version = 14 : i64} {
  func.func @_h0_body(%arg0: i32, %arg1: memref<1024x128xf32, #tpu.memory_space<vmem>>, %arg2: memref<128x1xf32, #tpu.memory_space<vmem>>, %arg3: memref<1xf32, #tpu.memory_space<smem>>, %arg4: memref<1024xf32, #tpu.memory_space<vmem>>) attributes {dimension_semantics = [#tpu.dimension_semantics<arbitrary>], iteration_bounds = array<i64: 10>, scalar_prefetch = 0 : i64, scratch_operands = 0 : i64, tpu.core_type = #tpu.core_type<tc>, window_params = [{transform_indices = @transform_0, window_bounds = array<i64: 1024, 128>}, {pipeline_mode = #tpu.pipeline_mode<synchronous>, transform_indices = @transform_1, window_bounds = array<i64: 128, 1>}, {transform_indices = @transform_2, window_bounds = array<i64: 1>}, {transform_indices = @transform_3, window_bounds = array<i64: 1024>}]} {
    %get3A = arith.constant 0 : index
    %get3A_0 = arith.constant 0 : index
    %get3A_1 = vector.load %arg1[%get3A, %get3A_0] : memref<1024x128xf32, #tpu.memory_space<vmem>>, vector<1024x128xf32>
    %get3A_2 = arith.constant 0 : index
    %get3A_3 = arith.constant 0 : index
    %get3A_4 = vector.load %arg2[%get3A_2, %get3A_3] : memref<128x1xf32, #tpu.memory_space<vmem>>, vector<128x1xf32>
    %dot_general3A = arith.constant dense<0.000000e+00> : vector<1024x1xf32>
    %dot_general3A_5 = tpu.matmul %get3A_1, %get3A_4, %dot_general3A {dimension_numbers = #tpu.dot_dimension_numbers<[1], [0], [0], [1], [0, 0, 1, 1], [], []>, transpose_lhs_hint = false} : vector<1024x128xf32>, vector<128x1xf32>, vector<1024x1xf32> -> vector<1024x1xf32>
    %squeeze3A = vector.shape_cast %dot_general3A_5 : vector<1024x1xf32> to vector<1024xf32>
    %get3A_6 = arith.constant 0 : index
    %get3A_7 = memref.load %arg3[%get3A_6] : memref<1xf32, #tpu.memory_space<smem>>
    %add3A = vector.broadcast %get3A_7 : f32 to vector<1024xf32>
    %add3A_8 = arith.addf %squeeze3A, %add3A : vector<1024xf32>
    %swap3A = arith.constant 0 : index
    %swap3A_9 = vector.load %arg4[%swap3A] : memref<1024xf32, #tpu.memory_space<vmem>>, vector<1024xf32>
    tpu.vector_store %arg4[%swap3A], %add3A_8 {strides = array<i32>} : memref<1024xf32, #tpu.memory_space<vmem>>, vector<1024xf32>,
    return
  }
  func.func @transform_0(%arg0: i32) -> (i32, i32) {
    %c0_i32 = arith.constant 0 : i32
    %c0_i32_0 = arith.constant 0 : i32
    return %arg0, %c0_i32 : i32, i32
  }
  func.func @transform_1(%arg0: i32) -> (i32, i32) {
    %c0_i32 = arith.constant 0 : i32
    %c0_i32_0 = arith.constant 0 : i32
    %c0_i32_1 = arith.constant 0 : i32
    return %c0_i32, %c0_i32_0 : i32, i32
  }
  func.func @transform_2(%arg0: i32) -> i32 {
    %c0_i32 = arith.constant 0 : i32
    %c0_i32_0 = arith.constant 0 : i32
    return %c0_i32 : i32
  }
  func.func @transform_3(%arg0: i32) -> i32 {
    %c0_i32 = arith.constant 0 : i32
    return %arg0 : i32
  }
}

</mosaic_0001>

<sc_bundles>
// kernel: kernel.4.cloned.1.call-start
scs
__scs_entry_jumppad:
0x0: {  	(pc) =	sbr.rel $0x88, $3  }
0x1: {  	(tag) =	ssettag $0x0;
	lr =	simm.s32 $0x1  }
0x2: {  	[smem:$0x3F99] =	sst lr;
	_ =	strace $0xD0000000  }
0x3: {  	_ = 	snop  }
0x4: {  	_ = 	snop  }
0x5: {  	_ = 	snop  }
0x6: {  	_ = 	snop  }
0x7: {  	_ = 	snop  }
__scs_overlays_trampoline_lowered:
0x8: {  	[smem:$0x3FA8] =	sst s0  }
0x9: {  	[smem:$0x3FA9] =	sst s1  }
0xa: {  	[smem:$0x3FAA] =	sst s2  }
0xb: {  	[smem:$0x3FAB] =	sst s3  }
0xc: {  	[smem:$0x3FAC] =	sst s4  }
0xd: {  	[smem:$0x3FAD] =	sst s5  }
0xe: {  	[smem:$0x3FAE] =	sst s6  }
0xf: {  	[smem:$0x3FAF] =	sst s7  }
0x10: {  	[smem:$0x3FB0] =	sst s8  }
0x11: {  	[smem:$0x3FB1] =	sst s9;
	s0 =	simm.s32 @!p0 $0x0  }
0x12: {  	s1 =	sld [smem:$0x3F97];
	s0 =	simm.s32 @p0 $0x1  }
0x13: {  	[smem:$0x3FB2] =	sst s0;
	s0 =	simm.s32 @!p1 $0x0  }
0x14: {  	s2 =	sld [smem:$0x3F96];
	s0 =	simm.s32 @p1 $0x1  }
0x15: {  	[smem:$0x3FB3] =	sst s0;
	s0 =	simm.s32 @!p2 $0x0  }
0x16: {  	s3 =	sld [smem:$0x3FDB];
	s0 =	simm.s32 @p2 $0x1  }
0x17: {  	s4 =	simm.s32 $0x1BF5;
	[smem:$0x3FB5] =	sst s0  }
0x18: {  	s0 =	sld [smem:$0x3F98];
	_ =	swait.ge [sflag:s4], $0x0  }
0x19: {  	s7 =	sld [smem:$0x3F99]  }
0x1a: {  	s8 =	sadd.s32 $0xFFFFE003, lr  }
0x1b: {  	s9 =	sadd.s32 $0xFFFFFEF7, lr;
	s5 =	simm.s32 $0xFFFFFFFF;
	p2 =	slt.u32 s8, $0xFFFFF086  }
0x1c: {  	p1 =	slt.u32 s9, $0xF7A;
	s5 =	simm.s32 @!p2 $0x0  }
0x1d: {  	s5 =	simm.s32 @p1 $0x1;
	p0 =	seq.s32 s7, s2  }
0x1e: {  	s7 =	smul.u32 @!p0 $0xF7A, s2;
	p2 =	seq.s32 @!p0 s5, $0x0  }
0x1f: {  	s9 =	smul.u32 $0xF7A, s1;
	s8 =	simm.s32 @!p0 $0x1BF5;
	p2 =	por !p2, p0  }
0x20: {  	[sflag:s8] =	ssyncset.s32 @!p0 $0xFFFFF086;
	s6 =	sadd.s32 @!p0 s3, s7;
	s7 =	simm.s32 @!p0 $0x108  }
0x21: {  	s3 =	sadd.s32 s3, s9;
	s6 =	sadd.s32 @!p0 $0x88, s6;
	s7 =	simm.s32 @p2 $0x1082  }
0x22: {  	[simem:s7], [sflag:s8] =	dma.local @!p0 [hbm:s6], $0xF7A  }
0x23: {  	s9 =	sor.u32 $0xD0000000, s2;
	s6 =	simm.s32 $0x108;
	_ =	swait.ge @!p0 [sflag:s8], $0x0  }
0x24: {  	s3 =	sadd.s32 $0x88, s3;
	s6 =	simm.s32 @!p1 $0x1082;
	[sflag:s4] =	ssyncset.s32 $0xFFFFF086  }
0x25: {  	[simem:s6], [sflag:s4] =	dma.local [hbm:s3], $0xF7A  }
0x26: {  	[smem:$0x3F99] =	sst s1;
	(tag) =	ssettag s2;
	_ =	strace s9  }
0x27: {  	s1 =	sld [smem:$0x3FA9]  }
0x28: {  	s2 =	sld [smem:$0x3FAA]  }
0x29: {  	s4 =	sld [smem:$0x3FAC]  }
0x2a: {  	p0 =	seq.s32 s5, $0x0;
	s5 =	sld [smem:$0x3FAD]  }
0x2b: {  	s6 =	sld [smem:$0x3FAE]  }
0x2c: {  	s7 =	sld [smem:$0x3FAF]  }
0x2d: {  	s3 =	simm.s32 $0x108;
	s8 =	sld [smem:$0x3FB0]  }
0x2e: {  	s3 =	simm.s32 @!p0 $0x1082;
	s9 =	sld [smem:$0x3FB1]  }
0x2f: {  	lr =	sadd.s32 s0, s3;
	s0 =	sld [smem:$0x3FA8]  }
0x30: {  	s3 =	sld [smem:$0x3FAB]  }
0x31: {  	[smem:$0x3FB4] =	sst s10  }
0x32: {  	s10 =	sld [smem:$0x3FB2];
	_ =	sdelay $0x3  }
0x33: {  	p0 =	seq.s32 s10, $0x1;
	s10 =	sld [smem:$0x3FB4];
	_ =	sdelay $0x3  }
0x34: {  	[smem:$0x3FB4] =	sst s10  }
0x35: {  	s10 =	sld [smem:$0x3FB3];
	_ =	sdelay $0x3  }
0x36: {  	p1 =	seq.s32 s10, $0x1;
	s10 =	sld [smem:$0x3FB4];
	_ =	sdelay $0x3  }
0x37: {  	[smem:$0x3FB4] =	sst s10  }
0x38: {  	s10 =	sld [smem:$0x3FB5]  }
0x39: {  	_ = 	snop;
	(pc) =	sbr.ind lr, $3  }
0x3a: {  	_ = 	snop  }
0x3b: {  	_ = 	snop  }
0x3c: {  	p2 =	seq.s32 s10, $0x1;
	s10 =	sld [smem:$0x3FB4]  }
0x3d: {  	_ =	shalt  }
0x3e: {  	_ =	shalt  }
0x3f: {  	_ =	shalt  }
0x40: {  	_ =	shalt  }
0x41: {  	_ =	shalt  }
0x42: {  	_ =	shalt  }
0x43: {  	_ =	shalt  }
0x44: {  	_ =	shalt  }
0x45: {  	_ =	shalt  }
0x46: {  	_ =	shalt  }
0x47: {  	_ =	shalt  }
0x48: {  	_ =	shalt  }
0x49: {  	_ =	shalt  }
0x4a: {  	_ =	shalt  }
0x4b: {  	_ =	shalt  }
0x4c: {  	_ =	shalt  }
0x4d: {  	_ =	shalt  }
0x4e: {  	_ =	shalt  }
0x4f: {  	_ =	shalt  }
0x50: {  	_ =	shalt  }
0x51: {  	_ =	shalt  }
0x52: {  	_ =	shalt  }
0x53: {  	_ =	shalt  }
0x54: {  	_ =	shalt  }
0x55: {  	_ =	shalt  }
0x56: {  	_ =	shalt  }
0x57: {  	_ =	shalt  }
0x58: {  	_ =	shalt  }
0x59: {  	_ =	shalt  }
0x5a: {  	_ =	shalt  }
0x5b: {  	_ =	shalt  }
0x5c: {  	_ =	shalt  }
0x5d: {  	_ =	shalt  }
0x5e: {  	_ =	shalt  }
0x5f: {  	_ =	shalt  }
0x60: {  	_ =	shalt  }
0x61: {  	_ =	shalt  }
0x62: {  	_ =	shalt  }
0x63: {  	_ =	shalt  }
0x64: {  	_ =	shalt  }
0x65: {  	_ =	shalt  }
0x66: {  	_ =	shalt  }
0x67: {  	_ =	shalt  }
0x68: {  	_ =	shalt  }
0x69: {  	_ =	shalt  }
0x6a: {  	_ =	shalt  }
0x6b: {  	_ =	shalt  }
0x6c: {  	_ =	shalt  }
0x6d: {  	_ =	shalt  }
0x6e: {  	_ =	shalt  }
0x6f: {  	_ =	shalt  }
0x70: {  	_ =	shalt  }
0x71: {  	_ =	shalt  }
0x72: {  	_ =	shalt  }
0x73: {  	_ =	shalt  }
0x74: {  	_ =	shalt  }
0x75: {  	_ =	shalt  }
0x76: {  	_ =	shalt  }
0x77: {  	_ =	shalt  }
0x78: {  	_ =	shalt  }
0x79: {  	_ =	shalt  }
0x7a: {  	_ =	shalt  }
0x7b: {  	_ =	shalt  }
0x7c: {  	_ =	shalt  }
0x7d: {  	_ =	shalt  }
0x7e: {  	_ =	shalt  }
0x7f: {  	_ =	shalt  }
0x80: {  	_ =	shalt  }
0x81: {  	_ =	shalt  }
0x82: {  	_ =	shalt  }
0x83: {  	_ =	shalt  }
0x84: {  	_ =	shalt  }
0x85: {  	_ =	shalt  }
0x86: {  	_ =	shalt  }
0x87: {  	_ =	shalt  }
.Lfunc_end0:
.L_simem_size_0:
called_computation_lowered:
.L_overlay_start_0:
0x88: {  	s0 =	sld [smem:$0x3FD9]  }
0x89: {  	s1 =	sld [smem:$0x3FFE];
	_ =	sdelay $0x3  }
0x8a: {  	s0 =	sadd.s32 s1, s0  }
0x8b: {  	[smem:$0x3FC0] =	sst s0  }
0x8c: {  	_ = 	snop  }
0x8d: {  	s0 =	sld [smem:$0x3FD0];
	(tm) =	ssettm $0x1  }
0x8e: {  	s16 =	sld [smem:$0x3FFB];
	_ =	sdelay $0x3  }
0x8f: {  	_ =	strace s16  }
0x90: {  	s1 =	sld [smem:$0x3FFC];
	_ =	sdelay $0x3  }
0x91: {  	_ =	strace s1  }
0x92: {  	s1 =	sld [smem:$0x3FFD];
	_ =	sdelay $0x3  }
0x93: {  	_ =	strace s1  }
0x94: {  	_ =	strace $0x8FFFFFFF  }
0x95: {  	s17 =	sld [smem:$0x3FDB];
	_ =	sdelay $0x1  }
0x96: {  	s2 =	simm.s32 $_scs_section_size  }
0x97: {  	s3 =	simm.s32 $_size__tile_overlayer_lowered;
	s4 =	simm.s32 $_tile_overlayer_lowered  }
0x98: {  	s20 =	simm.s32 $0x1BFF;
	s19 =	sshll.u32 s4, $0x1;
	s1 =	sadd.s32 s2, s17  }
0x99: {  	s5 =	simm.s32 $0x0;
	s18 =	sshll.u32 s3, $0x1;
	s3 =	sadd.s32 s19, s1  }
0x9a: {  	[timem:s5], [sflag:s20] =	dma.local [hbm:s3], s18  }
0x9b: {  	_ =	swait.ge [sflag:s20], s18  }
0x9c: {  	s2 =	ssub.s32 $0x0, s18;
	[sflag:s20] =	ssyncset.done $0x0  }
0x9d: {  	[sflag:s20] =	ssyncadd.s32 s2;
	_ =	sdelay $0x1  }
0x9e: {  	s21 =	simm.s32 $0x1B8B  }
0x9f: {  	_ =	swait.ge [sflag:s21], $0x1  }
0xa0: {  	[sflag:s21] =	ssyncset.done $0x0  }
0xa1: {  	s23 =	simm.s32 $0x1B8E;
	s22 =	sld [smem:$0x3FFE];
	[sflag:s21] =	ssyncadd.s32 $0xFFFFFFFF  }
0xa2: {  	s24 =	simm.s32 $execute0_lowered;
	[smem:$0x3FD2] =	sst s23  }
0xa3: {  	s3 =	sshll.u32 s24, $0x1;
	_ =	strace $0x80000046;
	[dreg:$0x1] =	wrdreg $0xFFFFFFFF  }
0xa4: {  	s25 =	simm.s32 $_size_execute0_lowered;
	s1 =	sadd.s32 s1, s3;
	[dreg:$0x0] =	wrdreg $0x0  }
0xa5: {  	s3 =	sshll.u32 s25, $0x1;
	[dreg:$0x2] =	wrdreg s1  }
0xa6: {  	[dreg:$0x3] =	wrdreg s3  }
0xa7: {  	[dreg:$0x4] =	wrdreg $0xC0  }
0xa8: {  	_ =	task [dreg:s5], $0x5FFFF  }
0xa9: {  	[dreg:$0x1] =	wrdreg $0xFFFFFFFF  }
0xaa: {  	[dreg:$0x0] =	wrdreg $0x60  }
0xab: {  	[dreg:$0x2] =	wrdreg s22  }
0xac: {  	[dreg:$0x3] =	wrdreg s0  }
0xad: {  	[dreg:$0x4] =	wrdreg $0x123000  }
0xae: {  	[dreg:$0x5] =	wrdreg $0x9  }
0xaf: {  	_ =	task.clear_ibuf [dreg:s5], $0x6FFFF;
	_ =	strace $0x90000046  }
0xb0: {  	s26 =	simm.s32 $0x9;
	_ =	strace $0x80000048  }
0xb1: {  	_ =	swait.ge [sflag:s26], $0x1  }
0xb2: {  	[sflag:s26] =	ssyncadd.s32 $0xFFFFFFFF  }
0xb3: {  	_ =	strace $0x90000048  }
0xb4: {  	_ =	sfence  }
0xb5: {  	s28 =	sld [smem:$0x0];
	_ =	sdelay $0x1  }
0xb6: {  	s29 =	srdreg.scid  }
0xb7: {  	s30 =	sshll.u32 s29, $0xD;
	s31 =	sshrl.u32 s29, $0x2  }
0xb8: {  	s2 =	sand.u32 $0x4000, s30;
	s1 =	sand.u32 $0x1, s29;
	s0 =	sadd.s32 s31, s28  }
0xb9: {  	s1 =	sor.u32 s2, s1;
	s0 =	sshll.u32 s0, $0x11  }
0xba: {  	s0 =	sor.u32 s0, s1  }
0xbb: {  	s0 =	sadd.s32 $0x8F2B, s0  }
0xbc: {  	[sflag:s0] =	ssyncadd.remote.s32 $0x1  }
0xbd: {  	_ =	sfence.sel $0xFFFF  }
0xbe: {  	[dreg:$0x0] =	wrdreg $0xFFFFFFFF;
	(pc) =	sbr.abs _section_cstart, $3  }
0xbf: {  	[dreg:$0x1] =	wrdreg $0xFFFFFFFF  }
0xc0: {  	_ =	task.clear_ibuf [dreg:s5], $0x2FFFF;
	_ =	strace $0x9FFFFFFF  }
0xc1: {  	(tm) =	ssettm $0x7FFFFFFF  }
tec
execute0_lowered:
.L_overlay_start_1:
0x0: {  	(tag) =	ssettag $0x1  }
0x1: {  	s6 =	rddreg [dreg:$0x0]  }
0x2: {  	s3 =	rddreg [dreg:$0x1];
	s0 =	stileid.u32  }
0x3: {  	s5 =	rddreg [dreg:$0x2];
	s2 =	smul.u32 $0xA00, s0  }
0x4: {  	s1 =	rddreg [dreg:$0x3];
	s7 =	simm.s32 $0x0;
	s4 =	smul.u32 $0x280, s0  }
0x5: {  	[smem:$0x7FF] =	sst s7;
	s8 =	sadd.s32 s2, s6  }
0x6: {  	_ =	strace $0x80000047;
	s2 =	sshrl.u32 s4, $0x3;
	s9 =	sadd.s32 $0x1400, s8  }
0x7: {  	[tilespmem:s7], [sflag:$0x1] =	stream.linear.gather [hbm4b:s9+s7], $0x5000, $0x38;
	[tilespmem:$0x12580] =	vst v63  }
0x8: {  	s10 =	simm.s32 $0x5000;
	s26 =	sadd.s32 s2, s6;
	s8 =	sadd.s32 $0xB400, s8  }
0x9: {  	[tilespmem:s10], [sflag:$0x1] =	stream.linear.gather [hbm4b:s8+s7], $0x5000, $0x38;
	[tilespmem:$0x12580] =	vst v63  }
0xa: {  	s29 =	simm.s32 $0x11B00;
	s28 =	sadd.s32 $0x15400, s26  }
0xb: {  	[tilespmem:s29], [sflag:$0x1] =	stream.linear.gather [hbm4b:s28+s7], $0x280, $0x38;
	[tilespmem:$0x12580] =	vst v63  }
0xc: {  	s30 =	simm.s32 $0x12280;
	s31 =	simm.s32 $0x1  }
0xd: {  	[tilespmem:s30], [sflag:$0x1] =	stream.linear.gather [hbm4b:s3+s7], $0x80, $0x38;
	[tilespmem:$0x12580] =	vst v63  }
0xe: {  	_ =	swait.ge [sflag:s31], $0x5000  }
0xf: {  	[sflag:s31] =	ssyncset.done $0x0  }
0x10: {  	[sflag:s31] =	ssyncadd.s32 $0xFFFFB000  }
0x11: {  	_ =	swait.ge [sflag:s31], $0x5000  }
0x12: {  	[sflag:s31] =	ssyncset.done $0x0  }
0x13: {  	[sflag:s31] =	ssyncadd.s32 $0xFFFFB000  }
0x14: {  	_ =	swait.ge [sflag:s31], $0x280  }
0x15: {  	[sflag:s31] =	ssyncset.done $0x0  }
0x16: {  	[sflag:s31] =	ssyncadd.s32 $0xFFFFFD80  }
0x17: {  	_ =	swait.ge [sflag:s31], $0x80  }
0x18: {  	[sflag:s31] =	ssyncset.done $0x0  }
0x19: {  	v0 =	vimm.f32 $1.000000000e+00;
	[sflag:s31] =	ssyncadd.s32 $0xFFFFFF80  }
0x1a: {  	[tilespmem:$0x11800] =	vst v0  }
0x1b: {  	[tilespmem:$0x11810] =	vst v0  }
0x1c: {  	[tilespmem:$0x11820] =	vst v0  }
0x1d: {  	[tilespmem:$0x11830] =	vst v0  }
0x1e: {  	[tilespmem:$0x11840] =	vst v0  }
0x1f: {  	[tilespmem:$0x11850] =	vst v0  }
0x20: {  	[tilespmem:$0x11860] =	vst v0  }
0x21: {  	s7 =	simm.s32 $0x12020;
	[tilespmem:$0x11870] =	vst v0;
	v0 =	vimm.f32 $0.0e+00  }
0x22: {  	[tilespmem:s7+$0xFFFFFFE0] =	vst v0  }
0x23: {  	[tilespmem:s7+$0x10] =	vst v0  }
0x24: {  	s8 =	simm.s32 $0x0;
	s3 =	sadd.s32 $0x16000, s6;
	s6 =	sadd.s32 $0x15A00, s6;
	[tilespmem:s7+$0x0] =	vst v0  }
.LBB2_1:
0x25: {  	s8 =	sadd.s32 $0x4, s8  }
0x26: {  	[tilespmem:s7+$0xFFFFFFF0] =	vst v0;
	s7 =	sadd.s32 $0x40, s7;
	p0 =	slt.u32 s8, $0x24  }
.Ltmp0:
0x27: {  	[tilespmem:s7+$0xFFFFFFE0] =	vst v0;
	(pc) =	sbr.rel @p0 .LBB2_1-.Ltmp0, $3  }
0x28: {  	_ =	sdelay $0x1  }
0x29: {  	[tilespmem:s7+$0x10] =	vst v0  }
0x2a: {  	[tilespmem:s7+$0x0] =	vst v0  }
0x2b: {  	[tilespmem:s7+$0xFFFFFFF0] =	vst v0;
	s4 =	sadd.s32 s4, s5;
	s17 =	simm.s32 $0x12000;
	s18 =	simm.s32 $0x2  }
0x2c: {  	[spmem:s4] =	stream.linear.scatter [tilespmem:s17], [sflag:$0x2], $0x280, $0x38;
	[tilespmem:$0x12580] =	vst v63  }
0x2d: {  	_ =	swait.ge [sflag:s18], $0x280  }
0x2e: {  	[sflag:s18] =	ssyncset.done $0x0  }
0x2f: {  	s7 =	simm.s32 $0x80;
	[sflag:s18] =	ssyncadd.s32 $0xFFFFFD80  }
0x30: {  	s9 =	simm.s32 $0x5000;
	s8 =	simm.s32 $0x11800;
	[bflag:$0x0] =	sbarrier.arrive $0xFFFF  }
0x31: {  	[spmem:s5] =	stream.indirect.scatter.add.f32 [tilespmem:s8], [sflag:$0x1], $0x1, s9, s7, $0xb8;
	[tilespmem:$0x12580] =	vst v63  }
0x32: {  	s19 =	simm.s32 $0x5080  }
0x33: {  	[spmem:s5] =	stream.indirect.scatter.add.f32 [tilespmem:s8], [sflag:$0x1], $0x1, s19, s7, $0xb8;
	[tilespmem:$0x12580] =	vst v63  }
0x34: {  	s20 =	simm.s32 $0x5100  }
0x35: {  	[spmem:s5] =	stream.indirect.scatter.add.f32 [tilespmem:s8], [sflag:$0x1], $0x1, s20, s7, $0xb8;
	[tilespmem:$0x12580] =	vst v63  }
0x36: {  	s21 =	simm.s32 $0x5180  }
0x37: {  	[spmem:s5] =	stream.indirect.scatter.add.f32 [tilespmem:s8], [sflag:$0x1], $0x1, s21, s7, $0xb8;
	[tilespmem:$0x12580] =	vst v63  }
0x38: {  	s22 =	simm.s32 $0x5200  }
0x39: {  	[spmem:s5] =	stream.indirect.scatter.add.f32 [tilespmem:s8], [sflag:$0x1], $0x1, s22, s7, $0xb8;
	[tilespmem:$0x12580] =	vst v63  }
0x3a: {  	s23 =	simm.s32 $0x5280  }
0x3b: {  	[spmem:s5] =	stream.indirect.scatter.add.f32 [tilespmem:s8], [sflag:$0x1], $0x1, s23, s7, $0xb8;
	[tilespmem:$0x12580] =	vst v63  }
0x3c: {  	s24 =	simm.s32 $0x5300  }
0x3d: {  	[spmem:s5] =	stream.indirect.scatter.add.f32 [tilespmem:s8], [sflag:$0x1], $0x1, s24, s7, $0xb8;
	[tilespmem:$0x12580] =	vst v63  }
0x3e: {  	s25 =	simm.s32 $0x5380  }
0x3f: {  	[spmem:s5] =	stream.indirect.scatter.add.f32 [tilespmem:s8], [sflag:$0x1], $0x1, s25, s7, $0xb8;
	[tilespmem:$0x12580] =	vst v63  }
0x40: {  	s26 =	simm.s32 $0x5400  }
0x41: {  	[spmem:s5] =	stream.indirect.scatter.add.f32 [tilespmem:s8], [sflag:$0x1], $0x1, s26, s7, $0xb8;
	[tilespmem:$0x12580] =	vst v63  }
0x42: {  	s28 =	simm.s32 $0x5480  }
0x43: {  	[spmem:s5] =	stream.indirect.scatter.add.f32 [tilespmem:s8], [sflag:$0x1], $0x1, s28, s7, $0xb8;
	[tilespmem:$0x12580] =	vst v63  }
0x44: {  	s29 =	simm.s32 $0x5500  }
0x45: {  	[spmem:s5] =	stream.indirect.scatter.add.f32 [tilespmem:s8], [sflag:$0x1], $0x1, s29, s7, $0xb8;
	[tilespmem:$0x12580] =	vst v63  }
0x46: {  	s30 =	simm.s32 $0x5580  }
0x47: {  	[spmem:s5] =	stream.indirect.scatter.add.f32 [tilespmem:s8], [sflag:$0x1], $0x1, s30, s7, $0xb8;
	[tilespmem:$0x12580] =	vst v63  }
0x48: {  	s31 =	simm.s32 $0x5600  }
0x49: {  	[spmem:s5] =	stream.indirect.scatter.add.f32 [tilespmem:s8], [sflag:$0x1], $0x1, s31, s7, $0xb8;
	[tilespmem:$0x12580] =	vst v63  }
0x4a: {  	s10 =	simm.s32 $0x5680  }
0x4b: {  	[spmem:s5] =	stream.indirect.scatter.add.f32 [tilespmem:s8], [sflag:$0x1], $0x1, s10, s7, $0xb8;
	[tilespmem:$0x12580] =	vst v63  }
0x4c: {  	s11 =	simm.s32 $0x5700  }
0x4d: {  	[spmem:s5] =	stream.indirect.scatter.add.f32 [tilespmem:s8], [sflag:$0x1], $0x1, s11, s7, $0xb8;
	[tilespmem:$0x12580] =	vst v63  }
0x4e: {  	s12 =	simm.s32 $0x5780  }
0x4f: {  	[spmem:s5] =	stream.indirect.scatter.add.f32 [tilespmem:s8], [sflag:$0x1], $0x1, s12, s7, $0xb8;
	[tilespmem:$0x12580] =	vst v63  }
0x50: {  	s13 =	simm.s32 $0x5800  }
0x51: {  	[spmem:s5] =	stream.indirect.scatter.add.f32 [tilespmem:s8], [sflag:$0x1], $0x1, s13, s7, $0xb8;
	[tilespmem:$0x12580] =	vst v63  }
0x52: {  	s14 =	simm.s32 $0x5880  }
0x53: {  	[spmem:s5] =	stream.indirect.scatter.add.f32 [tilespmem:s8], [sflag:$0x1], $0x1, s14, s7, $0xb8;
	[tilespmem:$0x12580] =	vst v63  }
0x54: {  	s15 =	simm.s32 $0x5900  }
0x55: {  	[spmem:s5] =	stream.indirect.scatter.add.f32 [tilespmem:s8], [sflag:$0x1], $0x1, s15, s7, $0xb8;
	[tilespmem:$0x12580] =	vst v63  }
0x56: {  	s16 =	simm.s32 $0x5980  }
0x57: {  	[spmem:s5] =	stream.indirect.scatter.add.f32 [tilespmem:s8], [sflag:$0x1], $0x1, s16, s7, $0xb8;
	[tilespmem:$0x12580] =	vst v63  }
0x58: {  	s17 =	simm.s32 $0x5A00  }
0x59: {  	[spmem:s5] =	stream.indirect.scatter.add.f32 [tilespmem:s8], [sflag:$0x1], $0x1, s17, s7, $0xb8;
	[tilespmem:$0x12580] =	vst v63  }
0x5a: {  	s18 =	simm.s32 $0x5A80  }
0x5b: {  	[spmem:s5] =	stream.indirect.scatter.add.f32 [tilespmem:s8], [sflag:$0x1], $0x1, s18, s7, $0xb8;
	[tilespmem:$0x12580] =	vst v63  }
0x5c: {  	s19 =	simm.s32 $0x5B00  }
0x5d: {  	[spmem:s5] =	stream.indirect.scatter.add.f32 [tilespmem:s8], [sflag:$0x1], $0x1, s19, s7, $0xb8;
	[tilespmem:$0x12580] =	vst v63  }
0x5e: {  	s20 =	simm.s32 $0x5B80  }
0x5f: {  	[spmem:s5] =	stream.indirect.scatter.add.f32 [tilespmem:s8], [sflag:$0x1], $0x1, s20, s7, $0xb8;
	[tilespmem:$0x12580] =	vst v63  }
0x60: {  	s21 =	simm.s32 $0x5C00  }
0x61: {  	[spmem:s5] =	stream.indirect.scatter.add.f32 [tilespmem:s8], [sflag:$0x1], $0x1, s21, s7, $0xb8;
	[tilespmem:$0x12580] =	vst v63  }
0x62: {  	s22 =	simm.s32 $0x5C80  }
0x63: {  	[spmem:s5] =	stream.indirect.scatter.add.f32 [tilespmem:s8], [sflag:$0x1], $0x1, s22, s7, $0xb8;
	[tilespmem:$0x12580] =	vst v63  }
0x64: {  	s23 =	simm.s32 $0x5D00  }
0x65: {  	[spmem:s5] =	stream.indirect.scatter.add.f32 [tilespmem:s8], [sflag:$0x1], $0x1, s23, s7, $0xb8;
	[tilespmem:$0x12580] =	vst v63  }
0x66: {  	s24 =	simm.s32 $0x5D80  }
0x67: {  	[spmem:s5] =	stream.indirect.scatter.add.f32 [tilespmem:s8], [sflag:$0x1], $0x1, s24, s7, $0xb8;
	[tilespmem:$0x12580] =	vst v63  }
0x68: {  	s25 =	simm.s32 $0x5E00  }
0x69: {  	[spmem:s5] =	stream.indirect.scatter.add.f32 [tilespmem:s8], [sflag:$0x1], $0x1, s25, s7, $0xb8;
	[tilespmem:$0x12580] =	vst v63  }
0x6a: {  	s26 =	simm.s32 $0x5E80  }
0x6b: {  	[spmem:s5] =	stream.indirect.scatter.add.f32 [tilespmem:s8], [sflag:$0x1], $0x1, s26, s7, $0xb8;
	[tilespmem:$0x12580] =	vst v63  }
0x6c: {  	s28 =	simm.s32 $0x5F00  }
0x6d: {  	[spmem:s5] =	stream.indirect.scatter.add.f32 [tilespmem:s8], [sflag:$0x1], $0x1, s28, s7, $0xb8;
	[tilespmem:$0x12580] =	vst v63  }
0x6e: {  	s29 =	simm.s32 $0x5F80  }
0x6f: {  	[spmem:s5] =	stream.indirect.scatter.add.f32 [tilespmem:s8], [sflag:$0x1], $0x1, s29, s7, $0xb8;
	[tilespmem:$0x12580] =	vst v63  }
0x70: {  	s30 =	simm.s32 $0x6000  }
0x71: {  	[spmem:s5] =	stream.indirect.scatter.add.f32 [tilespmem:s8], [sflag:$0x1], $0x1, s30, s7, $0xb8;
	[tilespmem:$0x12580] =	vst v63  }
0x72: {  	s31 =	simm.s32 $0x6080  }
0x73: {  	[spmem:s5] =	stream.indirect.scatter.add.f32 [tilespmem:s8], [sflag:$0x1], $0x1, s31, s7, $0xb8;
	[tilespmem:$0x12580] =	vst v63  }
0x74: {  	s10 =	simm.s32 $0x6100  }
0x75: {  	[spmem:s5] =	stream.indirect.scatter.add.f32 [tilespmem:s8], [sflag:$0x1], $0x1, s10, s7, $0xb8;
	[tilespmem:$0x12580] =	vst v63  }
0x76: {  	s11 =	simm.s32 $0x6180  }
0x77: {  	[spmem:s5] =	stream.indirect.scatter.add.f32 [tilespmem:s8], [sflag:$0x1], $0x1, s11, s7, $0xb8;
	[tilespmem:$0x12580] =	vst v63  }
0x78: {  	s12 =	simm.s32 $0x6200  }
0x79: {  	[spmem:s5] =	stream.indirect.scatter.add.f32 [tilespmem:s8], [sflag:$0x1], $0x1, s12, s7, $0xb8;
	[tilespmem:$0x12580] =	vst v63  }
0x7a: {  	s13 =	simm.s32 $0x6280  }
0x7b: {  	[spmem:s5] =	stream.indirect.scatter.add.f32 [tilespmem:s8], [sflag:$0x1], $0x1, s13, s7, $0xb8;
	[tilespmem:$0x12580] =	vst v63  }
0x7c: {  	s14 =	simm.s32 $0x6300  }
0x7d: {  	[spmem:s5] =	stream.indirect.scatter.add.f32 [tilespmem:s8], [sflag:$0x1], $0x1, s14, s7, $0xb8;
	[tilespmem:$0x12580] =	vst v63  }
0x7e: {  	s15 =	simm.s32 $0x6380  }
0x7f: {  	[spmem:s5] =	stream.indirect.scatter.add.f32 [tilespmem:s8], [sflag:$0x1], $0x1, s15, s7, $0xb8;
	[tilespmem:$0x12580] =	vst v63  }
0x80: {  	s16 =	simm.s32 $0x6400  }
0x81: {  	[spmem:s5] =	stream.indirect.scatter.add.f32 [tilespmem:s8], [sflag:$0x1], $0x1, s16, s7, $0xb8;
	[tilespmem:$0x12580] =	vst v63  }
0x82: {  	s17 =	simm.s32 $0x6480  }
0x83: {  	[spmem:s5] =	stream.indirect.scatter.add.f32 [tilespmem:s8], [sflag:$0x1], $0x1, s17, s7, $0xb8;
	[tilespmem:$0x12580] =	vst v63  }
0x84: {  	s18 =	simm.s32 $0x6500  }
0x85: {  	[spmem:s5] =	stream.indirect.scatter.add.f32 [tilespmem:s8], [sflag:$0x1], $0x1, s18, s7, $0xb8;
	[tilespmem:$0x12580] =	vst v63  }
0x86: {  	s19 =	simm.s32 $0x6580  }
0x87: {  	[spmem:s5] =	stream.indirect.scatter.add.f32 [tilespmem:s8], [sflag:$0x1], $0x1, s19, s7, $0xb8;
	[tilespmem:$0x12580] =	vst v63  }
0x88: {  	s20 =	simm.s32 $0x6600  }
0x89: {  	[spmem:s5] =	stream.indirect.scatter.add.f32 [tilespmem:s8], [sflag:$0x1], $0x1, s20, s7, $0xb8;
	[tilespmem:$0x12580] =	vst v63  }
0x8a: {  	s21 =	simm.s32 $0x6680  }
0x8b: {  	[spmem:s5] =	stream.indirect.scatter.add.f32 [tilespmem:s8], [sflag:$0x1], $0x1, s21, s7, $0xb8;
	[tilespmem:$0x12580] =	vst v63  }
0x8c: {  	s22 =	simm.s32 $0x6700  }
0x8d: {  	[spmem:s5] =	stream.indirect.scatter.add.f32 [tilespmem:s8], [sflag:$0x1], $0x1, s22, s7, $0xb8;
	[tilespmem:$0x12580] =	vst v63  }
0x8e: {  	s23 =	simm.s32 $0x6780  }
0x8f: {  	[spmem:s5] =	stream.indirect.scatter.add.f32 [tilespmem:s8], [sflag:$0x1], $0x1, s23, s7, $0xb8;
	[tilespmem:$0x12580] =	vst v63  }
0x90: {  	s24 =	simm.s32 $0x6800  }
0x91: {  	[spmem:s5] =	stream.indirect.scatter.add.f32 [tilespmem:s8], [sflag:$0x1], $0x1, s24, s7, $0xb8;
	[tilespmem:$0x12580] =	vst v63  }
0x92: {  	s25 =	simm.s32 $0x6880  }
0x93: {  	[spmem:s5] =	stream.indirect.scatter.add.f32 [tilespmem:s8], [sflag:$0x1], $0x1, s25, s7, $0xb8;
	[tilespmem:$0x12580] =	vst v63  }
0x94: {  	s26 =	simm.s32 $0x6900  }
0x95: {  	[spmem:s5] =	stream.indirect.scatter.add.f32 [tilespmem:s8], [sflag:$0x1], $0x1, s26, s7, $0xb8;
	[tilespmem:$0x12580] =	vst v63  }
0x96: {  	s28 =	simm.s32 $0x6980  }
0x97: {  	[spmem:s5] =	stream.indirect.scatter.add.f32 [tilespmem:s8], [sflag:$0x1], $0x1, s28, s7, $0xb8;
	[tilespmem:$0x12580] =	vst v63  }
0x98: {  	s29 =	simm.s32 $0x6A00  }
0x99: {  	[spmem:s5] =	stream.indirect.scatter.add.f32 [tilespmem:s8], [sflag:$0x1], $0x1, s29, s7, $0xb8;
	[tilespmem:$0x12580] =	vst v63  }
0x9a: {  	s30 =	simm.s32 $0x6A80  }
0x9b: {  	[spmem:s5] =	stream.indirect.scatter.add.f32 [tilespmem:s8], [sflag:$0x1], $0x1, s30, s7, $0xb8;
	[tilespmem:$0x12580] =	vst v63  }
0x9c: {  	s31 =	simm.s32 $0x6B00  }
0x9d: {  	[spmem:s5] =	stream.indirect.scatter.add.f32 [tilespmem:s8], [sflag:$0x1], $0x1, s31, s7, $0xb8;
	[tilespmem:$0x12580] =	vst v63  }
0x9e: {  	s10 =	simm.s32 $0x6B80  }
0x9f: {  	[spmem:s5] =	stream.indirect.scatter.add.f32 [tilespmem:s8], [sflag:$0x1], $0x1, s10, s7, $0xb8;
	[tilespmem:$0x12580] =	vst v63  }
0xa0: {  	s11 =	simm.s32 $0x6C00  }
0xa1: {  	[spmem:s5] =	stream.indirect.scatter.add.f32 [tilespmem:s8], [sflag:$0x1], $0x1, s11, s7, $0xb8;
	[tilespmem:$0x12580] =	vst v63  }
0xa2: {  	s12 =	simm.s32 $0x6C80  }
0xa3: {  	[spmem:s5] =	stream.indirect.scatter.add.f32 [tilespmem:s8], [sflag:$0x1], $0x1, s12, s7, $0xb8;
	[tilespmem:$0x12580] =	vst v63  }
0xa4: {  	s13 =	simm.s32 $0x6D00  }
0xa5: {  	[spmem:s5] =	stream.indirect.scatter.add.f32 [tilespmem:s8], [sflag:$0x1], $0x1, s13, s7, $0xb8;
	[tilespmem:$0x12580] =	vst v63  }
0xa6: {  	s14 =	simm.s32 $0x6D80  }
0xa7: {  	[spmem:s5] =	stream.indirect.scatter.add.f32 [tilespmem:s8], [sflag:$0x1], $0x1, s14, s7, $0xb8;
	[tilespmem:$0x12580] =	vst v63  }
0xa8: {  	s15 =	simm.s32 $0x6E00  }
0xa9: {  	[spmem:s5] =	stream.indirect.scatter.add.f32 [tilespmem:s8], [sflag:$0x1], $0x1, s15, s7, $0xb8;
	[tilespmem:$0x12580] =	vst v63  }
0xaa: {  	s16 =	simm.s32 $0x6E80  }
0xab: {  	[spmem:s5] =	stream.indirect.scatter.add.f32 [tilespmem:s8], [sflag:$0x1], $0x1, s16, s7, $0xb8;
	[tilespmem:$0x12580] =	vst v63  }
0xac: {  	s17 =	simm.s32 $0x6F00  }
0xad: {  	[spmem:s5] =	stream.indirect.scatter.add.f32 [tilespmem:s8], [sflag:$0x1], $0x1, s17, s7, $0xb8;
	[tilespmem:$0x12580] =	vst v63  }
0xae: {  	s18 =	simm.s32 $0x6F80  }
0xaf: {  	[spmem:s5] =	stream.indirect.scatter.add.f32 [tilespmem:s8], [sflag:$0x1], $0x1, s18, s7, $0xb8;
	[tilespmem:$0x12580] =	vst v63  }
0xb0: {  	s19 =	simm.s32 $0x7000  }
0xb1: {  	[spmem:s5] =	stream.indirect.scatter.add.f32 [tilespmem:s8], [sflag:$0x1], $0x1, s19, s7, $0xb8;
	[tilespmem:$0x12580] =	vst v63  }
0xb2: {  	s20 =	simm.s32 $0x7080  }
0xb3: {  	[spmem:s5] =	stream.indirect.scatter.add.f32 [tilespmem:s8], [sflag:$0x1], $0x1, s20, s7, $0xb8;
	[tilespmem:$0x12580] =	vst v63  }
0xb4: {  	s21 =	simm.s32 $0x7100  }
0xb5: {  	[spmem:s5] =	stream.indirect.scatter.add.f32 [tilespmem:s8], [sflag:$0x1], $0x1, s21, s7, $0xb8;
	[tilespmem:$0x12580] =	vst v63  }
0xb6: {  	s22 =	simm.s32 $0x7180  }
0xb7: {  	[spmem:s5] =	stream.indirect.scatter.add.f32 [tilespmem:s8], [sflag:$0x1], $0x1, s22, s7, $0xb8;
	[tilespmem:$0x12580] =	vst v63  }
0xb8: {  	s23 =	simm.s32 $0x7200  }
0xb9: {  	[spmem:s5] =	stream.indirect.scatter.add.f32 [tilespmem:s8], [sflag:$0x1], $0x1, s23, s7, $0xb8;
	[tilespmem:$0x12580] =	vst v63  }
0xba: {  	s24 =	simm.s32 $0x7280  }
0xbb: {  	[spmem:s5] =	stream.indirect.scatter.add.f32 [tilespmem:s8], [sflag:$0x1], $0x1, s24, s7, $0xb8;
	[tilespmem:$0x12580] =	vst v63  }
0xbc: {  	s25 =	simm.s32 $0x7300  }
0xbd: {  	[spmem:s5] =	stream.indirect.scatter.add.f32 [tilespmem:s8], [sflag:$0x1], $0x1, s25, s7, $0xb8;
	[tilespmem:$0x12580] =	vst v63  }
0xbe: {  	s26 =	simm.s32 $0x7380  }
0xbf: {  	[spmem:s5] =	stream.indirect.scatter.add.f32 [tilespmem:s8], [sflag:$0x1], $0x1, s26, s7, $0xb8;
	[tilespmem:$0x12580] =	vst v63  }
0xc0: {  	s28 =	simm.s32 $0x7400  }
0xc1: {  	[spmem:s5] =	stream.indirect.scatter.add.f32 [tilespmem:s8], [sflag:$0x1], $0x1, s28, s7, $0xb8;
	[tilespmem:$0x12580] =	vst v63  }
0xc2: {  	s29 =	simm.s32 $0x7480  }
0xc3: {  	[spmem:s5] =	stream.indirect.scatter.add.f32 [tilespmem:s8], [sflag:$0x1], $0x1, s29, s7, $0xb8;
	[tilespmem:$0x12580] =	vst v63  }
0xc4: {  	s30 =	simm.s32 $0x7500  }
0xc5: {  	[spmem:s5] =	stream.indirect.scatter.add.f32 [tilespmem:s8], [sflag:$0x1], $0x1, s30, s7, $0xb8;
	[tilespmem:$0x12580] =	vst v63  }
0xc6: {  	s31 =	simm.s32 $0x7580  }
0xc7: {  	[spmem:s5] =	stream.indirect.scatter.add.f32 [tilespmem:s8], [sflag:$0x1], $0x1, s31, s7, $0xb8;
	[tilespmem:$0x12580] =	vst v63  }
0xc8: {  	s10 =	simm.s32 $0x7600  }
0xc9: {  	[spmem:s5] =	stream.indirect.scatter.add.f32 [tilespmem:s8], [sflag:$0x1], $0x1, s10, s7, $0xb8;
	[tilespmem:$0x12580] =	vst v63  }
0xca: {  	s11 =	simm.s32 $0x7680  }
0xcb: {  	[spmem:s5] =	stream.indirect.scatter.add.f32 [tilespmem:s8], [sflag:$0x1], $0x1, s11, s7, $0xb8;
	[tilespmem:$0x12580] =	vst v63  }
0xcc: {  	s12 =	simm.s32 $0x7700  }
0xcd: {  	[spmem:s5] =	stream.indirect.scatter.add.f32 [tilespmem:s8], [sflag:$0x1], $0x1, s12, s7, $0xb8;
	[tilespmem:$0x12580] =	vst v63  }
0xce: {  	s13 =	simm.s32 $0x7780  }
0xcf: {  	[spmem:s5] =	stream.indirect.scatter.add.f32 [tilespmem:s8], [sflag:$0x1], $0x1, s13, s7, $0xb8;
	[tilespmem:$0x12580] =	vst v63  }
0xd0: {  	s14 =	simm.s32 $0x7800  }
0xd1: {  	[spmem:s5] =	stream.indirect.scatter.add.f32 [tilespmem:s8], [sflag:$0x1], $0x1, s14, s7, $0xb8;
	[tilespmem:$0x12580] =	vst v63  }
0xd2: {  	s15 =	simm.s32 $0x7880  }
0xd3: {  	[spmem:s5] =	stream.indirect.scatter.add.f32 [tilespmem:s8], [sflag:$0x1], $0x1, s15, s7, $0xb8;
	[tilespmem:$0x12580] =	vst v63  }
0xd4: {  	s16 =	simm.s32 $0x7900  }
0xd5: {  	[spmem:s5] =	stream.indirect.scatter.add.f32 [tilespmem:s8], [sflag:$0x1], $0x1, s16, s7, $0xb8;
	[tilespmem:$0x12580] =	vst v63  }
0xd6: {  	s17 =	simm.s32 $0x7980  }
0xd7: {  	[spmem:s5] =	stream.indirect.scatter.add.f32 [tilespmem:s8], [sflag:$0x1], $0x1, s17, s7, $0xb8;
	[tilespmem:$0x12580] =	vst v63  }
0xd8: {  	s18 =	simm.s32 $0x7A00  }
0xd9: {  	[spmem:s5] =	stream.indirect.scatter.add.f32 [tilespmem:s8], [sflag:$0x1], $0x1, s18, s7, $0xb8;
	[tilespmem:$0x12580] =	vst v63  }
0xda: {  	s19 =	simm.s32 $0x7A80  }
0xdb: {  	[spmem:s5] =	stream.indirect.scatter.add.f32 [tilespmem:s8], [sflag:$0x1], $0x1, s19, s7, $0xb8;
	[tilespmem:$0x12580] =	vst v63  }
0xdc: {  	s20 =	simm.s32 $0x7B00  }
0xdd: {  	[spmem:s5] =	stream.indirect.scatter.add.f32 [tilespmem:s8], [sflag:$0x1], $0x1, s20, s7, $0xb8;
	[tilespmem:$0x12580] =	vst v63  }
0xde: {  	s21 =	simm.s32 $0x7B80  }
0xdf: {  	[spmem:s5] =	stream.indirect.scatter.add.f32 [tilespmem:s8], [sflag:$0x1], $0x1, s21, s7, $0xb8;
	[tilespmem:$0x12580] =	vst v63  }
0xe0: {  	s22 =	simm.s32 $0x7C00  }
0xe1: {  	[spmem:s5] =	stream.indirect.scatter.add.f32 [tilespmem:s8], [sflag:$0x1], $0x1, s22, s7, $0xb8;
	[tilespmem:$0x12580] =	vst v63  }
0xe2: {  	s23 =	simm.s32 $0x7C80  }
0xe3: {  	[spmem:s5] =	stream.indirect.scatter.add.f32 [tilespmem:s8], [sflag:$0x1], $0x1, s23, s7, $0xb8;
	[tilespmem:$0x12580] =	vst v63  }
0xe4: {  	s24 =	simm.s32 $0x7D00  }
0xe5: {  	[spmem:s5] =	stream.indirect.scatter.add.f32 [tilespmem:s8], [sflag:$0x1], $0x1, s24, s7, $0xb8;
	[tilespmem:$0x12580] =	vst v63  }
0xe6: {  	s25 =	simm.s32 $0x7D80  }
0xe7: {  	[spmem:s5] =	stream.indirect.scatter.add.f32 [tilespmem:s8], [sflag:$0x1], $0x1, s25, s7, $0xb8;
	[tilespmem:$0x12580] =	vst v63  }
0xe8: {  	s26 =	simm.s32 $0x7E00  }
0xe9: {  	[spmem:s5] =	stream.indirect.scatter.add.f32 [tilespmem:s8], [sflag:$0x1], $0x1, s26, s7, $0xb8;
	[tilespmem:$0x12580] =	vst v63  }
0xea: {  	s28 =	simm.s32 $0x7E80  }
0xeb: {  	[spmem:s5] =	stream.indirect.scatter.add.f32 [tilespmem:s8], [sflag:$0x1], $0x1, s28, s7, $0xb8;
	[tilespmem:$0x12580] =	vst v63  }
0xec: {  	s29 =	simm.s32 $0x7F00  }
0xed: {  	[spmem:s5] =	stream.indirect.scatter.add.f32 [tilespmem:s8], [sflag:$0x1], $0x1, s29, s7, $0xb8;
	[tilespmem:$0x12580] =	vst v63  }
0xee: {  	s30 =	simm.s32 $0x7F80  }
0xef: {  	[spmem:s5] =	stream.indirect.scatter.add.f32 [tilespmem:s8], [sflag:$0x1], $0x1, s30, s7, $0xb8;
	[tilespmem:$0x12580] =	vst v63  }
0xf0: {  	s31 =	simm.s32 $0x8000  }
0xf1: {  	[spmem:s5] =	stream.indirect.scatter.add.f32 [tilespmem:s8], [sflag:$0x1], $0x1, s31, s7, $0xb8;
	[tilespmem:$0x12580] =	vst v63  }
0xf2: {  	s10 =	simm.s32 $0x8080  }
0xf3: {  	[spmem:s5] =	stream.indirect.scatter.add.f32 [tilespmem:s8], [sflag:$0x1], $0x1, s10, s7, $0xb8;
	[tilespmem:$0x12580] =	vst v63  }
0xf4: {  	s11 =	simm.s32 $0x8100  }
0xf5: {  	[spmem:s5] =	stream.indirect.scatter.add.f32 [tilespmem:s8], [sflag:$0x1], $0x1, s11, s7, $0xb8;
	[tilespmem:$0x12580] =	vst v63  }
0xf6: {  	s12 =	simm.s32 $0x8180  }
0xf7: {  	[spmem:s5] =	stream.indirect.scatter.add.f32 [tilespmem:s8], [sflag:$0x1], $0x1, s12, s7, $0xb8;
	[tilespmem:$0x12580] =	vst v63  }
0xf8: {  	s13 =	simm.s32 $0x8200  }
0xf9: {  	[spmem:s5] =	stream.indirect.scatter.add.f32 [tilespmem:s8], [sflag:$0x1], $0x1, s13, s7, $0xb8;
	[tilespmem:$0x12580] =	vst v63  }
0xfa: {  	s14 =	simm.s32 $0x8280  }
0xfb: {  	[spmem:s5] =	stream.indirect.scatter.add.f32 [tilespmem:s8], [sflag:$0x1], $0x1, s14, s7, $0xb8;
	[tilespmem:$0x12580] =	vst v63  }
0xfc: {  	s15 =	simm.s32 $0x8300  }
0xfd: {  	[spmem:s5] =	stream.indirect.scatter.add.f32 [tilespmem:s8], [sflag:$0x1], $0x1, s15, s7, $0xb8;
	[tilespmem:$0x12580] =	vst v63  }
0xfe: {  	s16 =	simm.s32 $0x8380  }
0xff: {  	[spmem:s5] =	stream.indirect.scatter.add.f32 [tilespmem:s8], [sflag:$0x1], $0x1, s16, s7, $0xb8;
	[tilespmem:$0x12580] =	vst v63  }
0x100: {  	s17 =	simm.s32 $0x8400  }
0x101: {  	[spmem:s5] =	stream.indirect.scatter.add.f32 [tilespmem:s8], [sflag:$0x1], $0x1, s17, s7, $0xb8;
	[tilespmem:$0x12580] =	vst v63  }
0x102: {  	s18 =	simm.s32 $0x8480  }
0x103: {  	[spmem:s5] =	stream.indirect.scatter.add.f32 [tilespmem:s8], [sflag:$0x1], $0x1, s18, s7, $0xb8;
	[tilespmem:$0x12580] =	vst v63  }
0x104: {  	s19 =	simm.s32 $0x8500  }
0x105: {  	[spmem:s5] =	stream.indirect.scatter.add.f32 [tilespmem:s8], [sflag:$0x1], $0x1, s19, s7, $0xb8;
	[tilespmem:$0x12580] =	vst v63  }
0x106: {  	s20 =	simm.s32 $0x8580  }
0x107: {  	[spmem:s5] =	stream.indirect.scatter.add.f32 [tilespmem:s8], [sflag:$0x1], $0x1, s20, s7, $0xb8;
	[tilespmem:$0x12580] =	vst v63  }
0x108: {  	s21 =	simm.s32 $0x8600  }
0x109: {  	[spmem:s5] =	stream.indirect.scatter.add.f32 [tilespmem:s8], [sflag:$0x1], $0x1, s21, s7, $0xb8;
	[tilespmem:$0x12580] =	vst v63  }
0x10a: {  	s22 =	simm.s32 $0x8680  }
0x10b: {  	[spmem:s5] =	stream.indirect.scatter.add.f32 [tilespmem:s8], [sflag:$0x1], $0x1, s22, s7, $0xb8;
	[tilespmem:$0x12580] =	vst v63  }
0x10c: {  	s23 =	simm.s32 $0x8700  }
0x10d: {  	[spmem:s5] =	stream.indirect.scatter.add.f32 [tilespmem:s8], [sflag:$0x1], $0x1, s23, s7, $0xb8;
	[tilespmem:$0x12580] =	vst v63  }
0x10e: {  	s24 =	simm.s32 $0x8780  }
0x10f: {  	[spmem:s5] =	stream.indirect.scatter.add.f32 [tilespmem:s8], [sflag:$0x1], $0x1, s24, s7, $0xb8;
	[tilespmem:$0x12580] =	vst v63  }
0x110: {  	s25 =	simm.s32 $0x8800  }
0x111: {  	[spmem:s5] =	stream.indirect.scatter.add.f32 [tilespmem:s8], [sflag:$0x1], $0x1, s25, s7, $0xb8;
	[tilespmem:$0x12580] =	vst v63  }
0x112: {  	s26 =	simm.s32 $0x8880  }
0x113: {  	[spmem:s5] =	stream.indirect.scatter.add.f32 [tilespmem:s8], [sflag:$0x1], $0x1, s26, s7, $0xb8;
	[tilespmem:$0x12580] =	vst v63  }
0x114: {  	s28 =	simm.s32 $0x8900  }
0x115: {  	[spmem:s5] =	stream.indirect.scatter.add.f32 [tilespmem:s8], [sflag:$0x1], $0x1, s28, s7, $0xb8;
	[tilespmem:$0x12580] =	vst v63  }
0x116: {  	s29 =	simm.s32 $0x8980  }
0x117: {  	[spmem:s5] =	stream.indirect.scatter.add.f32 [tilespmem:s8], [sflag:$0x1], $0x1, s29, s7, $0xb8;
	[tilespmem:$0x12580] =	vst v63  }
0x118: {  	s30 =	simm.s32 $0x8A00  }
0x119: {  	[spmem:s5] =	stream.indirect.scatter.add.f32 [tilespmem:s8], [sflag:$0x1], $0x1, s30, s7, $0xb8;
	[tilespmem:$0x12580] =	vst v63  }
0x11a: {  	s31 =	simm.s32 $0x8A80  }
0x11b: {  	[spmem:s5] =	stream.indirect.scatter.add.f32 [tilespmem:s8], [sflag:$0x1], $0x1, s31, s7, $0xb8;
	[tilespmem:$0x12580] =	vst v63  }
0x11c: {  	s10 =	simm.s32 $0x8B00  }
0x11d: {  	[spmem:s5] =	stream.indirect.scatter.add.f32 [tilespmem:s8], [sflag:$0x1], $0x1, s10, s7, $0xb8;
	[tilespmem:$0x12580] =	vst v63  }
0x11e: {  	s11 =	simm.s32 $0x8B80  }
0x11f: {  	[spmem:s5] =	stream.indirect.scatter.add.f32 [tilespmem:s8], [sflag:$0x1], $0x1, s11, s7, $0xb8;
	[tilespmem:$0x12580] =	vst v63  }
0x120: {  	s12 =	simm.s32 $0x8C00  }
0x121: {  	[spmem:s5] =	stream.indirect.scatter.add.f32 [tilespmem:s8], [sflag:$0x1], $0x1, s12, s7, $0xb8;
	[tilespmem:$0x12580] =	vst v63  }
0x122: {  	s13 =	simm.s32 $0x8C80  }
0x123: {  	[spmem:s5] =	stream.indirect.scatter.add.f32 [tilespmem:s8], [sflag:$0x1], $0x1, s13, s7, $0xb8;
	[tilespmem:$0x12580] =	vst v63  }
0x124: {  	s14 =	simm.s32 $0x8D00  }
0x125: {  	[spmem:s5] =	stream.indirect.scatter.add.f32 [tilespmem:s8], [sflag:$0x1], $0x1, s14, s7, $0xb8;
	[tilespmem:$0x12580] =	vst v63  }
0x126: {  	s15 =	simm.s32 $0x8D80  }
0x127: {  	[spmem:s5] =	stream.indirect.scatter.add.f32 [tilespmem:s8], [sflag:$0x1], $0x1, s15, s7, $0xb8;
	[tilespmem:$0x12580] =	vst v63  }
0x128: {  	s16 =	simm.s32 $0x8E00  }
0x129: {  	[spmem:s5] =	stream.indirect.scatter.add.f32 [tilespmem:s8], [sflag:$0x1], $0x1, s16, s7, $0xb8;
	[tilespmem:$0x12580] =	vst v63  }
0x12a: {  	s17 =	simm.s32 $0x8E80  }
0x12b: {  	[spmem:s5] =	stream.indirect.scatter.add.f32 [tilespmem:s8], [sflag:$0x1], $0x1, s17, s7, $0xb8;
	[tilespmem:$0x12580] =	vst v63  }
0x12c: {  	s18 =	simm.s32 $0x8F00  }
0x12d: {  	[spmem:s5] =	stream.indirect.scatter.add.f32 [tilespmem:s8], [sflag:$0x1], $0x1, s18, s7, $0xb8;
	[tilespmem:$0x12580] =	vst v63  }
0x12e: {  	s19 =	simm.s32 $0x8F80  }
0x12f: {  	[spmem:s5] =	stream.indirect.scatter.add.f32 [tilespmem:s8], [sflag:$0x1], $0x1, s19, s7, $0xb8;
	[tilespmem:$0x12580] =	vst v63  }
0x130: {  	s20 =	simm.s32 $0x9000  }
0x131: {  	[spmem:s5] =	stream.indirect.scatter.add.f32 [tilespmem:s8], [sflag:$0x1], $0x1, s20, s7, $0xb8;
	[tilespmem:$0x12580] =	vst v63  }
0x132: {  	s21 =	simm.s32 $0x9080  }
0x133: {  	[spmem:s5] =	stream.indirect.scatter.add.f32 [tilespmem:s8], [sflag:$0x1], $0x1, s21, s7, $0xb8;
	[tilespmem:$0x12580] =	vst v63  }
0x134: {  	s22 =	simm.s32 $0x9100  }
0x135: {  	[spmem:s5] =	stream.indirect.scatter.add.f32 [tilespmem:s8], [sflag:$0x1], $0x1, s22, s7, $0xb8;
	[tilespmem:$0x12580] =	vst v63  }
0x136: {  	s23 =	simm.s32 $0x9180  }
0x137: {  	[spmem:s5] =	stream.indirect.scatter.add.f32 [tilespmem:s8], [sflag:$0x1], $0x1, s23, s7, $0xb8;
	[tilespmem:$0x12580] =	vst v63  }
0x138: {  	s24 =	simm.s32 $0x9200  }
0x139: {  	[spmem:s5] =	stream.indirect.scatter.add.f32 [tilespmem:s8], [sflag:$0x1], $0x1, s24, s7, $0xb8;
	[tilespmem:$0x12580] =	vst v63  }
0x13a: {  	s25 =	simm.s32 $0x9280  }
0x13b: {  	[spmem:s5] =	stream.indirect.scatter.add.f32 [tilespmem:s8], [sflag:$0x1], $0x1, s25, s7, $0xb8;
	[tilespmem:$0x12580] =	vst v63  }
0x13c: {  	s26 =	simm.s32 $0x9300  }
0x13d: {  	[spmem:s5] =	stream.indirect.scatter.add.f32 [tilespmem:s8], [sflag:$0x1], $0x1, s26, s7, $0xb8;
	[tilespmem:$0x12580] =	vst v63  }
0x13e: {  	s28 =	simm.s32 $0x9380  }
0x13f: {  	[spmem:s5] =	stream.indirect.scatter.add.f32 [tilespmem:s8], [sflag:$0x1], $0x1, s28, s7, $0xb8;
	[tilespmem:$0x12580] =	vst v63  }
0x140: {  	s29 =	simm.s32 $0x9400  }
0x141: {  	[spmem:s5] =	stream.indirect.scatter.add.f32 [tilespmem:s8], [sflag:$0x1], $0x1, s29, s7, $0xb8;
	[tilespmem:$0x12580] =	vst v63  }
0x142: {  	s30 =	simm.s32 $0x9480  }
0x143: {  	[spmem:s5] =	stream.indirect.scatter.add.f32 [tilespmem:s8], [sflag:$0x1], $0x1, s30, s7, $0xb8;
	[tilespmem:$0x12580] =	vst v63  }
0x144: {  	s31 =	simm.s32 $0x9500  }
0x145: {  	[spmem:s5] =	stream.indirect.scatter.add.f32 [tilespmem:s8], [sflag:$0x1], $0x1, s31, s7, $0xb8;
	[tilespmem:$0x12580] =	vst v63  }
0x146: {  	s10 =	simm.s32 $0x9580  }
0x147: {  	[spmem:s5] =	stream.indirect.scatter.add.f32 [tilespmem:s8], [sflag:$0x1], $0x1, s10, s7, $0xb8;
	[tilespmem:$0x12580] =	vst v63  }
0x148: {  	s11 =	simm.s32 $0x9600  }
0x149: {  	[spmem:s5] =	stream.indirect.scatter.add.f32 [tilespmem:s8], [sflag:$0x1], $0x1, s11, s7, $0xb8;
	[tilespmem:$0x12580] =	vst v63  }
0x14a: {  	s12 =	simm.s32 $0x9680  }
0x14b: {  	[spmem:s5] =	stream.indirect.scatter.add.f32 [tilespmem:s8], [sflag:$0x1], $0x1, s12, s7, $0xb8;
	[tilespmem:$0x12580] =	vst v63  }
0x14c: {  	s13 =	simm.s32 $0x9700  }
0x14d: {  	[spmem:s5] =	stream.indirect.scatter.add.f32 [tilespmem:s8], [sflag:$0x1], $0x1, s13, s7, $0xb8;
	[tilespmem:$0x12580] =	vst v63  }
0x14e: {  	s14 =	simm.s32 $0x9780  }
0x14f: {  	[spmem:s5] =	stream.indirect.scatter.add.f32 [tilespmem:s8], [sflag:$0x1], $0x1, s14, s7, $0xb8;
	[tilespmem:$0x12580] =	vst v63  }
0x150: {  	s15 =	simm.s32 $0x9800  }
0x151: {  	[spmem:s5] =	stream.indirect.scatter.add.f32 [tilespmem:s8], [sflag:$0x1], $0x1, s15, s7, $0xb8;
	[tilespmem:$0x12580] =	vst v63  }
0x152: {  	s16 =	simm.s32 $0x9880  }
0x153: {  	[spmem:s5] =	stream.indirect.scatter.add.f32 [tilespmem:s8], [sflag:$0x1], $0x1, s16, s7, $0xb8;
	[tilespmem:$0x12580] =	vst v63  }
0x154: {  	s17 =	simm.s32 $0x9900  }
0x155: {  	[spmem:s5] =	stream.indirect.scatter.add.f32 [tilespmem:s8], [sflag:$0x1], $0x1, s17, s7, $0xb8;
	[tilespmem:$0x12580] =	vst v63  }
0x156: {  	s18 =	simm.s32 $0x9980  }
0x157: {  	[spmem:s5] =	stream.indirect.scatter.add.f32 [tilespmem:s8], [sflag:$0x1], $0x1, s18, s7, $0xb8;
	[tilespmem:$0x12580] =	vst v63  }
0x158: {  	s19 =	simm.s32 $0x9A00  }
0x159: {  	[spmem:s5] =	stream.indirect.scatter.add.f32 [tilespmem:s8], [sflag:$0x1], $0x1, s19, s7, $0xb8;
	[tilespmem:$0x12580] =	vst v63  }
0x15a: {  	s20 =	simm.s32 $0x9A80  }
0x15b: {  	[spmem:s5] =	stream.indirect.scatter.add.f32 [tilespmem:s8], [sflag:$0x1], $0x1, s20, s7, $0xb8;
	[tilespmem:$0x12580] =	vst v63  }
0x15c: {  	s21 =	simm.s32 $0x9B00  }
0x15d: {  	[spmem:s5] =	stream.indirect.scatter.add.f32 [tilespmem:s8], [sflag:$0x1], $0x1, s21, s7, $0xb8;
	[tilespmem:$0x12580] =	vst v63  }
0x15e: {  	s22 =	simm.s32 $0x9B80  }
0x15f: {  	[spmem:s5] =	stream.indirect.scatter.add.f32 [tilespmem:s8], [sflag:$0x1], $0x1, s22, s7, $0xb8;
	[tilespmem:$0x12580] =	vst v63  }
0x160: {  	s23 =	simm.s32 $0x9C00  }
0x161: {  	[spmem:s5] =	stream.indirect.scatter.add.f32 [tilespmem:s8], [sflag:$0x1], $0x1, s23, s7, $0xb8;
	[tilespmem:$0x12580] =	vst v63  }
0x162: {  	s24 =	simm.s32 $0x9C80  }
0x163: {  	[spmem:s5] =	stream.indirect.scatter.add.f32 [tilespmem:s8], [sflag:$0x1], $0x1, s24, s7, $0xb8;
	[tilespmem:$0x12580] =	vst v63  }
0x164: {  	s25 =	simm.s32 $0x9D00  }
0x165: {  	[spmem:s5] =	stream.indirect.scatter.add.f32 [tilespmem:s8], [sflag:$0x1], $0x1, s25, s7, $0xb8;
	[tilespmem:$0x12580] =	vst v63  }
0x166: {  	s26 =	simm.s32 $0x9D80  }
0x167: {  	[spmem:s5] =	stream.indirect.scatter.add.f32 [tilespmem:s8], [sflag:$0x1], $0x1, s26, s7, $0xb8;
	[tilespmem:$0x12580] =	vst v63  }
0x168: {  	s28 =	simm.s32 $0x9E00  }
0x169: {  	[spmem:s5] =	stream.indirect.scatter.add.f32 [tilespmem:s8], [sflag:$0x1], $0x1, s28, s7, $0xb8;
	[tilespmem:$0x12580] =	vst v63  }
0x16a: {  	s29 =	simm.s32 $0x9E80  }
0x16b: {  	[spmem:s5] =	stream.indirect.scatter.add.f32 [tilespmem:s8], [sflag:$0x1], $0x1, s29, s7, $0xb8;
	[tilespmem:$0x12580] =	vst v63  }
0x16c: {  	s30 =	simm.s32 $0x9F00  }
0x16d: {  	[spmem:s5] =	stream.indirect.scatter.add.f32 [tilespmem:s8], [sflag:$0x1], $0x1, s30, s7, $0xb8;
	[tilespmem:$0x12580] =	vst v63  }
0x16e: {  	s31 =	simm.s32 $0x9F80  }
0x16f: {  	[spmem:s5] =	stream.indirect.scatter.add.f32 [tilespmem:s8], [sflag:$0x1], $0x1, s31, s7, $0xb8;
	[tilespmem:$0x12580] =	vst v63  }
0x170: {  	s7 =	simm.s32 $0x1  }
0x171: {  	_ =	swait.ge [sflag:s7], $0x80  }
0x172: {  	[sflag:s7] =	ssyncset.done $0x0  }
0x173: {  	[sflag:s7] =	ssyncadd.s32 $0xFFFFFF80  }
0x174: {  	_ =	swait.ge [sflag:s7], $0x80  }
0x175: {  	[sflag:s7] =	ssyncset.done $0x0  }
0x176: {  	[sflag:s7] =	ssyncadd.s32 $0xFFFFFF80  }
0x177: {  	_ =	swait.ge [sflag:s7], $0x80  }
0x178: {  	[sflag:s7] =	ssyncset.done $0x0  }
0x179: {  	[sflag:s7] =	ssyncadd.s32 $0xFFFFFF80  }
0x17a: {  	_ =	swait.ge [sflag:s7], $0x80  }
0x17b: {  	[sflag:s7] =	ssyncset.done $0x0  }
0x17c: {  	[sflag:s7] =	ssyncadd.s32 $0xFFFFFF80  }
0x17d: {  	_ =	swait.ge [sflag:s7], $0x80  }
0x17e: {  	[sflag:s7] =	ssyncset.done $0x0  }
0x17f: {  	[sflag:s7] =	ssyncadd.s32 $0xFFFFFF80  }
0x180: {  	_ =	swait.ge [sflag:s7], $0x80  }
0x181: {  	[sflag:s7] =	ssyncset.done $0x0  }
0x182: {  	[sflag:s7] =	ssyncadd.s32 $0xFFFFFF80  }
0x183: {  	_ =	swait.ge [sflag:s7], $0x80  }
0x184: {  	[sflag:s7] =	ssyncset.done $0x0  }
0x185: {  	[sflag:s7] =	ssyncadd.s32 $0xFFFFFF80  }
0x186: {  	_ =	swait.ge [sflag:s7], $0x80  }
0x187: {  	[sflag:s7] =	ssyncset.done $0x0  }
0x188: {  	[sflag:s7] =	ssyncadd.s32 $0xFFFFFF80  }
0x189: {  	_ =	swait.ge [sflag:s7], $0x80  }
0x18a: {  	[sflag:s7] =	ssyncset.done $0x0  }
0x18b: {  	[sflag:s7] =	ssyncadd.s32 $0xFFFFFF80  }
0x18c: {  	_ =	swait.ge [sflag:s7], $0x80  }
0x18d: {  	[sflag:s7] =	ssyncset.done $0x0  }
0x18e: {  	[sflag:s7] =	ssyncadd.s32 $0xFFFFFF80  }
0x18f: {  	_ =	swait.ge [sflag:s7], $0x80  }
0x190: {  	[sflag:s7] =	ssyncset.done $0x0  }
0x191: {  	[sflag:s7] =	ssyncadd.s32 $0xFFFFFF80  }
0x192: {  	_ =	swait.ge [sflag:s7], $0x80  }
0x193: {  	[sflag:s7] =	ssyncset.done $0x0  }
0x194: {  	[sflag:s7] =	ssyncadd.s32 $0xFFFFFF80  }
0x195: {  	_ =	swait.ge [sflag:s7], $0x80  }
0x196: {  	[sflag:s7] =	ssyncset.done $0x0  }
0x197: {  	[sflag:s7] =	ssyncadd.s32 $0xFFFFFF80  }
0x198: {  	_ =	swait.ge [sflag:s7], $0x80  }
0x199: {  	[sflag:s7] =	ssyncset.done $0x0  }
0x19a: {  	[sflag:s7] =	ssyncadd.s32 $0xFFFFFF80  }
0x19b: {  	_ =	swait.ge [sflag:s7], $0x80  }
0x19c: {  	[sflag:s7] =	ssyncset.done $0x0  }
0x19d: {  	[sflag:s7] =	ssyncadd.s32 $0xFFFFFF80  }
0x19e: {  	_ =	swait.ge [sflag:s7], $0x80  }
0x19f: {  	[sflag:s7] =	ssyncset.done $0x0  }
0x1a0: {  	[sflag:s7] =	ssyncadd.s32 $0xFFFFFF80  }
0x1a1: {  	_ =	swait.ge [sflag:s7], $0x80  }
0x1a2: {  	[sflag:s7] =	ssyncset.done $0x0  }
0x1a3: {  	[sflag:s7] =	ssyncadd.s32 $0xFFFFFF80  }
0x1a4: {  	_ =	swait.ge [sflag:s7], $0x80  }
0x1a5: {  	[sflag:s7] =	ssyncset.done $0x0  }
0x1a6: {  	[sflag:s7] =	ssyncadd.s32 $0xFFFFFF80  }
0x1a7: {  	_ =	swait.ge [sflag:s7], $0x80  }
0x1a8: {  	[sflag:s7] =	ssyncset.done $0x0  }
0x1a9: {  	[sflag:s7] =	ssyncadd.s32 $0xFFFFFF80  }
0x1aa: {  	_ =	swait.ge [sflag:s7], $0x80  }
0x1ab: {  	s8 =	simm.s32 $0x7;
	[sflag:s7] =	ssyncset.done $0x0  }
.LBB2_3:
0x1ac: {  	p0 =	sne.s32 s8, $0x1;
	s8 =	sadd.s32 $0xFFFFFFFF, s8;
	[sflag:s7] =	ssyncadd.s32 $0xFFFFFF80  }
0x1ad: {  	_ =	swait.ge [sflag:s7], $0x80  }
0x1ae: {  	[sflag:s7] =	ssyncset.done $0x0  }
0x1af: {  	[sflag:s7] =	ssyncadd.s32 $0xFFFFFF80  }
0x1b0: {  	_ =	swait.ge [sflag:s7], $0x80  }
0x1b1: {  	[sflag:s7] =	ssyncset.done $0x0  }
0x1b2: {  	[sflag:s7] =	ssyncadd.s32 $0xFFFFFF80  }
0x1b3: {  	_ =	swait.ge [sflag:s7], $0x80  }
0x1b4: {  	[sflag:s7] =	ssyncset.done $0x0  }
0x1b5: {  	[sflag:s7] =	ssyncadd.s32 $0xFFFFFF80  }
0x1b6: {  	_ =	swait.ge [sflag:s7], $0x80  }
0x1b7: {  	[sflag:s7] =	ssyncset.done $0x0  }
0x1b8: {  	[sflag:s7] =	ssyncadd.s32 $0xFFFFFF80  }
0x1b9: {  	_ =	swait.ge [sflag:s7], $0x80  }
0x1ba: {  	[sflag:s7] =	ssyncset.done $0x0  }
0x1bb: {  	[sflag:s7] =	ssyncadd.s32 $0xFFFFFF80  }
0x1bc: {  	_ =	swait.ge [sflag:s7], $0x80  }
0x1bd: {  	[sflag:s7] =	ssyncset.done $0x0  }
0x1be: {  	[sflag:s7] =	ssyncadd.s32 $0xFFFFFF80  }
0x1bf: {  	_ =	swait.ge [sflag:s7], $0x80  }
0x1c0: {  	[sflag:s7] =	ssyncset.done $0x0  }
0x1c1: {  	[sflag:s7] =	ssyncadd.s32 $0xFFFFFF80  }
0x1c2: {  	_ =	swait.ge [sflag:s7], $0x80  }
0x1c3: {  	[sflag:s7] =	ssyncset.done $0x0  }
0x1c4: {  	[sflag:s7] =	ssyncadd.s32 $0xFFFFFF80  }
0x1c5: {  	_ =	swait.ge [sflag:s7], $0x80  }
0x1c6: {  	[sflag:s7] =	ssyncset.done $0x0  }
0x1c7: {  	[sflag:s7] =	ssyncadd.s32 $0xFFFFFF80  }
0x1c8: {  	_ =	swait.ge [sflag:s7], $0x80  }
0x1c9: {  	[sflag:s7] =	ssyncset.done $0x0  }
0x1ca: {  	[sflag:s7] =	ssyncadd.s32 $0xFFFFFF80  }
0x1cb: {  	_ =	swait.ge [sflag:s7], $0x80  }
0x1cc: {  	[sflag:s7] =	ssyncset.done $0x0  }
0x1cd: {  	[sflag:s7] =	ssyncadd.s32 $0xFFFFFF80  }
0x1ce: {  	_ =	swait.ge [sflag:s7], $0x80  }
0x1cf: {  	[sflag:s7] =	ssyncset.done $0x0  }
0x1d0: {  	[sflag:s7] =	ssyncadd.s32 $0xFFFFFF80  }
0x1d1: {  	_ =	swait.ge [sflag:s7], $0x80  }
0x1d2: {  	[sflag:s7] =	ssyncset.done $0x0  }
0x1d3: {  	[sflag:s7] =	ssyncadd.s32 $0xFFFFFF80  }
0x1d4: {  	_ =	swait.ge [sflag:s7], $0x80  }
0x1d5: {  	[sflag:s7] =	ssyncset.done $0x0  }
0x1d6: {  	[sflag:s7] =	ssyncadd.s32 $0xFFFFFF80  }
0x1d7: {  	_ =	swait.ge [sflag:s7], $0x80  }
0x1d8: {  	[sflag:s7] =	ssyncset.done $0x0  }
0x1d9: {  	[sflag:s7] =	ssyncadd.s32 $0xFFFFFF80  }
0x1da: {  	_ =	swait.ge [sflag:s7], $0x80  }
0x1db: {  	[sflag:s7] =	ssyncset.done $0x0  }
0x1dc: {  	[sflag:s7] =	ssyncadd.s32 $0xFFFFFF80  }
0x1dd: {  	_ =	swait.ge [sflag:s7], $0x80  }
0x1de: {  	[sflag:s7] =	ssyncset.done $0x0  }
0x1df: {  	[sflag:s7] =	ssyncadd.s32 $0xFFFFFF80  }
0x1e0: {  	_ =	swait.ge [sflag:s7], $0x80  }
0x1e1: {  	[sflag:s7] =	ssyncset.done $0x0  }
0x1e2: {  	[sflag:s7] =	ssyncadd.s32 $0xFFFFFF80  }
.Ltmp1:
0x1e3: {  	_ =	swait.ge [sflag:s7], $0x80;
	(pc) =	sbr.rel @p0 .LBB2_3-.Ltmp1, $4  }
0x1e4: {  	[sflag:s7] =	ssyncset.done $0x0  }
0x1e5: {  	[sflag:s7] =	ssyncadd.s32 $0xFFFFFF80  }
0x1e6: {  	_ =	swait.ge [sflag:s7], $0x80  }
0x1e7: {  	[sflag:s7] =	ssyncset.done $0x0  }
0x1e8: {  	[sflag:s7] =	ssyncadd.s32 $0xFFFFFF80  }
0x1e9: {  	s30 =	simm.s32 $0x11D80;
	s31 =	simm.s32 $0x2;
	[bflag:$0x0] =	sbarrier.arrive $0xFFFF  }
0x1ea: {  	[tilespmem:s30], [sflag:$0x2] =	stream.linear.gather [spmem:s4], $0x280, $0x38;
	[tilespmem:$0x12580] =	vst v63  }
0x1eb: {  	_ =	swait.ge [sflag:s31], $0x280  }
0x1ec: {  	[sflag:s31] =	ssyncset.done $0x0  }
0x1ed: {  	s8 =	simm.s32 $0x11DA0;
	[sflag:s31] =	ssyncadd.s32 $0xFFFFFD80  }
0x1ee: {  	v0 =	vld [tilespmem:s8+$0x0]  }
0x1ef: {  	v1 =	vld [tilespmem:s8+$0xFFFFFFE0];
	_ =	sdelay $0x3  }
0x1f0: {  	v0 =	vadd.f32 $1.000000000e+00, v0  }
0x1f1: {  	v1 =	vadd.f32 $1.000000000e+00, v1  }
0x1f2: {  	v3 =	vld [tilespmem:s8+$0x10];
	v2 =	vshra.s32 v0, $0x1;
	v4 =	vmul.f32 $5.000000000e-01, v0  }
0x1f3: {  	v0 =	vshra.s32 v1, $0x1;
	v5 =	vmul.f32 $5.000000000e-01, v1;
	v1 =	vsub.s32 $0x5F3759DF, v2  }
0x1f4: {  	v0 =	vsub.s32 $0x5F3759DF, v0;
	v6 =	vmul.f32 v1, v4  }
0x1f5: {  	v7 =	vmul.f32 v0, v5  }
0x1f6: {  	v6 =	vmul.f32 v1, v6  }
0x1f7: {  	v3 =	vadd.f32 $1.000000000e+00, v3;
	v2 =	vld [tilespmem:s8+$0xFFFFFFF0];
	v7 =	vmul.f32 v0, v7  }
0x1f8: {  	v8 =	vsub.f32 $1.500000000e+00, v6  }
0x1f9: {  	v9 =	vshra.s32 v3, $0x1;
	v7 =	vsub.f32 $1.500000000e+00, v7;
	v6 =	vmul.f32 $5.000000000e-01, v3  }
0x1fa: {  	s7 =	simm.s32 $0x11DE0;
	v3 =	vsub.s32 $0x5F3759DF, v9;
	v1 =	vmul.f32 v1, v8  }
0x1fb: {  	v10 =	vld [tilespmem:s7+$0x0];
	v0 =	vmul.f32 v0, v7;
	v7 =	vmul.f32 v3, v6  }
0x1fc: {  	v2 =	vadd.f32 $1.000000000e+00, v2;
	v8 =	vld [tilespmem:s7+$0x10];
	v9 =	vmul.f32 v1, v4  }
0x1fd: {  	v14 =	vld [tilespmem:s7+$0xFFFFFFF0];
	v11 =	vmul.f32 v0, v5;
	v7 =	vmul.f32 v3, v7  }
0x1fe: {  	v13 =	vld [tilespmem:s7+$0xFFFFFFE0];
	v15 =	vmul.f32 $5.000000000e-01, v2;
	v2 =	vshra.s32 v2, $0x1;
	v9 =	vmul.f32 v9, v1  }
0x1ff: {  	v2 =	vsub.s32 $0x5F3759DF, v2;
	v11 =	vmul.f32 v11, v0;
	v7 =	vsub.f32 $1.500000000e+00, v7  }
0x200: {  	v12 =	vmul.f32 v2, v15;
	v9 =	vsub.f32 $1.500000000e+00, v9  }
0x201: {  	v11 =	vsub.f32 $1.500000000e+00, v11;
	v7 =	vmul.f32 v3, v7;
	v3 =	vadd.f32 $1.000000000e+00, v8  }
0x202: {  	v12 =	vmul.f32 v2, v12;
	v8 =	vadd.f32 $1.000000000e+00, v10;
	v10 =	vadd.f32 $1.000000000e+00, v14  }
0x203: {  	v9 =	vmul.f32 v9, v1;
	v11 =	vmul.f32 v11, v0;
	v0 =	vadd.f32 $1.000000000e+00, v13  }
0x204: {  	v13 =	vshra.s32 v3, $0x1;
	v14 =	vshra.s32 v8, $0x1;
	v8 =	vmul.f32 $5.000000000e-01, v8  }
0x205: {  	v1 =	vmul.f32 $5.000000000e-01, v3;
	v16 =	vshra.s32 v0, $0x1;
	v17 =	vmul.f32 $5.000000000e-01, v0  }
0x206: {  	v23 =	vmul.f32 v7, v6;
	v3 =	vsub.s32 $0x5F3759DF, v14;
	v14 =	vsub.s32 $0x5F3759DF, v16  }
0x207: {  	v13 =	vsub.s32 $0x5F3759DF, v13;
	v16 =	vmul.f32 v3, v8;
	v18 =	vmul.f32 v14, v17  }
0x208: {  	v0 =	vmul.f32 $5.000000000e-01, v10;
	v19 =	vmul.f32 v13, v1  }
0x209: {  	v16 =	vmul.f32 v3, v16;
	v18 =	vmul.f32 v14, v18  }
0x20a: {  	v20 =	vmul.f32 v9, v4;
	v4 =	vshra.s32 v10, $0x1;
	v10 =	vsub.f32 $1.500000000e+00, v12  }
0x20b: {  	v12 =	vsub.s32 $0x5F3759DF, v4;
	v4 =	vsub.f32 $1.500000000e+00, v16;
	v16 =	vsub.f32 $1.500000000e+00, v18  }
0x20c: {  	v24 =	vmul.f32 v11, v5;
	v21 =	vmul.f32 v2, v10  }
0x20d: {  	s9 =	simm.s32 $0x11E20;
	v3 =	vmul.f32 v3, v4;
	v10 =	vmul.f32 v14, v16  }
0x20e: {  	v23 =	vmul.f32 v23, v7;
	v4 =	vmul.f32 v13, v19;
	v16 =	vld [tilespmem:s9+$0x10]  }
0x20f: {  	v19 =	vld [tilespmem:s9+$0x0];
	v18 =	vmul.f32 v3, v8;
	v22 =	vmul.f32 v10, v17  }
0x210: {  	v25 =	vld [tilespmem:s9+$0xFFFFFFF0];
	v2 =	vmul.f32 v12, v0;
	v24 =	vmul.f32 v24, v11  }
0x211: {  	v4 =	vsub.f32 $1.500000000e+00, v4;
	v5 =	vmul.f32 v18, v3;
	v18 =	vmul.f32 v22, v10;
	v22 =	vld [tilespmem:s9+$0xFFFFFFE0]  }
0x212: {  	v26 =	vmul.f32 v12, v2;
	v14 =	vmul.f32 v21, v15  }
0x213: {  	v4 =	vmul.f32 v13, v4;
	v2 =	vsub.f32 $1.500000000e+00, v5;
	v16 =	vadd.f32 $1.000000000e+00, v16  }
0x214: {  	v13 =	vmul.f32 v20, v9;
	v5 =	vsub.f32 $1.500000000e+00, v18;
	v18 =	vadd.f32 $1.000000000e+00, v19  }
0x215: {  	v19 =	vadd.f32 $1.000000000e+00, v25;
	v27 =	vmul.f32 v2, v3;
	v3 =	vmul.f32 $5.000000000e-01, v16  }
0x216: {  	v5 =	vmul.f32 v5, v10;
	v10 =	vshra.s32 v16, $0x1;
	v22 =	vadd.f32 $1.000000000e+00, v22  }
0x217: {  	v20 =	vshra.s32 v18, $0x1;
	v25 =	vmul.f32 $5.000000000e-01, v18;
	v16 =	vsub.s32 $0x5F3759DF, v10  }
0x218: {  	v20 =	vsub.s32 $0x5F3759DF, v20;
	v18 =	vshra.s32 v22, $0x1;
	v10 =	vmul.f32 $5.000000000e-01, v22  }
0x219: {  	v14 =	vmul.f32 v14, v21;
	v28 =	vmul.f32 v20, v25;
	v18 =	vsub.s32 $0x5F3759DF, v18  }
0x21a: {  	s10 =	simm.s32 $0x11E60;
	v13 =	vsub.f32 $1.500000000e+00, v13;
	v2 =	vmul.f32 $5.000000000e-01, v19;
	v29 =	vmul.f32 v18, v10  }
0x21b: {  	v34 =	vld [tilespmem:s10+$0xFFFFFFF0];
	v30 =	vmul.f32 v27, v8;
	v8 =	vsub.f32 $1.500000000e+00, v26;
	v26 =	vmul.f32 v20, v28  }
0x21c: {  	v19 =	vshra.s32 v19, $0x1;
	v17 =	vmul.f32 v5, v17;
	v28 =	vmul.f32 v18, v29  }
0x21d: {  	v22 =	vmul.f32 v16, v3;
	v8 =	vmul.f32 v12, v8;
	v12 =	vsub.f32 $1.500000000e+00, v26  }
0x21e: {  	v29 =	vsub.s32 $0x5F3759DF, v19;
	v19 =	vmul.f32 v13, v9;
	v9 =	vsub.f32 $1.500000000e+00, v28  }
0x21f: {  	s12 =	simm.s32 $0x118A0;
	v22 =	vmul.f32 v16, v22;
	v12 =	vmul.f32 v20, v12  }
0x220: {  	s13 =	simm.s32 $0x11B20;
	v56 =	vadd.f32 $1.000000000e+00, v34;
	v26 =	vmul.f32 v29, v2;
	[tilespmem:s12+$0x0] =	vst v19;
	v20 =	vmul.f32 v18, v9  }
0x221: {  	v23 =	vsub.f32 $1.500000000e+00, v23;
	v31 =	vld [tilespmem:s13+$0x0];
	v32 =	vmul.f32 v12, v25;
	v9 =	vmul.f32 v8, v0  }
0x222: {  	v22 =	vsub.f32 $1.500000000e+00, v22;
	v28 =	vmul.f32 v4, v1;
	v18 =	vld [tilespmem:s10+$0x10];
	v33 =	vmul.f32 v20, v10  }
0x223: {  	v32 =	vmul.f32 v32, v12;
	v13 =	vmul.f32 v9, v8;
	v9 =	vsub.f32 $1.500000000e+00, v24  }
0x224: {  	v35 =	vsub.f32 $1.500000000e+00, v14;
	v36 =	vmul.f32 v29, v26;
	v24 =	vld [tilespmem:s10+$0x0];
	v33 =	vmul.f32 v33, v20  }
0x225: {  	v26 =	vsub.f32 $1.500000000e+00, v32;
	v14 =	vmul.f32 v9, v11;
	v9 =	vmul.f32 v16, v22  }
0x226: {  	v60 =	vsub.f32 $1.500000000e+00, v36;
	v16 =	vmul.f32 v30, v27;
	v31 =	vmul.f32 v19, v31  }
0x227: {  	v30 =	vld [tilespmem:s10+$0xFFFFFFE0];
	v22 =	vadd.f32 $1.000000000e+00, v18;
	v11 =	vmul.f32 v26, v12;
	v18 =	vmul.f32 v23, v7  }
0x228: {  	v23 =	vmul.f32 v35, v21;
	v55 =	vsub.f32 $1.500000000e+00, v33;
	v57 =	vsub.f32 $1.500000000e+00, v16  }
0x229: {  	v26 =	vadd.f32 $1.000000000e+00, v24;
	v7 =	vmul.f32 $5.000000000e-01, v22;
	v24 =	vmul.f32 v28, v4  }
0x22a: {  	v19 =	vshra.s32 v22, $0x1;
	v28 =	vmul.f32 v23, v15;
	v12 =	vmul.f32 v55, v20  }
0x22b: {  	v20 =	vmul.f32 v18, v6;
	v6 =	vmul.f32 $5.000000000e-01, v56;
	v19 =	vsub.s32 $0x5F3759DF, v19  }
0x22c: {  	v37 =	vmul.f32 v19, v7;
	v21 =	vadd.f32 $1.000000000e+00, v30;
	v16 =	vmul.f32 $5.000000000e-01, v26  }
0x22d: {  	v22 =	vshra.s32 v26, $0x1;
	v61 =	vmul.f32 v28, v23;
	v58 =	vmul.f32 v20, v18  }
0x22e: {  	v22 =	vsub.s32 $0x5F3759DF, v22;
	v26 =	vshra.s32 v21, $0x1;
	v21 =	vmul.f32 $5.000000000e-01, v21  }
0x22f: {  	v20 =	vmul.f32 v11, v25;
	v59 =	vmul.f32 v22, v16;
	v30 =	vsub.s32 $0x5F3759DF, v26  }
0x230: {  	v25 =	vshra.s32 v56, $0x1;
	v26 =	vmul.f32 v17, v5;
	v17 =	vmul.f32 v30, v21  }
0x231: {  	[tilespmem:s8+$0x0] =	vst v31;
	v15 =	vsub.s32 $0x5F3759DF, v25;
	v31 =	vmul.f32 v19, v37;
	v25 =	vmul.f32 v22, v59  }
0x232: {  	v62 =	vmul.f32 v30, v17;
	v17 =	vmul.f32 v29, v60  }
0x233: {  	s11 =	simm.s32 $0x11B60;
	s18 =	simm.s32 $0x118E0;
	v34 =	vsub.f32 $1.500000000e+00, v61;
	v63 =	vsub.f32 $1.500000000e+00, v25;
	v25 =	vmul.f32 v57, v27  }
0x234: {  	s19 =	simm.s32 $0xC;
	s14 =	simm.s32 $0x11BA0;
	s17 =	simm.s32 $0x11920;
	[tilespmem:s12+$0xFFFFFFE0] =	vst v14;
	v28 =	vmul.f32 v15, v6;
	v35 =	vsub.f32 $1.500000000e+00, v62;
	v33 =	vmul.f32 v17, v2  }
0x235: {  	s20 =	simm.s32 $0x11EA0;
	s16 =	simm.s32 $0x11920;
	s15 =	simm.s32 $0x11BA0;
	v32 =	vld [tilespmem:s13+$0xFFFFFFE0];
	v29 =	vsub.f32 $1.500000000e+00, v58;
	v27 =	vmul.f32 v22, v63;
	v22 =	vmul.f32 v9, v3;
	[tilespmem:s18+$0x0] =	vst v25  }
.LBB2_5:
0x236: {  	s19 =	sadd.s32 $0x4, s19;
	v30 =	vmul.f32 v30, v35;
	v35 =	vmul.f32 v12, v10;
	s14 =	sadd.s32 $0x40, s14;
	s17 =	sadd.s32 $0x40, s17;
	v36 =	vld [tilespmem:s11+$0x0];
	v10 =	vmov v21  }
0x237: {  	v33 =	vmul.f32 v33, v17;
	v26 =	vsub.f32 $1.500000000e+00, v26;
	v21 =	vld [tilespmem:s20+$0x10];
	p0 =	slt.u32 s19, $0x24;
	v37 =	vmul.f32 v27, v16  }
0x238: {  	v24 =	vsub.f32 $1.500000000e+00, v24;
	v34 =	vmul.f32 v34, v23;
	v38 =	vld [tilespmem:s20+$0x0];
	v39 =	vmul.f32 v30, v10  }
0x239: {  	v31 =	vsub.f32 $1.500000000e+00, v31;
	v29 =	vmul.f32 v29, v18;
	v23 =	vld [tilespmem:s20+$0xFFFFFFF0];
	v37 =	vmul.f32 v37, v27  }
0x23a: {  	v18 =	vmul.f32 v39, v30;
	v39 =	vsub.f32 $1.500000000e+00, v13;
	v32 =	vmul.f32 v14, v32;
	v13 =	vmovc v33  }
0x23b: {  	v28 =	vmul.f32 v15, v28;
	v14 =	vmul.f32 v26, v5;
	v5 =	vmovc v12;
	v33 =	vsub.f32 $1.500000000e+00, v37  }
0x23c: {  	v20 =	vmul.f32 v20, v11;
	v19 =	vmul.f32 v19, v31;
	v26 =	vld [tilespmem:s20+$0xFFFFFFE0];
	v12 =	vsub.f32 $1.500000000e+00, v18;
	[tilespmem:s12+$0xFFFFFFF0] =	vst v34  }
0x23d: {  	v21 =	vadd.f32 $1.000000000e+00, v21;
	v18 =	vmul.f32 v24, v4;
	v4 =	vmovc v9;
	v27 =	vmul.f32 v33, v27;
	v31 =	vld [tilespmem:s13+$0xFFFFFFF0];
	[tilespmem:s12+$0x10] =	vst v29;
	s12 =	smov.u32 s18;
	s18 =	smov.u32 s16;
	s16 =	smov.u32 s17  }
0x23e: {  	v24 =	vmul.f32 v25, v36;
	v9 =	vmovc v19;
	v33 =	vadd.f32 $1.000000000e+00, v38;
	v12 =	vmul.f32 v12, v30;
	[tilespmem:s8+$0xFFFFFFE0] =	vst v32;
	v25 =	vld [tilespmem:s13+$0x10];
	s13 =	smov.u32 s11;
	s11 =	smov.u32 s15;
	s15 =	smov.u32 s14  }
0x23f: {  	v30 =	vadd.f32 $1.000000000e+00, v23;
	v19 =	vshra.s32 v21, $0x1;
	v23 =	vmul.f32 v18, v1;
	v1 =	vmovc v3;
	v3 =	vmovc v7;
	[tilespmem:s12+$0xFFFFFFE0] =	vst v14  }
0x240: {  	v36 =	vsub.f32 $1.500000000e+00, v20;
	v7 =	vmul.f32 $5.000000000e-01, v21;
	v32 =	vshra.s32 v33, $0x1;
	[tilespmem:s7+$0x0] =	vst v24  }
0x241: {  	v19 =	vsub.s32 $0x5F3759DF, v19;
	v37 =	vmul.f32 $5.000000000e-01, v30;
	v38 =	vmul.f32 v23, v18  }
0x242: {  	v32 =	vsub.s32 $0x5F3759DF, v32;
	v40 =	vmul.f32 v19, v7;
	v23 =	vmul.f32 v39, v8;
	v8 =	vmovc v17  }
0x243: {  	v20 =	vmul.f32 v27, v16;
	v24 =	vmul.f32 v22, v4;
	v17 =	vadd.f32 $1.000000000e+00, v26  }
0x244: {  	v16 =	vmul.f32 $5.000000000e-01, v33;
	v22 =	vshra.s32 v30, $0x1;
	v33 =	vmul.f32 v23, v0;
	v0 =	vmovc v2;
	v2 =	vmovc v6  }
0x245: {  	v26 =	vmul.f32 v35, v5;
	v6 =	vmovc v37;
	v30 =	vshra.s32 v17, $0x1;
	v21 =	vmul.f32 $5.000000000e-01, v17  }
0x246: {  	v17 =	vmul.f32 v32, v16;
	v25 =	vmul.f32 v29, v25;
	v30 =	vsub.s32 $0x5F3759DF, v30  }
0x247: {  	v28 =	vsub.f32 $1.500000000e+00, v28;
	v31 =	vmul.f32 v34, v31;
	v29 =	vmul.f32 v30, v21  }
.Ltmp2:
0x248: {  	v22 =	vsub.s32 $0x5F3759DF, v22;
	v37 =	vmul.f32 v33, v23;
	v34 =	vmul.f32 v32, v17;
	[tilespmem:s8+$0x10] =	vst v25;
	(pc) =	sbr.rel @p0 .LBB2_5-.Ltmp2, $4  }
0x249: {  	v17 =	vmul.f32 v15, v28;
	v15 =	vmovc v22;
	v33 =	vmul.f32 v30, v29;
	v29 =	vsub.f32 $1.500000000e+00, v38;
	[tilespmem:s8+$0xFFFFFFF0] =	vst v31;
	s8 =	smov.u32 s7;
	s7 =	smov.u32 s9;
	s9 =	smov.u32 s10  }
0x24a: {  	v28 =	vmul.f32 v15, v6;
	v22 =	vsub.f32 $1.500000000e+00, v34;
	v25 =	vmul.f32 v36, v11;
	v11 =	vmovc v27;
	s10 =	smov.u32 s20  }
0x24b: {  	v35 =	vsub.f32 $1.500000000e+00, v33;
	v31 =	vmul.f32 v19, v40;
	v33 =	vmul.f32 v17, v2  }
0x24c: {  	v34 =	vsub.f32 $1.500000000e+00, v37;
	v27 =	vmul.f32 v32, v22;
	s20 =	sadd.s32 $0x40, s20;
	v22 =	vmul.f32 v9, v3;
	[tilespmem:s18+$0x0] =	vst v25;
	v32 =	vld [tilespmem:s13+$0xFFFFFFE0]  }
0x24d: {  	v30 =	vmul.f32 v30, v35  }
0x24e: {  	v10 =	vmul.f32 v12, v10;
	v33 =	vmul.f32 v33, v17  }
0x24f: {  	v26 =	vsub.f32 $1.500000000e+00, v26;
	v18 =	vmul.f32 v29, v18;
	v28 =	vmul.f32 v15, v28  }
0x250: {  	v24 =	vsub.f32 $1.500000000e+00, v24;
	v20 =	vmul.f32 v20, v11;
	v50 =	vmul.f32 v27, v16  }
0x251: {  	v31 =	vsub.f32 $1.500000000e+00, v31;
	v23 =	vmul.f32 v34, v23;
	v60 =	vmul.f32 v22, v9  }
0x252: {  	v13 =	vsub.f32 $1.500000000e+00, v13;
	v36 =	vmul.f32 v30, v21;
	v5 =	vmul.f32 v26, v5  }
0x253: {  	v19 =	vmul.f32 v19, v31;
	v4 =	vmul.f32 v24, v4  }
0x254: {  	v52 =	vld [tilespmem:s11+$0x0];
	v8 =	vmul.f32 v13, v8;
	v10 =	vmul.f32 v10, v12  }
0x255: {  	v61 =	vsub.f32 $1.500000000e+00, v28;
	v51 =	vmul.f32 v50, v27;
	v53 =	vmul.f32 v36, v30  }
0x256: {  	[tilespmem:s12+$0x10] =	vst v18;
	v20 =	vsub.f32 $1.500000000e+00, v20;
	v14 =	vmul.f32 v14, v32;
	v1 =	vmul.f32 v4, v1  }
0x257: {  	v57 =	vld [tilespmem:s13+$0x10];
	[tilespmem:s12+$0xFFFFFFF0] =	vst v23;
	v0 =	vmul.f32 v8, v0;
	v62 =	vmul.f32 v15, v61  }
0x258: {  	v58 =	vld [tilespmem:s13+$0xFFFFFFF0];
	v32 =	vmul.f32 v20, v11;
	v36 =	vmul.f32 v19, v7  }
0x259: {  	v54 =	vsub.f32 $1.500000000e+00, v51;
	v25 =	vmul.f32 v25, v52;
	v1 =	vmul.f32 v1, v4  }
0x25a: {  	[tilespmem:s18+$0xFFFFFFE0] =	vst v5;
	v55 =	vsub.f32 $1.500000000e+00, v53;
	v0 =	vmul.f32 v0, v8;
	v35 =	vmul.f32 v62, v6  }
0x25b: {  	v39 =	vsub.f32 $1.500000000e+00, v10;
	v34 =	vld [tilespmem:s11+$0xFFFFFFE0];
	v42 =	vmul.f32 v36, v19;
	v56 =	vmul.f32 v54, v27  }
0x25c: {  	v26 =	vmul.f32 v55, v30;
	v18 =	vmul.f32 v18, v57;
	v1 =	vsub.f32 $1.500000000e+00, v1  }
0x25d: {  	[tilespmem:s16+$0x0] =	vst v32;
	v0 =	vsub.f32 $1.500000000e+00, v0;
	v59 =	vmul.f32 v56, v16;
	v63 =	vmul.f32 v23, v58  }
0x25e: {  	v38 =	vld [tilespmem:s15+$0x0];
	v10 =	vsub.f32 $1.500000000e+00, v42;
	v23 =	vmul.f32 v35, v62;
	v37 =	vmul.f32 v26, v21  }
0x25f: {  	v16 =	vsub.f32 $1.500000000e+00, v60;
	v0 =	vmul.f32 v0, v8;
	v1 =	vmul.f32 v1, v4  }
0x260: {  	v41 =	vsub.f32 $1.500000000e+00, v33;
	[tilespmem:s8+$0xFFFFFFE0] =	vst v14;
	v5 =	vmul.f32 v5, v34;
	v8 =	vmul.f32 v39, v12  }
0x261: {  	[tilespmem:s7+$0x0] =	vst v25;
	v10 =	vmul.f32 v10, v19;
	v40 =	vmul.f32 v16, v9  }
0x262: {  	v43 =	vmul.f32 v59, v56;
	v9 =	vmul.f32 v41, v17;
	[tilespmem:s18+$0x10] =	vst v1  }
0x263: {  	[tilespmem:s8+$0x10] =	vst v18;
	v45 =	vsub.f32 $1.500000000e+00, v23;
	v11 =	vmul.f32 v32, v38;
	v48 =	vmul.f32 v10, v7;
	v44 =	vld [tilespmem:s11+$0x10]  }
0x264: {  	[tilespmem:s8+$0xFFFFFFF0] =	vst v63;
	v3 =	vmul.f32 v40, v3;
	v2 =	vmul.f32 v9, v2  }
0x265: {  	[tilespmem:s18+$0xFFFFFFF0] =	vst v0;
	v14 =	vmul.f32 v45, v62;
	v47 =	vsub.f32 $1.500000000e+00, v43;
	v7 =	vmul.f32 v48, v10  }
0x266: {  	[tilespmem:s7+$0xFFFFFFE0] =	vst v5;
	v3 =	vmul.f32 v3, v40;
	v2 =	vmul.f32 v2, v9  }
0x267: {  	[tilespmem:s16+$0xFFFFFFE0] =	vst v8;
	v49 =	vmul.f32 v14, v6;
	v5 =	vmul.f32 v47, v56;
	v7 =	vsub.f32 $1.500000000e+00, v7  }
0x268: {  	s26 =	sadd.s32 $0x40, s17;
	v46 =	vmul.f32 v37, v26;
	[tilespmem:s9+$0x0] =	vst v11;
	v3 =	vsub.f32 $1.500000000e+00, v3;
	v1 =	vmul.f32 v1, v44  }
0x269: {  	v50 =	vld [tilespmem:s11+$0xFFFFFFF0];
	v2 =	vsub.f32 $1.500000000e+00, v2;
	v52 =	vmul.f32 v49, v14;
	[tilespmem:s26+$0x0] =	vst v5;
	v7 =	vmul.f32 v7, v10  }
0x26a: {  	s28 =	sadd.s32 $0x40, s14;
	v53 =	vld [tilespmem:s15+$0xFFFFFFE0];
	v51 =	vsub.f32 $1.500000000e+00, v46;
	v3 =	vmul.f32 v3, v40;
	[tilespmem:s7+$0x10] =	vst v1  }
0x26b: {  	v54 =	vld [tilespmem:s28+$0x0];
	v2 =	vmul.f32 v2, v9;
	v4 =	vsub.f32 $1.500000000e+00, v52;
	[tilespmem:s26+$0x10] =	vst v7  }
0x26c: {  	v1 =	vmul.f32 v51, v26;
	[tilespmem:s16+$0x10] =	vst v3;
	v58 =	vld [tilespmem:s28+$0x10]  }
0x26d: {  	[tilespmem:s16+$0xFFFFFFF0] =	vst v2;
	v4 =	vmul.f32 v4, v14;
	v55 =	vld [tilespmem:s15+$0x10]  }
0x26e: {  	v0 =	vmul.f32 v0, v50;
	v56 =	vld [tilespmem:s15+$0xFFFFFFF0];
	[tilespmem:s26+$0xFFFFFFE0] =	vst v1  }
0x26f: {  	v6 =	vmul.f32 v8, v53;
	v57 =	vld [tilespmem:s28+$0xFFFFFFE0];
	[tilespmem:s26+$0xFFFFFFF0] =	vst v4  }
0x270: {  	[tilespmem:s7+$0xFFFFFFF0] =	vst v0;
	v59 =	vmul.f32 v5, v54;
	v60 =	vld [tilespmem:s28+$0xFFFFFFF0]  }
0x271: {  	[tilespmem:s9+$0xFFFFFFE0] =	vst v6;
	v62 =	vmul.f32 v7, v58  }
0x272: {  	[tilespmem:s10+$0x0] =	vst v59;
	v3 =	vmul.f32 v3, v55  }
0x273: {  	v61 =	vmul.f32 v2, v56;
	[tilespmem:s10+$0x10] =	vst v62  }
0x274: {  	v1 =	vmul.f32 v1, v57;
	[tilespmem:s9+$0x10] =	vst v3  }
0x275: {  	[tilespmem:s9+$0xFFFFFFF0] =	vst v61;
	v63 =	vmul.f32 v4, v60  }
0x276: {  	s29 =	simm.s32 $0x11D80;
	[tilespmem:s10+$0xFFFFFFE0] =	vst v1  }
0x277: {  	s30 =	simm.s32 $0x2;
	s8 =	simm.s32 $0x0;
	s7 =	sadd.s32 s6, s2;
	[tilespmem:s10+$0xFFFFFFF0] =	vst v63  }
0x278: {  	[hbm4b:s7+s8] =	stream.linear.scatter [tilespmem:s29], [sflag:$0x2], $0x280, $0x38;
	[tilespmem:$0x12580] =	vst v63  }
0x279: {  	_ =	swait.ge [sflag:s30], $0x280  }
0x27a: {  	[sflag:s30] =	ssyncset.done $0x0  }
0x27b: {  	s31 =	simm.s32 $0x12000;
	[sflag:s30] =	ssyncadd.s32 $0xFFFFFD80  }
0x27c: {  	[spmem:s4] =	stream.linear.scatter [tilespmem:s31], [sflag:$0x2], $0x280, $0x38;
	[tilespmem:$0x12580] =	vst v63  }
0x27d: {  	_ =	swait.ge [sflag:s30], $0x280  }
0x27e: {  	[sflag:s30] =	ssyncset.done $0x0  }
0x27f: {  	[sflag:s30] =	ssyncadd.s32 $0xFFFFFD80  }
0x280: {  	s9 =	simm.s32 $0xF000;
	[bflag:$0x0] =	sbarrier.arrive $0xFFFF  }
0x281: {  	[tilespmem:s9], [sflag:$0x2] =	stream.linear.gather [hbm4b:s6+s8], $0x2800, $0x38;
	[tilespmem:$0x12580] =	vst v63  }
0x282: {  	_ =	swait.ge [sflag:s30], $0x2800  }
0x283: {  	s12 =	simm.s32 $0x80;
	[sflag:s30] =	ssyncset.done $0x0  }
0x284: {  	s11 =	simm.s32 $0x80;
	s10 =	simm.s32 $0xA080;
	[sflag:s30] =	ssyncadd.s32 $0xFFFFD800  }
.LBB2_7:
0x285: {  	v0 =	vld [tilespmem:s12+$0x0];
	_ =	sdelay $0x4  }
0x286: {  	v1 =	vld [tilespmem:s12+$0xFFFFFF80];
	_ =	sdelay $0x2  }
0x287: {  	v0 =	vld.idx.msk [tilespmem:v0+s9+$0x0], $0xffff;
	_ =	sdelay $0x4  }
0x288: {  	v1 =	vld.idx.msk [tilespmem:v1+s9+$0x0], $0xffff;
	[tilespmem:s10+$0x0] =	vst v0  }
0x289: {  	v0 =	vld [tilespmem:s12+$0x10];
	_ =	sdelay $0x3  }
0x28a: {  	[tilespmem:s10+$0xFFFFFF80] =	vst v1  }
0x28b: {  	v1 =	vld [tilespmem:s12+$0xFFFFFF90];
	_ =	sdelay $0x1  }
0x28c: {  	s13 =	sshll.u32 s8, $0x4  }
0x28d: {  	s18 =	sadd.s32 $0x10, s13;
	s15 =	sadd.s32 $0x2, s13;
	v0 =	vld.idx.msk [tilespmem:v0+s9+$0x0], $0xffff  }
0x28e: {  	p3 =	slt.u32 s15, s18  }
.Ltmp3:
0x28f: {  	_ = 	snop;
	(pc) =	sbr.rel @!p3 .LBB2_8-.Ltmp3, $3  }
0x290: {  	_ =	sdelay $0x1  }
0x291: {  	s14 =	sadd.s32 $0x100, s12;
	v5 =	vld.idx.msk [tilespmem:v1+s9+$0x0], $0xffff;
	[tilespmem:s10+$0x10] =	vst v0  }
0x292: {  	p0 =	por $0x0, $0x0;
	p1 =	por $0x0, $0x0;
	p2 =	por $0x0, $0x0;
	v6 =	vld [tilespmem:s12+$0x20]  }
0x293: {  	_ =	sdelay $0x1  }
0x294: {  	v0 =	vld [tilespmem:s14+$0x0];
	_ =	sdelay $0x2  }
0x295: {  	v1 =	vld [tilespmem:s14+$0xFFFFFF80]  }
0x296: {  	[tilespmem:s10+$0xFFFFFF90] =	vst v5  }
0x297: {  	v2 =	vld [tilespmem:s12+$0xFFFFFFA0]  }
0x298: {  	v3 =	vld.idx.msk [tilespmem:v6+s9+$0x0], $0xffff;
	_ =	sdelay $0x1  }
0x299: {  	v0 =	vld.idx.msk [tilespmem:v0+s9+$0x0], $0xffff;
	_ =	sdelay $0x2  }
0x29a: {  	v1 =	vld.idx.msk [tilespmem:v1+s9+$0x0], $0xffff;
	[tilespmem:s10+$0x20] =	vst v3  }
0x29b: {  	s13 =	sadd.s32 $0x100, s10;
	v3 =	vld [tilespmem:s12+$0x30]  }
0x29c: {  	v2 =	vld.idx.msk [tilespmem:v2+s9+$0x0], $0xffff;
	[tilespmem:s13+$0x0] =	vst v0  }
0x29d: {  	v0 =	vld [tilespmem:s14+$0x10];
	_ =	sdelay $0x1  }
0x29e: {  	[tilespmem:s13+$0xFFFFFF80] =	vst v1  }
0x29f: {  	v1 =	vld [tilespmem:s14+$0xFFFFFF90]  }
0x2a0: {  	[tilespmem:s10+$0xFFFFFFA0] =	vst v2  }
0x2a1: {  	v2 =	vld [tilespmem:s12+$0xFFFFFFB0]  }
0x2a2: {  	v3 =	vld.idx.msk [tilespmem:v3+s9+$0x0], $0xffff;
	_ =	sdelay $0x1  }
0x2a3: {  	s16 =	sadd.s32 $0x2, s15;
	v0 =	vld.idx.msk [tilespmem:v0+s9+$0x0], $0xffff  }
0x2a4: {  	p3 =	slt.u32 s16, s18  }
.Ltmp4:
0x2a5: {  	_ = 	snop;
	(pc) =	sbr.rel @!p3 .LBB2_18-.Ltmp4, $4  }
0x2a6: {  	v5 =	vld.idx.msk [tilespmem:v1+s9+$0x0], $0xffff;
	[tilespmem:s10+$0x30] =	vst v3  }
0x2a7: {  	v4 =	vld [tilespmem:s12+$0x40]  }
0x2a8: {  	v7 =	vld.idx.msk [tilespmem:v2+s9+$0x0], $0xffff;
	[tilespmem:s13+$0x10] =	vst v0  }
0x2a9: {  	s17 =	sadd.s32 $0x100, s14;
	p0 =	por $0x1, $0x1;
	v6 =	vld [tilespmem:s14+$0x20]  }
0x2aa: {  	_ =	sdelay $0x2  }
0x2ab: {  	v0 =	vld [tilespmem:s17+$0x0];
	_ =	sdelay $0x1  }
0x2ac: {  	v1 =	vld [tilespmem:s17+$0xFFFFFF80]  }
0x2ad: {  	[tilespmem:s13+$0xFFFFFF90] =	vst v5;
	v2 =	vld.idx.msk [tilespmem:v4+s9+$0x0], $0xffff  }
0x2ae: {  	v3 =	vld [tilespmem:s14+$0xFFFFFFA0]  }
0x2af: {  	[tilespmem:s10+$0xFFFFFFB0] =	vst v7;
	v4 =	vld.idx.msk [tilespmem:v6+s9+$0x0], $0xffff  }
0x2b0: {  	v5 =	vld [tilespmem:s12+$0xFFFFFFC0];
	_ =	sdelay $0x1  }
0x2b1: {  	[tilespmem:s10+$0x40] =	vst v2;
	v0 =	vld.idx.msk [tilespmem:v0+s9+$0x0], $0xffff  }
0x2b2: {  	v2 =	vld [tilespmem:s12+$0x50]  }
0x2b3: {  	v1 =	vld.idx.msk [tilespmem:v1+s9+$0x0], $0xffff;
	[tilespmem:s13+$0x20] =	vst v4  }
0x2b4: {  	v4 =	vld [tilespmem:s14+$0x30]  }
0x2b5: {  	v3 =	vld.idx.msk [tilespmem:v3+s9+$0x0], $0xffff  }
0x2b6: {  	s15 =	sadd.s32 $0x100, s13  }
0x2b7: {  	v5 =	vld.idx.msk [tilespmem:v5+s9+$0x0], $0xffff;
	[tilespmem:s15+$0x0] =	vst v0  }
0x2b8: {  	[tilespmem:s15+$0xFFFFFF80] =	vst v1;
	v0 =	vld [tilespmem:s17+$0x10]  }
0x2b9: {  	v1 =	vld [tilespmem:s17+$0xFFFFFF90]  }
0x2ba: {  	[tilespmem:s13+$0xFFFFFFA0] =	vst v3;
	v2 =	vld.idx.msk [tilespmem:v2+s9+$0x0], $0xffff  }
0x2bb: {  	v3 =	vld [tilespmem:s14+$0xFFFFFFB0]  }
0x2bc: {  	[tilespmem:s10+$0xFFFFFFC0] =	vst v5;
	v4 =	vld.idx.msk [tilespmem:v4+s9+$0x0], $0xffff  }
0x2bd: {  	v8 =	vld [tilespmem:s12+$0xFFFFFFD0];
	_ =	sdelay $0x2  }
0x2be: {  	s19 =	sadd.s32 $0x2, s16;
	[tilespmem:s10+$0x50] =	vst v2;
	v6 =	vld.idx.msk [tilespmem:v0+s9+$0x0], $0xffff  }
0x2bf: {  	p3 =	slt.u32 s19, s18;
	v0 =	vld [tilespmem:s12+$0x60]  }
.Ltmp5:
0x2c0: {  	v5 =	vld.idx.msk [tilespmem:v1+s9+$0x0], $0xffff;
	[tilespmem:s13+$0x30] =	vst v4;
	(pc) =	sbr.rel @!p3 .LBB2_20-.Ltmp5, $4  }
0x2c1: {  	v4 =	vld [tilespmem:s14+$0x40]  }
0x2c2: {  	v7 =	vld.idx.msk [tilespmem:v3+s9+$0x0], $0xffff  }
0x2c3: {  	v1 =	vld.idx.msk [tilespmem:v8+s9+$0x0], $0xffff;
	[tilespmem:s15+$0x10] =	vst v6  }
0x2c4: {  	s16 =	sadd.s32 $0x100, s17;
	p1 =	por $0x1, $0x1;
	v6 =	vld [tilespmem:s17+$0x20]  }
0x2c5: {  	_ =	sdelay $0x1  }
0x2c6: {  	v2 =	vld [tilespmem:s16+$0x0]  }
0x2c7: {  	v3 =	vld [tilespmem:s16+$0xFFFFFF80]  }
0x2c8: {  	[tilespmem:s15+$0xFFFFFF90] =	vst v5;
	v5 =	vld.idx.msk [tilespmem:v0+s9+$0x0], $0xffff  }
0x2c9: {  	v8 =	vld [tilespmem:s17+$0xFFFFFFA0]  }
0x2ca: {  	v4 =	vld.idx.msk [tilespmem:v4+s9+$0x0], $0xffff;
	[tilespmem:s13+$0xFFFFFFB0] =	vst v7  }
0x2cb: {  	v7 =	vld [tilespmem:s14+$0xFFFFFFC0]  }
0x2cc: {  	[tilespmem:s10+$0xFFFFFFD0] =	vst v1;
	v6 =	vld.idx.msk [tilespmem:v6+s9+$0x0], $0xffff  }
0x2cd: {  	v9 =	vld [tilespmem:s12+$0xFFFFFFE0];
	[tilespmem:s10+$0x60] =	vst v5  }
0x2ce: {  	v5 =	vld [tilespmem:s12+$0x70]  }
0x2cf: {  	[tilespmem:s13+$0x40] =	vst v4;
	v2 =	vld.idx.msk [tilespmem:v2+s9+$0x0], $0xffff  }
0x2d0: {  	v4 =	vld [tilespmem:s14+$0x50]  }
0x2d1: {  	v3 =	vld.idx.msk [tilespmem:v3+s9+$0x0], $0xffff  }
0x2d2: {  	v8 =	vld.idx.msk [tilespmem:v8+s9+$0x0], $0xffff;
	[tilespmem:s15+$0x20] =	vst v6  }
0x2d3: {  	s20 =	sadd.s32 $0x100, s15;
	v6 =	vld [tilespmem:s17+$0x30]  }
0x2d4: {  	[tilespmem:s20+$0x0] =	vst v2;
	v2 =	vld.idx.msk [tilespmem:v7+s9+$0x0], $0xffff  }
0x2d5: {  	v7 =	vld [tilespmem:s16+$0x10]  }
0x2d6: {  	v9 =	vld.idx.msk [tilespmem:v9+s9+$0x0], $0xffff  }
0x2d7: {  	[tilespmem:s20+$0xFFFFFF80] =	vst v3;
	v10 =	vld.idx.msk [tilespmem:v5+s9+$0x0], $0xffff  }
0x2d8: {  	v5 =	vld [tilespmem:s16+$0xFFFFFF90]  }
0x2d9: {  	[tilespmem:s15+$0xFFFFFFA0] =	vst v8;
	v3 =	vld.idx.msk [tilespmem:v4+s9+$0x0], $0xffff  }
0x2da: {  	v8 =	vld [tilespmem:s17+$0xFFFFFFB0]  }
0x2db: {  	[tilespmem:s13+$0xFFFFFFC0] =	vst v2;
	v4 =	vld.idx.msk [tilespmem:v6+s9+$0x0], $0xffff  }
0x2dc: {  	v11 =	vld [tilespmem:s14+$0xFFFFFFD0]  }
0x2dd: {  	[tilespmem:s10+$0xFFFFFFE0] =	vst v9;
	v6 =	vld.idx.msk [tilespmem:v7+s9+$0x0], $0xffff  }
0x2de: {  	s21 =	sadd.s32 $0x2, s19;
	v2 =	vld [tilespmem:s12+$0xFFFFFFF0];
	[tilespmem:s13+$0x50] =	vst v3  }
0x2df: {  	p3 =	slt.u32 s21, s18;
	v3 =	vld [tilespmem:s14+$0x60]  }
.Ltmp6:
0x2e0: {  	v5 =	vld.idx.msk [tilespmem:v5+s9+$0x0], $0xffff;
	[tilespmem:s15+$0x30] =	vst v4;
	(pc) =	sbr.rel @!p3 .LBB2_22-.Ltmp6, $4  }
0x2e1: {  	v4 =	vld [tilespmem:s17+$0x40]  }
0x2e2: {  	v7 =	vld.idx.msk [tilespmem:v8+s9+$0x0], $0xffff;
	[tilespmem:s20+$0x10] =	vst v6  }
0x2e3: {  	v6 =	vld [tilespmem:s16+$0x20]  }
0x2e4: {  	s22 =	sadd.s32 $0x100, s16;
	p2 =	por $0x1, $0x1;
	s19 =	smov.u32 s10;
	[tilespmem:s10+$0x70] =	vst v10;
	v8 =	vld.idx.msk [tilespmem:v11+s9+$0x0], $0xffff  }
.LBB2_23:
0x2e5: {  	v9 =	vld [tilespmem:s22+$0x0];
	s21 =	sadd.s32 $0x2, s21;
	s23 =	smov.u32 s15;
	s15 =	smov.u32 s20  }
0x2e6: {  	v10 =	vld [tilespmem:s22+$0xFFFFFF80];
	p3 =	slt.u32 s21, s18;
	[tilespmem:s20+$0xFFFFFF90] =	vst v5  }
0x2e7: {  	v3 =	vld.idx.msk [tilespmem:v3+s9+$0x0], $0xffff  }
0x2e8: {  	v5 =	vld [tilespmem:s16+$0xFFFFFFA0];
	[tilespmem:s23+$0xFFFFFFB0] =	vst v7  }
0x2e9: {  	v4 =	vld.idx.msk [tilespmem:v4+s9+$0x0], $0xffff  }
0x2ea: {  	v7 =	vld [tilespmem:s17+$0xFFFFFFC0];
	[tilespmem:s13+$0xFFFFFFD0] =	vst v8  }
0x2eb: {  	v6 =	vld.idx.msk [tilespmem:v6+s9+$0x0], $0xffff  }
0x2ec: {  	v8 =	vld [tilespmem:s14+$0xFFFFFFE0]  }
0x2ed: {  	v9 =	vld.idx.msk [tilespmem:v9+s9+$0x0], $0xffff;
	[tilespmem:s13+$0x60] =	vst v3  }
0x2ee: {  	v3 =	vld [tilespmem:s14+$0x70]  }
0x2ef: {  	v10 =	vld.idx.msk [tilespmem:v10+s9+$0x0], $0xffff;
	[tilespmem:s23+$0x40] =	vst v4  }
0x2f0: {  	v4 =	vld [tilespmem:s17+$0x50]  }
0x2f1: {  	v5 =	vld.idx.msk [tilespmem:v5+s9+$0x0], $0xffff;
	[tilespmem:s20+$0x20] =	vst v6  }
0x2f2: {  	s20 =	sadd.s32 $0x100, s20;
	v6 =	vld [tilespmem:s16+$0x30]  }
0x2f3: {  	[tilespmem:s20+$0x0] =	vst v9;
	v7 =	vld.idx.msk [tilespmem:v7+s9+$0x0], $0xffff  }
0x2f4: {  	v9 =	vld [tilespmem:s22+$0x10]  }
0x2f5: {  	[tilespmem:s20+$0xFFFFFF80] =	vst v10;
	v8 =	vld.idx.msk [tilespmem:v8+s9+$0x0], $0xffff  }
0x2f6: {  	v3 =	vld.idx.msk [tilespmem:v3+s9+$0x0], $0xffff  }
0x2f7: {  	v10 =	vld [tilespmem:s22+$0xFFFFFF90];
	[tilespmem:s15+$0xFFFFFFA0] =	vst v5  }
0x2f8: {  	v4 =	vld.idx.msk [tilespmem:v4+s9+$0x0], $0xffff  }
0x2f9: {  	v11 =	vld [tilespmem:s16+$0xFFFFFFB0];
	[tilespmem:s23+$0xFFFFFFC0] =	vst v7  }
0x2fa: {  	v6 =	vld.idx.msk [tilespmem:v6+s9+$0x0], $0xffff  }
0x2fb: {  	v12 =	vld [tilespmem:s17+$0xFFFFFFD0];
	[tilespmem:s13+$0xFFFFFFE0] =	vst v8  }
0x2fc: {  	v7 =	vld.idx.msk [tilespmem:v9+s9+$0x0], $0xffff;
	[tilespmem:s13+$0x70] =	vst v3  }
0x2fd: {  	v8 =	vld [tilespmem:s14+$0xFFFFFFF0];
	s14 =	smov.u32 s17;
	s17 =	smov.u32 s16;
	s16 =	smov.u32 s22  }
0x2fe: {  	[tilespmem:s23+$0x50] =	vst v4;
	v9 =	vld.idx.msk [tilespmem:v2+s9+$0x0], $0xffff  }
0x2ff: {  	v3 =	vld [tilespmem:s14+$0x60]  }
.Ltmp7:
0x300: {  	v5 =	vld.idx.msk [tilespmem:v10+s9+$0x0], $0xffff;
	[tilespmem:s15+$0x30] =	vst v6;
	(pc) =	sbr.rel @p3 .LBB2_23-.Ltmp7, $4  }
0x301: {  	v4 =	vld [tilespmem:s17+$0x40]  }
0x302: {  	[tilespmem:s20+$0x10] =	vst v7;
	v7 =	vld.idx.msk [tilespmem:v11+s9+$0x0], $0xffff;
	v2 =	vmov v8  }
0x303: {  	v6 =	vld [tilespmem:s22+$0x20]  }
0x304: {  	s22 =	sadd.s32 $0x100, s22;
	v8 =	vld.idx.msk [tilespmem:v12+s9+$0x0], $0xffff;
	[tilespmem:s19+$0xFFFFFFF0] =	vst v9;
	s19 =	smov.u32 s13;
	s13 =	smov.u32 s23  }
0x305: {  	s18 =	smov.u32 s15;
	s15 =	smov.u32 s20  }
.LBB2_25:
0x306: {  	_ = 	snop  }
0x307: {  	[tilespmem:s15+$0xFFFFFF90] =	vst v5  }
0x308: {  	v5 =	vld [tilespmem:s16+$0xFFFFFFA0];
	_ =	sdelay $0x3  }
0x309: {  	v6 =	vld.idx.msk [tilespmem:v6+s9+$0x0], $0xffff;
	_ =	sdelay $0x3  }
0x30a: {  	v5 =	vld.idx.msk [tilespmem:v5+s9+$0x0], $0xffff  }
0x30b: {  	[tilespmem:s15+$0x20] =	vst v6  }
0x30c: {  	v6 =	vld [tilespmem:s16+$0x30];
	_ =	sdelay $0x2  }
0x30d: {  	[tilespmem:s15+$0xFFFFFFA0] =	vst v5  }
0x30e: {  	v5 =	vld [tilespmem:s16+$0xFFFFFFB0];
	_ =	sdelay $0x3  }
0x30f: {  	v6 =	vld.idx.msk [tilespmem:v6+s9+$0x0], $0xffff;
	_ =	sdelay $0x1  }
0x310: {  	[tilespmem:s18+$0xFFFFFFB0] =	vst @p0 v7  }
0x311: {  	v7 =	vld @p0 [tilespmem:s17+$0xFFFFFFC0]  }
0x312: {  	v5 =	vld.idx.msk [tilespmem:v5+s9+$0x0], $0xffff  }
0x313: {  	[tilespmem:s15+$0x30] =	vst v6  }
0x314: {  	v6 =	vld [tilespmem:s16+$0x40];
	_ =	sdelay $0x2  }
0x315: {  	[tilespmem:s15+$0xFFFFFFB0] =	vst v5  }
0x316: {  	v5 =	vld [tilespmem:s16+$0xFFFFFFC0]  }
0x317: {  	v7 =	vld.idx.msk @p0 [tilespmem:v7+s9+$0x0], $0xffff;
	_ =	sdelay $0x1  }
0x318: {  	v4 =	vld.idx.msk @p0 [tilespmem:v4+s9+$0x0], $0xffff  }
0x319: {  	v60 =	vld.idx.msk [tilespmem:v6+s9+$0x0], $0xffff;
	_ =	sdelay $0x1  }
0x31a: {  	[tilespmem:s18+$0xFFFFFFC0] =	vst @p0 v7  }
0x31b: {  	v7 =	vld @p0 [tilespmem:s17+$0xFFFFFFD0]  }
0x31c: {  	[tilespmem:s18+$0x40] =	vst @p0 v4;
	v5 =	vld.idx.msk [tilespmem:v5+s9+$0x0], $0xffff  }
0x31d: {  	v6 =	vld @p0 [tilespmem:s17+$0x50];
	[tilespmem:s15+$0x40] =	vst v60  }
0x31e: {  	v4 =	vld [tilespmem:s16+$0x50];
	_ =	sdelay $0x2  }
0x31f: {  	[tilespmem:s15+$0xFFFFFFC0] =	vst v5  }
0x320: {  	v5 =	vld [tilespmem:s16+$0xFFFFFFD0];
	_ =	sdelay $0x1  }
0x321: {  	v7 =	vld.idx.msk @p0 [tilespmem:v7+s9+$0x0], $0xffff  }
0x322: {  	v6 =	vld.idx.msk @p0 [tilespmem:v6+s9+$0x0], $0xffff  }
0x323: {  	v4 =	vld.idx.msk [tilespmem:v4+s9+$0x0], $0xffff;
	_ =	sdelay $0x1  }
0x324: {  	[tilespmem:s13+$0xFFFFFFD0] =	vst @p1 v8  }
0x325: {  	v8 =	vld @p1 [tilespmem:s14+$0xFFFFFFE0]  }
0x326: {  	s20 =	smov.u32 s10;
	[tilespmem:s18+$0x50] =	vst @p0 v6;
	v5 =	vld.idx.msk [tilespmem:v5+s9+$0x0], $0xffff  }
0x327: {  	s20 =	smov.u32 @p0 s18;
	v1 =	vpsel p0, v7, v1;
	s18 =	smov.u32 s12;
	v6 =	vld @p0 [tilespmem:s17+$0x60];
	[tilespmem:s15+$0x50] =	vst v4  }
0x328: {  	[tilespmem:s20+$0xFFFFFFD0] =	vst @p0 v1;
	s18 =	smov.u32 @p0 s17;
	v4 =	vld [tilespmem:s16+$0x60]  }
0x329: {  	v1 =	vld @p0 [tilespmem:s18+$0xFFFFFFE0];
	_ =	sdelay $0x1  }
0x32a: {  	[tilespmem:s15+$0xFFFFFFD0] =	vst v5  }
0x32b: {  	v5 =	vld [tilespmem:s16+$0xFFFFFFE0]  }
0x32c: {  	v3 =	vld.idx.msk @p1 [tilespmem:v3+s9+$0x0], $0xffff;
	v0 =	vpsel p0, v6, v0;
	_ =	sdelay $0x1  }
0x32d: {  	v6 =	vld.idx.msk @p1 [tilespmem:v8+s9+$0x0], $0xffff  }
0x32e: {  	v4 =	vld.idx.msk [tilespmem:v4+s9+$0x0], $0xffff  }
0x32f: {  	v1 =	vld.idx.msk @p0 [tilespmem:v1+s9+$0x0], $0xffff  }
0x330: {  	[tilespmem:s13+$0x60] =	vst @p1 v3;
	v0 =	vld.idx.msk @p0 [tilespmem:v0+s9+$0x0], $0xffff  }
0x331: {  	v3 =	vld @p1 [tilespmem:s14+$0x70]  }
0x332: {  	[tilespmem:s13+$0xFFFFFFE0] =	vst @p1 v6;
	v61 =	vld.idx.msk [tilespmem:v5+s9+$0x0], $0xffff  }
0x333: {  	v6 =	vld @p1 [tilespmem:s14+$0xFFFFFFF0];
	[tilespmem:s15+$0x60] =	vst v4  }
0x334: {  	[tilespmem:s20+$0xFFFFFFE0] =	vst @p0 v1;
	v4 =	vld [tilespmem:s16+$0x70]  }
0x335: {  	[tilespmem:s20+$0x60] =	vst @p0 v0;
	v1 =	vld @p0 [tilespmem:s18+$0xFFFFFFF0]  }
0x336: {  	v5 =	vld @p0 [tilespmem:s18+$0x70]  }
0x337: {  	[tilespmem:s15+$0xFFFFFFE0] =	vst v61  }
0x338: {  	v0 =	vpsel p1, v6, v61;
	v62 =	vld [tilespmem:s16+$0xFFFFFFF0];
	_ =	sdelay $0x1  }
0x339: {  	v2 =	vld.idx.msk @p2 [tilespmem:v2+s9+$0x0], $0xffff;
	v1 =	vpsel p0, v1, v0  }
0x33a: {  	v3 =	vld.idx.msk @p1 [tilespmem:v3+s9+$0x0], $0xffff  }
0x33b: {  	v4 =	vld.idx.msk [tilespmem:v4+s9+$0x0], $0xffff  }
0x33c: {  	v0 =	vld.idx.msk @p1 [tilespmem:v0+s9+$0x0], $0xffff  }
0x33d: {  	v5 =	vld.idx.msk @p0 [tilespmem:v5+s9+$0x0], $0xffff  }
0x33e: {  	[tilespmem:s19+$0xFFFFFFF0] =	vst @p2 v2;
	v1 =	vld.idx.msk @p0 [tilespmem:v1+s9+$0x0], $0xffff  }
0x33f: {  	[tilespmem:s13+$0x70] =	vst @p1 v3;
	v63 =	vld.idx.msk [tilespmem:v62+s9+$0x0], $0xffff  }
0x340: {  	s13 =	smov.u32 @p1 s13;
	[tilespmem:s15+$0x70] =	vst v4  }
0x341: {  	[tilespmem:s13+$0xFFFFFFF0] =	vst @p1 v0;
	s13 =	smov.u32 @p0 s20  }
0x342: {  	[tilespmem:s20+$0x70] =	vst @p0 v5;
	s13 =	smov.u32 @p0 s13  }
0x343: {  	[tilespmem:s13+$0xFFFFFFF0] =	vst @p0 v1  }
0x344: {  	[tilespmem:s15+$0xFFFFFFF0] =	vst v63  }
0x345: {  	s13 =	sshll.u32 s8, $0xB  }
0x346: {  	s14 =	sadd.s32 $0xA000, s13;
	s15 =	sadd.s32 $0x5000, s13  }
0x347: {  	[spmem:s5] =	stream.indirect.scatter.add.f32 [tilespmem:s14], [sflag:$0x1], $0x1, s15, s11, $0xb8;
	[tilespmem:$0x12580] =	vst v63  }
0x348: {  	s17 =	sadd.s32 $0xA080, s13;
	s18 =	sadd.s32 $0x5080, s13  }
0x349: {  	[spmem:s5] =	stream.indirect.scatter.add.f32 [tilespmem:s17], [sflag:$0x1], $0x1, s18, s11, $0xb8;
	[tilespmem:$0x12580] =	vst v63  }
0x34a: {  	s19 =	sadd.s32 $0xA100, s13;
	s20 =	sadd.s32 $0x5100, s13  }
0x34b: {  	[spmem:s5] =	stream.indirect.scatter.add.f32 [tilespmem:s19], [sflag:$0x1], $0x1, s20, s11, $0xb8;
	[tilespmem:$0x12580] =	vst v63  }
0x34c: {  	s21 =	sadd.s32 $0xA180, s13;
	s22 =	sadd.s32 $0x5180, s13  }
0x34d: {  	[spmem:s5] =	stream.indirect.scatter.add.f32 [tilespmem:s21], [sflag:$0x1], $0x1, s22, s11, $0xb8;
	[tilespmem:$0x12580] =	vst v63  }
0x34e: {  	s23 =	sadd.s32 $0xA200, s13;
	s24 =	sadd.s32 $0x5200, s13  }
0x34f: {  	[spmem:s5] =	stream.indirect.scatter.add.f32 [tilespmem:s23], [sflag:$0x1], $0x1, s24, s11, $0xb8;
	[tilespmem:$0x12580] =	vst v63  }
0x350: {  	s25 =	sadd.s32 $0xA280, s13;
	s26 =	sadd.s32 $0x5280, s13  }
0x351: {  	[spmem:s5] =	stream.indirect.scatter.add.f32 [tilespmem:s25], [sflag:$0x1], $0x1, s26, s11, $0xb8;
	[tilespmem:$0x12580] =	vst v63  }
0x352: {  	s28 =	sadd.s32 $0xA300, s13;
	s29 =	sadd.s32 $0x5300, s13  }
0x353: {  	[spmem:s5] =	stream.indirect.scatter.add.f32 [tilespmem:s28], [sflag:$0x1], $0x1, s29, s11, $0xb8;
	[tilespmem:$0x12580] =	vst v63  }
0x354: {  	s30 =	sadd.s32 $0xA380, s13;
	s31 =	sadd.s32 $0x5380, s13  }
0x355: {  	[spmem:s5] =	stream.indirect.scatter.add.f32 [tilespmem:s30], [sflag:$0x1], $0x1, s31, s11, $0xb8;
	[tilespmem:$0x12580] =	vst v63  }
0x356: {  	s16 =	sadd.s32 $0xA400, s13;
	s17 =	sadd.s32 $0x5400, s13  }
0x357: {  	[spmem:s5] =	stream.indirect.scatter.add.f32 [tilespmem:s16], [sflag:$0x1], $0x1, s17, s11, $0xb8;
	[tilespmem:$0x12580] =	vst v63  }
0x358: {  	s18 =	sadd.s32 $0xA480, s13;
	s19 =	sadd.s32 $0x5480, s13  }
0x359: {  	[spmem:s5] =	stream.indirect.scatter.add.f32 [tilespmem:s18], [sflag:$0x1], $0x1, s19, s11, $0xb8;
	[tilespmem:$0x12580] =	vst v63  }
0x35a: {  	s20 =	sadd.s32 $0xA500, s13;
	s21 =	sadd.s32 $0x5500, s13  }
0x35b: {  	[spmem:s5] =	stream.indirect.scatter.add.f32 [tilespmem:s20], [sflag:$0x1], $0x1, s21, s11, $0xb8;
	[tilespmem:$0x12580] =	vst v63  }
0x35c: {  	s22 =	sadd.s32 $0xA580, s13;
	s23 =	sadd.s32 $0x5580, s13  }
0x35d: {  	[spmem:s5] =	stream.indirect.scatter.add.f32 [tilespmem:s22], [sflag:$0x1], $0x1, s23, s11, $0xb8;
	[tilespmem:$0x12580] =	vst v63  }
0x35e: {  	s8 =	sadd.s32 $0x1, s8;
	s24 =	sadd.s32 $0xA600, s13;
	s25 =	sadd.s32 $0x5600, s13  }
0x35f: {  	[spmem:s5] =	stream.indirect.scatter.add.f32 [tilespmem:s24], [sflag:$0x1], $0x1, s25, s11, $0xb8;
	[tilespmem:$0x12580] =	vst v63  }
0x360: {  	p0 =	seq.s32 s8, $0xA;
	s26 =	sadd.s32 $0xA680, s13;
	s28 =	sadd.s32 $0x5680, s13  }
0x361: {  	[spmem:s5] =	stream.indirect.scatter.add.f32 [tilespmem:s26], [sflag:$0x1], $0x1, s28, s11, $0xb8;
	[tilespmem:$0x12580] =	vst v63  }
.Ltmp8:
0x362: {  	s10 =	sadd.s32 $0x800, s10;
	(pc) =	sbr.rel @!p0 .LBB2_7-.Ltmp8, $4  }
.Ltmp9:
0x363: {  	s29 =	sadd.s32 $0xA700, s13;
	s30 =	sadd.s32 $0x5700, s13;
	(pc) =	sbr.rel @p0 .LBB2_10-.Ltmp9, $4  }
0x364: {  	[spmem:s5] =	stream.indirect.scatter.add.f32 [tilespmem:s29], [sflag:$0x1], $0x1, s30, s11, $0xb8;
	[tilespmem:$0x12580] =	vst v63  }
0x365: {  	s12 =	sadd.s32 $0x800, s12;
	s31 =	sadd.s32 $0xA780, s13;
	s13 =	sadd.s32 $0x5780, s13  }
0x366: {  	[spmem:s5] =	stream.indirect.scatter.add.f32 [tilespmem:s31], [sflag:$0x1], $0x1, s13, s11, $0xb8;
	[tilespmem:$0x12580] =	vst v63  }
0x367: {  	_ = 	snop  }
.LBB2_8:
.Ltmp10:
0x368: {  	(pc) =	sbr.rel .LBB2_25-.Ltmp10, $2  }
0x369: {  	_ =	sdelay $0x2  }
0x36a: {  	s15 =	smov.u32 s10;
	s16 =	smov.u32 s12  }
.LBB2_18:
.Ltmp11:
0x36b: {  	(pc) =	sbr.rel .LBB2_25-.Ltmp11, $3  }
0x36c: {  	_ =	sdelay $0x1  }
0x36d: {  	s15 =	smov.u32 s13  }
0x36e: {  	s16 =	smov.u32 s14;
	s18 =	smov.u32 s10;
	s17 =	smov.u32 s12  }
.LBB2_20:
.Ltmp12:
0x36f: {  	(pc) =	sbr.rel .LBB2_25-.Ltmp12, $3  }
0x370: {  	_ =	sdelay $0x1  }
0x371: {  	s16 =	smov.u32 s17;
	s18 =	smov.u32 s13  }
0x372: {  	s17 =	smov.u32 s14;
	v3 =	vmov v0;
	s13 =	smov.u32 s10;
	s14 =	smov.u32 s12;
	v8 =	vmov v1  }
.LBB2_22:
.Ltmp13:
0x373: {  	(pc) =	sbr.rel .LBB2_25-.Ltmp13, $2  }
0x374: {  	_ =	sdelay $0x2  }
0x375: {  	s18 =	smov.u32 s15;
	s15 =	smov.u32 s20;
	s19 =	smov.u32 s10  }
.LBB2_10:
0x376: {  	s8 =	simm.s32 $0x1  }
0x377: {  	_ =	swait.ge [sflag:s8], $0x80  }
0x378: {  	[sflag:s8] =	ssyncset.done $0x0  }
0x379: {  	[sflag:s8] =	ssyncadd.s32 $0xFFFFFF80  }
0x37a: {  	_ =	swait.ge [sflag:s8], $0x80  }
0x37b: {  	[sflag:s8] =	ssyncset.done $0x0  }
0x37c: {  	[sflag:s8] =	ssyncadd.s32 $0xFFFFFF80  }
0x37d: {  	_ =	swait.ge [sflag:s8], $0x80  }
0x37e: {  	[sflag:s8] =	ssyncset.done $0x0  }
0x37f: {  	[sflag:s8] =	ssyncadd.s32 $0xFFFFFF80  }
0x380: {  	_ =	swait.ge [sflag:s8], $0x80  }
0x381: {  	[sflag:s8] =	ssyncset.done $0x0  }
0x382: {  	[sflag:s8] =	ssyncadd.s32 $0xFFFFFF80  }
0x383: {  	_ =	swait.ge [sflag:s8], $0x80  }
0x384: {  	[sflag:s8] =	ssyncset.done $0x0  }
0x385: {  	[sflag:s8] =	ssyncadd.s32 $0xFFFFFF80  }
0x386: {  	_ =	swait.ge [sflag:s8], $0x80  }
0x387: {  	[sflag:s8] =	ssyncset.done $0x0  }
0x388: {  	[sflag:s8] =	ssyncadd.s32 $0xFFFFFF80  }
0x389: {  	_ =	swait.ge [sflag:s8], $0x80  }
0x38a: {  	[sflag:s8] =	ssyncset.done $0x0  }
0x38b: {  	[sflag:s8] =	ssyncadd.s32 $0xFFFFFF80  }
0x38c: {  	_ =	swait.ge [sflag:s8], $0x80  }
0x38d: {  	[sflag:s8] =	ssyncset.done $0x0  }
0x38e: {  	[sflag:s8] =	ssyncadd.s32 $0xFFFFFF80  }
0x38f: {  	_ =	swait.ge [sflag:s8], $0x80  }
0x390: {  	[sflag:s8] =	ssyncset.done $0x0  }
0x391: {  	[sflag:s8] =	ssyncadd.s32 $0xFFFFFF80  }
0x392: {  	_ =	swait.ge [sflag:s8], $0x80  }
0x393: {  	[sflag:s8] =	ssyncset.done $0x0  }
0x394: {  	[sflag:s8] =	ssyncadd.s32 $0xFFFFFF80  }
0x395: {  	_ =	swait.ge [sflag:s8], $0x80  }
0x396: {  	[sflag:s8] =	ssyncset.done $0x0  }
0x397: {  	[sflag:s8] =	ssyncadd.s32 $0xFFFFFF80  }
0x398: {  	_ =	swait.ge [sflag:s8], $0x80  }
0x399: {  	[sflag:s8] =	ssyncset.done $0x0  }
0x39a: {  	[sflag:s8] =	ssyncadd.s32 $0xFFFFFF80  }
0x39b: {  	_ =	swait.ge [sflag:s8], $0x80  }
0x39c: {  	[sflag:s8] =	ssyncset.done $0x0  }
0x39d: {  	[sflag:s8] =	ssyncadd.s32 $0xFFFFFF80  }
0x39e: {  	_ =	swait.ge [sflag:s8], $0x80  }
0x39f: {  	[sflag:s8] =	ssyncset.done $0x0  }
0x3a0: {  	[sflag:s8] =	ssyncadd.s32 $0xFFFFFF80  }
0x3a1: {  	_ =	swait.ge [sflag:s8], $0x80  }
0x3a2: {  	[sflag:s8] =	ssyncset.done $0x0  }
0x3a3: {  	[sflag:s8] =	ssyncadd.s32 $0xFFFFFF80  }
0x3a4: {  	_ =	swait.ge [sflag:s8], $0x80  }
0x3a5: {  	s9 =	simm.s32 $0x9;
	[sflag:s8] =	ssyncset.done $0x0  }
.LBB2_11:
0x3a6: {  	p0 =	sne.s32 s9, $0x1;
	s9 =	sadd.s32 $0xFFFFFFFF, s9;
	[sflag:s8] =	ssyncadd.s32 $0xFFFFFF80  }
0x3a7: {  	_ =	swait.ge [sflag:s8], $0x80  }
0x3a8: {  	[sflag:s8] =	ssyncset.done $0x0  }
0x3a9: {  	[sflag:s8] =	ssyncadd.s32 $0xFFFFFF80  }
0x3aa: {  	_ =	swait.ge [sflag:s8], $0x80  }
0x3ab: {  	[sflag:s8] =	ssyncset.done $0x0  }
0x3ac: {  	[sflag:s8] =	ssyncadd.s32 $0xFFFFFF80  }
0x3ad: {  	_ =	swait.ge [sflag:s8], $0x80  }
0x3ae: {  	[sflag:s8] =	ssyncset.done $0x0  }
0x3af: {  	[sflag:s8] =	ssyncadd.s32 $0xFFFFFF80  }
0x3b0: {  	_ =	swait.ge [sflag:s8], $0x80  }
0x3b1: {  	[sflag:s8] =	ssyncset.done $0x0  }
0x3b2: {  	[sflag:s8] =	ssyncadd.s32 $0xFFFFFF80  }
0x3b3: {  	_ =	swait.ge [sflag:s8], $0x80  }
0x3b4: {  	[sflag:s8] =	ssyncset.done $0x0  }
0x3b5: {  	[sflag:s8] =	ssyncadd.s32 $0xFFFFFF80  }
0x3b6: {  	_ =	swait.ge [sflag:s8], $0x80  }
0x3b7: {  	[sflag:s8] =	ssyncset.done $0x0  }
0x3b8: {  	[sflag:s8] =	ssyncadd.s32 $0xFFFFFF80  }
0x3b9: {  	_ =	swait.ge [sflag:s8], $0x80  }
0x3ba: {  	[sflag:s8] =	ssyncset.done $0x0  }
0x3bb: {  	[sflag:s8] =	ssyncadd.s32 $0xFFFFFF80  }
0x3bc: {  	_ =	swait.ge [sflag:s8], $0x80  }
0x3bd: {  	[sflag:s8] =	ssyncset.done $0x0  }
0x3be: {  	[sflag:s8] =	ssyncadd.s32 $0xFFFFFF80  }
0x3bf: {  	_ =	swait.ge [sflag:s8], $0x80  }
0x3c0: {  	[sflag:s8] =	ssyncset.done $0x0  }
0x3c1: {  	[sflag:s8] =	ssyncadd.s32 $0xFFFFFF80  }
0x3c2: {  	_ =	swait.ge [sflag:s8], $0x80  }
0x3c3: {  	[sflag:s8] =	ssyncset.done $0x0  }
0x3c4: {  	[sflag:s8] =	ssyncadd.s32 $0xFFFFFF80  }
0x3c5: {  	_ =	swait.ge [sflag:s8], $0x80  }
0x3c6: {  	[sflag:s8] =	ssyncset.done $0x0  }
0x3c7: {  	[sflag:s8] =	ssyncadd.s32 $0xFFFFFF80  }
0x3c8: {  	_ =	swait.ge [sflag:s8], $0x80  }
0x3c9: {  	[sflag:s8] =	ssyncset.done $0x0  }
0x3ca: {  	[sflag:s8] =	ssyncadd.s32 $0xFFFFFF80  }
0x3cb: {  	_ =	swait.ge [sflag:s8], $0x80  }
0x3cc: {  	[sflag:s8] =	ssyncset.done $0x0  }
0x3cd: {  	[sflag:s8] =	ssyncadd.s32 $0xFFFFFF80  }
0x3ce: {  	_ =	swait.ge [sflag:s8], $0x80  }
0x3cf: {  	[sflag:s8] =	ssyncset.done $0x0  }
0x3d0: {  	[sflag:s8] =	ssyncadd.s32 $0xFFFFFF80  }
.Ltmp14:
0x3d1: {  	_ =	swait.ge [sflag:s8], $0x80;
	(pc) =	sbr.rel @p0 .LBB2_11-.Ltmp14, $4  }
0x3d2: {  	[sflag:s8] =	ssyncset.done $0x0  }
0x3d3: {  	[sflag:s8] =	ssyncadd.s32 $0xFFFFFF80  }
0x3d4: {  	_ =	swait.ge [sflag:s8], $0x80  }
0x3d5: {  	[sflag:s8] =	ssyncset.done $0x0  }
0x3d6: {  	[sflag:s8] =	ssyncadd.s32 $0xFFFFFF80  }
0x3d7: {  	s29 =	simm.s32 $0x11D80;
	s30 =	simm.s32 $0x2;
	[bflag:$0x0] =	sbarrier.arrive $0xFFFF  }
0x3d8: {  	[tilespmem:s29], [sflag:$0x2] =	stream.linear.gather [spmem:s4], $0x280, $0x38;
	[tilespmem:$0x12580] =	vst v63  }
0x3d9: {  	_ =	swait.ge [sflag:s30], $0x280  }
0x3da: {  	[sflag:s30] =	ssyncset.done $0x0  }
0x3db: {  	[sflag:s30] =	ssyncadd.s32 $0xFFFFFD80  }
0x3dc: {  	v1 =	vld [tilespmem:$0x12280]  }
0x3dd: {  	s9 =	simm.s32 $0x11DA0;
	v0 =	vld [tilespmem:$0x12290]  }
0x3de: {  	s13 =	simm.s32 $0x11B20;
	v2 =	vld [tilespmem:s9+$0xFFFFFFE0]  }
0x3df: {  	v10 =	vld [tilespmem:s13+$0xFFFFFFF0]  }
0x3e0: {  	v3 =	vld [tilespmem:s9+$0x0]  }
0x3e1: {  	v11 =	vld [tilespmem:s9+$0x10]  }
0x3e2: {  	s31 =	simm.s32 $0x118A0;
	v8 =	vld [tilespmem:s13+$0x10]  }
0x3e3: {  	v6 =	vld [tilespmem:s31+$0x10]  }
0x3e4: {  	v4 =	vld [tilespmem:s31+$0xFFFFFFE0]  }
0x3e5: {  	v7 =	vld [tilespmem:s31+$0x0]  }
0x3e6: {  	v9 =	vld [tilespmem:s31+$0xFFFFFFF0]  }
0x3e7: {  	v12 =	vld [tilespmem:s9+$0xFFFFFFF0]  }
0x3e8: {  	v13 =	vld [tilespmem:s13+$0xFFFFFFE0]  }
0x3e9: {  	s8 =	simm.s32 $0x11DE0;
	v14 =	vld [tilespmem:s13+$0x0]  }
0x3ea: {  	s11 =	simm.s32 $0x118E0;
	v16 =	vld [tilespmem:s8+$0xFFFFFFE0];
	v20 =	vmul.f32 $2.000000030e-01, v8;
	v15 =	vmul.f32 v6, v6  }
0x3eb: {  	v5 =	vld [tilespmem:s11+$0x10];
	v17 =	vmul.f32 v2, v4;
	v2 =	vmul.f32 v4, v4  }
0x3ec: {  	s10 =	simm.s32 $0x11B60;
	v18 =	vld [tilespmem:s8+$0x0];
	v19 =	vmul.f32 v7, v7;
	v22 =	vmul.f32 v3, v7  }
0x3ed: {  	v21 =	vld [tilespmem:s10+$0x10];
	v23 =	vmul.f32 v9, v9;
	v26 =	vmul.f32 $2.000000030e-01, v13  }
0x3ee: {  	v30 =	vld [tilespmem:s10+$0x0];
	v25 =	vmul.f32 $2.000000030e-01, v14;
	v12 =	vmul.f32 v12, v9  }
0x3ef: {  	v3 =	vld [tilespmem:s11+$0x0];
	v27 =	vmul.f32 $2.000000030e-01, v10;
	v11 =	vmul.f32 v11, v6  }
0x3f0: {  	v31 =	vld [tilespmem:s8+$0xFFFFFFF0];
	v28 =	vmul.f32 v5, v5;
	v13 =	vmul.f32 v13, v2  }
0x3f1: {  	v2 =	vld [tilespmem:s11+$0xFFFFFFE0];
	v24 =	vmul.f32 v8, v15;
	v14 =	vmul.f32 v14, v19  }
0x3f2: {  	v8 =	vld [tilespmem:s11+$0xFFFFFFF0];
	v10 =	vmul.f32 v10, v23;
	v15 =	vmul.f32 $2.000000030e-01, v21  }
0x3f3: {  	v19 =	vld [tilespmem:s10+$0xFFFFFFE0];
	v40 =	vmul.f32 v21, v28;
	v11 =	vadd.f32 v11, v24;
	v13 =	vadd.f32 v17, v13  }
0x3f4: {  	v34 =	vld [tilespmem:s8+$0x10];
	v10 =	vadd.f32 v12, v10;
	v24 =	vmul.f32 $2.000000030e-01, v30;
	v33 =	vmul.f32 v3, v3  }
0x3f5: {  	v23 =	vld [tilespmem:s10+$0xFFFFFFF0];
	s11 =	simm.s32 $0x11E20;
	v35 =	vmul.f32 v18, v3;
	v38 =	vmul.f32 $8.000000110e-01, v11  }
0x3f6: {  	v37 =	vld [tilespmem:s11+$0xFFFFFFE0];
	v12 =	vadd.f32 v22, v14;
	v39 =	vmul.f32 $8.000000110e-01, v13;
	v14 =	vmul.f32 $8.000000110e-01, v10  }
0x3f7: {  	s14 =	simm.s32 $0x11920;
	v60 =	vld [tilespmem:s11+$0x0];
	v29 =	vmul.f32 v16, v2;
	v32 =	vmul.f32 v2, v2  }
0x3f8: {  	v11 =	vld [tilespmem:s14+$0x10];
	v36 =	vmul.f32 v8, v8;
	v16 =	vmul.f32 $2.000000030e-01, v19  }
0x3f9: {  	s12 =	simm.s32 $0x11BA0;
	v10 =	vld [tilespmem:s14+$0xFFFFFFE0];
	v22 =	vmul.f32 v31, v8;
	v31 =	vmul.f32 v30, v33  }
0x3fa: {  	v17 =	vld [tilespmem:s12+$0xFFFFFFF0];
	v18 =	vmul.f32 $2.000000030e-01, v23;
	v30 =	vmul.f32 $8.000000110e-01, v12;
	v27 =	vadd.f32 v14, v27  }
0x3fb: {  	v12 =	vld [tilespmem:s14+$0x0];
	v21 =	vadd.f32 v38, v20;
	v62 =	vadd.f32 v39, v26;
	v13 =	vmul.f32 v19, v32  }
0x3fc: {  	v19 =	vld [tilespmem:s12+$0x10];
	v23 =	vmul.f32 v23, v36;
	v61 =	vadd.f32 v30, v25;
	v63 =	vmul.f32 v27, v1  }
0x3fd: {  	v36 =	vmul.f32 v62, v1;
	v28 =	vadd.f32 v29, v13;
	v29 =	vmul.f32 v34, v5;
	v13 =	vld [tilespmem:s14+$0xFFFFFFF0]  }
0x3fe: {  	v20 =	vld [tilespmem:s11+$0x10];
	v25 =	vadd.f32 v22, v23;
	v30 =	vmul.f32 v11, v11;
	v22 =	vmul.f32 v37, v10  }
0x3ff: {  	v26 =	vadd.f32 v35, v31;
	v32 =	vld [tilespmem:s12+$0xFFFFFFE0];
	v34 =	vmul.f32 v10, v10;
	v35 =	vmul.f32 v61, v1  }
0x400: {  	s15 =	simm.s32 $0x11E60;
	v27 =	vld [tilespmem:s11+$0xFFFFFFF0];
	v31 =	vmul.f32 v12, v12;
	v23 =	vmul.f32 v60, v12  }
0x401: {  	s16 =	simm.s32 $0x11BE0;
	s17 =	simm.s32 $0x11960;
	s14 =	simm.s32 $0x8;
	v33 =	vadd.f32 v63, v0;
	v37 =	vadd.f32 v29, v40;
	v29 =	vld [tilespmem:s12+$0x0];
	v14 =	vmul.f32 $2.000000030e-01, v19  }
.LBB2_13:
0x402: {  	v39 =	vmul.f32 v13, v13  }
0x403: {  	v38 =	vld [tilespmem:s15+$0xFFFFFFE0];
	s14 =	sadd.s32 $0x4, s14;
	v37 =	vmul.f32 $8.000000110e-01, v37;
	v35 =	vadd.f32 v35, v0;
	v40 =	vmovc v6;
	v6 =	vmovc v5;
	v43 =	vmul.f32 $8.000000110e-01, v28  }
0x404: {  	v41 =	vld [tilespmem:s16+$0xFFFFFFF0];
	p0 =	slt.u32 s14, $0x24;
	v42 =	vmul.f32 $2.000000030e-01, v32;
	v36 =	vadd.f32 v36, v0;
	[tilespmem:s13+$0xFFFFFFF0] =	vst v33  }
0x405: {  	v5 =	vmovc v11;
	v28 =	vmul.f32 v32, v34;
	v32 =	vmul.f32 v21, v1;
	v44 =	vld [tilespmem:s15+$0x0];
	v21 =	vadd.f32 v37, v15  }
0x406: {  	v45 =	vmul.f32 $2.000000030e-01, v29;
	v37 =	vmul.f32 v19, v30;
	v30 =	vmovc v4;
	v4 =	vmovc v2;
	v2 =	vmov v10;
	v34 =	vld [tilespmem:s15+$0x10];
	[tilespmem:s13+$0x0] =	vst v35  }
0x407: {  	v46 =	vmul.f32 v27, v13;
	v47 =	vmul.f32 $8.000000110e-01, v25;
	v27 =	vmovc v7;
	v25 =	vadd.f32 v32, v0;
	v19 =	vld [tilespmem:s16+$0x10];
	[tilespmem:s13+$0xFFFFFFE0] =	vst v36  }
0x408: {  	v7 =	vmovc v3;
	v3 =	vmovc v12;
	v31 =	vmul.f32 v29, v31;
	v29 =	vmul.f32 v33, v9;
	v9 =	vmov v8;
	v11 =	vld [tilespmem:s17+$0x10]  }
0x409: {  	v26 =	vmul.f32 $8.000000110e-01, v26;
	v33 =	vadd.f32 v47, v18;
	v18 =	vmul.f32 $2.000000030e-01, v17;
	v8 =	vmovc v13;
	v15 =	vmovc v14;
	v10 =	vld [tilespmem:s17+$0xFFFFFFE0];
	[tilespmem:s13+$0x10] =	vst v25;
	s13 =	smov.u32 s10;
	s10 =	smov.u32 s12;
	s12 =	smov.u32 s16  }
0x40a: {  	v28 =	vadd.f32 v22, v28;
	v22 =	vmul.f32 v17, v39;
	v12 =	vld [tilespmem:s17+$0x0];
	[tilespmem:s9+$0xFFFFFFF0] =	vst v29;
	v29 =	vmul.f32 v25, v40  }
0x40b: {  	v24 =	vadd.f32 v26, v24;
	v26 =	vmul.f32 v35, v27;
	v39 =	vmul.f32 v20, v5;
	v17 =	vmovc v41;
	v13 =	vld [tilespmem:s17+$0xFFFFFFF0]  }
.Ltmp15:
0x40c: {  	v35 =	vmul.f32 v36, v30;
	v25 =	vadd.f32 v46, v22;
	v20 =	vmovc v34;
	v27 =	vld [tilespmem:s15+$0xFFFFFFF0];
	v14 =	vmul.f32 $2.000000030e-01, v19;
	[tilespmem:s9+$0x10] =	vst v29;
	(pc) =	sbr.rel @p0 .LBB2_13-.Ltmp15, $4  }
0x40d: {  	v36 =	vadd.f32 v43, v16;
	v33 =	vmul.f32 v33, v1;
	v32 =	vld [tilespmem:s16+$0xFFFFFFE0];
	v30 =	vmul.f32 v11, v11;
	[tilespmem:s9+$0x0] =	vst v26  }
0x40e: {  	v26 =	vadd.f32 v23, v31;
	v22 =	vmul.f32 v38, v10;
	v34 =	vmul.f32 v10, v10;
	v29 =	vld [tilespmem:s16+$0x0];
	[tilespmem:s9+$0xFFFFFFE0] =	vst v35;
	s9 =	smov.u32 s8;
	s8 =	smov.u32 s11;
	s11 =	smov.u32 s15  }
0x40f: {  	v16 =	vmovc v42;
	v37 =	vadd.f32 v39, v37;
	v35 =	vmul.f32 v24, v1;
	v31 =	vmul.f32 v12, v12  }
0x410: {  	v36 =	vmul.f32 v36, v1;
	v33 =	vadd.f32 v33, v0;
	s17 =	sadd.s32 $0x40, s17;
	s15 =	sadd.s32 $0x40, s15;
	s16 =	sadd.s32 $0x40, s16;
	v24 =	vmovc v45;
	v23 =	vmul.f32 v44, v12  }
0x411: {  	v38 =	vmul.f32 v13, v13;
	v37 =	vmul.f32 $8.000000110e-01, v37  }
0x412: {  	v28 =	vmul.f32 $8.000000110e-01, v28;
	v21 =	vmul.f32 v21, v1  }
0x413: {  	v19 =	vmul.f32 v19, v30;
	v27 =	vmul.f32 v27, v13  }
0x414: {  	v25 =	vmul.f32 $8.000000110e-01, v25;
	v26 =	vmul.f32 $8.000000110e-01, v26  }
0x415: {  	v35 =	vadd.f32 v35, v0;
	v63 =	vmul.f32 $2.000000030e-01, v17;
	v20 =	vmul.f32 v20, v11  }
0x416: {  	v39 =	vmul.f32 $2.000000030e-01, v32;
	v59 =	vmul.f32 v32, v34;
	v61 =	vadd.f32 v36, v0;
	[tilespmem:s13+$0xFFFFFFF0] =	vst v33  }
0x417: {  	v9 =	vmul.f32 v33, v9;
	v60 =	vmul.f32 $2.000000030e-01, v29;
	[tilespmem:s13+$0x0] =	vst v35  }
0x418: {  	v62 =	vmul.f32 v29, v31;
	v21 =	vadd.f32 v21, v0;
	v18 =	vadd.f32 v25, v18;
	[tilespmem:s13+$0xFFFFFFE0] =	vst v61  }
0x419: {  	v33 =	vmul.f32 v17, v38;
	v36 =	vadd.f32 v26, v24;
	v7 =	vmul.f32 v35, v7;
	[tilespmem:s9+$0xFFFFFFF0] =	vst v9  }
0x41a: {  	v38 =	vadd.f32 v28, v16;
	v4 =	vmul.f32 v61, v4;
	[tilespmem:s13+$0x10] =	vst v21;
	v40 =	vmul.f32 v18, v1  }
0x41b: {  	v15 =	vadd.f32 v37, v15;
	v6 =	vmul.f32 v21, v6;
	v41 =	vmul.f32 v36, v1;
	[tilespmem:s9+$0x0] =	vst v7  }
0x41c: {  	v48 =	vadd.f32 v20, v19;
	v42 =	vmul.f32 v38, v1;
	[tilespmem:s9+$0xFFFFFFE0] =	vst v4;
	v43 =	vadd.f32 v40, v0  }
0x41d: {  	v47 =	vadd.f32 v22, v59;
	v46 =	vmul.f32 v15, v1;
	[tilespmem:s9+$0x10] =	vst v6;
	v45 =	vadd.f32 v41, v0  }
0x41e: {  	v17 =	vadd.f32 v27, v33;
	v50 =	vmul.f32 $8.000000110e-01, v48;
	v7 =	vadd.f32 v42, v0;
	[tilespmem:s10+$0xFFFFFFF0] =	vst v43  }
0x41f: {  	v44 =	vadd.f32 v23, v62;
	v15 =	vmul.f32 $8.000000110e-01, v47;
	v6 =	vadd.f32 v46, v0;
	[tilespmem:s10+$0x0] =	vst v45  }
0x420: {  	v17 =	vmul.f32 $8.000000110e-01, v17;
	v54 =	vadd.f32 v50, v14;
	[tilespmem:s10+$0xFFFFFFE0] =	vst v7;
	v8 =	vmul.f32 v43, v8  }
0x421: {  	v16 =	vmul.f32 $8.000000110e-01, v44;
	v52 =	vadd.f32 v15, v39;
	[tilespmem:s10+$0x10] =	vst v6;
	v5 =	vmul.f32 v6, v5  }
0x422: {  	v49 =	vadd.f32 v17, v63;
	v3 =	vmul.f32 v45, v3;
	v59 =	vmul.f32 v54, v1;
	[tilespmem:s8+$0xFFFFFFF0] =	vst v8  }
0x423: {  	v51 =	vadd.f32 v16, v60;
	v2 =	vmul.f32 v7, v2;
	v56 =	vmul.f32 v52, v1;
	[tilespmem:s8+$0x10] =	vst v5  }
0x424: {  	v53 =	vmul.f32 v49, v1;
	[tilespmem:s8+$0x0] =	vst v3;
	v60 =	vadd.f32 v59, v0  }
0x425: {  	v55 =	vmul.f32 v51, v1;
	[tilespmem:s8+$0xFFFFFFE0] =	vst v2;
	v3 =	vadd.f32 v56, v0  }
0x426: {  	v57 =	vadd.f32 v53, v0;
	[tilespmem:s12+$0x10] =	vst v60  }
0x427: {  	v58 =	vadd.f32 v55, v0;
	[tilespmem:s12+$0xFFFFFFE0] =	vst v3  }
0x428: {  	v0 =	vmul.f32 v60, v11;
	[tilespmem:s12+$0xFFFFFFF0] =	vst v57  }
0x429: {  	v63 =	vmul.f32 v3, v10;
	[tilespmem:s12+$0x0] =	vst v58  }
0x42a: {  	v61 =	vmul.f32 v57, v13;
	[tilespmem:s11+$0x10] =	vst v0  }
0x42b: {  	v62 =	vmul.f32 v58, v12;
	[tilespmem:s11+$0xFFFFFFE0] =	vst v63  }
0x42c: {  	[tilespmem:s11+$0xFFFFFFF0] =	vst v61  }
0x42d: {  	s29 =	simm.s32 $0x11D80;
	s30 =	simm.s32 $0x2;
	s8 =	simm.s32 $0x0;
	[tilespmem:s11+$0x0] =	vst v62  }
0x42e: {  	[hbm4b:s7+s8] =	stream.linear.scatter [tilespmem:s29], [sflag:$0x2], $0x280, $0x38;
	[tilespmem:$0x12580] =	vst v63  }
0x42f: {  	_ =	swait.ge [sflag:s30], $0x280  }
0x430: {  	[sflag:s30] =	ssyncset.done $0x0  }
0x431: {  	s31 =	simm.s32 $0x12000;
	[sflag:s30] =	ssyncadd.s32 $0xFFFFFD80  }
0x432: {  	[spmem:s4] =	stream.linear.scatter [tilespmem:s31], [sflag:$0x2], $0x280, $0x38;
	[tilespmem:$0x12580] =	vst v63  }
0x433: {  	_ =	swait.ge [sflag:s30], $0x280  }
0x434: {  	[sflag:s30] =	ssyncset.done $0x0  }
0x435: {  	[sflag:s30] =	ssyncadd.s32 $0xFFFFFD80  }
0x436: {  	s9 =	simm.s32 $0xF000;
	[bflag:$0x0] =	sbarrier.arrive $0xFFFF  }
0x437: {  	[tilespmem:s9], [sflag:$0x2] =	stream.linear.gather [hbm4b:s6+s8], $0x2800, $0x38;
	[tilespmem:$0x12580] =	vst v63  }
0x438: {  	_ =	swait.ge [sflag:s30], $0x2800  }
0x439: {  	s10 =	simm.s32 $0xA080;
	[sflag:s30] =	ssyncset.done $0x0  }
0x43a: {  	s12 =	simm.s32 $0x80;
	s11 =	simm.s32 $0x80;
	[sflag:s30] =	ssyncadd.s32 $0xFFFFD800  }
.LBB2_15:
0x43b: {  	v0 =	vld [tilespmem:s12+$0x0];
	_ =	sdelay $0x4  }
0x43c: {  	v1 =	vld [tilespmem:s12+$0xFFFFFF80];
	_ =	sdelay $0x2  }
0x43d: {  	v0 =	vld.idx.msk [tilespmem:v0+s9+$0x0], $0xffff;
	_ =	sdelay $0x4  }
0x43e: {  	v1 =	vld.idx.msk [tilespmem:v1+s9+$0x0], $0xffff;
	[tilespmem:s10+$0x0] =	vst v0  }
0x43f: {  	v0 =	vld [tilespmem:s12+$0x10];
	_ =	sdelay $0x3  }
0x440: {  	[tilespmem:s10+$0xFFFFFF80] =	vst v1  }
0x441: {  	v1 =	vld [tilespmem:s12+$0xFFFFFF90];
	_ =	sdelay $0x1  }
0x442: {  	s13 =	sshll.u32 s8, $0x4  }
0x443: {  	s18 =	sadd.s32 $0x10, s13;
	s15 =	sadd.s32 $0x2, s13;
	v0 =	vld.idx.msk [tilespmem:v0+s9+$0x0], $0xffff  }
0x444: {  	p3 =	slt.u32 s15, s18  }
.Ltmp16:
0x445: {  	_ = 	snop;
	(pc) =	sbr.rel @!p3 .LBB2_16-.Ltmp16, $3  }
0x446: {  	_ =	sdelay $0x1  }
0x447: {  	s14 =	sadd.s32 $0x100, s12;
	v5 =	vld.idx.msk [tilespmem:v1+s9+$0x0], $0xffff;
	[tilespmem:s10+$0x10] =	vst v0  }
0x448: {  	p0 =	por $0x0, $0x0;
	p1 =	por $0x0, $0x0;
	p2 =	por $0x0, $0x0;
	v6 =	vld [tilespmem:s12+$0x20]  }
0x449: {  	_ =	sdelay $0x1  }
0x44a: {  	v0 =	vld [tilespmem:s14+$0x0];
	_ =	sdelay $0x2  }
0x44b: {  	v1 =	vld [tilespmem:s14+$0xFFFFFF80]  }
0x44c: {  	[tilespmem:s10+$0xFFFFFF90] =	vst v5  }
0x44d: {  	v2 =	vld [tilespmem:s12+$0xFFFFFFA0]  }
0x44e: {  	v3 =	vld.idx.msk [tilespmem:v6+s9+$0x0], $0xffff;
	_ =	sdelay $0x1  }
0x44f: {  	v0 =	vld.idx.msk [tilespmem:v0+s9+$0x0], $0xffff;
	_ =	sdelay $0x2  }
0x450: {  	v1 =	vld.idx.msk [tilespmem:v1+s9+$0x0], $0xffff;
	[tilespmem:s10+$0x20] =	vst v3  }
0x451: {  	s13 =	sadd.s32 $0x100, s10;
	v3 =	vld [tilespmem:s12+$0x30]  }
0x452: {  	v2 =	vld.idx.msk [tilespmem:v2+s9+$0x0], $0xffff;
	[tilespmem:s13+$0x0] =	vst v0  }
0x453: {  	v0 =	vld [tilespmem:s14+$0x10];
	_ =	sdelay $0x1  }
0x454: {  	[tilespmem:s13+$0xFFFFFF80] =	vst v1  }
0x455: {  	v1 =	vld [tilespmem:s14+$0xFFFFFF90]  }
0x456: {  	[tilespmem:s10+$0xFFFFFFA0] =	vst v2  }
0x457: {  	v2 =	vld [tilespmem:s12+$0xFFFFFFB0]  }
0x458: {  	v3 =	vld.idx.msk [tilespmem:v3+s9+$0x0], $0xffff;
	_ =	sdelay $0x1  }
0x459: {  	s16 =	sadd.s32 $0x2, s15;
	v0 =	vld.idx.msk [tilespmem:v0+s9+$0x0], $0xffff  }
0x45a: {  	p3 =	slt.u32 s16, s18  }
.Ltmp17:
0x45b: {  	_ = 	snop;
	(pc) =	sbr.rel @!p3 .LBB2_35-.Ltmp17, $4  }
0x45c: {  	v5 =	vld.idx.msk [tilespmem:v1+s9+$0x0], $0xffff;
	[tilespmem:s10+$0x30] =	vst v3  }
0x45d: {  	v4 =	vld [tilespmem:s12+$0x40]  }
0x45e: {  	v7 =	vld.idx.msk [tilespmem:v2+s9+$0x0], $0xffff;
	[tilespmem:s13+$0x10] =	vst v0  }
0x45f: {  	s17 =	sadd.s32 $0x100, s14;
	p0 =	por $0x1, $0x1;
	v6 =	vld [tilespmem:s14+$0x20]  }
0x460: {  	_ =	sdelay $0x2  }
0x461: {  	v0 =	vld [tilespmem:s17+$0x0];
	_ =	sdelay $0x1  }
0x462: {  	v1 =	vld [tilespmem:s17+$0xFFFFFF80]  }
0x463: {  	[tilespmem:s13+$0xFFFFFF90] =	vst v5;
	v2 =	vld.idx.msk [tilespmem:v4+s9+$0x0], $0xffff  }
0x464: {  	v3 =	vld [tilespmem:s14+$0xFFFFFFA0]  }
0x465: {  	[tilespmem:s10+$0xFFFFFFB0] =	vst v7;
	v4 =	vld.idx.msk [tilespmem:v6+s9+$0x0], $0xffff  }
0x466: {  	v5 =	vld [tilespmem:s12+$0xFFFFFFC0];
	_ =	sdelay $0x1  }
0x467: {  	[tilespmem:s10+$0x40] =	vst v2;
	v0 =	vld.idx.msk [tilespmem:v0+s9+$0x0], $0xffff  }
0x468: {  	v2 =	vld [tilespmem:s12+$0x50]  }
0x469: {  	v1 =	vld.idx.msk [tilespmem:v1+s9+$0x0], $0xffff;
	[tilespmem:s13+$0x20] =	vst v4  }
0x46a: {  	v4 =	vld [tilespmem:s14+$0x30]  }
0x46b: {  	v3 =	vld.idx.msk [tilespmem:v3+s9+$0x0], $0xffff  }
0x46c: {  	s15 =	sadd.s32 $0x100, s13  }
0x46d: {  	v5 =	vld.idx.msk [tilespmem:v5+s9+$0x0], $0xffff;
	[tilespmem:s15+$0x0] =	vst v0  }
0x46e: {  	[tilespmem:s15+$0xFFFFFF80] =	vst v1;
	v0 =	vld [tilespmem:s17+$0x10]  }
0x46f: {  	v1 =	vld [tilespmem:s17+$0xFFFFFF90]  }
0x470: {  	[tilespmem:s13+$0xFFFFFFA0] =	vst v3;
	v2 =	vld.idx.msk [tilespmem:v2+s9+$0x0], $0xffff  }
0x471: {  	v3 =	vld [tilespmem:s14+$0xFFFFFFB0]  }
0x472: {  	[tilespmem:s10+$0xFFFFFFC0] =	vst v5;
	v4 =	vld.idx.msk [tilespmem:v4+s9+$0x0], $0xffff  }
0x473: {  	v8 =	vld [tilespmem:s12+$0xFFFFFFD0];
	_ =	sdelay $0x2  }
0x474: {  	s19 =	sadd.s32 $0x2, s16;
	[tilespmem:s10+$0x50] =	vst v2;
	v6 =	vld.idx.msk [tilespmem:v0+s9+$0x0], $0xffff  }
0x475: {  	p3 =	slt.u32 s19, s18;
	v0 =	vld [tilespmem:s12+$0x60]  }
.Ltmp18:
0x476: {  	v5 =	vld.idx.msk [tilespmem:v1+s9+$0x0], $0xffff;
	[tilespmem:s13+$0x30] =	vst v4;
	(pc) =	sbr.rel @!p3 .LBB2_37-.Ltmp18, $4  }
0x477: {  	v4 =	vld [tilespmem:s14+$0x40]  }
0x478: {  	v7 =	vld.idx.msk [tilespmem:v3+s9+$0x0], $0xffff  }
0x479: {  	v1 =	vld.idx.msk [tilespmem:v8+s9+$0x0], $0xffff;
	[tilespmem:s15+$0x10] =	vst v6  }
0x47a: {  	s16 =	sadd.s32 $0x100, s17;
	p1 =	por $0x1, $0x1;
	v6 =	vld [tilespmem:s17+$0x20]  }
0x47b: {  	_ =	sdelay $0x1  }
0x47c: {  	v2 =	vld [tilespmem:s16+$0x0]  }
0x47d: {  	v3 =	vld [tilespmem:s16+$0xFFFFFF80]  }
0x47e: {  	[tilespmem:s15+$0xFFFFFF90] =	vst v5;
	v5 =	vld.idx.msk [tilespmem:v0+s9+$0x0], $0xffff  }
0x47f: {  	v8 =	vld [tilespmem:s17+$0xFFFFFFA0]  }
0x480: {  	v4 =	vld.idx.msk [tilespmem:v4+s9+$0x0], $0xffff;
	[tilespmem:s13+$0xFFFFFFB0] =	vst v7  }
0x481: {  	v7 =	vld [tilespmem:s14+$0xFFFFFFC0]  }
0x482: {  	[tilespmem:s10+$0xFFFFFFD0] =	vst v1;
	v6 =	vld.idx.msk [tilespmem:v6+s9+$0x0], $0xffff  }
0x483: {  	v9 =	vld [tilespmem:s12+$0xFFFFFFE0];
	[tilespmem:s10+$0x60] =	vst v5  }
0x484: {  	v5 =	vld [tilespmem:s12+$0x70]  }
0x485: {  	[tilespmem:s13+$0x40] =	vst v4;
	v2 =	vld.idx.msk [tilespmem:v2+s9+$0x0], $0xffff  }
0x486: {  	v4 =	vld [tilespmem:s14+$0x50]  }
0x487: {  	v3 =	vld.idx.msk [tilespmem:v3+s9+$0x0], $0xffff  }
0x488: {  	v8 =	vld.idx.msk [tilespmem:v8+s9+$0x0], $0xffff;
	[tilespmem:s15+$0x20] =	vst v6  }
0x489: {  	s20 =	sadd.s32 $0x100, s15;
	v6 =	vld [tilespmem:s17+$0x30]  }
0x48a: {  	[tilespmem:s20+$0x0] =	vst v2;
	v2 =	vld.idx.msk [tilespmem:v7+s9+$0x0], $0xffff  }
0x48b: {  	v7 =	vld [tilespmem:s16+$0x10]  }
0x48c: {  	v9 =	vld.idx.msk [tilespmem:v9+s9+$0x0], $0xffff  }
0x48d: {  	[tilespmem:s20+$0xFFFFFF80] =	vst v3;
	v10 =	vld.idx.msk [tilespmem:v5+s9+$0x0], $0xffff  }
0x48e: {  	v5 =	vld [tilespmem:s16+$0xFFFFFF90]  }
0x48f: {  	[tilespmem:s15+$0xFFFFFFA0] =	vst v8;
	v3 =	vld.idx.msk [tilespmem:v4+s9+$0x0], $0xffff  }
0x490: {  	v8 =	vld [tilespmem:s17+$0xFFFFFFB0]  }
0x491: {  	[tilespmem:s13+$0xFFFFFFC0] =	vst v2;
	v4 =	vld.idx.msk [tilespmem:v6+s9+$0x0], $0xffff  }
0x492: {  	v11 =	vld [tilespmem:s14+$0xFFFFFFD0]  }
0x493: {  	[tilespmem:s10+$0xFFFFFFE0] =	vst v9;
	v6 =	vld.idx.msk [tilespmem:v7+s9+$0x0], $0xffff  }
0x494: {  	s21 =	sadd.s32 $0x2, s19;
	v2 =	vld [tilespmem:s12+$0xFFFFFFF0];
	[tilespmem:s13+$0x50] =	vst v3  }
0x495: {  	p3 =	slt.u32 s21, s18;
	v3 =	vld [tilespmem:s14+$0x60]  }
.Ltmp19:
0x496: {  	v5 =	vld.idx.msk [tilespmem:v5+s9+$0x0], $0xffff;
	[tilespmem:s15+$0x30] =	vst v4;
	(pc) =	sbr.rel @!p3 .LBB2_39-.Ltmp19, $4  }
0x497: {  	v4 =	vld [tilespmem:s17+$0x40]  }
0x498: {  	v7 =	vld.idx.msk [tilespmem:v8+s9+$0x0], $0xffff;
	[tilespmem:s20+$0x10] =	vst v6  }
0x499: {  	v6 =	vld [tilespmem:s16+$0x20]  }
0x49a: {  	s22 =	sadd.s32 $0x100, s16;
	p2 =	por $0x1, $0x1;
	s19 =	smov.u32 s10;
	[tilespmem:s10+$0x70] =	vst v10;
	v8 =	vld.idx.msk [tilespmem:v11+s9+$0x0], $0xffff  }
.LBB2_40:
0x49b: {  	v9 =	vld [tilespmem:s22+$0x0];
	s21 =	sadd.s32 $0x2, s21;
	s23 =	smov.u32 s15;
	s15 =	smov.u32 s20  }
0x49c: {  	v10 =	vld [tilespmem:s22+$0xFFFFFF80];
	p3 =	slt.u32 s21, s18;
	[tilespmem:s20+$0xFFFFFF90] =	vst v5  }
0x49d: {  	v3 =	vld.idx.msk [tilespmem:v3+s9+$0x0], $0xffff  }
0x49e: {  	v5 =	vld [tilespmem:s16+$0xFFFFFFA0];
	[tilespmem:s23+$0xFFFFFFB0] =	vst v7  }
0x49f: {  	v4 =	vld.idx.msk [tilespmem:v4+s9+$0x0], $0xffff  }
0x4a0: {  	v7 =	vld [tilespmem:s17+$0xFFFFFFC0];
	[tilespmem:s13+$0xFFFFFFD0] =	vst v8  }
0x4a1: {  	v6 =	vld.idx.msk [tilespmem:v6+s9+$0x0], $0xffff  }
0x4a2: {  	v8 =	vld [tilespmem:s14+$0xFFFFFFE0]  }
0x4a3: {  	v9 =	vld.idx.msk [tilespmem:v9+s9+$0x0], $0xffff;
	[tilespmem:s13+$0x60] =	vst v3  }
0x4a4: {  	v3 =	vld [tilespmem:s14+$0x70]  }
0x4a5: {  	v10 =	vld.idx.msk [tilespmem:v10+s9+$0x0], $0xffff;
	[tilespmem:s23+$0x40] =	vst v4  }
0x4a6: {  	v4 =	vld [tilespmem:s17+$0x50]  }
0x4a7: {  	v5 =	vld.idx.msk [tilespmem:v5+s9+$0x0], $0xffff;
	[tilespmem:s20+$0x20] =	vst v6  }
0x4a8: {  	s20 =	sadd.s32 $0x100, s20;
	v6 =	vld [tilespmem:s16+$0x30]  }
0x4a9: {  	[tilespmem:s20+$0x0] =	vst v9;
	v7 =	vld.idx.msk [tilespmem:v7+s9+$0x0], $0xffff  }
0x4aa: {  	v9 =	vld [tilespmem:s22+$0x10]  }
0x4ab: {  	[tilespmem:s20+$0xFFFFFF80] =	vst v10;
	v8 =	vld.idx.msk [tilespmem:v8+s9+$0x0], $0xffff  }
0x4ac: {  	v3 =	vld.idx.msk [tilespmem:v3+s9+$0x0], $0xffff  }
0x4ad: {  	v10 =	vld [tilespmem:s22+$0xFFFFFF90];
	[tilespmem:s15+$0xFFFFFFA0] =	vst v5  }
0x4ae: {  	v4 =	vld.idx.msk [tilespmem:v4+s9+$0x0], $0xffff  }
0x4af: {  	v11 =	vld [tilespmem:s16+$0xFFFFFFB0];
	[tilespmem:s23+$0xFFFFFFC0] =	vst v7  }
0x4b0: {  	v6 =	vld.idx.msk [tilespmem:v6+s9+$0x0], $0xffff  }
0x4b1: {  	v12 =	vld [tilespmem:s17+$0xFFFFFFD0];
	[tilespmem:s13+$0xFFFFFFE0] =	vst v8  }
0x4b2: {  	v7 =	vld.idx.msk [tilespmem:v9+s9+$0x0], $0xffff;
	[tilespmem:s13+$0x70] =	vst v3  }
0x4b3: {  	v8 =	vld [tilespmem:s14+$0xFFFFFFF0];
	s14 =	smov.u32 s17;
	s17 =	smov.u32 s16;
	s16 =	smov.u32 s22  }
0x4b4: {  	[tilespmem:s23+$0x50] =	vst v4;
	v9 =	vld.idx.msk [tilespmem:v2+s9+$0x0], $0xffff  }
0x4b5: {  	v3 =	vld [tilespmem:s14+$0x60]  }
.Ltmp20:
0x4b6: {  	v5 =	vld.idx.msk [tilespmem:v10+s9+$0x0], $0xffff;
	[tilespmem:s15+$0x30] =	vst v6;
	(pc) =	sbr.rel @p3 .LBB2_40-.Ltmp20, $4  }
0x4b7: {  	v4 =	vld [tilespmem:s17+$0x40]  }
0x4b8: {  	[tilespmem:s20+$0x10] =	vst v7;
	v7 =	vld.idx.msk [tilespmem:v11+s9+$0x0], $0xffff;
	v2 =	vmov v8  }
0x4b9: {  	v6 =	vld [tilespmem:s22+$0x20]  }
0x4ba: {  	s22 =	sadd.s32 $0x100, s22;
	v8 =	vld.idx.msk [tilespmem:v12+s9+$0x0], $0xffff;
	[tilespmem:s19+$0xFFFFFFF0] =	vst v9;
	s19 =	smov.u32 s13;
	s13 =	smov.u32 s23  }
0x4bb: {  	s18 =	smov.u32 s15;
	s15 =	smov.u32 s20  }
.LBB2_42:
0x4bc: {  	_ = 	snop  }
0x4bd: {  	[tilespmem:s15+$0xFFFFFF90] =	vst v5  }
0x4be: {  	v5 =	vld [tilespmem:s16+$0xFFFFFFA0];
	_ =	sdelay $0x3  }
0x4bf: {  	v6 =	vld.idx.msk [tilespmem:v6+s9+$0x0], $0xffff;
	_ =	sdelay $0x3  }
0x4c0: {  	v5 =	vld.idx.msk [tilespmem:v5+s9+$0x0], $0xffff  }
0x4c1: {  	[tilespmem:s15+$0x20] =	vst v6  }
0x4c2: {  	v6 =	vld [tilespmem:s16+$0x30];
	_ =	sdelay $0x2  }
0x4c3: {  	[tilespmem:s15+$0xFFFFFFA0] =	vst v5  }
0x4c4: {  	v5 =	vld [tilespmem:s16+$0xFFFFFFB0];
	_ =	sdelay $0x3  }
0x4c5: {  	v6 =	vld.idx.msk [tilespmem:v6+s9+$0x0], $0xffff;
	_ =	sdelay $0x1  }
0x4c6: {  	[tilespmem:s18+$0xFFFFFFB0] =	vst @p0 v7  }
0x4c7: {  	v7 =	vld @p0 [tilespmem:s17+$0xFFFFFFC0]  }
0x4c8: {  	v5 =	vld.idx.msk [tilespmem:v5+s9+$0x0], $0xffff  }
0x4c9: {  	[tilespmem:s15+$0x30] =	vst v6  }
0x4ca: {  	v6 =	vld [tilespmem:s16+$0x40];
	_ =	sdelay $0x2  }
0x4cb: {  	[tilespmem:s15+$0xFFFFFFB0] =	vst v5  }
0x4cc: {  	v5 =	vld [tilespmem:s16+$0xFFFFFFC0]  }
0x4cd: {  	v7 =	vld.idx.msk @p0 [tilespmem:v7+s9+$0x0], $0xffff;
	_ =	sdelay $0x1  }
0x4ce: {  	v4 =	vld.idx.msk @p0 [tilespmem:v4+s9+$0x0], $0xffff  }
0x4cf: {  	v60 =	vld.idx.msk [tilespmem:v6+s9+$0x0], $0xffff;
	_ =	sdelay $0x1  }
0x4d0: {  	[tilespmem:s18+$0xFFFFFFC0] =	vst @p0 v7  }
0x4d1: {  	v7 =	vld @p0 [tilespmem:s17+$0xFFFFFFD0]  }
0x4d2: {  	[tilespmem:s18+$0x40] =	vst @p0 v4;
	v5 =	vld.idx.msk [tilespmem:v5+s9+$0x0], $0xffff  }
0x4d3: {  	v6 =	vld @p0 [tilespmem:s17+$0x50];
	[tilespmem:s15+$0x40] =	vst v60  }
0x4d4: {  	v4 =	vld [tilespmem:s16+$0x50];
	_ =	sdelay $0x2  }
0x4d5: {  	[tilespmem:s15+$0xFFFFFFC0] =	vst v5  }
0x4d6: {  	v5 =	vld [tilespmem:s16+$0xFFFFFFD0];
	_ =	sdelay $0x1  }
0x4d7: {  	v7 =	vld.idx.msk @p0 [tilespmem:v7+s9+$0x0], $0xffff  }
0x4d8: {  	v6 =	vld.idx.msk @p0 [tilespmem:v6+s9+$0x0], $0xffff  }
0x4d9: {  	v4 =	vld.idx.msk [tilespmem:v4+s9+$0x0], $0xffff;
	_ =	sdelay $0x1  }
0x4da: {  	[tilespmem:s13+$0xFFFFFFD0] =	vst @p1 v8  }
0x4db: {  	v8 =	vld @p1 [tilespmem:s14+$0xFFFFFFE0]  }
0x4dc: {  	s20 =	smov.u32 s10;
	[tilespmem:s18+$0x50] =	vst @p0 v6;
	v5 =	vld.idx.msk [tilespmem:v5+s9+$0x0], $0xffff  }
0x4dd: {  	s20 =	smov.u32 @p0 s18;
	v1 =	vpsel p0, v7, v1;
	s18 =	smov.u32 s12;
	v6 =	vld @p0 [tilespmem:s17+$0x60];
	[tilespmem:s15+$0x50] =	vst v4  }
0x4de: {  	[tilespmem:s20+$0xFFFFFFD0] =	vst @p0 v1;
	s18 =	smov.u32 @p0 s17;
	v4 =	vld [tilespmem:s16+$0x60]  }
0x4df: {  	v1 =	vld @p0 [tilespmem:s18+$0xFFFFFFE0];
	_ =	sdelay $0x1  }
0x4e0: {  	[tilespmem:s15+$0xFFFFFFD0] =	vst v5  }
0x4e1: {  	v5 =	vld [tilespmem:s16+$0xFFFFFFE0]  }
0x4e2: {  	v3 =	vld.idx.msk @p1 [tilespmem:v3+s9+$0x0], $0xffff;
	v0 =	vpsel p0, v6, v0;
	_ =	sdelay $0x1  }
0x4e3: {  	v6 =	vld.idx.msk @p1 [tilespmem:v8+s9+$0x0], $0xffff  }
0x4e4: {  	v4 =	vld.idx.msk [tilespmem:v4+s9+$0x0], $0xffff  }
0x4e5: {  	v1 =	vld.idx.msk @p0 [tilespmem:v1+s9+$0x0], $0xffff  }
0x4e6: {  	[tilespmem:s13+$0x60] =	vst @p1 v3;
	v0 =	vld.idx.msk @p0 [tilespmem:v0+s9+$0x0], $0xffff  }
0x4e7: {  	v3 =	vld @p1 [tilespmem:s14+$0x70]  }
0x4e8: {  	[tilespmem:s13+$0xFFFFFFE0] =	vst @p1 v6;
	v61 =	vld.idx.msk [tilespmem:v5+s9+$0x0], $0xffff  }
0x4e9: {  	v6 =	vld @p1 [tilespmem:s14+$0xFFFFFFF0];
	[tilespmem:s15+$0x60] =	vst v4  }
0x4ea: {  	[tilespmem:s20+$0xFFFFFFE0] =	vst @p0 v1;
	v4 =	vld [tilespmem:s16+$0x70]  }
0x4eb: {  	[tilespmem:s20+$0x60] =	vst @p0 v0;
	v1 =	vld @p0 [tilespmem:s18+$0xFFFFFFF0]  }
0x4ec: {  	v5 =	vld @p0 [tilespmem:s18+$0x70]  }
0x4ed: {  	[tilespmem:s15+$0xFFFFFFE0] =	vst v61  }
0x4ee: {  	v0 =	vpsel p1, v6, v61;
	v62 =	vld [tilespmem:s16+$0xFFFFFFF0];
	_ =	sdelay $0x1  }
0x4ef: {  	v2 =	vld.idx.msk @p2 [tilespmem:v2+s9+$0x0], $0xffff;
	v1 =	vpsel p0, v1, v0  }
0x4f0: {  	v3 =	vld.idx.msk @p1 [tilespmem:v3+s9+$0x0], $0xffff  }
0x4f1: {  	v4 =	vld.idx.msk [tilespmem:v4+s9+$0x0], $0xffff  }
0x4f2: {  	v0 =	vld.idx.msk @p1 [tilespmem:v0+s9+$0x0], $0xffff  }
0x4f3: {  	v5 =	vld.idx.msk @p0 [tilespmem:v5+s9+$0x0], $0xffff  }
0x4f4: {  	[tilespmem:s19+$0xFFFFFFF0] =	vst @p2 v2;
	v1 =	vld.idx.msk @p0 [tilespmem:v1+s9+$0x0], $0xffff  }
0x4f5: {  	[tilespmem:s13+$0x70] =	vst @p1 v3;
	v63 =	vld.idx.msk [tilespmem:v62+s9+$0x0], $0xffff  }
0x4f6: {  	s13 =	smov.u32 @p1 s13;
	[tilespmem:s15+$0x70] =	vst v4  }
0x4f7: {  	[tilespmem:s13+$0xFFFFFFF0] =	vst @p1 v0;
	s13 =	smov.u32 @p0 s20  }
0x4f8: {  	[tilespmem:s20+$0x70] =	vst @p0 v5;
	s13 =	smov.u32 @p0 s13  }
0x4f9: {  	[tilespmem:s13+$0xFFFFFFF0] =	vst @p0 v1  }
0x4fa: {  	[tilespmem:s15+$0xFFFFFFF0] =	vst v63  }
0x4fb: {  	s13 =	sshll.u32 s8, $0xB  }
0x4fc: {  	s14 =	sadd.s32 $0xA000, s13;
	s15 =	sadd.s32 $0x5000, s13  }
0x4fd: {  	[spmem:s5] =	stream.indirect.scatter.add.f32 [tilespmem:s14], [sflag:$0x1], $0x1, s15, s11, $0xb8;
	[tilespmem:$0x12580] =	vst v63  }
0x4fe: {  	s17 =	sadd.s32 $0xA080, s13;
	s18 =	sadd.s32 $0x5080, s13  }
0x4ff: {  	[spmem:s5] =	stream.indirect.scatter.add.f32 [tilespmem:s17], [sflag:$0x1], $0x1, s18, s11, $0xb8;
	[tilespmem:$0x12580] =	vst v63  }
0x500: {  	s19 =	sadd.s32 $0xA100, s13;
	s20 =	sadd.s32 $0x5100, s13  }
0x501: {  	[spmem:s5] =	stream.indirect.scatter.add.f32 [tilespmem:s19], [sflag:$0x1], $0x1, s20, s11, $0xb8;
	[tilespmem:$0x12580] =	vst v63  }
0x502: {  	s21 =	sadd.s32 $0xA180, s13;
	s22 =	sadd.s32 $0x5180, s13  }
0x503: {  	[spmem:s5] =	stream.indirect.scatter.add.f32 [tilespmem:s21], [sflag:$0x1], $0x1, s22, s11, $0xb8;
	[tilespmem:$0x12580] =	vst v63  }
0x504: {  	s23 =	sadd.s32 $0xA200, s13;
	s24 =	sadd.s32 $0x5200, s13  }
0x505: {  	[spmem:s5] =	stream.indirect.scatter.add.f32 [tilespmem:s23], [sflag:$0x1], $0x1, s24, s11, $0xb8;
	[tilespmem:$0x12580] =	vst v63  }
0x506: {  	s25 =	sadd.s32 $0xA280, s13;
	s26 =	sadd.s32 $0x5280, s13  }
0x507: {  	[spmem:s5] =	stream.indirect.scatter.add.f32 [tilespmem:s25], [sflag:$0x1], $0x1, s26, s11, $0xb8;
	[tilespmem:$0x12580] =	vst v63  }
0x508: {  	s28 =	sadd.s32 $0xA300, s13;
	s29 =	sadd.s32 $0x5300, s13  }
0x509: {  	[spmem:s5] =	stream.indirect.scatter.add.f32 [tilespmem:s28], [sflag:$0x1], $0x1, s29, s11, $0xb8;
	[tilespmem:$0x12580] =	vst v63  }
0x50a: {  	s30 =	sadd.s32 $0xA380, s13;
	s31 =	sadd.s32 $0x5380, s13  }
0x50b: {  	[spmem:s5] =	stream.indirect.scatter.add.f32 [tilespmem:s30], [sflag:$0x1], $0x1, s31, s11, $0xb8;
	[tilespmem:$0x12580] =	vst v63  }
0x50c: {  	s16 =	sadd.s32 $0xA400, s13;
	s17 =	sadd.s32 $0x5400, s13  }
0x50d: {  	[spmem:s5] =	stream.indirect.scatter.add.f32 [tilespmem:s16], [sflag:$0x1], $0x1, s17, s11, $0xb8;
	[tilespmem:$0x12580] =	vst v63  }
0x50e: {  	s18 =	sadd.s32 $0xA480, s13;
	s19 =	sadd.s32 $0x5480, s13  }
0x50f: {  	[spmem:s5] =	stream.indirect.scatter.add.f32 [tilespmem:s18], [sflag:$0x1], $0x1, s19, s11, $0xb8;
	[tilespmem:$0x12580] =	vst v63  }
0x510: {  	s20 =	sadd.s32 $0xA500, s13;
	s21 =	sadd.s32 $0x5500, s13  }
0x511: {  	[spmem:s5] =	stream.indirect.scatter.add.f32 [tilespmem:s20], [sflag:$0x1], $0x1, s21, s11, $0xb8;
	[tilespmem:$0x12580] =	vst v63  }
0x512: {  	s22 =	sadd.s32 $0xA580, s13;
	s23 =	sadd.s32 $0x5580, s13  }
0x513: {  	[spmem:s5] =	stream.indirect.scatter.add.f32 [tilespmem:s22], [sflag:$0x1], $0x1, s23, s11, $0xb8;
	[tilespmem:$0x12580] =	vst v63  }
0x514: {  	s8 =	sadd.s32 $0x1, s8;
	s24 =	sadd.s32 $0xA600, s13;
	s25 =	sadd.s32 $0x5600, s13  }
0x515: {  	[spmem:s5] =	stream.indirect.scatter.add.f32 [tilespmem:s24], [sflag:$0x1], $0x1, s25, s11, $0xb8;
	[tilespmem:$0x12580] =	vst v63  }
0x516: {  	p0 =	seq.s32 s8, $0xA;
	s26 =	sadd.s32 $0xA680, s13;
	s28 =	sadd.s32 $0x5680, s13  }
0x517: {  	[spmem:s5] =	stream.indirect.scatter.add.f32 [tilespmem:s26], [sflag:$0x1], $0x1, s28, s11, $0xb8;
	[tilespmem:$0x12580] =	vst v63  }
.Ltmp21:
0x518: {  	s10 =	sadd.s32 $0x800, s10;
	(pc) =	sbr.rel @!p0 .LBB2_15-.Ltmp21, $4  }
.Ltmp22:
0x519: {  	s29 =	sadd.s32 $0xA700, s13;
	s30 =	sadd.s32 $0x5700, s13;
	(pc) =	sbr.rel @p0 .LBB2_27-.Ltmp22, $4  }
0x51a: {  	[spmem:s5] =	stream.indirect.scatter.add.f32 [tilespmem:s29], [sflag:$0x1], $0x1, s30, s11, $0xb8;
	[tilespmem:$0x12580] =	vst v63  }
0x51b: {  	s12 =	sadd.s32 $0x800, s12;
	s31 =	sadd.s32 $0xA780, s13;
	s13 =	sadd.s32 $0x5780, s13  }
0x51c: {  	[spmem:s5] =	stream.indirect.scatter.add.f32 [tilespmem:s31], [sflag:$0x1], $0x1, s13, s11, $0xb8;
	[tilespmem:$0x12580] =	vst v63  }
0x51d: {  	_ = 	snop  }
.LBB2_16:
.Ltmp23:
0x51e: {  	(pc) =	sbr.rel .LBB2_42-.Ltmp23, $2  }
0x51f: {  	_ =	sdelay $0x2  }
0x520: {  	s15 =	smov.u32 s10;
	s16 =	smov.u32 s12  }
.LBB2_35:
.Ltmp24:
0x521: {  	(pc) =	sbr.rel .LBB2_42-.Ltmp24, $3  }
0x522: {  	_ =	sdelay $0x1  }
0x523: {  	s15 =	smov.u32 s13  }
0x524: {  	s16 =	smov.u32 s14;
	s18 =	smov.u32 s10;
	s17 =	smov.u32 s12  }
.LBB2_37:
.Ltmp25:
0x525: {  	(pc) =	sbr.rel .LBB2_42-.Ltmp25, $3  }
0x526: {  	_ =	sdelay $0x1  }
0x527: {  	s16 =	smov.u32 s17;
	s18 =	smov.u32 s13  }
0x528: {  	s17 =	smov.u32 s14;
	v3 =	vmov v0;
	s13 =	smov.u32 s10;
	s14 =	smov.u32 s12;
	v8 =	vmov v1  }
.LBB2_39:
.Ltmp26:
0x529: {  	(pc) =	sbr.rel .LBB2_42-.Ltmp26, $2  }
0x52a: {  	_ =	sdelay $0x2  }
0x52b: {  	s18 =	smov.u32 s15;
	s15 =	smov.u32 s20;
	s19 =	smov.u32 s10  }
.LBB2_27:
0x52c: {  	s8 =	simm.s32 $0x1  }
0x52d: {  	_ =	swait.ge [sflag:s8], $0x80  }
0x52e: {  	[sflag:s8] =	ssyncset.done $0x0  }
0x52f: {  	[sflag:s8] =	ssyncadd.s32 $0xFFFFFF80  }
0x530: {  	_ =	swait.ge [sflag:s8], $0x80  }
0x531: {  	[sflag:s8] =	ssyncset.done $0x0  }
0x532: {  	[sflag:s8] =	ssyncadd.s32 $0xFFFFFF80  }
0x533: {  	_ =	swait.ge [sflag:s8], $0x80  }
0x534: {  	[sflag:s8] =	ssyncset.done $0x0  }
0x535: {  	[sflag:s8] =	ssyncadd.s32 $0xFFFFFF80  }
0x536: {  	_ =	swait.ge [sflag:s8], $0x80  }
0x537: {  	[sflag:s8] =	ssyncset.done $0x0  }
0x538: {  	[sflag:s8] =	ssyncadd.s32 $0xFFFFFF80  }
0x539: {  	_ =	swait.ge [sflag:s8], $0x80  }
0x53a: {  	[sflag:s8] =	ssyncset.done $0x0  }
0x53b: {  	[sflag:s8] =	ssyncadd.s32 $0xFFFFFF80  }
0x53c: {  	_ =	swait.ge [sflag:s8], $0x80  }
0x53d: {  	[sflag:s8] =	ssyncset.done $0x0  }
0x53e: {  	[sflag:s8] =	ssyncadd.s32 $0xFFFFFF80  }
0x53f: {  	_ =	swait.ge [sflag:s8], $0x80  }
0x540: {  	[sflag:s8] =	ssyncset.done $0x0  }
0x541: {  	[sflag:s8] =	ssyncadd.s32 $0xFFFFFF80  }
0x542: {  	_ =	swait.ge [sflag:s8], $0x80  }
0x543: {  	[sflag:s8] =	ssyncset.done $0x0  }
0x544: {  	[sflag:s8] =	ssyncadd.s32 $0xFFFFFF80  }
0x545: {  	_ =	swait.ge [sflag:s8], $0x80  }
0x546: {  	[sflag:s8] =	ssyncset.done $0x0  }
0x547: {  	[sflag:s8] =	ssyncadd.s32 $0xFFFFFF80  }
0x548: {  	_ =	swait.ge [sflag:s8], $0x80  }
0x549: {  	[sflag:s8] =	ssyncset.done $0x0  }
0x54a: {  	[sflag:s8] =	ssyncadd.s32 $0xFFFFFF80  }
0x54b: {  	_ =	swait.ge [sflag:s8], $0x80  }
0x54c: {  	[sflag:s8] =	ssyncset.done $0x0  }
0x54d: {  	[sflag:s8] =	ssyncadd.s32 $0xFFFFFF80  }
0x54e: {  	_ =	swait.ge [sflag:s8], $0x80  }
0x54f: {  	[sflag:s8] =	ssyncset.done $0x0  }
0x550: {  	[sflag:s8] =	ssyncadd.s32 $0xFFFFFF80  }
0x551: {  	_ =	swait.ge [sflag:s8], $0x80  }
0x552: {  	[sflag:s8] =	ssyncset.done $0x0  }
0x553: {  	[sflag:s8] =	ssyncadd.s32 $0xFFFFFF80  }
0x554: {  	_ =	swait.ge [sflag:s8], $0x80  }
0x555: {  	[sflag:s8] =	ssyncset.done $0x0  }
0x556: {  	[sflag:s8] =	ssyncadd.s32 $0xFFFFFF80  }
0x557: {  	_ =	swait.ge [sflag:s8], $0x80  }
0x558: {  	[sflag:s8] =	ssyncset.done $0x0  }
0x559: {  	[sflag:s8] =	ssyncadd.s32 $0xFFFFFF80  }
0x55a: {  	_ =	swait.ge [sflag:s8], $0x80  }
0x55b: {  	s9 =	simm.s32 $0x9;
	[sflag:s8] =	ssyncset.done $0x0  }
.LBB2_28:
0x55c: {  	p0 =	sne.s32 s9, $0x1;
	s9 =	sadd.s32 $0xFFFFFFFF, s9;
	[sflag:s8] =	ssyncadd.s32 $0xFFFFFF80  }
0x55d: {  	_ =	swait.ge [sflag:s8], $0x80  }
0x55e: {  	[sflag:s8] =	ssyncset.done $0x0  }
0x55f: {  	[sflag:s8] =	ssyncadd.s32 $0xFFFFFF80  }
0x560: {  	_ =	swait.ge [sflag:s8], $0x80  }
0x561: {  	[sflag:s8] =	ssyncset.done $0x0  }
0x562: {  	[sflag:s8] =	ssyncadd.s32 $0xFFFFFF80  }
0x563: {  	_ =	swait.ge [sflag:s8], $0x80  }
0x564: {  	[sflag:s8] =	ssyncset.done $0x0  }
0x565: {  	[sflag:s8] =	ssyncadd.s32 $0xFFFFFF80  }
0x566: {  	_ =	swait.ge [sflag:s8], $0x80  }
0x567: {  	[sflag:s8] =	ssyncset.done $0x0  }
0x568: {  	[sflag:s8] =	ssyncadd.s32 $0xFFFFFF80  }
0x569: {  	_ =	swait.ge [sflag:s8], $0x80  }
0x56a: {  	[sflag:s8] =	ssyncset.done $0x0  }
0x56b: {  	[sflag:s8] =	ssyncadd.s32 $0xFFFFFF80  }
0x56c: {  	_ =	swait.ge [sflag:s8], $0x80  }
0x56d: {  	[sflag:s8] =	ssyncset.done $0x0  }
0x56e: {  	[sflag:s8] =	ssyncadd.s32 $0xFFFFFF80  }
0x56f: {  	_ =	swait.ge [sflag:s8], $0x80  }
0x570: {  	[sflag:s8] =	ssyncset.done $0x0  }
0x571: {  	[sflag:s8] =	ssyncadd.s32 $0xFFFFFF80  }
0x572: {  	_ =	swait.ge [sflag:s8], $0x80  }
0x573: {  	[sflag:s8] =	ssyncset.done $0x0  }
0x574: {  	[sflag:s8] =	ssyncadd.s32 $0xFFFFFF80  }
0x575: {  	_ =	swait.ge [sflag:s8], $0x80  }
0x576: {  	[sflag:s8] =	ssyncset.done $0x0  }
0x577: {  	[sflag:s8] =	ssyncadd.s32 $0xFFFFFF80  }
0x578: {  	_ =	swait.ge [sflag:s8], $0x80  }
0x579: {  	[sflag:s8] =	ssyncset.done $0x0  }
0x57a: {  	[sflag:s8] =	ssyncadd.s32 $0xFFFFFF80  }
0x57b: {  	_ =	swait.ge [sflag:s8], $0x80  }
0x57c: {  	[sflag:s8] =	ssyncset.done $0x0  }
0x57d: {  	[sflag:s8] =	ssyncadd.s32 $0xFFFFFF80  }
0x57e: {  	_ =	swait.ge [sflag:s8], $0x80  }
0x57f: {  	[sflag:s8] =	ssyncset.done $0x0  }
0x580: {  	[sflag:s8] =	ssyncadd.s32 $0xFFFFFF80  }
0x581: {  	_ =	swait.ge [sflag:s8], $0x80  }
0x582: {  	[sflag:s8] =	ssyncset.done $0x0  }
0x583: {  	[sflag:s8] =	ssyncadd.s32 $0xFFFFFF80  }
0x584: {  	_ =	swait.ge [sflag:s8], $0x80  }
0x585: {  	[sflag:s8] =	ssyncset.done $0x0  }
0x586: {  	[sflag:s8] =	ssyncadd.s32 $0xFFFFFF80  }
.Ltmp27:
0x587: {  	_ =	swait.ge [sflag:s8], $0x80;
	(pc) =	sbr.rel @p0 .LBB2_28-.Ltmp27, $4  }
0x588: {  	[sflag:s8] =	ssyncset.done $0x0  }
0x589: {  	[sflag:s8] =	ssyncadd.s32 $0xFFFFFF80  }
0x58a: {  	_ =	swait.ge [sflag:s8], $0x80  }
0x58b: {  	[sflag:s8] =	ssyncset.done $0x0  }
0x58c: {  	[sflag:s8] =	ssyncadd.s32 $0xFFFFFF80  }
0x58d: {  	s29 =	simm.s32 $0x11D80;
	s30 =	simm.s32 $0x2;
	[bflag:$0x0] =	sbarrier.arrive $0xFFFF  }
0x58e: {  	[tilespmem:s29], [sflag:$0x2] =	stream.linear.gather [spmem:s4], $0x280, $0x38;
	[tilespmem:$0x12580] =	vst v63  }
0x58f: {  	_ =	swait.ge [sflag:s30], $0x280  }
0x590: {  	[sflag:s30] =	ssyncset.done $0x0  }
0x591: {  	[sflag:s30] =	ssyncadd.s32 $0xFFFFFD80  }
0x592: {  	v1 =	vld [tilespmem:$0x122A0]  }
0x593: {  	s9 =	simm.s32 $0x11DA0;
	v0 =	vld [tilespmem:$0x122B0]  }
0x594: {  	s13 =	simm.s32 $0x11B20;
	v2 =	vld [tilespmem:s9+$0xFFFFFFE0]  }
0x595: {  	v10 =	vld [tilespmem:s13+$0xFFFFFFF0]  }
0x596: {  	v3 =	vld [tilespmem:s9+$0x0]  }
0x597: {  	v11 =	vld [tilespmem:s9+$0x10]  }
0x598: {  	s31 =	simm.s32 $0x118A0;
	v8 =	vld [tilespmem:s13+$0x10]  }
0x599: {  	v6 =	vld [tilespmem:s31+$0x10]  }
0x59a: {  	v4 =	vld [tilespmem:s31+$0xFFFFFFE0]  }
0x59b: {  	v7 =	vld [tilespmem:s31+$0x0]  }
0x59c: {  	v9 =	vld [tilespmem:s31+$0xFFFFFFF0]  }
0x59d: {  	v12 =	vld [tilespmem:s9+$0xFFFFFFF0]  }
0x59e: {  	v13 =	vld [tilespmem:s13+$0xFFFFFFE0]  }
0x59f: {  	s8 =	simm.s32 $0x11DE0;
	v14 =	vld [tilespmem:s13+$0x0]  }
0x5a0: {  	s11 =	simm.s32 $0x118E0;
	v16 =	vld [tilespmem:s8+$0xFFFFFFE0];
	v20 =	vmul.f32 $2.000000030e-01, v8;
	v15 =	vmul.f32 v6, v6  }
0x5a1: {  	v5 =	vld [tilespmem:s11+$0x10];
	v17 =	vmul.f32 v2, v4;
	v2 =	vmul.f32 v4, v4  }
0x5a2: {  	s10 =	simm.s32 $0x11B60;
	v18 =	vld [tilespmem:s8+$0x0];
	v19 =	vmul.f32 v7, v7;
	v22 =	vmul.f32 v3, v7  }
0x5a3: {  	v21 =	vld [tilespmem:s10+$0x10];
	v23 =	vmul.f32 v9, v9;
	v26 =	vmul.f32 $2.000000030e-01, v13  }
0x5a4: {  	v30 =	vld [tilespmem:s10+$0x0];
	v25 =	vmul.f32 $2.000000030e-01, v14;
	v12 =	vmul.f32 v12, v9  }
0x5a5: {  	v3 =	vld [tilespmem:s11+$0x0];
	v27 =	vmul.f32 $2.000000030e-01, v10;
	v11 =	vmul.f32 v11, v6  }
0x5a6: {  	v31 =	vld [tilespmem:s8+$0xFFFFFFF0];
	v28 =	vmul.f32 v5, v5;
	v13 =	vmul.f32 v13, v2  }
0x5a7: {  	v2 =	vld [tilespmem:s11+$0xFFFFFFE0];
	v24 =	vmul.f32 v8, v15;
	v14 =	vmul.f32 v14, v19  }
0x5a8: {  	v8 =	vld [tilespmem:s11+$0xFFFFFFF0];
	v10 =	vmul.f32 v10, v23;
	v15 =	vmul.f32 $2.000000030e-01, v21  }
0x5a9: {  	v19 =	vld [tilespmem:s10+$0xFFFFFFE0];
	v40 =	vmul.f32 v21, v28;
	v11 =	vadd.f32 v11, v24;
	v13 =	vadd.f32 v17, v13  }
0x5aa: {  	v34 =	vld [tilespmem:s8+$0x10];
	v10 =	vadd.f32 v12, v10;
	v24 =	vmul.f32 $2.000000030e-01, v30;
	v33 =	vmul.f32 v3, v3  }
0x5ab: {  	v23 =	vld [tilespmem:s10+$0xFFFFFFF0];
	s11 =	simm.s32 $0x11E20;
	v35 =	vmul.f32 v18, v3;
	v38 =	vmul.f32 $8.000000110e-01, v11  }
0x5ac: {  	v37 =	vld [tilespmem:s11+$0xFFFFFFE0];
	v12 =	vadd.f32 v22, v14;
	v39 =	vmul.f32 $8.000000110e-01, v13;
	v14 =	vmul.f32 $8.000000110e-01, v10  }
0x5ad: {  	s14 =	simm.s32 $0x11920;
	v60 =	vld [tilespmem:s11+$0x0];
	v29 =	vmul.f32 v16, v2;
	v32 =	vmul.f32 v2, v2  }
0x5ae: {  	v11 =	vld [tilespmem:s14+$0x10];
	v36 =	vmul.f32 v8, v8;
	v16 =	vmul.f32 $2.000000030e-01, v19  }
0x5af: {  	s12 =	simm.s32 $0x11BA0;
	v10 =	vld [tilespmem:s14+$0xFFFFFFE0];
	v22 =	vmul.f32 v31, v8;
	v31 =	vmul.f32 v30, v33  }
0x5b0: {  	v17 =	vld [tilespmem:s12+$0xFFFFFFF0];
	v18 =	vmul.f32 $2.000000030e-01, v23;
	v30 =	vmul.f32 $8.000000110e-01, v12;
	v27 =	vadd.f32 v14, v27  }
0x5b1: {  	v12 =	vld [tilespmem:s14+$0x0];
	v21 =	vadd.f32 v38, v20;
	v62 =	vadd.f32 v39, v26;
	v13 =	vmul.f32 v19, v32  }
0x5b2: {  	v19 =	vld [tilespmem:s12+$0x10];
	v23 =	vmul.f32 v23, v36;
	v61 =	vadd.f32 v30, v25;
	v63 =	vmul.f32 v27, v1  }
0x5b3: {  	v36 =	vmul.f32 v62, v1;
	v28 =	vadd.f32 v29, v13;
	v29 =	vmul.f32 v34, v5;
	v13 =	vld [tilespmem:s14+$0xFFFFFFF0]  }
0x5b4: {  	v20 =	vld [tilespmem:s11+$0x10];
	v25 =	vadd.f32 v22, v23;
	v30 =	vmul.f32 v11, v11;
	v22 =	vmul.f32 v37, v10  }
0x5b5: {  	v26 =	vadd.f32 v35, v31;
	v32 =	vld [tilespmem:s12+$0xFFFFFFE0];
	v34 =	vmul.f32 v10, v10;
	v35 =	vmul.f32 v61, v1  }
0x5b6: {  	s15 =	simm.s32 $0x11E60;
	v27 =	vld [tilespmem:s11+$0xFFFFFFF0];
	v31 =	vmul.f32 v12, v12;
	v23 =	vmul.f32 v60, v12  }
0x5b7: {  	s16 =	simm.s32 $0x11BE0;
	s17 =	simm.s32 $0x11960;
	s14 =	simm.s32 $0x8;
	v33 =	vadd.f32 v63, v0;
	v37 =	vadd.f32 v29, v40;
	v29 =	vld [tilespmem:s12+$0x0];
	v14 =	vmul.f32 $2.000000030e-01, v19  }
.LBB2_30:
0x5b8: {  	v39 =	vmul.f32 v13, v13  }
0x5b9: {  	v38 =	vld [tilespmem:s15+$0xFFFFFFE0];
	s14 =	sadd.s32 $0x4, s14;
	v37 =	vmul.f32 $8.000000110e-01, v37;
	v35 =	vadd.f32 v35, v0;
	v40 =	vmovc v6;
	v6 =	vmovc v5;
	v43 =	vmul.f32 $8.000000110e-01, v28  }
0x5ba: {  	v41 =	vld [tilespmem:s16+$0xFFFFFFF0];
	p0 =	slt.u32 s14, $0x24;
	v42 =	vmul.f32 $2.000000030e-01, v32;
	v36 =	vadd.f32 v36, v0;
	[tilespmem:s13+$0xFFFFFFF0] =	vst v33  }
0x5bb: {  	v5 =	vmovc v11;
	v28 =	vmul.f32 v32, v34;
	v32 =	vmul.f32 v21, v1;
	v44 =	vld [tilespmem:s15+$0x0];
	v21 =	vadd.f32 v37, v15  }
0x5bc: {  	v45 =	vmul.f32 $2.000000030e-01, v29;
	v37 =	vmul.f32 v19, v30;
	v30 =	vmovc v4;
	v4 =	vmovc v2;
	v2 =	vmov v10;
	v34 =	vld [tilespmem:s15+$0x10];
	[tilespmem:s13+$0x0] =	vst v35  }
0x5bd: {  	v46 =	vmul.f32 v27, v13;
	v47 =	vmul.f32 $8.000000110e-01, v25;
	v27 =	vmovc v7;
	v25 =	vadd.f32 v32, v0;
	v19 =	vld [tilespmem:s16+$0x10];
	[tilespmem:s13+$0xFFFFFFE0] =	vst v36  }
0x5be: {  	v7 =	vmovc v3;
	v3 =	vmovc v12;
	v31 =	vmul.f32 v29, v31;
	v29 =	vmul.f32 v33, v9;
	v9 =	vmov v8;
	v11 =	vld [tilespmem:s17+$0x10]  }
0x5bf: {  	v26 =	vmul.f32 $8.000000110e-01, v26;
	v33 =	vadd.f32 v47, v18;
	v18 =	vmul.f32 $2.000000030e-01, v17;
	v8 =	vmovc v13;
	v15 =	vmovc v14;
	v10 =	vld [tilespmem:s17+$0xFFFFFFE0];
	[tilespmem:s13+$0x10] =	vst v25;
	s13 =	smov.u32 s10;
	s10 =	smov.u32 s12;
	s12 =	smov.u32 s16  }
0x5c0: {  	v28 =	vadd.f32 v22, v28;
	v22 =	vmul.f32 v17, v39;
	v12 =	vld [tilespmem:s17+$0x0];
	[tilespmem:s9+$0xFFFFFFF0] =	vst v29;
	v29 =	vmul.f32 v25, v40  }
0x5c1: {  	v24 =	vadd.f32 v26, v24;
	v26 =	vmul.f32 v35, v27;
	v39 =	vmul.f32 v20, v5;
	v17 =	vmovc v41;
	v13 =	vld [tilespmem:s17+$0xFFFFFFF0]  }
.Ltmp28:
0x5c2: {  	v35 =	vmul.f32 v36, v30;
	v25 =	vadd.f32 v46, v22;
	v20 =	vmovc v34;
	v27 =	vld [tilespmem:s15+$0xFFFFFFF0];
	v14 =	vmul.f32 $2.000000030e-01, v19;
	[tilespmem:s9+$0x10] =	vst v29;
	(pc) =	sbr.rel @p0 .LBB2_30-.Ltmp28, $4  }
0x5c3: {  	v36 =	vadd.f32 v43, v16;
	v33 =	vmul.f32 v33, v1;
	v32 =	vld [tilespmem:s16+$0xFFFFFFE0];
	v30 =	vmul.f32 v11, v11;
	[tilespmem:s9+$0x0] =	vst v26  }
0x5c4: {  	v26 =	vadd.f32 v23, v31;
	v22 =	vmul.f32 v38, v10;
	v34 =	vmul.f32 v10, v10;
	v29 =	vld [tilespmem:s16+$0x0];
	[tilespmem:s9+$0xFFFFFFE0] =	vst v35;
	s9 =	smov.u32 s8;
	s8 =	smov.u32 s11;
	s11 =	smov.u32 s15  }
0x5c5: {  	v16 =	vmovc v42;
	v37 =	vadd.f32 v39, v37;
	v35 =	vmul.f32 v24, v1;
	v31 =	vmul.f32 v12, v12  }
0x5c6: {  	v36 =	vmul.f32 v36, v1;
	v33 =	vadd.f32 v33, v0;
	s17 =	sadd.s32 $0x40, s17;
	s15 =	sadd.s32 $0x40, s15;
	s16 =	sadd.s32 $0x40, s16;
	v24 =	vmovc v45;
	v23 =	vmul.f32 v44, v12  }
0x5c7: {  	v38 =	vmul.f32 v13, v13;
	v37 =	vmul.f32 $8.000000110e-01, v37  }
0x5c8: {  	v28 =	vmul.f32 $8.000000110e-01, v28;
	v21 =	vmul.f32 v21, v1  }
0x5c9: {  	v19 =	vmul.f32 v19, v30;
	v27 =	vmul.f32 v27, v13  }
0x5ca: {  	v25 =	vmul.f32 $8.000000110e-01, v25;
	v26 =	vmul.f32 $8.000000110e-01, v26  }
0x5cb: {  	v35 =	vadd.f32 v35, v0;
	v63 =	vmul.f32 $2.000000030e-01, v17;
	v20 =	vmul.f32 v20, v11  }
0x5cc: {  	v39 =	vmul.f32 $2.000000030e-01, v32;
	v59 =	vmul.f32 v32, v34;
	v61 =	vadd.f32 v36, v0;
	[tilespmem:s13+$0xFFFFFFF0] =	vst v33  }
0x5cd: {  	v9 =	vmul.f32 v33, v9;
	v60 =	vmul.f32 $2.000000030e-01, v29;
	[tilespmem:s13+$0x0] =	vst v35  }
0x5ce: {  	v62 =	vmul.f32 v29, v31;
	v21 =	vadd.f32 v21, v0;
	v18 =	vadd.f32 v25, v18;
	[tilespmem:s13+$0xFFFFFFE0] =	vst v61  }
0x5cf: {  	v33 =	vmul.f32 v17, v38;
	v36 =	vadd.f32 v26, v24;
	v7 =	vmul.f32 v35, v7;
	[tilespmem:s9+$0xFFFFFFF0] =	vst v9  }
0x5d0: {  	v38 =	vadd.f32 v28, v16;
	v4 =	vmul.f32 v61, v4;
	[tilespmem:s13+$0x10] =	vst v21;
	v40 =	vmul.f32 v18, v1  }
0x5d1: {  	v15 =	vadd.f32 v37, v15;
	v6 =	vmul.f32 v21, v6;
	v41 =	vmul.f32 v36, v1;
	[tilespmem:s9+$0x0] =	vst v7  }
0x5d2: {  	v48 =	vadd.f32 v20, v19;
	v42 =	vmul.f32 v38, v1;
	[tilespmem:s9+$0xFFFFFFE0] =	vst v4;
	v43 =	vadd.f32 v40, v0  }
0x5d3: {  	v47 =	vadd.f32 v22, v59;
	v46 =	vmul.f32 v15, v1;
	[tilespmem:s9+$0x10] =	vst v6;
	v45 =	vadd.f32 v41, v0  }
0x5d4: {  	v17 =	vadd.f32 v27, v33;
	v50 =	vmul.f32 $8.000000110e-01, v48;
	v7 =	vadd.f32 v42, v0;
	[tilespmem:s10+$0xFFFFFFF0] =	vst v43  }
0x5d5: {  	v44 =	vadd.f32 v23, v62;
	v15 =	vmul.f32 $8.000000110e-01, v47;
	v6 =	vadd.f32 v46, v0;
	[tilespmem:s10+$0x0] =	vst v45  }
0x5d6: {  	v17 =	vmul.f32 $8.000000110e-01, v17;
	v54 =	vadd.f32 v50, v14;
	[tilespmem:s10+$0xFFFFFFE0] =	vst v7;
	v8 =	vmul.f32 v43, v8  }
0x5d7: {  	v16 =	vmul.f32 $8.000000110e-01, v44;
	v52 =	vadd.f32 v15, v39;
	[tilespmem:s10+$0x10] =	vst v6;
	v5 =	vmul.f32 v6, v5  }
0x5d8: {  	v49 =	vadd.f32 v17, v63;
	v3 =	vmul.f32 v45, v3;
	v59 =	vmul.f32 v54, v1;
	[tilespmem:s8+$0xFFFFFFF0] =	vst v8  }
0x5d9: {  	v51 =	vadd.f32 v16, v60;
	v2 =	vmul.f32 v7, v2;
	v56 =	vmul.f32 v52, v1;
	[tilespmem:s8+$0x10] =	vst v5  }
0x5da: {  	v53 =	vmul.f32 v49, v1;
	[tilespmem:s8+$0x0] =	vst v3;
	v60 =	vadd.f32 v59, v0  }
0x5db: {  	v55 =	vmul.f32 v51, v1;
	[tilespmem:s8+$0xFFFFFFE0] =	vst v2;
	v3 =	vadd.f32 v56, v0  }
0x5dc: {  	v57 =	vadd.f32 v53, v0;
	[tilespmem:s12+$0x10] =	vst v60  }
0x5dd: {  	v58 =	vadd.f32 v55, v0;
	[tilespmem:s12+$0xFFFFFFE0] =	vst v3  }
0x5de: {  	v0 =	vmul.f32 v60, v11;
	[tilespmem:s12+$0xFFFFFFF0] =	vst v57  }
0x5df: {  	v63 =	vmul.f32 v3, v10;
	[tilespmem:s12+$0x0] =	vst v58  }
0x5e0: {  	v61 =	vmul.f32 v57, v13;
	[tilespmem:s11+$0x10] =	vst v0  }
0x5e1: {  	v62 =	vmul.f32 v58, v12;
	[tilespmem:s11+$0xFFFFFFE0] =	vst v63  }
0x5e2: {  	[tilespmem:s11+$0xFFFFFFF0] =	vst v61  }
0x5e3: {  	s29 =	simm.s32 $0x11D80;
	s30 =	simm.s32 $0x2;
	s8 =	simm.s32 $0x0;
	[tilespmem:s11+$0x0] =	vst v62  }
0x5e4: {  	[hbm4b:s7+s8] =	stream.linear.scatter [tilespmem:s29], [sflag:$0x2], $0x280, $0x38;
	[tilespmem:$0x12580] =	vst v63  }
0x5e5: {  	_ =	swait.ge [sflag:s30], $0x280  }
0x5e6: {  	[sflag:s30] =	ssyncset.done $0x0  }
0x5e7: {  	s31 =	simm.s32 $0x12000;
	[sflag:s30] =	ssyncadd.s32 $0xFFFFFD80  }
0x5e8: {  	[spmem:s4] =	stream.linear.scatter [tilespmem:s31], [sflag:$0x2], $0x280, $0x38;
	[tilespmem:$0x12580] =	vst v63  }
0x5e9: {  	_ =	swait.ge [sflag:s30], $0x280  }
0x5ea: {  	[sflag:s30] =	ssyncset.done $0x0  }
0x5eb: {  	[sflag:s30] =	ssyncadd.s32 $0xFFFFFD80  }
0x5ec: {  	s7 =	simm.s32 $0xF000;
	[bflag:$0x0] =	sbarrier.arrive $0xFFFF  }
0x5ed: {  	[tilespmem:s7], [sflag:$0x2] =	stream.linear.gather [hbm4b:s6+s8], $0x2800, $0x38;
	[tilespmem:$0x12580] =	vst v63  }
0x5ee: {  	_ =	swait.ge [sflag:s30], $0x2800  }
0x5ef: {  	s9 =	simm.s32 $0x80;
	[sflag:s30] =	ssyncset.done $0x0  }
0x5f0: {  	s10 =	simm.s32 $0x80;
	s6 =	simm.s32 $0xA080;
	[sflag:s30] =	ssyncadd.s32 $0xFFFFD800  }
.LBB2_32:
0x5f1: {  	v0 =	vld [tilespmem:s10+$0x0];
	_ =	sdelay $0x4  }
0x5f2: {  	v1 =	vld [tilespmem:s10+$0xFFFFFF80];
	_ =	sdelay $0x2  }
0x5f3: {  	v0 =	vld.idx.msk [tilespmem:v0+s7+$0x0], $0xffff;
	_ =	sdelay $0x4  }
0x5f4: {  	v1 =	vld.idx.msk [tilespmem:v1+s7+$0x0], $0xffff;
	[tilespmem:s6+$0x0] =	vst v0  }
0x5f5: {  	v0 =	vld [tilespmem:s10+$0x10];
	_ =	sdelay $0x3  }
0x5f6: {  	[tilespmem:s6+$0xFFFFFF80] =	vst v1  }
0x5f7: {  	v1 =	vld [tilespmem:s10+$0xFFFFFF90];
	_ =	sdelay $0x1  }
0x5f8: {  	s11 =	sshll.u32 s8, $0x4  }
0x5f9: {  	s16 =	sadd.s32 $0x10, s11;
	s13 =	sadd.s32 $0x2, s11;
	v0 =	vld.idx.msk [tilespmem:v0+s7+$0x0], $0xffff  }
0x5fa: {  	p3 =	slt.u32 s13, s16  }
.Ltmp29:
0x5fb: {  	_ = 	snop;
	(pc) =	sbr.rel @!p3 .LBB2_33-.Ltmp29, $3  }
0x5fc: {  	_ =	sdelay $0x1  }
0x5fd: {  	s12 =	sadd.s32 $0x100, s10;
	v5 =	vld.idx.msk [tilespmem:v1+s7+$0x0], $0xffff;
	[tilespmem:s6+$0x10] =	vst v0  }
0x5fe: {  	p0 =	por $0x0, $0x0;
	p1 =	por $0x0, $0x0;
	p2 =	por $0x0, $0x0;
	v6 =	vld [tilespmem:s10+$0x20]  }
0x5ff: {  	_ =	sdelay $0x1  }
0x600: {  	v0 =	vld [tilespmem:s12+$0x0];
	_ =	sdelay $0x2  }
0x601: {  	v1 =	vld [tilespmem:s12+$0xFFFFFF80]  }
0x602: {  	[tilespmem:s6+$0xFFFFFF90] =	vst v5  }
0x603: {  	v2 =	vld [tilespmem:s10+$0xFFFFFFA0]  }
0x604: {  	v3 =	vld.idx.msk [tilespmem:v6+s7+$0x0], $0xffff;
	_ =	sdelay $0x1  }
0x605: {  	v0 =	vld.idx.msk [tilespmem:v0+s7+$0x0], $0xffff;
	_ =	sdelay $0x2  }
0x606: {  	v1 =	vld.idx.msk [tilespmem:v1+s7+$0x0], $0xffff;
	[tilespmem:s6+$0x20] =	vst v3  }
0x607: {  	s11 =	sadd.s32 $0x100, s6;
	v3 =	vld [tilespmem:s10+$0x30]  }
0x608: {  	v2 =	vld.idx.msk [tilespmem:v2+s7+$0x0], $0xffff;
	[tilespmem:s11+$0x0] =	vst v0  }
0x609: {  	v0 =	vld [tilespmem:s12+$0x10];
	_ =	sdelay $0x1  }
0x60a: {  	[tilespmem:s11+$0xFFFFFF80] =	vst v1  }
0x60b: {  	v1 =	vld [tilespmem:s12+$0xFFFFFF90]  }
0x60c: {  	[tilespmem:s6+$0xFFFFFFA0] =	vst v2  }
0x60d: {  	v2 =	vld [tilespmem:s10+$0xFFFFFFB0]  }
0x60e: {  	v3 =	vld.idx.msk [tilespmem:v3+s7+$0x0], $0xffff;
	_ =	sdelay $0x1  }
0x60f: {  	s14 =	sadd.s32 $0x2, s13;
	v0 =	vld.idx.msk [tilespmem:v0+s7+$0x0], $0xffff  }
0x610: {  	p3 =	slt.u32 s14, s16  }
.Ltmp30:
0x611: {  	_ = 	snop;
	(pc) =	sbr.rel @!p3 .LBB2_50-.Ltmp30, $4  }
0x612: {  	v5 =	vld.idx.msk [tilespmem:v1+s7+$0x0], $0xffff;
	[tilespmem:s6+$0x30] =	vst v3  }
0x613: {  	v4 =	vld [tilespmem:s10+$0x40]  }
0x614: {  	v7 =	vld.idx.msk [tilespmem:v2+s7+$0x0], $0xffff;
	[tilespmem:s11+$0x10] =	vst v0  }
0x615: {  	s15 =	sadd.s32 $0x100, s12;
	p0 =	por $0x1, $0x1;
	v6 =	vld [tilespmem:s12+$0x20]  }
0x616: {  	_ =	sdelay $0x2  }
0x617: {  	v0 =	vld [tilespmem:s15+$0x0];
	_ =	sdelay $0x1  }
0x618: {  	v1 =	vld [tilespmem:s15+$0xFFFFFF80]  }
0x619: {  	[tilespmem:s11+$0xFFFFFF90] =	vst v5;
	v2 =	vld.idx.msk [tilespmem:v4+s7+$0x0], $0xffff  }
0x61a: {  	v3 =	vld [tilespmem:s12+$0xFFFFFFA0]  }
0x61b: {  	[tilespmem:s6+$0xFFFFFFB0] =	vst v7;
	v4 =	vld.idx.msk [tilespmem:v6+s7+$0x0], $0xffff  }
0x61c: {  	v5 =	vld [tilespmem:s10+$0xFFFFFFC0];
	_ =	sdelay $0x1  }
0x61d: {  	[tilespmem:s6+$0x40] =	vst v2;
	v0 =	vld.idx.msk [tilespmem:v0+s7+$0x0], $0xffff  }
0x61e: {  	v2 =	vld [tilespmem:s10+$0x50]  }
0x61f: {  	v1 =	vld.idx.msk [tilespmem:v1+s7+$0x0], $0xffff;
	[tilespmem:s11+$0x20] =	vst v4  }
0x620: {  	v4 =	vld [tilespmem:s12+$0x30]  }
0x621: {  	v3 =	vld.idx.msk [tilespmem:v3+s7+$0x0], $0xffff  }
0x622: {  	s13 =	sadd.s32 $0x100, s11  }
0x623: {  	v5 =	vld.idx.msk [tilespmem:v5+s7+$0x0], $0xffff;
	[tilespmem:s13+$0x0] =	vst v0  }
0x624: {  	[tilespmem:s13+$0xFFFFFF80] =	vst v1;
	v0 =	vld [tilespmem:s15+$0x10]  }
0x625: {  	v1 =	vld [tilespmem:s15+$0xFFFFFF90]  }
0x626: {  	[tilespmem:s11+$0xFFFFFFA0] =	vst v3;
	v2 =	vld.idx.msk [tilespmem:v2+s7+$0x0], $0xffff  }
0x627: {  	v3 =	vld [tilespmem:s12+$0xFFFFFFB0]  }
0x628: {  	[tilespmem:s6+$0xFFFFFFC0] =	vst v5;
	v4 =	vld.idx.msk [tilespmem:v4+s7+$0x0], $0xffff  }
0x629: {  	v8 =	vld [tilespmem:s10+$0xFFFFFFD0];
	_ =	sdelay $0x2  }
0x62a: {  	s17 =	sadd.s32 $0x2, s14;
	[tilespmem:s6+$0x50] =	vst v2;
	v6 =	vld.idx.msk [tilespmem:v0+s7+$0x0], $0xffff  }
0x62b: {  	p3 =	slt.u32 s17, s16;
	v0 =	vld [tilespmem:s10+$0x60]  }
.Ltmp31:
0x62c: {  	v5 =	vld.idx.msk [tilespmem:v1+s7+$0x0], $0xffff;
	[tilespmem:s11+$0x30] =	vst v4;
	(pc) =	sbr.rel @!p3 .LBB2_52-.Ltmp31, $4  }
0x62d: {  	v4 =	vld [tilespmem:s12+$0x40]  }
0x62e: {  	v7 =	vld.idx.msk [tilespmem:v3+s7+$0x0], $0xffff  }
0x62f: {  	v1 =	vld.idx.msk [tilespmem:v8+s7+$0x0], $0xffff;
	[tilespmem:s13+$0x10] =	vst v6  }
0x630: {  	s14 =	sadd.s32 $0x100, s15;
	p1 =	por $0x1, $0x1;
	v6 =	vld [tilespmem:s15+$0x20]  }
0x631: {  	_ =	sdelay $0x1  }
0x632: {  	v2 =	vld [tilespmem:s14+$0x0]  }
0x633: {  	v3 =	vld [tilespmem:s14+$0xFFFFFF80]  }
0x634: {  	[tilespmem:s13+$0xFFFFFF90] =	vst v5;
	v5 =	vld.idx.msk [tilespmem:v0+s7+$0x0], $0xffff  }
0x635: {  	v8 =	vld [tilespmem:s15+$0xFFFFFFA0]  }
0x636: {  	v4 =	vld.idx.msk [tilespmem:v4+s7+$0x0], $0xffff;
	[tilespmem:s11+$0xFFFFFFB0] =	vst v7  }
0x637: {  	v7 =	vld [tilespmem:s12+$0xFFFFFFC0]  }
0x638: {  	[tilespmem:s6+$0xFFFFFFD0] =	vst v1;
	v6 =	vld.idx.msk [tilespmem:v6+s7+$0x0], $0xffff  }
0x639: {  	v9 =	vld [tilespmem:s10+$0xFFFFFFE0];
	[tilespmem:s6+$0x60] =	vst v5  }
0x63a: {  	v5 =	vld [tilespmem:s10+$0x70]  }
0x63b: {  	[tilespmem:s11+$0x40] =	vst v4;
	v2 =	vld.idx.msk [tilespmem:v2+s7+$0x0], $0xffff  }
0x63c: {  	v4 =	vld [tilespmem:s12+$0x50]  }
0x63d: {  	v3 =	vld.idx.msk [tilespmem:v3+s7+$0x0], $0xffff  }
0x63e: {  	v8 =	vld.idx.msk [tilespmem:v8+s7+$0x0], $0xffff;
	[tilespmem:s13+$0x20] =	vst v6  }
0x63f: {  	s18 =	sadd.s32 $0x100, s13;
	v6 =	vld [tilespmem:s15+$0x30]  }
0x640: {  	[tilespmem:s18+$0x0] =	vst v2;
	v2 =	vld.idx.msk [tilespmem:v7+s7+$0x0], $0xffff  }
0x641: {  	v7 =	vld [tilespmem:s14+$0x10]  }
0x642: {  	v9 =	vld.idx.msk [tilespmem:v9+s7+$0x0], $0xffff  }
0x643: {  	[tilespmem:s18+$0xFFFFFF80] =	vst v3;
	v10 =	vld.idx.msk [tilespmem:v5+s7+$0x0], $0xffff  }
0x644: {  	v5 =	vld [tilespmem:s14+$0xFFFFFF90]  }
0x645: {  	[tilespmem:s13+$0xFFFFFFA0] =	vst v8;
	v3 =	vld.idx.msk [tilespmem:v4+s7+$0x0], $0xffff  }
0x646: {  	v8 =	vld [tilespmem:s15+$0xFFFFFFB0]  }
0x647: {  	[tilespmem:s11+$0xFFFFFFC0] =	vst v2;
	v4 =	vld.idx.msk [tilespmem:v6+s7+$0x0], $0xffff  }
0x648: {  	v11 =	vld [tilespmem:s12+$0xFFFFFFD0]  }
0x649: {  	[tilespmem:s6+$0xFFFFFFE0] =	vst v9;
	v6 =	vld.idx.msk [tilespmem:v7+s7+$0x0], $0xffff  }
0x64a: {  	s19 =	sadd.s32 $0x2, s17;
	v2 =	vld [tilespmem:s10+$0xFFFFFFF0];
	[tilespmem:s11+$0x50] =	vst v3  }
0x64b: {  	p3 =	slt.u32 s19, s16;
	v3 =	vld [tilespmem:s12+$0x60]  }
.Ltmp32:
0x64c: {  	v5 =	vld.idx.msk [tilespmem:v5+s7+$0x0], $0xffff;
	[tilespmem:s13+$0x30] =	vst v4;
	(pc) =	sbr.rel @!p3 .LBB2_54-.Ltmp32, $4  }
0x64d: {  	v4 =	vld [tilespmem:s15+$0x40]  }
0x64e: {  	v7 =	vld.idx.msk [tilespmem:v8+s7+$0x0], $0xffff;
	[tilespmem:s18+$0x10] =	vst v6  }
0x64f: {  	v6 =	vld [tilespmem:s14+$0x20]  }
0x650: {  	s20 =	sadd.s32 $0x100, s14;
	p2 =	por $0x1, $0x1;
	s17 =	smov.u32 s6;
	[tilespmem:s6+$0x70] =	vst v10;
	v8 =	vld.idx.msk [tilespmem:v11+s7+$0x0], $0xffff  }
.LBB2_55:
0x651: {  	v9 =	vld [tilespmem:s20+$0x0];
	s19 =	sadd.s32 $0x2, s19;
	s21 =	smov.u32 s13;
	s13 =	smov.u32 s18  }
0x652: {  	v10 =	vld [tilespmem:s20+$0xFFFFFF80];
	p3 =	slt.u32 s19, s16;
	[tilespmem:s18+$0xFFFFFF90] =	vst v5  }
0x653: {  	v3 =	vld.idx.msk [tilespmem:v3+s7+$0x0], $0xffff  }
0x654: {  	v5 =	vld [tilespmem:s14+$0xFFFFFFA0];
	[tilespmem:s21+$0xFFFFFFB0] =	vst v7  }
0x655: {  	v4 =	vld.idx.msk [tilespmem:v4+s7+$0x0], $0xffff  }
0x656: {  	v7 =	vld [tilespmem:s15+$0xFFFFFFC0];
	[tilespmem:s11+$0xFFFFFFD0] =	vst v8  }
0x657: {  	v6 =	vld.idx.msk [tilespmem:v6+s7+$0x0], $0xffff  }
0x658: {  	v8 =	vld [tilespmem:s12+$0xFFFFFFE0]  }
0x659: {  	v9 =	vld.idx.msk [tilespmem:v9+s7+$0x0], $0xffff;
	[tilespmem:s11+$0x60] =	vst v3  }
0x65a: {  	v3 =	vld [tilespmem:s12+$0x70]  }
0x65b: {  	v10 =	vld.idx.msk [tilespmem:v10+s7+$0x0], $0xffff;
	[tilespmem:s21+$0x40] =	vst v4  }
0x65c: {  	v4 =	vld [tilespmem:s15+$0x50]  }
0x65d: {  	v5 =	vld.idx.msk [tilespmem:v5+s7+$0x0], $0xffff;
	[tilespmem:s18+$0x20] =	vst v6  }
0x65e: {  	s18 =	sadd.s32 $0x100, s18;
	v6 =	vld [tilespmem:s14+$0x30]  }
0x65f: {  	[tilespmem:s18+$0x0] =	vst v9;
	v7 =	vld.idx.msk [tilespmem:v7+s7+$0x0], $0xffff  }
0x660: {  	v9 =	vld [tilespmem:s20+$0x10]  }
0x661: {  	[tilespmem:s18+$0xFFFFFF80] =	vst v10;
	v8 =	vld.idx.msk [tilespmem:v8+s7+$0x0], $0xffff  }
0x662: {  	v3 =	vld.idx.msk [tilespmem:v3+s7+$0x0], $0xffff  }
0x663: {  	v10 =	vld [tilespmem:s20+$0xFFFFFF90];
	[tilespmem:s13+$0xFFFFFFA0] =	vst v5  }
0x664: {  	v4 =	vld.idx.msk [tilespmem:v4+s7+$0x0], $0xffff  }
0x665: {  	v11 =	vld [tilespmem:s14+$0xFFFFFFB0];
	[tilespmem:s21+$0xFFFFFFC0] =	vst v7  }
0x666: {  	v6 =	vld.idx.msk [tilespmem:v6+s7+$0x0], $0xffff  }
0x667: {  	v12 =	vld [tilespmem:s15+$0xFFFFFFD0];
	[tilespmem:s11+$0xFFFFFFE0] =	vst v8  }
0x668: {  	v7 =	vld.idx.msk [tilespmem:v9+s7+$0x0], $0xffff;
	[tilespmem:s11+$0x70] =	vst v3  }
0x669: {  	v8 =	vld [tilespmem:s12+$0xFFFFFFF0];
	s12 =	smov.u32 s15;
	s15 =	smov.u32 s14;
	s14 =	smov.u32 s20  }
0x66a: {  	[tilespmem:s21+$0x50] =	vst v4;
	v9 =	vld.idx.msk [tilespmem:v2+s7+$0x0], $0xffff  }
0x66b: {  	v3 =	vld [tilespmem:s12+$0x60]  }
.Ltmp33:
0x66c: {  	v5 =	vld.idx.msk [tilespmem:v10+s7+$0x0], $0xffff;
	[tilespmem:s13+$0x30] =	vst v6;
	(pc) =	sbr.rel @p3 .LBB2_55-.Ltmp33, $4  }
0x66d: {  	v4 =	vld [tilespmem:s15+$0x40]  }
0x66e: {  	[tilespmem:s18+$0x10] =	vst v7;
	v7 =	vld.idx.msk [tilespmem:v11+s7+$0x0], $0xffff;
	v2 =	vmov v8  }
0x66f: {  	v6 =	vld [tilespmem:s20+$0x20]  }
0x670: {  	s20 =	sadd.s32 $0x100, s20;
	v8 =	vld.idx.msk [tilespmem:v12+s7+$0x0], $0xffff;
	[tilespmem:s17+$0xFFFFFFF0] =	vst v9;
	s17 =	smov.u32 s11;
	s11 =	smov.u32 s21  }
0x671: {  	s16 =	smov.u32 s13;
	s13 =	smov.u32 s18  }
.LBB2_57:
0x672: {  	_ = 	snop  }
0x673: {  	[tilespmem:s13+$0xFFFFFF90] =	vst v5  }
0x674: {  	v5 =	vld [tilespmem:s14+$0xFFFFFFA0];
	_ =	sdelay $0x3  }
0x675: {  	v6 =	vld.idx.msk [tilespmem:v6+s7+$0x0], $0xffff;
	_ =	sdelay $0x3  }
0x676: {  	v5 =	vld.idx.msk [tilespmem:v5+s7+$0x0], $0xffff  }
0x677: {  	[tilespmem:s13+$0x20] =	vst v6  }
0x678: {  	v6 =	vld [tilespmem:s14+$0x30];
	_ =	sdelay $0x2  }
0x679: {  	[tilespmem:s13+$0xFFFFFFA0] =	vst v5  }
0x67a: {  	v5 =	vld [tilespmem:s14+$0xFFFFFFB0];
	_ =	sdelay $0x3  }
0x67b: {  	v6 =	vld.idx.msk [tilespmem:v6+s7+$0x0], $0xffff;
	_ =	sdelay $0x1  }
0x67c: {  	[tilespmem:s16+$0xFFFFFFB0] =	vst @p0 v7  }
0x67d: {  	v7 =	vld @p0 [tilespmem:s15+$0xFFFFFFC0]  }
0x67e: {  	v5 =	vld.idx.msk [tilespmem:v5+s7+$0x0], $0xffff  }
0x67f: {  	[tilespmem:s13+$0x30] =	vst v6  }
0x680: {  	v6 =	vld [tilespmem:s14+$0x40];
	_ =	sdelay $0x2  }
0x681: {  	[tilespmem:s13+$0xFFFFFFB0] =	vst v5  }
0x682: {  	v5 =	vld [tilespmem:s14+$0xFFFFFFC0]  }
0x683: {  	v7 =	vld.idx.msk @p0 [tilespmem:v7+s7+$0x0], $0xffff;
	_ =	sdelay $0x1  }
0x684: {  	v4 =	vld.idx.msk @p0 [tilespmem:v4+s7+$0x0], $0xffff  }
0x685: {  	v60 =	vld.idx.msk [tilespmem:v6+s7+$0x0], $0xffff;
	_ =	sdelay $0x1  }
0x686: {  	[tilespmem:s16+$0xFFFFFFC0] =	vst @p0 v7  }
0x687: {  	v7 =	vld @p0 [tilespmem:s15+$0xFFFFFFD0]  }
0x688: {  	[tilespmem:s16+$0x40] =	vst @p0 v4;
	v5 =	vld.idx.msk [tilespmem:v5+s7+$0x0], $0xffff  }
0x689: {  	v6 =	vld @p0 [tilespmem:s15+$0x50];
	[tilespmem:s13+$0x40] =	vst v60  }
0x68a: {  	v4 =	vld [tilespmem:s14+$0x50];
	_ =	sdelay $0x2  }
0x68b: {  	[tilespmem:s13+$0xFFFFFFC0] =	vst v5  }
0x68c: {  	v5 =	vld [tilespmem:s14+$0xFFFFFFD0];
	_ =	sdelay $0x1  }
0x68d: {  	v7 =	vld.idx.msk @p0 [tilespmem:v7+s7+$0x0], $0xffff  }
0x68e: {  	v6 =	vld.idx.msk @p0 [tilespmem:v6+s7+$0x0], $0xffff  }
0x68f: {  	v4 =	vld.idx.msk [tilespmem:v4+s7+$0x0], $0xffff;
	_ =	sdelay $0x1  }
0x690: {  	[tilespmem:s11+$0xFFFFFFD0] =	vst @p1 v8  }
0x691: {  	v8 =	vld @p1 [tilespmem:s12+$0xFFFFFFE0]  }
0x692: {  	s18 =	smov.u32 s6;
	[tilespmem:s16+$0x50] =	vst @p0 v6;
	v5 =	vld.idx.msk [tilespmem:v5+s7+$0x0], $0xffff  }
0x693: {  	s18 =	smov.u32 @p0 s16;
	v1 =	vpsel p0, v7, v1;
	s16 =	smov.u32 s10;
	v6 =	vld @p0 [tilespmem:s15+$0x60];
	[tilespmem:s13+$0x50] =	vst v4  }
0x694: {  	[tilespmem:s18+$0xFFFFFFD0] =	vst @p0 v1;
	s16 =	smov.u32 @p0 s15;
	v4 =	vld [tilespmem:s14+$0x60]  }
0x695: {  	v1 =	vld @p0 [tilespmem:s16+$0xFFFFFFE0];
	_ =	sdelay $0x1  }
0x696: {  	[tilespmem:s13+$0xFFFFFFD0] =	vst v5  }
0x697: {  	v5 =	vld [tilespmem:s14+$0xFFFFFFE0]  }
0x698: {  	v3 =	vld.idx.msk @p1 [tilespmem:v3+s7+$0x0], $0xffff;
	v0 =	vpsel p0, v6, v0;
	_ =	sdelay $0x1  }
0x699: {  	v6 =	vld.idx.msk @p1 [tilespmem:v8+s7+$0x0], $0xffff  }
0x69a: {  	v4 =	vld.idx.msk [tilespmem:v4+s7+$0x0], $0xffff  }
0x69b: {  	v1 =	vld.idx.msk @p0 [tilespmem:v1+s7+$0x0], $0xffff  }
0x69c: {  	[tilespmem:s11+$0x60] =	vst @p1 v3;
	v0 =	vld.idx.msk @p0 [tilespmem:v0+s7+$0x0], $0xffff  }
0x69d: {  	v3 =	vld @p1 [tilespmem:s12+$0x70]  }
0x69e: {  	[tilespmem:s11+$0xFFFFFFE0] =	vst @p1 v6;
	v61 =	vld.idx.msk [tilespmem:v5+s7+$0x0], $0xffff  }
0x69f: {  	v6 =	vld @p1 [tilespmem:s12+$0xFFFFFFF0];
	[tilespmem:s13+$0x60] =	vst v4  }
0x6a0: {  	[tilespmem:s18+$0xFFFFFFE0] =	vst @p0 v1;
	v4 =	vld [tilespmem:s14+$0x70]  }
0x6a1: {  	[tilespmem:s18+$0x60] =	vst @p0 v0;
	v1 =	vld @p0 [tilespmem:s16+$0xFFFFFFF0]  }
0x6a2: {  	v5 =	vld @p0 [tilespmem:s16+$0x70]  }
0x6a3: {  	[tilespmem:s13+$0xFFFFFFE0] =	vst v61  }
0x6a4: {  	v0 =	vpsel p1, v6, v61;
	v62 =	vld [tilespmem:s14+$0xFFFFFFF0];
	_ =	sdelay $0x1  }
0x6a5: {  	v2 =	vld.idx.msk @p2 [tilespmem:v2+s7+$0x0], $0xffff;
	v1 =	vpsel p0, v1, v0  }
0x6a6: {  	v3 =	vld.idx.msk @p1 [tilespmem:v3+s7+$0x0], $0xffff  }
0x6a7: {  	v4 =	vld.idx.msk [tilespmem:v4+s7+$0x0], $0xffff  }
0x6a8: {  	v0 =	vld.idx.msk @p1 [tilespmem:v0+s7+$0x0], $0xffff  }
0x6a9: {  	v5 =	vld.idx.msk @p0 [tilespmem:v5+s7+$0x0], $0xffff  }
0x6aa: {  	[tilespmem:s17+$0xFFFFFFF0] =	vst @p2 v2;
	v1 =	vld.idx.msk @p0 [tilespmem:v1+s7+$0x0], $0xffff  }
0x6ab: {  	[tilespmem:s11+$0x70] =	vst @p1 v3;
	v63 =	vld.idx.msk [tilespmem:v62+s7+$0x0], $0xffff  }
0x6ac: {  	s11 =	smov.u32 @p1 s11;
	[tilespmem:s13+$0x70] =	vst v4  }
0x6ad: {  	[tilespmem:s11+$0xFFFFFFF0] =	vst @p1 v0;
	s11 =	smov.u32 @p0 s18  }
0x6ae: {  	[tilespmem:s18+$0x70] =	vst @p0 v5;
	s11 =	smov.u32 @p0 s11  }
0x6af: {  	[tilespmem:s11+$0xFFFFFFF0] =	vst @p0 v1  }
0x6b0: {  	[tilespmem:s13+$0xFFFFFFF0] =	vst v63  }
0x6b1: {  	s11 =	sshll.u32 s8, $0xB  }
0x6b2: {  	s12 =	sadd.s32 $0xA000, s11;
	s13 =	sadd.s32 $0x5000, s11  }
0x6b3: {  	[spmem:s5] =	stream.indirect.scatter.add.f32 [tilespmem:s12], [sflag:$0x1], $0x1, s13, s9, $0xb8;
	[tilespmem:$0x12580] =	vst v63  }
0x6b4: {  	s19 =	sadd.s32 $0xA080, s11;
	s20 =	sadd.s32 $0x5080, s11  }
0x6b5: {  	[spmem:s5] =	stream.indirect.scatter.add.f32 [tilespmem:s19], [sflag:$0x1], $0x1, s20, s9, $0xb8;
	[tilespmem:$0x12580] =	vst v63  }
0x6b6: {  	s21 =	sadd.s32 $0xA100, s11;
	s22 =	sadd.s32 $0x5100, s11  }
0x6b7: {  	[spmem:s5] =	stream.indirect.scatter.add.f32 [tilespmem:s21], [sflag:$0x1], $0x1, s22, s9, $0xb8;
	[tilespmem:$0x12580] =	vst v63  }
0x6b8: {  	s23 =	sadd.s32 $0xA180, s11;
	s24 =	sadd.s32 $0x5180, s11  }
0x6b9: {  	[spmem:s5] =	stream.indirect.scatter.add.f32 [tilespmem:s23], [sflag:$0x1], $0x1, s24, s9, $0xb8;
	[tilespmem:$0x12580] =	vst v63  }
0x6ba: {  	s25 =	sadd.s32 $0xA200, s11;
	s26 =	sadd.s32 $0x5200, s11  }
0x6bb: {  	[spmem:s5] =	stream.indirect.scatter.add.f32 [tilespmem:s25], [sflag:$0x1], $0x1, s26, s9, $0xb8;
	[tilespmem:$0x12580] =	vst v63  }
0x6bc: {  	s28 =	sadd.s32 $0xA280, s11;
	s29 =	sadd.s32 $0x5280, s11  }
0x6bd: {  	[spmem:s5] =	stream.indirect.scatter.add.f32 [tilespmem:s28], [sflag:$0x1], $0x1, s29, s9, $0xb8;
	[tilespmem:$0x12580] =	vst v63  }
0x6be: {  	s30 =	sadd.s32 $0xA300, s11;
	s31 =	sadd.s32 $0x5300, s11  }
0x6bf: {  	[spmem:s5] =	stream.indirect.scatter.add.f32 [tilespmem:s30], [sflag:$0x1], $0x1, s31, s9, $0xb8;
	[tilespmem:$0x12580] =	vst v63  }
0x6c0: {  	s14 =	sadd.s32 $0xA380, s11;
	s15 =	sadd.s32 $0x5380, s11  }
0x6c1: {  	[spmem:s5] =	stream.indirect.scatter.add.f32 [tilespmem:s14], [sflag:$0x1], $0x1, s15, s9, $0xb8;
	[tilespmem:$0x12580] =	vst v63  }
0x6c2: {  	s16 =	sadd.s32 $0xA400, s11;
	s17 =	sadd.s32 $0x5400, s11  }
0x6c3: {  	[spmem:s5] =	stream.indirect.scatter.add.f32 [tilespmem:s16], [sflag:$0x1], $0x1, s17, s9, $0xb8;
	[tilespmem:$0x12580] =	vst v63  }
0x6c4: {  	s18 =	sadd.s32 $0xA480, s11;
	s19 =	sadd.s32 $0x5480, s11  }
0x6c5: {  	[spmem:s5] =	stream.indirect.scatter.add.f32 [tilespmem:s18], [sflag:$0x1], $0x1, s19, s9, $0xb8;
	[tilespmem:$0x12580] =	vst v63  }
0x6c6: {  	s20 =	sadd.s32 $0xA500, s11;
	s21 =	sadd.s32 $0x5500, s11  }
0x6c7: {  	[spmem:s5] =	stream.indirect.scatter.add.f32 [tilespmem:s20], [sflag:$0x1], $0x1, s21, s9, $0xb8;
	[tilespmem:$0x12580] =	vst v63  }
0x6c8: {  	s22 =	sadd.s32 $0xA580, s11;
	s23 =	sadd.s32 $0x5580, s11  }
0x6c9: {  	[spmem:s5] =	stream.indirect.scatter.add.f32 [tilespmem:s22], [sflag:$0x1], $0x1, s23, s9, $0xb8;
	[tilespmem:$0x12580] =	vst v63  }
0x6ca: {  	s8 =	sadd.s32 $0x1, s8;
	s24 =	sadd.s32 $0xA600, s11;
	s25 =	sadd.s32 $0x5600, s11  }
0x6cb: {  	[spmem:s5] =	stream.indirect.scatter.add.f32 [tilespmem:s24], [sflag:$0x1], $0x1, s25, s9, $0xb8;
	[tilespmem:$0x12580] =	vst v63  }
0x6cc: {  	p0 =	seq.s32 s8, $0xA;
	s26 =	sadd.s32 $0xA680, s11;
	s28 =	sadd.s32 $0x5680, s11  }
0x6cd: {  	[spmem:s5] =	stream.indirect.scatter.add.f32 [tilespmem:s26], [sflag:$0x1], $0x1, s28, s9, $0xb8;
	[tilespmem:$0x12580] =	vst v63  }
.Ltmp34:
0x6ce: {  	s6 =	sadd.s32 $0x800, s6;
	(pc) =	sbr.rel @!p0 .LBB2_32-.Ltmp34, $4  }
.Ltmp35:
0x6cf: {  	s29 =	sadd.s32 $0xA700, s11;
	s30 =	sadd.s32 $0x5700, s11;
	(pc) =	sbr.rel @p0 .LBB2_44-.Ltmp35, $4  }
0x6d0: {  	[spmem:s5] =	stream.indirect.scatter.add.f32 [tilespmem:s29], [sflag:$0x1], $0x1, s30, s9, $0xb8;
	[tilespmem:$0x12580] =	vst v63  }
0x6d1: {  	s10 =	sadd.s32 $0x800, s10;
	s31 =	sadd.s32 $0xA780, s11;
	s11 =	sadd.s32 $0x5780, s11  }
0x6d2: {  	[spmem:s5] =	stream.indirect.scatter.add.f32 [tilespmem:s31], [sflag:$0x1], $0x1, s11, s9, $0xb8;
	[tilespmem:$0x12580] =	vst v63  }
0x6d3: {  	_ = 	snop  }
.LBB2_33:
.Ltmp36:
0x6d4: {  	(pc) =	sbr.rel .LBB2_57-.Ltmp36, $2  }
0x6d5: {  	_ =	sdelay $0x2  }
0x6d6: {  	s13 =	smov.u32 s6;
	s14 =	smov.u32 s10  }
.LBB2_50:
.Ltmp37:
0x6d7: {  	(pc) =	sbr.rel .LBB2_57-.Ltmp37, $3  }
0x6d8: {  	_ =	sdelay $0x1  }
0x6d9: {  	s13 =	smov.u32 s11  }
0x6da: {  	s14 =	smov.u32 s12;
	s16 =	smov.u32 s6;
	s15 =	smov.u32 s10  }
.LBB2_52:
.Ltmp38:
0x6db: {  	(pc) =	sbr.rel .LBB2_57-.Ltmp38, $3  }
0x6dc: {  	_ =	sdelay $0x1  }
0x6dd: {  	s14 =	smov.u32 s15;
	s16 =	smov.u32 s11  }
0x6de: {  	s15 =	smov.u32 s12;
	v3 =	vmov v0;
	s11 =	smov.u32 s6;
	s12 =	smov.u32 s10;
	v8 =	vmov v1  }
.LBB2_54:
.Ltmp39:
0x6df: {  	(pc) =	sbr.rel .LBB2_57-.Ltmp39, $2  }
0x6e0: {  	_ =	sdelay $0x2  }
0x6e1: {  	s16 =	smov.u32 s13;
	s13 =	smov.u32 s18;
	s17 =	smov.u32 s6  }
.LBB2_44:
0x6e2: {  	s5 =	simm.s32 $0x1  }
0x6e3: {  	_ =	swait.ge [sflag:s5], $0x80  }
0x6e4: {  	[sflag:s5] =	ssyncset.done $0x0  }
0x6e5: {  	[sflag:s5] =	ssyncadd.s32 $0xFFFFFF80  }
0x6e6: {  	_ =	swait.ge [sflag:s5], $0x80  }
0x6e7: {  	[sflag:s5] =	ssyncset.done $0x0  }
0x6e8: {  	[sflag:s5] =	ssyncadd.s32 $0xFFFFFF80  }
0x6e9: {  	_ =	swait.ge [sflag:s5], $0x80  }
0x6ea: {  	[sflag:s5] =	ssyncset.done $0x0  }
0x6eb: {  	[sflag:s5] =	ssyncadd.s32 $0xFFFFFF80  }
0x6ec: {  	_ =	swait.ge [sflag:s5], $0x80  }
0x6ed: {  	[sflag:s5] =	ssyncset.done $0x0  }
0x6ee: {  	[sflag:s5] =	ssyncadd.s32 $0xFFFFFF80  }
0x6ef: {  	_ =	swait.ge [sflag:s5], $0x80  }
0x6f0: {  	[sflag:s5] =	ssyncset.done $0x0  }
0x6f1: {  	[sflag:s5] =	ssyncadd.s32 $0xFFFFFF80  }
0x6f2: {  	_ =	swait.ge [sflag:s5], $0x80  }
0x6f3: {  	[sflag:s5] =	ssyncset.done $0x0  }
0x6f4: {  	[sflag:s5] =	ssyncadd.s32 $0xFFFFFF80  }
0x6f5: {  	_ =	swait.ge [sflag:s5], $0x80  }
0x6f6: {  	[sflag:s5] =	ssyncset.done $0x0  }
0x6f7: {  	[sflag:s5] =	ssyncadd.s32 $0xFFFFFF80  }
0x6f8: {  	_ =	swait.ge [sflag:s5], $0x80  }
0x6f9: {  	[sflag:s5] =	ssyncset.done $0x0  }
0x6fa: {  	[sflag:s5] =	ssyncadd.s32 $0xFFFFFF80  }
0x6fb: {  	_ =	swait.ge [sflag:s5], $0x80  }
0x6fc: {  	[sflag:s5] =	ssyncset.done $0x0  }
0x6fd: {  	[sflag:s5] =	ssyncadd.s32 $0xFFFFFF80  }
0x6fe: {  	_ =	swait.ge [sflag:s5], $0x80  }
0x6ff: {  	[sflag:s5] =	ssyncset.done $0x0  }
0x700: {  	[sflag:s5] =	ssyncadd.s32 $0xFFFFFF80  }
0x701: {  	_ =	swait.ge [sflag:s5], $0x80  }
0x702: {  	[sflag:s5] =	ssyncset.done $0x0  }
0x703: {  	[sflag:s5] =	ssyncadd.s32 $0xFFFFFF80  }
0x704: {  	_ =	swait.ge [sflag:s5], $0x80  }
0x705: {  	[sflag:s5] =	ssyncset.done $0x0  }
0x706: {  	[sflag:s5] =	ssyncadd.s32 $0xFFFFFF80  }
0x707: {  	_ =	swait.ge [sflag:s5], $0x80  }
0x708: {  	[sflag:s5] =	ssyncset.done $0x0  }
0x709: {  	[sflag:s5] =	ssyncadd.s32 $0xFFFFFF80  }
0x70a: {  	_ =	swait.ge [sflag:s5], $0x80  }
0x70b: {  	[sflag:s5] =	ssyncset.done $0x0  }
0x70c: {  	[sflag:s5] =	ssyncadd.s32 $0xFFFFFF80  }
0x70d: {  	_ =	swait.ge [sflag:s5], $0x80  }
0x70e: {  	[sflag:s5] =	ssyncset.done $0x0  }
0x70f: {  	[sflag:s5] =	ssyncadd.s32 $0xFFFFFF80  }
0x710: {  	_ =	swait.ge [sflag:s5], $0x80  }
0x711: {  	s6 =	simm.s32 $0x9;
	[sflag:s5] =	ssyncset.done $0x0  }
.LBB2_45:
0x712: {  	p0 =	sne.s32 s6, $0x1;
	s6 =	sadd.s32 $0xFFFFFFFF, s6;
	[sflag:s5] =	ssyncadd.s32 $0xFFFFFF80  }
0x713: {  	_ =	swait.ge [sflag:s5], $0x80  }
0x714: {  	[sflag:s5] =	ssyncset.done $0x0  }
0x715: {  	[sflag:s5] =	ssyncadd.s32 $0xFFFFFF80  }
0x716: {  	_ =	swait.ge [sflag:s5], $0x80  }
0x717: {  	[sflag:s5] =	ssyncset.done $0x0  }
0x718: {  	[sflag:s5] =	ssyncadd.s32 $0xFFFFFF80  }
0x719: {  	_ =	swait.ge [sflag:s5], $0x80  }
0x71a: {  	[sflag:s5] =	ssyncset.done $0x0  }
0x71b: {  	[sflag:s5] =	ssyncadd.s32 $0xFFFFFF80  }
0x71c: {  	_ =	swait.ge [sflag:s5], $0x80  }
0x71d: {  	[sflag:s5] =	ssyncset.done $0x0  }
0x71e: {  	[sflag:s5] =	ssyncadd.s32 $0xFFFFFF80  }
0x71f: {  	_ =	swait.ge [sflag:s5], $0x80  }
0x720: {  	[sflag:s5] =	ssyncset.done $0x0  }
0x721: {  	[sflag:s5] =	ssyncadd.s32 $0xFFFFFF80  }
0x722: {  	_ =	swait.ge [sflag:s5], $0x80  }
0x723: {  	[sflag:s5] =	ssyncset.done $0x0  }
0x724: {  	[sflag:s5] =	ssyncadd.s32 $0xFFFFFF80  }
0x725: {  	_ =	swait.ge [sflag:s5], $0x80  }
0x726: {  	[sflag:s5] =	ssyncset.done $0x0  }
0x727: {  	[sflag:s5] =	ssyncadd.s32 $0xFFFFFF80  }
0x728: {  	_ =	swait.ge [sflag:s5], $0x80  }
0x729: {  	[sflag:s5] =	ssyncset.done $0x0  }
0x72a: {  	[sflag:s5] =	ssyncadd.s32 $0xFFFFFF80  }
0x72b: {  	_ =	swait.ge [sflag:s5], $0x80  }
0x72c: {  	[sflag:s5] =	ssyncset.done $0x0  }
0x72d: {  	[sflag:s5] =	ssyncadd.s32 $0xFFFFFF80  }
0x72e: {  	_ =	swait.ge [sflag:s5], $0x80  }
0x72f: {  	[sflag:s5] =	ssyncset.done $0x0  }
0x730: {  	[sflag:s5] =	ssyncadd.s32 $0xFFFFFF80  }
0x731: {  	_ =	swait.ge [sflag:s5], $0x80  }
0x732: {  	[sflag:s5] =	ssyncset.done $0x0  }
0x733: {  	[sflag:s5] =	ssyncadd.s32 $0xFFFFFF80  }
0x734: {  	_ =	swait.ge [sflag:s5], $0x80  }
0x735: {  	[sflag:s5] =	ssyncset.done $0x0  }
0x736: {  	[sflag:s5] =	ssyncadd.s32 $0xFFFFFF80  }
0x737: {  	_ =	swait.ge [sflag:s5], $0x80  }
0x738: {  	[sflag:s5] =	ssyncset.done $0x0  }
0x739: {  	[sflag:s5] =	ssyncadd.s32 $0xFFFFFF80  }
0x73a: {  	_ =	swait.ge [sflag:s5], $0x80  }
0x73b: {  	[sflag:s5] =	ssyncset.done $0x0  }
0x73c: {  	[sflag:s5] =	ssyncadd.s32 $0xFFFFFF80  }
.Ltmp40:
0x73d: {  	_ =	swait.ge [sflag:s5], $0x80;
	(pc) =	sbr.rel @p0 .LBB2_45-.Ltmp40, $4  }
0x73e: {  	[sflag:s5] =	ssyncset.done $0x0  }
0x73f: {  	[sflag:s5] =	ssyncadd.s32 $0xFFFFFF80  }
0x740: {  	_ =	swait.ge [sflag:s5], $0x80  }
0x741: {  	[sflag:s5] =	ssyncset.done $0x0  }
0x742: {  	[sflag:s5] =	ssyncadd.s32 $0xFFFFFF80  }
0x743: {  	s29 =	simm.s32 $0x11D80;
	s30 =	simm.s32 $0x2;
	[bflag:$0x0] =	sbarrier.arrive $0xFFFF  }
0x744: {  	[tilespmem:s29], [sflag:$0x2] =	stream.linear.gather [spmem:s4], $0x280, $0x38;
	[tilespmem:$0x12580] =	vst v63  }
0x745: {  	_ =	swait.ge [sflag:s30], $0x280  }
0x746: {  	[sflag:s30] =	ssyncset.done $0x0  }
0x747: {  	s31 =	simm.s32 $0x118A0;
	[sflag:s30] =	ssyncadd.s32 $0xFFFFFD80  }
0x748: {  	s6 =	simm.s32 $0x11B20;
	v0 =	vld [tilespmem:s31+$0x10]  }
0x749: {  	s4 =	simm.s32 $0x11DA0;
	v1 =	vld [tilespmem:s6+$0x10]  }
0x74a: {  	v2 =	vld [tilespmem:s4+$0x10]  }
0x74b: {  	v4 =	vld [tilespmem:s31+$0x0]  }
0x74c: {  	v5 =	vld [tilespmem:s31+$0xFFFFFFE0]  }
0x74d: {  	v7 =	vld [tilespmem:s6+$0xFFFFFFE0]  }
0x74e: {  	v8 =	vld [tilespmem:s4+$0xFFFFFFE0]  }
0x74f: {  	v10 =	vld [tilespmem:s6+$0x0]  }
0x750: {  	s7 =	simm.s32 $0x118E0;
	v12 =	vld [tilespmem:s4+$0x0]  }
0x751: {  	v14 =	vld [tilespmem:s7+$0x10]  }
0x752: {  	v3 =	vld [tilespmem:s31+$0xFFFFFFF0];
	v6 =	vmul.f32 v0, v0;
	v0 =	vmul.f32 v2, v0  }
0x753: {  	v9 =	vld [tilespmem:s4+$0xFFFFFFF0];
	v11 =	vmul.f32 v5, v5;
	v13 =	vmul.f32 v4, v4  }
0x754: {  	s5 =	simm.s32 $0x11B60;
	v5 =	vmul.f32 v8, v5;
	v2 =	vmul.f32 v1, v6;
	v6 =	vld [tilespmem:s6+$0xFFFFFFF0]  }
0x755: {  	v15 =	vld [tilespmem:s5+$0x10];
	v4 =	vmul.f32 v12, v4;
	v8 =	vmul.f32 v7, v11;
	s6 =	simm.s32 $0x11DE0  }
0x756: {  	v12 =	vmul.f32 v14, v14;
	v17 =	vmul.f32 $2.000000030e-01, v10;
	v11 =	vld [tilespmem:s6+$0x10];
	v0 =	vadd.f32 v0, v2  }
0x757: {  	v2 =	vmul.f32 v3, v3;
	v5 =	vadd.f32 v5, v8;
	v8 =	vmul.f32 v10, v13  }
0x758: {  	v1 =	vmul.f32 $2.000000030e-01, v1;
	v0 =	vmul.f32 $8.000000110e-01, v0  }
0x759: {  	v3 =	vmul.f32 v9, v3;
	v10 =	vadd.f32 v4, v8;
	v8 =	vld [tilespmem:s6+$0xFFFFFFE0];
	v2 =	vmul.f32 v6, v2  }
0x75a: {  	v7 =	vmul.f32 $2.000000030e-01, v7;
	v5 =	vmul.f32 $8.000000110e-01, v5;
	v9 =	vadd.f32 v0, v1;
	v1 =	vld [tilespmem:s7+$0xFFFFFFF0]  }
0x75b: {  	v12 =	vmul.f32 v15, v12;
	v11 =	vmul.f32 v11, v14;
	v2 =	vadd.f32 v3, v2;
	v3 =	vld [tilespmem:s7+$0xFFFFFFE0]  }
0x75c: {  	v15 =	vmul.f32 $2.000000030e-01, v15;
	v6 =	vmul.f32 $2.000000030e-01, v6;
	v0 =	vld [tilespmem:s7+$0x0];
	v5 =	vadd.f32 v5, v7  }
0x75d: {  	v9 =	vmax.f32 v9, $0.0e+00;
	v11 =	vadd.f32 v11, v12;
	v13 =	vmul.f32 $8.000000110e-01, v2;
	v2 =	vld [tilespmem:s5+$0xFFFFFFE0]  }
0x75e: {  	v4 =	vld [tilespmem:s5+$0xFFFFFFF0];
	v12 =	vmul.f32 $8.000000110e-01, v10;
	v16 =	vadd.f32 $1.000000050e-03, v9  }
0x75f: {  	v10 =	vld [tilespmem:s6+$0xFFFFFFF0];
	v18 =	vmax.f32 v5, $0.0e+00;
	v14 =	vmul.f32 $8.000000110e-01, v11;
	v13 =	vadd.f32 v13, v6  }
0x760: {  	v7 =	vld [tilespmem:s5+$0x0];
	v12 =	vadd.f32 v12, v17;
	v9 =	vmul.f32 v1, v1;
	[tilespmem:s4+$0x10] =	vst v16;
	v16 =	vmul.f32 v3, v3  }
0x761: {  	s8 =	simm.s32 $0x4;
	s9 =	simm.s32 $0x11920;
	s7 =	simm.s32 $0x11DE0;
	v11 =	vld [tilespmem:s6+$0x0];
	v6 =	vmul.f32 v0, v0;
	v5 =	vmax.f32 v13, $0.0e+00;
	v13 =	vadd.f32 $1.000000050e-03, v18  }
.LBB2_47:
0x762: {  	v17 =	vld [tilespmem:s9+$0x10];
	s8 =	sadd.s32 $0x4, s8;
	v3 =	vmul.f32 v8, v3;
	v8 =	vmul.f32 v2, v16;
	s5 =	sadd.s32 $0x40, s5;
	v12 =	vmax.f32 v12, $0.0e+00  }
0x763: {  	v16 =	vmul.f32 $2.000000030e-01, v2;
	s6 =	sadd.s32 $0x40, s6;
	v18 =	vld [tilespmem:s5+$0x10];
	p0 =	slt.u32 s8, $0x24;
	v2 =	vmul.f32 v4, v9;
	v9 =	vadd.f32 v14, v15;
	[tilespmem:s4+$0xFFFFFFE0] =	vst v13  }
0x764: {  	v13 =	vld [tilespmem:s6+$0x10];
	v8 =	vadd.f32 v3, v8;
	v3 =	vmul.f32 v10, v1;
	v10 =	vmul.f32 $2.000000030e-01, v4  }
0x765: {  	v1 =	vld [tilespmem:s9+$0xFFFFFFF0];
	v4 =	vmul.f32 v7, v6;
	v14 =	vmul.f32 $2.000000030e-01, v7;
	v6 =	vmax.f32 v9, $0.0e+00  }
0x766: {  	v7 =	vadd.f32 v3, v2;
	v9 =	vmul.f32 v11, v0;
	v0 =	vld [tilespmem:s9+$0x0];
	v6 =	vadd.f32 $1.000000050e-03, v6  }
0x767: {  	v5 =	vadd.f32 $1.000000050e-03, v5;
	v15 =	vmul.f32 $8.000000110e-01, v8;
	v3 =	vld [tilespmem:s9+$0xFFFFFFE0];
	v11 =	vmul.f32 v17, v17  }
0x768: {  	v2 =	vld [tilespmem:s5+$0xFFFFFFE0];
	v7 =	vmul.f32 $8.000000110e-01, v7;
	v19 =	vadd.f32 v9, v4;
	[tilespmem:s7+$0x10] =	vst v6;
	v6 =	vadd.f32 $1.000000050e-03, v12  }
.Ltmp41:
0x769: {  	v8 =	vld [tilespmem:s6+$0xFFFFFFE0];
	v12 =	vmul.f32 v13, v17;
	v11 =	vmul.f32 v18, v11;
	v13 =	vadd.f32 v15, v16;
	[tilespmem:s4+$0xFFFFFFF0] =	vst v5;
	(pc) =	sbr.rel @p0 .LBB2_47-.Ltmp41, $4  }
0x76a: {  	v4 =	vld [tilespmem:s5+$0xFFFFFFF0];
	v9 =	vmul.f32 v1, v1;
	v5 =	vadd.f32 v7, v10;
	v15 =	vmul.f32 $8.000000110e-01, v19;
	[tilespmem:s4+$0x0] =	vst v6;
	s4 =	smov.u32 s7;
	s7 =	smov.u32 s6  }
0x76b: {  	v10 =	vld [tilespmem:s6+$0xFFFFFFF0];
	v6 =	vmul.f32 v0, v0;
	v17 =	vadd.f32 v12, v11;
	v13 =	vmax.f32 v13, $0.0e+00  }
0x76c: {  	v16 =	vmul.f32 v3, v3;
	v7 =	vld [tilespmem:s5+$0x0];
	v5 =	vmax.f32 v5, $0.0e+00;
	v12 =	vadd.f32 v15, v14  }
0x76d: {  	s9 =	sadd.s32 $0x40, s9;
	v15 =	vmul.f32 $2.000000030e-01, v18;
	v13 =	vadd.f32 $1.000000050e-03, v13;
	v11 =	vld [tilespmem:s6+$0x0];
	v14 =	vmul.f32 $8.000000110e-01, v17  }
0x76e: {  	_ =	sdelay $0x1  }
0x76f: {  	v3 =	vmul.f32 v8, v3;
	v57 =	vmul.f32 v2, v16  }
0x770: {  	v9 =	vmul.f32 v4, v9;
	v1 =	vmul.f32 v10, v1  }
0x771: {  	v3 =	vadd.f32 v3, v57;
	v6 =	vmul.f32 v7, v6;
	v0 =	vmul.f32 v11, v0  }
0x772: {  	v58 =	vmul.f32 $2.000000030e-01, v2;
	v59 =	vadd.f32 v14, v15;
	v1 =	vadd.f32 v1, v9  }
0x773: {  	v60 =	vmul.f32 $2.000000030e-01, v4;
	v3 =	vmul.f32 $8.000000110e-01, v3;
	v0 =	vadd.f32 v0, v6  }
0x774: {  	v5 =	vadd.f32 $1.000000050e-03, v5;
	v61 =	vmul.f32 $2.000000030e-01, v7;
	v1 =	vmul.f32 $8.000000110e-01, v1  }
0x775: {  	v62 =	vmax.f32 v59, $0.0e+00;
	v2 =	vadd.f32 v3, v58;
	v0 =	vmul.f32 $8.000000110e-01, v0  }
0x776: {  	v63 =	vmax.f32 v12, $0.0e+00;
	[tilespmem:s4+$0xFFFFFFE0] =	vst v13;
	v7 =	vadd.f32 $1.000000050e-03, v62;
	v1 =	vadd.f32 v1, v60  }
0x777: {  	[tilespmem:s4+$0xFFFFFFF0] =	vst v5;
	v3 =	vadd.f32 $1.000000050e-03, v63;
	v2 =	vmax.f32 v2, $0.0e+00;
	v0 =	vadd.f32 v0, v61  }
0x778: {  	[tilespmem:s7+$0x10] =	vst v7;
	v2 =	vadd.f32 $1.000000050e-03, v2;
	v1 =	vmax.f32 v1, $0.0e+00  }
0x779: {  	[tilespmem:s4+$0x0] =	vst v3;
	v1 =	vadd.f32 $1.000000050e-03, v1;
	v0 =	vmax.f32 v0, $0.0e+00  }
0x77a: {  	[tilespmem:s7+$0xFFFFFFE0] =	vst v2;
	v0 =	vadd.f32 $1.000000050e-03, v0  }
0x77b: {  	p0 =	seq.s32 s0, $0xF;
	[tilespmem:s7+$0xFFFFFFF0] =	vst v1  }
0x77c: {  	s5 =	simm.s32 @p0 $0x0;
	s6 =	simm.s32 @p0 $0x11D80;
	s4 =	sadd.s32 @p0 $0x4B0, s3;
	[tilespmem:s7+$0x0] =	vst v0  }
0x77d: {  	[hbm4b:s4+s5] =	stream.linear.scatter @p0 [tilespmem:s6], [sflag:$0x2], $0x190, $0x38;
	[tilespmem:$0x12580] =	vst v63  }
0x77e: {  	s4 =	simm.s32 @p0 $0x2  }
0x77f: {  	_ =	swait.ge @p0 [sflag:s4], $0x190  }
0x780: {  	s2 =	sadd.s32 @!p0 s3, s2;
	[sflag:s4] =	ssyncset.done @p0 $0x0  }
0x781: {  	s3 =	simm.s32 @!p0 $0x0;
	[sflag:s4] =	ssyncadd.s32 @p0 $0xFFFFFE70;
	s4 =	simm.s32 @!p0 $0x11D80  }
0x782: {  	[hbm4b:s2+s3] =	stream.linear.scatter @!p0 [tilespmem:s4], [sflag:$0x2], $0x280, $0x38;
	[tilespmem:$0x12580] =	vst v63  }
0x783: {  	s2 =	simm.s32 @!p0 $0x2  }
0x784: {  	_ =	swait.ge @!p0 [sflag:s2], $0x280  }
0x785: {  	[sflag:s2] =	ssyncset.done @!p0 $0x0  }
0x786: {  	[sflag:s2] =	ssyncadd.s32 @!p0 $0xFFFFFD80  }
0x787: {  	_ =	sfence.sel $0x180000  }
0x788: {  	[bflag:$0x0] =	sbarrier.arrive $0xFFFF  }
0x789: {  	p0 =	sne.s32 s0, $0x0;
	_ =	strace $0x90000047  }
0x78a: {  	s0 =	sadd.s32 @!p0 $0x100000, s1;
	[bflag:$0x2] =	sbarrier.arrive $0xFFFF  }
0x78b: {  	[sflag:s0] =	ssyncadd.tile.s32 @!p0 $0x1;
	_ =	shalt  }
.Lfunc_end2:
_tile_overlayer_lowered:
.L_overlay_start_2:
0x78c: {  	(tag) =	ssettag $0x2  }
0x78d: {  	s0 =	rddreg [dreg:$0x0];
	s2 =	stileid.u32  }
0x78e: {  	s1 =	rddreg [dreg:$0x1];
	p0 =	sne.s32 s2, $0x0  }
0x78f: {  	s3 =	rddreg [dreg:$0x2];
	[bflag:$0x3] =	sbarrier.arrive $0xFFFF;
	s2 =	simm.s32 @!p0 $0x1C02  }
0x790: {  	[timem:s3], [sflag:s2] =	dma.local @!p0 [hbm:s0], s1  }
0x791: {  	s0 =	simm.s32 @!p0 $0x2  }
0x792: {  	_ =	swait.ge @!p0 [sflag:s0], s1  }
0x793: {  	s1 =	ssub.s32 @!p0 $0x0, s1;
	[sflag:s0] =	ssyncset.done @!p0 $0x0  }
0x794: {  	[sflag:s0] =	ssyncadd.s32 @!p0 s1  }
0x795: {  	[bflag:$0x3] =	sbarrier.arrive $0xFFFF  }
0x796: {  	_ =	shalt  }

</sc_bundles>
